<compile_context>
chip_gen: v7x
topology: tpu7x:2x2x1
jax: 0.10.2.dev20260603
libtpu: 0.0.44.dev20260713+nightly
codegen_flags: <defaults>
</compile_context>

<pallas_src>
import functools

import jax
import jax.numpy as jnp
from jax import lax
from jax.experimental import pallas as pl
from jax.experimental.pallas import tpu as pltpu
from jax.experimental.pallas import tpu_sc as plsc

EMB_DIM = 64
PAD_DIM = 128
SUB = 80
CHUNK = 80
NBUF = 8


@functools.lru_cache(maxsize=None)
def _build(B, seq, NC, NS):
  NW = NC * NS
  b_per_w = B // NW
  n_sub = b_per_w // SUB
  n_chunks = b_per_w // CHUNK
  sub_per_chunk = CHUNK // SUB
  n_groups = n_chunks // NBUF
  mesh = plsc.VectorSubcoreMesh(core_axis_name="c", subcore_axis_name="s")

  n_sent = B // seq
  seq_pad = (seq + 7) // 8 * 8

  @functools.partial(
      pl.kernel, mesh=mesh,
      compiler_params=pltpu.CompilerParams(use_tc_tiling_on_sc=False),
      out_type=jax.ShapeDtypeStruct((n_sent, seq_pad, PAD_DIM), jnp.float32),
      scratch_types=(
          [pltpu.VMEM((n_sub, SUB), jnp.int32)]
          + [pltpu.VMEM((CHUNK, PAD_DIM), jnp.float32) for _ in range(NBUF)]
          + [pltpu.SemaphoreType.DMA for _ in range(2 * NBUF)]
      ),
  )
  def gather_kernel(table_hbm, idx_hbm, out_hbm, idx_v, *rest):
    rows = rest[:NBUF]
    gsem = rest[NBUF:2 * NBUF]
    ssem = rest[2 * NBUF:]
    wid = lax.axis_index("s") * NC + lax.axis_index("c")
    sent_base = wid * (b_per_w // seq)
    sent_per_chunk = CHUNK // seq

    pltpu.sync_copy(idx_hbm.at[wid], idx_v)

    def start_gather(g, b):
      for k in range(sub_per_chunk):
        pltpu.async_copy(table_hbm.at[idx_v.at[g * sub_per_chunk + k]],
                         rows[b].at[pl.ds(k * SUB, SUB)], gsem[b])

    def wait_gather(g, b):
      for k in range(sub_per_chunk):
        pltpu.make_async_copy(table_hbm.at[idx_v.at[g * sub_per_chunk + k]],
                              rows[b].at[pl.ds(k * SUB, SUB)], gsem[b]).wait()

    def start_store(g, b):
      s0 = sent_base + g * sent_per_chunk
      for s in range(sent_per_chunk):
        pltpu.async_copy(
            rows[b].at[pl.ds(s * seq, seq), pl.ds(0, EMB_DIM)],
            out_hbm.at[s0 + s, pl.ds(0, seq), pl.ds(0, EMB_DIM)], ssem[b])

    def wait_store(g, b):
      s0 = sent_base + g * sent_per_chunk
      for s in range(sent_per_chunk):
        pltpu.make_async_copy(
            rows[b].at[pl.ds(s * seq, seq), pl.ds(0, EMB_DIM)],
            out_hbm.at[s0 + s, pl.ds(0, seq), pl.ds(0, EMB_DIM)],
            ssem[b]).wait()

    for b in range(NBUF):
      start_gather(b, b)

    def body(go, _):
      for b in range(NBUF):
        g = go * NBUF + b
        wait_gather(g, b)
        start_store(g, b)
      for b in range(NBUF):
        g = go * NBUF + b
        wait_store(g, b)
        start_gather(g + NBUF, b)
      return _

    lax.fori_loop(0, n_groups - 1, body, None)

    for b in range(NBUF):
      g = (n_groups - 1) * NBUF + b
      wait_gather(g, b)
      start_store(g, b)
    for b in range(NBUF):
      g = (n_groups - 1) * NBUF + b
      wait_store(g, b)

  return gather_kernel


def kernel(input_, weight):
  info = plsc.get_sparse_core_info()
  NC, NS = info.num_cores, info.num_subcores
  B = input_.size
  wpad = jnp.pad(weight, ((0, 0), (0, PAD_DIM - EMB_DIM)))
  idx = input_.reshape(-1).astype(jnp.int32)
  idx3 = idx.reshape(NC * NS, -1, SUB)
  out = _build(B, input_.shape[1], NC, NS)(wpad, idx3)
  return out[:, :input_.shape[1], :EMB_DIM]

# --- scband reference (transcript-rebuilt; emitter-appended) ---
"""Pipeline reference for scband-vocab-parallel-embedding-18657337934305 (READ-ONLY COPY).

The authoritative reference and input builder live on the scoring server;
editing this copy changes nothing except your own understanding.
"""

import jax, jax.numpy as jnp
import numpy as np

NUM_EMBEDDINGS = 1000000
EMBEDDING_DIM = 64
# world_size = 1 => vocab_start_index = 0, vocab_end_index = NUM_EMBEDDINGS
VOCAB_START = 0
VOCAB_END = NUM_EMBEDDINGS


def setup_inputs(seed: int = 0) -> dict:
    key = jax.random.key(seed)
    k_idx, k_w = jax.random.split(key)
    input_ = jax.random.randint(k_idx, (16384, 20), 0, NUM_EMBEDDINGS, dtype=jnp.int64 if jax.config.jax_enable_x64 else jnp.int32)
    # xavier_normal init for the embedding table (parameter)
    std = float(np.sqrt(2.0 / (NUM_EMBEDDINGS + EMBEDDING_DIM)))
    weight = jax.random.normal(k_w, (NUM_EMBEDDINGS, EMBEDDING_DIM), dtype=jnp.float32) * std
    return {"input_": input_, "weight": weight}


def reference(input_, weight):
    # VocabParallelEmbedding.forward with model-parallel world_size == 1
    input_mask = (input_ < VOCAB_START) | (input_ >= VOCAB_END)
    masked_input = jnp.where(input_mask, 0, input_ - VOCAB_START)
    # F.embedding -> row gather from the table
    output_parallel = jnp.take(weight, masked_input, axis=0)
    # zero out out-of-partition rows
    output_parallel = jnp.where(input_mask[..., None], 0.0, output_parallel)
    # reduce_from_model_parallel_region is identity for world_size == 1
    output = output_parallel
    return output

if __name__ == "__main__":
    import jax
    _d = setup_inputs()
    print(jax.jit(kernel)(*tuple(_d.values())))

</pallas_src>

<mosaic_0001>
#map = affine_map<(d0, d1) -> (0, 0)>
#map1 = affine_map<(d0, d1) -> (0, 0, 0)>
module attributes {stable_mosaic.version = 14 : i64} {
  func.func @gather_kernel(%arg0: i32, %arg1: i32, %arg2: memref<1000000x128xf32, #tpu.memory_space<hbm>>, %arg3: memref<32x128x80xi32, #tpu.memory_space<hbm>>, %arg4: memref<16384x24x128xf32, #tpu.memory_space<hbm>>, %arg5: memref<128x80xi32, #tpu.memory_space<vmem>>, %arg6: memref<80x128xf32, #tpu.memory_space<vmem>>, %arg7: memref<80x128xf32, #tpu.memory_space<vmem>>, %arg8: memref<80x128xf32, #tpu.memory_space<vmem>>, %arg9: memref<80x128xf32, #tpu.memory_space<vmem>>, %arg10: memref<80x128xf32, #tpu.memory_space<vmem>>, %arg11: memref<80x128xf32, #tpu.memory_space<vmem>>, %arg12: memref<80x128xf32, #tpu.memory_space<vmem>>, %arg13: memref<80x128xf32, #tpu.memory_space<vmem>>, %arg14: memref<!tpu.dma_semaphore, #tpu.memory_space<semaphore_mem>>, %arg15: memref<!tpu.dma_semaphore, #tpu.memory_space<semaphore_mem>>, %arg16: memref<!tpu.dma_semaphore, #tpu.memory_space<semaphore_mem>>, %arg17: memref<!tpu.dma_semaphore, #tpu.memory_space<semaphore_mem>>, %arg18: memref<!tpu.dma_semaphore, #tpu.memory_space<semaphore_mem>>, %arg19: memref<!tpu.dma_semaphore, #tpu.memory_space<semaphore_mem>>, %arg20: memref<!tpu.dma_semaphore, #tpu.memory_space<semaphore_mem>>, %arg21: memref<!tpu.dma_semaphore, #tpu.memory_space<semaphore_mem>>, %arg22: memref<!tpu.dma_semaphore, #tpu.memory_space<semaphore_mem>>, %arg23: memref<!tpu.dma_semaphore, #tpu.memory_space<semaphore_mem>>, %arg24: memref<!tpu.dma_semaphore, #tpu.memory_space<semaphore_mem>>, %arg25: memref<!tpu.dma_semaphore, #tpu.memory_space<semaphore_mem>>, %arg26: memref<!tpu.dma_semaphore, #tpu.memory_space<semaphore_mem>>, %arg27: memref<!tpu.dma_semaphore, #tpu.memory_space<semaphore_mem>>, %arg28: memref<!tpu.dma_semaphore, #tpu.memory_space<semaphore_mem>>, %arg29: memref<!tpu.dma_semaphore, #tpu.memory_space<semaphore_mem>>) attributes {dimension_semantics = [#tpu.dimension_semantics<core_parallel>, #tpu.dimension_semantics<subcore_parallel>], iteration_bounds = array<i64: 2, 16>, scalar_prefetch = 0 : i64, scratch_operands = 25 : i64, tpu.core_type = #tpu.core_type<sc_vector_subcore>, window_params = [{transform_indices = #map}, {transform_indices = #map1}, {transform_indices = #map1}]} {
    %mul3A = arith.constant 2 : i32
    %mul3A_0 = arith.muli %arg1, %mul3A : i32
    %add3A = arith.addi %mul3A_0, %arg0 : i32
    %mul3A_1 = arith.constant 512 : i32
    %mul3A_2 = arith.muli %add3A, %mul3A_1 : i32
    "tpu.region"() ({
      %run_scoped3A = tpu.sem_alloc : memref<!tpu.dma_semaphore, #tpu.memory_space<semaphore_mem>>
      %dma_start3A_1221 = arith.constant 0 : i32
      %dma_start3A_1222 = arith.constant 0 : i32
      %dma_start3A_1223 = tpu.memref_slice %arg3[%add3A, %dma_start3A_1221, %dma_start3A_1222] : memref<32x128x80xi32, #tpu.memory_space<hbm>> -> memref<1x128x80xi32, #tpu.memory_space<hbm>>
      %dma_start3A_1224 = tpu.memref_squeeze %dma_start3A_1223 : memref<1x128x80xi32, #tpu.memory_space<hbm>> -> memref<128x80xi32, #tpu.memory_space<hbm>>
      %dma_start3A_1225 = arith.constant 0 : i32
      %dma_start3A_1226 = arith.constant 0 : i32
      %dma_start3A_1227 = tpu.memref_slice %arg3[%add3A, %dma_start3A_1225, %dma_start3A_1226] : memref<32x128x80xi32, #tpu.memory_space<hbm>> -> memref<1x128x80xi32, #tpu.memory_space<hbm>>
      %dma_start3A_1228 = tpu.memref_squeeze %dma_start3A_1227 : memref<1x128x80xi32, #tpu.memory_space<hbm>> -> memref<128x80xi32, #tpu.memory_space<hbm>>
      tpu.enqueue_dma source(%dma_start3A_1228 : memref<128x80xi32, #tpu.memory_space<hbm>>) target(%arg5 : memref<128x80xi32, #tpu.memory_space<vmem>>) target_semaphore(%run_scoped3A : memref<!tpu.dma_semaphore, #tpu.memory_space<semaphore_mem>>)
      %dma_wait3A_1229 = arith.constant 0 : i32
      %dma_wait3A_1230 = arith.constant 0 : i32
      %dma_wait3A_1231 = tpu.memref_slice %arg3[%add3A, %dma_wait3A_1229, %dma_wait3A_1230] : memref<32x128x80xi32, #tpu.memory_space<hbm>> -> memref<1x128x80xi32, #tpu.memory_space<hbm>>
      %dma_wait3A_1232 = tpu.memref_squeeze %dma_wait3A_1231 : memref<1x128x80xi32, #tpu.memory_space<hbm>> -> memref<128x80xi32, #tpu.memory_space<hbm>>
      %dma_wait3A_1233 = arith.constant 0 : i32
      %dma_wait3A_1234 = arith.constant 0 : i32
      %dma_wait3A_1235 = tpu.memref_slice %arg3[%add3A, %dma_wait3A_1233, %dma_wait3A_1234] : memref<32x128x80xi32, #tpu.memory_space<hbm>> -> memref<1x128x80xi32, #tpu.memory_space<hbm>>
      %dma_wait3A_1236 = tpu.memref_squeeze %dma_wait3A_1235 : memref<1x128x80xi32, #tpu.memory_space<hbm>> -> memref<128x80xi32, #tpu.memory_space<hbm>>
      tpu.wait_dma2 semaphore(%run_scoped3A : memref<!tpu.dma_semaphore, #tpu.memory_space<semaphore_mem>>) src(%dma_wait3A_1236 : memref<128x80xi32, #tpu.memory_space<hbm>>) dst(%arg5 : memref<128x80xi32, #tpu.memory_space<vmem>>)
      tpu.yield
    }) : () -> ()
    %dma_start3A = arith.constant 0 : i32
    %dma_start3A_3 = arith.constant 0 : i32
    %dma_start3A_4 = arith.constant 0 : i32
    %dma_start3A_5 = tpu.memref_slice %arg6[%dma_start3A_3, %dma_start3A_4] : memref<80x128xf32, #tpu.memory_space<vmem>> -> memref<80x128xf32, #tpu.memory_space<vmem>>
    %dma_start3A_6 = arith.constant 0 : i32
    %dma_start3A_7 = tpu.memref_slice %arg5[%dma_start3A, %dma_start3A_6] : memref<128x80xi32, #tpu.memory_space<vmem>> -> memref<1x80xi32, #tpu.memory_space<vmem>>
    %dma_start3A_8 = tpu.memref_squeeze %dma_start3A_7 : memref<1x80xi32, #tpu.memory_space<vmem>> -> memref<80xi32, #tpu.memory_space<vmem>>
    %dma_start3A_9 = arith.constant 0 : i32
    %dma_start3A_10 = arith.constant 0 : i32
    %dma_start3A_11 = tpu.memref_slice %arg2[%dma_start3A_9, %dma_start3A_10] : memref<1000000x128xf32, #tpu.memory_space<hbm>> -> memref<1000000x128xf32, #tpu.memory_space<hbm>>
    tpu.enqueue_indirect_dma source(%dma_start3A_11 : memref<1000000x128xf32, #tpu.memory_space<hbm>>) target(%dma_start3A_5 : memref<80x128xf32, #tpu.memory_space<vmem>>) offsets(%dma_start3A_8 : memref<80xi32, #tpu.memory_space<vmem>>) semaphore(%arg14 : memref<!tpu.dma_semaphore, #tpu.memory_space<semaphore_mem>>)
    %dma_start3A_12 = arith.constant 1 : i32
    %dma_start3A_13 = arith.constant 0 : i32
    %dma_start3A_14 = arith.constant 0 : i32
    %dma_start3A_15 = tpu.memref_slice %arg7[%dma_start3A_13, %dma_start3A_14] : memref<80x128xf32, #tpu.memory_space<vmem>> -> memref<80x128xf32, #tpu.memory_space<vmem>>
    %dma_start3A_16 = arith.constant 0 : i32
    %dma_start3A_17 = tpu.memref_slice %arg5[%dma_start3A_12, %dma_start3A_16] : memref<128x80xi32, #tpu.memory_space<vmem>> -> memref<1x80xi32, #tpu.memory_space<vmem>>
    %dma_start3A_18 = tpu.memref_squeeze %dma_start3A_17 : memref<1x80xi32, #tpu.memory_space<vmem>> -> memref<80xi32, #tpu.memory_space<vmem>>
    %dma_start3A_19 = arith.constant 0 : i32
    %dma_start3A_20 = arith.constant 0 : i32
    %dma_start3A_21 = tpu.memref_slice %arg2[%dma_start3A_19, %dma_start3A_20] : memref<1000000x128xf32, #tpu.memory_space<hbm>> -> memref<1000000x128xf32, #tpu.memory_space<hbm>>
    tpu.enqueue_indirect_dma source(%dma_start3A_21 : memref<1000000x128xf32, #tpu.memory_space<hbm>>) target(%dma_start3A_15 : memref<80x128xf32, #tpu.memory_space<vmem>>) offsets(%dma_start3A_18 : memref<80xi32, #tpu.memory_space<vmem>>) semaphore(%arg15 : memref<!tpu.dma_semaphore, #tpu.memory_space<semaphore_mem>>)
    %dma_start3A_22 = arith.constant 2 : i32
    %dma_start3A_23 = arith.constant 0 : i32
    %dma_start3A_24 = arith.constant 0 : i32
    %dma_start3A_25 = tpu.memref_slice %arg8[%dma_start3A_23, %dma_start3A_24] : memref<80x128xf32, #tpu.memory_space<vmem>> -> memref<80x128xf32, #tpu.memory_space<vmem>>
    %dma_start3A_26 = arith.constant 0 : i32
    %dma_start3A_27 = tpu.memref_slice %arg5[%dma_start3A_22, %dma_start3A_26] : memref<128x80xi32, #tpu.memory_space<vmem>> -> memref<1x80xi32, #tpu.memory_space<vmem>>
    %dma_start3A_28 = tpu.memref_squeeze %dma_start3A_27 : memref<1x80xi32, #tpu.memory_space<vmem>> -> memref<80xi32, #tpu.memory_space<vmem>>
    %dma_start3A_29 = arith.constant 0 : i32
    %dma_start3A_30 = arith.constant 0 : i32
    %dma_start3A_31 = tpu.memref_slice %arg2[%dma_start3A_29, %dma_start3A_30] : memref<1000000x128xf32, #tpu.memory_space<hbm>> -> memref<1000000x128xf32, #tpu.memory_space<hbm>>
    tpu.enqueue_indirect_dma source(%dma_start3A_31 : memref<1000000x128xf32, #tpu.memory_space<hbm>>) target(%dma_start3A_25 : memref<80x128xf32, #tpu.memory_space<vmem>>) offsets(%dma_start3A_28 : memref<80xi32, #tpu.memory_space<vmem>>) semaphore(%arg16 : memref<!tpu.dma_semaphore, #tpu.memory_space<semaphore_mem>>)
    %dma_start3A_32 = arith.constant 3 : i32
    %dma_start3A_33 = arith.constant 0 : i32
    %dma_start3A_34 = arith.constant 0 : i32
    %dma_start3A_35 = tpu.memref_slice %arg9[%dma_start3A_33, %dma_start3A_34] : memref<80x128xf32, #tpu.memory_space<vmem>> -> memref<80x128xf32, #tpu.memory_space<vmem>>
    %dma_start3A_36 = arith.constant 0 : i32
    %dma_start3A_37 = tpu.memref_slice %arg5[%dma_start3A_32, %dma_start3A_36] : memref<128x80xi32, #tpu.memory_space<vmem>> -> memref<1x80xi32, #tpu.memory_space<vmem>>
    %dma_start3A_38 = tpu.memref_squeeze %dma_start3A_37 : memref<1x80xi32, #tpu.memory_space<vmem>> -> memref<80xi32, #tpu.memory_space<vmem>>
    %dma_start3A_39 = arith.constant 0 : i32
    %dma_start3A_40 = arith.constant 0 : i32
    %dma_start3A_41 = tpu.memref_slice %arg2[%dma_start3A_39, %dma_start3A_40] : memref<1000000x128xf32, #tpu.memory_space<hbm>> -> memref<1000000x128xf32, #tpu.memory_space<hbm>>
    tpu.enqueue_indirect_dma source(%dma_start3A_41 : memref<1000000x128xf32, #tpu.memory_space<hbm>>) target(%dma_start3A_35 : memref<80x128xf32, #tpu.memory_space<vmem>>) offsets(%dma_start3A_38 : memref<80xi32, #tpu.memory_space<vmem>>) semaphore(%arg17 : memref<!tpu.dma_semaphore, #tpu.memory_space<semaphore_mem>>)
    %dma_start3A_42 = arith.constant 4 : i32
    %dma_start3A_43 = arith.constant 0 : i32
    %dma_start3A_44 = arith.constant 0 : i32
    %dma_start3A_45 = tpu.memref_slice %arg10[%dma_start3A_43, %dma_start3A_44] : memref<80x128xf32, #tpu.memory_space<vmem>> -> memref<80x128xf32, #tpu.memory_space<vmem>>
    %dma_start3A_46 = arith.constant 0 : i32
    %dma_start3A_47 = tpu.memref_slice %arg5[%dma_start3A_42, %dma_start3A_46] : memref<128x80xi32, #tpu.memory_space<vmem>> -> memref<1x80xi32, #tpu.memory_space<vmem>>
    %dma_start3A_48 = tpu.memref_squeeze %dma_start3A_47 : memref<1x80xi32, #tpu.memory_space<vmem>> -> memref<80xi32, #tpu.memory_space<vmem>>
    %dma_start3A_49 = arith.constant 0 : i32
    %dma_start3A_50 = arith.constant 0 : i32
    %dma_start3A_51 = tpu.memref_slice %arg2[%dma_start3A_49, %dma_start3A_50] : memref<1000000x128xf32, #tpu.memory_space<hbm>> -> memref<1000000x128xf32, #tpu.memory_space<hbm>>
    tpu.enqueue_indirect_dma source(%dma_start3A_51 : memref<1000000x128xf32, #tpu.memory_space<hbm>>) target(%dma_start3A_45 : memref<80x128xf32, #tpu.memory_space<vmem>>) offsets(%dma_start3A_48 : memref<80xi32, #tpu.memory_space<vmem>>) semaphore(%arg18 : memref<!tpu.dma_semaphore, #tpu.memory_space<semaphore_mem>>)
    %dma_start3A_52 = arith.constant 5 : i32
    %dma_start3A_53 = arith.constant 0 : i32
    %dma_start3A_54 = arith.constant 0 : i32
    %dma_start3A_55 = tpu.memref_slice %arg11[%dma_start3A_53, %dma_start3A_54] : memref<80x128xf32, #tpu.memory_space<vmem>> -> memref<80x128xf32, #tpu.memory_space<vmem>>
    %dma_start3A_56 = arith.constant 0 : i32
    %dma_start3A_57 = tpu.memref_slice %arg5[%dma_start3A_52, %dma_start3A_56] : memref<128x80xi32, #tpu.memory_space<vmem>> -> memref<1x80xi32, #tpu.memory_space<vmem>>
    %dma_start3A_58 = tpu.memref_squeeze %dma_start3A_57 : memref<1x80xi32, #tpu.memory_space<vmem>> -> memref<80xi32, #tpu.memory_space<vmem>>
    %dma_start3A_59 = arith.constant 0 : i32
    %dma_start3A_60 = arith.constant 0 : i32
    %dma_start3A_61 = tpu.memref_slice %arg2[%dma_start3A_59, %dma_start3A_60] : memref<1000000x128xf32, #tpu.memory_space<hbm>> -> memref<1000000x128xf32, #tpu.memory_space<hbm>>
    tpu.enqueue_indirect_dma source(%dma_start3A_61 : memref<1000000x128xf32, #tpu.memory_space<hbm>>) target(%dma_start3A_55 : memref<80x128xf32, #tpu.memory_space<vmem>>) offsets(%dma_start3A_58 : memref<80xi32, #tpu.memory_space<vmem>>) semaphore(%arg19 : memref<!tpu.dma_semaphore, #tpu.memory_space<semaphore_mem>>)
    %dma_start3A_62 = arith.constant 6 : i32
    %dma_start3A_63 = arith.constant 0 : i32
    %dma_start3A_64 = arith.constant 0 : i32
    %dma_start3A_65 = tpu.memref_slice %arg12[%dma_start3A_63, %dma_start3A_64] : memref<80x128xf32, #tpu.memory_space<vmem>> -> memref<80x128xf32, #tpu.memory_space<vmem>>
    %dma_start3A_66 = arith.constant 0 : i32
    %dma_start3A_67 = tpu.memref_slice %arg5[%dma_start3A_62, %dma_start3A_66] : memref<128x80xi32, #tpu.memory_space<vmem>> -> memref<1x80xi32, #tpu.memory_space<vmem>>
    %dma_start3A_68 = tpu.memref_squeeze %dma_start3A_67 : memref<1x80xi32, #tpu.memory_space<vmem>> -> memref<80xi32, #tpu.memory_space<vmem>>
    %dma_start3A_69 = arith.constant 0 : i32
    %dma_start3A_70 = arith.constant 0 : i32
    %dma_start3A_71 = tpu.memref_slice %arg2[%dma_start3A_69, %dma_start3A_70] : memref<1000000x128xf32, #tpu.memory_space<hbm>> -> memref<1000000x128xf32, #tpu.memory_space<hbm>>
    tpu.enqueue_indirect_dma source(%dma_start3A_71 : memref<1000000x128xf32, #tpu.memory_space<hbm>>) target(%dma_start3A_65 : memref<80x128xf32, #tpu.memory_space<vmem>>) offsets(%dma_start3A_68 : memref<80xi32, #tpu.memory_space<vmem>>) semaphore(%arg20 : memref<!tpu.dma_semaphore, #tpu.memory_space<semaphore_mem>>)
    %dma_start3A_72 = arith.constant 7 : i32
    %dma_start3A_73 = arith.constant 0 : i32
    %dma_start3A_74 = arith.constant 0 : i32
    %dma_start3A_75 = tpu.memref_slice %arg13[%dma_start3A_73, %dma_start3A_74] : memref<80x128xf32, #tpu.memory_space<vmem>> -> memref<80x128xf32, #tpu.memory_space<vmem>>
    %dma_start3A_76 = arith.constant 0 : i32
    %dma_start3A_77 = tpu.memref_slice %arg5[%dma_start3A_72, %dma_start3A_76] : memref<128x80xi32, #tpu.memory_space<vmem>> -> memref<1x80xi32, #tpu.memory_space<vmem>>
    %dma_start3A_78 = tpu.memref_squeeze %dma_start3A_77 : memref<1x80xi32, #tpu.memory_space<vmem>> -> memref<80xi32, #tpu.memory_space<vmem>>
    %dma_start3A_79 = arith.constant 0 : i32
    %dma_start3A_80 = arith.constant 0 : i32
    %dma_start3A_81 = tpu.memref_slice %arg2[%dma_start3A_79, %dma_start3A_80] : memref<1000000x128xf32, #tpu.memory_space<hbm>> -> memref<1000000x128xf32, #tpu.memory_space<hbm>>
    tpu.enqueue_indirect_dma source(%dma_start3A_81 : memref<1000000x128xf32, #tpu.memory_space<hbm>>) target(%dma_start3A_75 : memref<80x128xf32, #tpu.memory_space<vmem>>) offsets(%dma_start3A_78 : memref<80xi32, #tpu.memory_space<vmem>>) semaphore(%arg21 : memref<!tpu.dma_semaphore, #tpu.memory_space<semaphore_mem>>)
    %scan3A = arith.constant 0 : i32
    %scan3A_82 = arith.constant 15 : i32
    %scan3A_83 = arith.addi %scan3A, %scan3A_82 : i32
    %scan3A_84 = arith.constant 1 : i32
    scf.for %scan3A_1221 = %scan3A to %scan3A_83 step %scan3A_84  : i32 {
      %mul3A_1222 = arith.constant 8 : i32
      %mul3A_1223 = arith.muli %scan3A_1221, %mul3A_1222 : i32
      %add3A_1224 = arith.constant 0 : i32
      %add3A_1225 = arith.addi %mul3A_1223, %add3A_1224 : i32
      %mul3A_1226 = arith.constant 1 : i32
      %mul3A_1227 = arith.muli %add3A_1225, %mul3A_1226 : i32
      %add3A_1228 = arith.constant 0 : i32
      %add3A_1229 = arith.addi %mul3A_1227, %add3A_1228 : i32
      %dma_wait3A_1230 = arith.constant 0 : i32
      %dma_wait3A_1231 = arith.constant 0 : i32
      %dma_wait3A_1232 = tpu.memref_slice %arg6[%dma_wait3A_1230, %dma_wait3A_1231] : memref<80x128xf32, #tpu.memory_space<vmem>> -> memref<80x128xf32, #tpu.memory_space<vmem>>
      %dma_wait3A_1233 = arith.constant 0 : i32
      %dma_wait3A_1234 = tpu.memref_slice %arg5[%add3A_1229, %dma_wait3A_1233] : memref<128x80xi32, #tpu.memory_space<vmem>> -> memref<1x80xi32, #tpu.memory_space<vmem>>
      %dma_wait3A_1235 = tpu.memref_squeeze %dma_wait3A_1234 : memref<1x80xi32, #tpu.memory_space<vmem>> -> memref<80xi32, #tpu.memory_space<vmem>>
      %dma_wait3A_1236 = arith.constant 0 : i32
      %dma_wait3A_1237 = arith.constant 0 : i32
      %dma_wait3A_1238 = tpu.memref_slice %arg2[%dma_wait3A_1236, %dma_wait3A_1237] : memref<1000000x128xf32, #tpu.memory_space<hbm>> -> memref<1000000x128xf32, #tpu.memory_space<hbm>>
      tpu.wait_indirect_dma semaphore(%arg14 : memref<!tpu.dma_semaphore, #tpu.memory_space<semaphore_mem>>) src(%dma_wait3A_1238 : memref<1000000x128xf32, #tpu.memory_space<hbm>>) dst(%dma_wait3A_1232 : memref<80x128xf32, #tpu.memory_space<vmem>>)
      %mul3A_1239 = arith.constant 4 : i32
      %mul3A_1240 = arith.muli %add3A_1225, %mul3A_1239 : i32
      %add3A_1241 = arith.addi %mul3A_2, %mul3A_1240 : i32
      %add3A_1242 = arith.constant 0 : i32
      %add3A_1243 = arith.addi %add3A_1241, %add3A_1242 : i32
      %dma_start3A_1244 = arith.constant 0 : i32
      %dma_start3A_1245 = arith.constant 0 : i32
      %dma_start3A_1246 = tpu.memref_slice %arg6[%dma_start3A_1244, %dma_start3A_1245] : memref<80x128xf32, #tpu.memory_space<vmem>> -> memref<20x64xf32, #tpu.memory_space<vmem>>
      %dma_start3A_1247 = arith.constant 0 : i32
      %dma_start3A_1248 = arith.constant 0 : i32
      %dma_start3A_1249 = tpu.memref_slice %arg4[%add3A_1243, %dma_start3A_1247, %dma_start3A_1248] : memref<16384x24x128xf32, #tpu.memory_space<hbm>> -> memref<1x20x64xf32, #tpu.memory_space<hbm>>
      %dma_start3A_1250 = tpu.memref_squeeze %dma_start3A_1249 : memref<1x20x64xf32, #tpu.memory_space<hbm>> -> memref<20x64xf32, #tpu.memory_space<hbm>>
      %dma_start3A_1251 = arith.constant 0 : i32
      %dma_start3A_1252 = arith.constant 0 : i32
      %dma_start3A_1253 = tpu.memref_slice %arg4[%add3A_1243, %dma_start3A_1251, %dma_start3A_1252] : memref<16384x24x128xf32, #tpu.memory_space<hbm>> -> memref<1x20x64xf32, #tpu.memory_space<hbm>>
      %dma_start3A_1254 = tpu.memref_squeeze %dma_start3A_1253 : memref<1x20x64xf32, #tpu.memory_space<hbm>> -> memref<20x64xf32, #tpu.memory_space<hbm>>
      %dma_start3A_1255 = arith.constant 0 : i32
      %dma_start3A_1256 = arith.constant 0 : i32
      %dma_start3A_1257 = tpu.memref_slice %arg6[%dma_start3A_1255, %dma_start3A_1256] : memref<80x128xf32, #tpu.memory_space<vmem>> -> memref<20x64xf32, #tpu.memory_space<vmem>>
      tpu.enqueue_dma source(%dma_start3A_1257 : memref<20x64xf32, #tpu.memory_space<vmem>>) target(%dma_start3A_1254 : memref<20x64xf32, #tpu.memory_space<hbm>>) target_semaphore(%arg22 : memref<!tpu.dma_semaphore, #tpu.memory_space<semaphore_mem>>)
      %add3A_1258 = arith.constant 1 : i32
      %add3A_1259 = arith.addi %add3A_1241, %add3A_1258 : i32
      %dma_start3A_1260 = arith.constant 20 : i32
      %dma_start3A_1261 = arith.constant 0 : i32
      %dma_start3A_1262 = tpu.memref_slice %arg6[%dma_start3A_1260, %dma_start3A_1261] : memref<80x128xf32, #tpu.memory_space<vmem>> -> memref<20x64xf32, #tpu.memory_space<vmem>>
      %dma_start3A_1263 = arith.constant 0 : i32
      %dma_start3A_1264 = arith.constant 0 : i32
      %dma_start3A_1265 = tpu.memref_slice %arg4[%add3A_1259, %dma_start3A_1263, %dma_start3A_1264] : memref<16384x24x128xf32, #tpu.memory_space<hbm>> -> memref<1x20x64xf32, #tpu.memory_space<hbm>>
      %dma_start3A_1266 = tpu.memref_squeeze %dma_start3A_1265 : memref<1x20x64xf32, #tpu.memory_space<hbm>> -> memref<20x64xf32, #tpu.memory_space<hbm>>
      %dma_start3A_1267 = arith.constant 0 : i32
      %dma_start3A_1268 = arith.constant 0 : i32
      %dma_start3A_1269 = tpu.memref_slice %arg4[%add3A_1259, %dma_start3A_1267, %dma_start3A_1268] : memref<16384x24x128xf32, #tpu.memory_space<hbm>> -> memref<1x20x64xf32, #tpu.memory_space<hbm>>
      %dma_start3A_1270 = tpu.memref_squeeze %dma_start3A_1269 : memref<1x20x64xf32, #tpu.memory_space<hbm>> -> memref<20x64xf32, #tpu.memory_space<hbm>>
      %dma_start3A_1271 = arith.constant 20 : i32
      %dma_start3A_1272 = arith.constant 0 : i32
      %dma_start3A_1273 = tpu.memref_slice %arg6[%dma_start3A_1271, %dma_start3A_1272] : memref<80x128xf32, #tpu.memory_space<vmem>> -> memref<20x64xf32, #tpu.memory_space<vmem>>
      tpu.enqueue_dma source(%dma_start3A_1273 : memref<20x64xf32, #tpu.memory_space<vmem>>) target(%dma_start3A_1270 : memref<20x64xf32, #tpu.memory_space<hbm>>) target_semaphore(%arg22 : memref<!tpu.dma_semaphore, #tpu.memory_space<semaphore_mem>>)
      %add3A_1274 = arith.constant 2 : i32
      %add3A_1275 = arith.addi %add3A_1241, %add3A_1274 : i32
      %dma_start3A_1276 = arith.constant 40 : i32
      %dma_start3A_1277 = arith.constant 0 : i32
      %dma_start3A_1278 = tpu.memref_slice %arg6[%dma_start3A_1276, %dma_start3A_1277] : memref<80x128xf32, #tpu.memory_space<vmem>> -> memref<20x64xf32, #tpu.memory_space<vmem>>
      %dma_start3A_1279 = arith.constant 0 : i32
      %dma_start3A_1280 = arith.constant 0 : i32
      %dma_start3A_1281 = tpu.memref_slice %arg4[%add3A_1275, %dma_start3A_1279, %dma_start3A_1280] : memref<16384x24x128xf32, #tpu.memory_space<hbm>> -> memref<1x20x64xf32, #tpu.memory_space<hbm>>
      %dma_start3A_1282 = tpu.memref_squeeze %dma_start3A_1281 : memref<1x20x64xf32, #tpu.memory_space<hbm>> -> memref<20x64xf32, #tpu.memory_space<hbm>>
      %dma_start3A_1283 = arith.constant 0 : i32
      %dma_start3A_1284 = arith.constant 0 : i32
      %dma_start3A_1285 = tpu.memref_slice %arg4[%add3A_1275, %dma_start3A_1283, %dma_start3A_1284] : memref<16384x24x128xf32, #tpu.memory_space<hbm>> -> memref<1x20x64xf32, #tpu.memory_space<hbm>>
      %dma_start3A_1286 = tpu.memref_squeeze %dma_start3A_1285 : memref<1x20x64xf32, #tpu.memory_space<hbm>> -> memref<20x64xf32, #tpu.memory_space<hbm>>
      %dma_start3A_1287 = arith.constant 40 : i32
      %dma_start3A_1288 = arith.constant 0 : i32
      %dma_start3A_1289 = tpu.memref_slice %arg6[%dma_start3A_1287, %dma_start3A_1288] : memref<80x128xf32, #tpu.memory_space<vmem>> -> memref<20x64xf32, #tpu.memory_space<vmem>>
      tpu.enqueue_dma source(%dma_start3A_1289 : memref<20x64xf32, #tpu.memory_space<vmem>>) target(%dma_start3A_1286 : memref<20x64xf32, #tpu.memory_space<hbm>>) target_semaphore(%arg22 : memref<!tpu.dma_semaphore, #tpu.memory_space<semaphore_mem>>)
      %add3A_1290 = arith.constant 3 : i32
      %add3A_1291 = arith.addi %add3A_1241, %add3A_1290 : i32
      %dma_start3A_1292 = arith.constant 60 : i32
      %dma_start3A_1293 = arith.constant 0 : i32
      %dma_start3A_1294 = tpu.memref_slice %arg6[%dma_start3A_1292, %dma_start3A_1293] : memref<80x128xf32, #tpu.memory_space<vmem>> -> memref<20x64xf32, #tpu.memory_space<vmem>>
      %dma_start3A_1295 = arith.constant 0 : i32
      %dma_start3A_1296 = arith.constant 0 : i32
      %dma_start3A_1297 = tpu.memref_slice %arg4[%add3A_1291, %dma_start3A_1295, %dma_start3A_1296] : memref<16384x24x128xf32, #tpu.memory_space<hbm>> -> memref<1x20x64xf32, #tpu.memory_space<hbm>>
      %dma_start3A_1298 = tpu.memref_squeeze %dma_start3A_1297 : memref<1x20x64xf32, #tpu.memory_space<hbm>> -> memref<20x64xf32, #tpu.memory_space<hbm>>
      %dma_start3A_1299 = arith.constant 0 : i32
      %dma_start3A_1300 = arith.constant 0 : i32
      %dma_start3A_1301 = tpu.memref_slice %arg4[%add3A_1291, %dma_start3A_1299, %dma_start3A_1300] : memref<16384x24x128xf32, #tpu.memory_space<hbm>> -> memref<1x20x64xf32, #tpu.memory_space<hbm>>
      %dma_start3A_1302 = tpu.memref_squeeze %dma_start3A_1301 : memref<1x20x64xf32, #tpu.memory_space<hbm>> -> memref<20x64xf32, #tpu.memory_space<hbm>>
      %dma_start3A_1303 = arith.constant 60 : i32
      %dma_start3A_1304 = arith.constant 0 : i32
      %dma_start3A_1305 = tpu.memref_slice %arg6[%dma_start3A_1303, %dma_start3A_1304] : memref<80x128xf32, #tpu.memory_space<vmem>> -> memref<20x64xf32, #tpu.memory_space<vmem>>
      tpu.enqueue_dma source(%dma_start3A_1305 : memref<20x64xf32, #tpu.memory_space<vmem>>) target(%dma_start3A_1302 : memref<20x64xf32, #tpu.memory_space<hbm>>) target_semaphore(%arg22 : memref<!tpu.dma_semaphore, #tpu.memory_space<semaphore_mem>>)
      %mul3A_1306 = arith.constant 8 : i32
      %mul3A_1307 = arith.muli %scan3A_1221, %mul3A_1306 : i32
      %add3A_1308 = arith.constant 1 : i32
      %add3A_1309 = arith.addi %mul3A_1307, %add3A_1308 : i32
      %mul3A_1310 = arith.constant 1 : i32
      %mul3A_1311 = arith.muli %add3A_1309, %mul3A_1310 : i32
      %add3A_1312 = arith.constant 0 : i32
      %add3A_1313 = arith.addi %mul3A_1311, %add3A_1312 : i32
      %dma_wait3A_1314 = arith.constant 0 : i32
      %dma_wait3A_1315 = arith.constant 0 : i32
      %dma_wait3A_1316 = tpu.memref_slice %arg7[%dma_wait3A_1314, %dma_wait3A_1315] : memref<80x128xf32, #tpu.memory_space<vmem>> -> memref<80x128xf32, #tpu.memory_space<vmem>>
      %dma_wait3A_1317 = arith.constant 0 : i32
      %dma_wait3A_1318 = tpu.memref_slice %arg5[%add3A_1313, %dma_wait3A_1317] : memref<128x80xi32, #tpu.memory_space<vmem>> -> memref<1x80xi32, #tpu.memory_space<vmem>>
      %dma_wait3A_1319 = tpu.memref_squeeze %dma_wait3A_1318 : memref<1x80xi32, #tpu.memory_space<vmem>> -> memref<80xi32, #tpu.memory_space<vmem>>
      %dma_wait3A_1320 = arith.constant 0 : i32
      %dma_wait3A_1321 = arith.constant 0 : i32
      %dma_wait3A_1322 = tpu.memref_slice %arg2[%dma_wait3A_1320, %dma_wait3A_1321] : memref<1000000x128xf32, #tpu.memory_space<hbm>> -> memref<1000000x128xf32, #tpu.memory_space<hbm>>
      tpu.wait_indirect_dma semaphore(%arg15 : memref<!tpu.dma_semaphore, #tpu.memory_space<semaphore_mem>>) src(%dma_wait3A_1322 : memref<1000000x128xf32, #tpu.memory_space<hbm>>) dst(%dma_wait3A_1316 : memref<80x128xf32, #tpu.memory_space<vmem>>)
      %mul3A_1323 = arith.constant 4 : i32
      %mul3A_1324 = arith.muli %add3A_1309, %mul3A_1323 : i32
      %add3A_1325 = arith.addi %mul3A_2, %mul3A_1324 : i32
      %add3A_1326 = arith.constant 0 : i32
      %add3A_1327 = arith.addi %add3A_1325, %add3A_1326 : i32
      %dma_start3A_1328 = arith.constant 0 : i32
      %dma_start3A_1329 = arith.constant 0 : i32
      %dma_start3A_1330 = tpu.memref_slice %arg7[%dma_start3A_1328, %dma_start3A_1329] : memref<80x128xf32, #tpu.memory_space<vmem>> -> memref<20x64xf32, #tpu.memory_space<vmem>>
      %dma_start3A_1331 = arith.constant 0 : i32
      %dma_start3A_1332 = arith.constant 0 : i32
      %dma_start3A_1333 = tpu.memref_slice %arg4[%add3A_1327, %dma_start3A_1331, %dma_start3A_1332] : memref<16384x24x128xf32, #tpu.memory_space<hbm>> -> memref<1x20x64xf32, #tpu.memory_space<hbm>>
      %dma_start3A_1334 = tpu.memref_squeeze %dma_start3A_1333 : memref<1x20x64xf32, #tpu.memory_space<hbm>> -> memref<20x64xf32, #tpu.memory_space<hbm>>
      %dma_start3A_1335 = arith.constant 0 : i32
      %dma_start3A_1336 = arith.constant 0 : i32
      %dma_start3A_1337 = tpu.memref_slice %arg4[%add3A_1327, %dma_start3A_1335, %dma_start3A_1336] : memref<16384x24x128xf32, #tpu.memory_space<hbm>> -> memref<1x20x64xf32, #tpu.memory_space<hbm>>
      %dma_start3A_1338 = tpu.memref_squeeze %dma_start3A_1337 : memref<1x20x64xf32, #tpu.memory_space<hbm>> -> memref<20x64xf32, #tpu.memory_space<hbm>>
      %dma_start3A_1339 = arith.constant 0 : i32
      %dma_start3A_1340 = arith.constant 0 : i32
      %dma_start3A_1341 = tpu.memref_slice %arg7[%dma_start3A_1339, %dma_start3A_1340] : memref<80x128xf32, #tpu.memory_space<vmem>> -> memref<20x64xf32, #tpu.memory_space<vmem>>
      tpu.enqueue_dma source(%dma_start3A_1341 : memref<20x64xf32, #tpu.memory_space<vmem>>) target(%dma_start3A_1338 : memref<20x64xf32, #tpu.memory_space<hbm>>) target_semaphore(%arg23 : memref<!tpu.dma_semaphore, #tpu.memory_space<semaphore_mem>>)
      %add3A_1342 = arith.constant 1 : i32
      %add3A_1343 = arith.addi %add3A_1325, %add3A_1342 : i32
      %dma_start3A_1344 = arith.constant 20 : i32
      %dma_start3A_1345 = arith.constant 0 : i32
      %dma_start3A_1346 = tpu.memref_slice %arg7[%dma_start3A_1344, %dma_start3A_1345] : memref<80x128xf32, #tpu.memory_space<vmem>> -> memref<20x64xf32, #tpu.memory_space<vmem>>
      %dma_start3A_1347 = arith.constant 0 : i32
      %dma_start3A_1348 = arith.constant 0 : i32
      %dma_start3A_1349 = tpu.memref_slice %arg4[%add3A_1343, %dma_start3A_1347, %dma_start3A_1348] : memref<16384x24x128xf32, #tpu.memory_space<hbm>> -> memref<1x20x64xf32, #tpu.memory_space<hbm>>
      %dma_start3A_1350 = tpu.memref_squeeze %dma_start3A_1349 : memref<1x20x64xf32, #tpu.memory_space<hbm>> -> memref<20x64xf32, #tpu.memory_space<hbm>>
      %dma_start3A_1351 = arith.constant 0 : i32
      %dma_start3A_1352 = arith.constant 0 : i32
      %dma_start3A_1353 = tpu.memref_slice %arg4[%add3A_1343, %dma_start3A_1351, %dma_start3A_1352] : memref<16384x24x128xf32, #tpu.memory_space<hbm>> -> memref<1x20x64xf32, #tpu.memory_space<hbm>>
      %dma_start3A_1354 = tpu.memref_squeeze %dma_start3A_1353 : memref<1x20x64xf32, #tpu.memory_space<hbm>> -> memref<20x64xf32, #tpu.memory_space<hbm>>
      %dma_start3A_1355 = arith.constant 20 : i32
      %dma_start3A_1356 = arith.constant 0 : i32
      %dma_start3A_1357 = tpu.memref_slice %arg7[%dma_start3A_1355, %dma_start3A_1356] : memref<80x128xf32, #tpu.memory_space<vmem>> -> memref<20x64xf32, #tpu.memory_space<vmem>>
      tpu.enqueue_dma source(%dma_start3A_1357 : memref<20x64xf32, #tpu.memory_space<vmem>>) target(%dma_start3A_1354 : memref<20x64xf32, #tpu.memory_space<hbm>>) target_semaphore(%arg23 : memref<!tpu.dma_semaphore, #tpu.memory_space<semaphore_mem>>)
      %add3A_1358 = arith.constant 2 : i32
      %add3A_1359 = arith.addi %add3A_1325, %add3A_1358 : i32
      %dma_start3A_1360 = arith.constant 40 : i32
      %dma_start3A_1361 = arith.constant 0 : i32
      %dma_start3A_1362 = tpu.memref_slice %arg7[%dma_start3A_1360, %dma_start3A_1361] : memref<80x128xf32, #tpu.memory_space<vmem>> -> memref<20x64xf32, #tpu.memory_space<vmem>>
      %dma_start3A_1363 = arith.constant 0 : i32
      %dma_start3A_1364 = arith.constant 0 : i32
      %dma_start3A_1365 = tpu.memref_slice %arg4[%add3A_1359, %dma_start3A_1363, %dma_start3A_1364] : memref<16384x24x128xf32, #tpu.memory_space<hbm>> -> memref<1x20x64xf32, #tpu.memory_space<hbm>>
      %dma_start3A_1366 = tpu.memref_squeeze %dma_start3A_1365 : memref<1x20x64xf32, #tpu.memory_space<hbm>> -> memref<20x64xf32, #tpu.memory_space<hbm>>
      %dma_start3A_1367 = arith.constant 0 : i32
      %dma_start3A_1368 = arith.constant 0 : i32
      %dma_start3A_1369 = tpu.memref_slice %arg4[%add3A_1359, %dma_start3A_1367, %dma_start3A_1368] : memref<16384x24x128xf32, #tpu.memory_space<hbm>> -> memref<1x20x64xf32, #tpu.memory_space<hbm>>
      %dma_start3A_1370 = tpu.memref_squeeze %dma_start3A_1369 : memref<1x20x64xf32, #tpu.memory_space<hbm>> -> memref<20x64xf32, #tpu.memory_space<hbm>>
      %dma_start3A_1371 = arith.constant 40 : i32
      %dma_start3A_1372 = arith.constant 0 : i32
      %dma_start3A_1373 = tpu.memref_slice %arg7[%dma_start3A_1371, %dma_start3A_1372] : memref<80x128xf32, #tpu.memory_space<vmem>> -> memref<20x64xf32, #tpu.memory_space<vmem>>
      tpu.enqueue_dma source(%dma_start3A_1373 : memref<20x64xf32, #tpu.memory_space<vmem>>) target(%dma_start3A_1370 : memref<20x64xf32, #tpu.memory_space<hbm>>) target_semaphore(%arg23 : memref<!tpu.dma_semaphore, #tpu.memory_space<semaphore_mem>>)
      %add3A_1374 = arith.constant 3 : i32
      %add3A_1375 = arith.addi %add3A_1325, %add3A_1374 : i32
      %dma_start3A_1376 = arith.constant 60 : i32
      %dma_start3A_1377 = arith.constant 0 : i32
      %dma_start3A_1378 = tpu.memref_slice %arg7[%dma_start3A_1376, %dma_start3A_1377] : memref<80x128xf32, #tpu.memory_space<vmem>> -> memref<20x64xf32, #tpu.memory_space<vmem>>
      %dma_start3A_1379 = arith.constant 0 : i32
      %dma_start3A_1380 = arith.constant 0 : i32
      %dma_start3A_1381 = tpu.memref_slice %arg4[%add3A_1375, %dma_start3A_1379, %dma_start3A_1380] : memref<16384x24x128xf32, #tpu.memory_space<hbm>> -> memref<1x20x64xf32, #tpu.memory_space<hbm>>
      %dma_start3A_1382 = tpu.memref_squeeze %dma_start3A_1381 : memref<1x20x64xf32, #tpu.memory_space<hbm>> -> memref<20x64xf32, #tpu.memory_space<hbm>>
      %dma_start3A_1383 = arith.constant 0 : i32
      %dma_start3A_1384 = arith.constant 0 : i32
      %dma_start3A_1385 = tpu.memref_slice %arg4[%add3A_1375, %dma_start3A_1383, %dma_start3A_1384] : memref<16384x24x128xf32, #tpu.memory_space<hbm>> -> memref<1x20x64xf32, #tpu.memory_space<hbm>>
      %dma_start3A_1386 = tpu.memref_squeeze %dma_start3A_1385 : memref<1x20x64xf32, #tpu.memory_space<hbm>> -> memref<20x64xf32, #tpu.memory_space<hbm>>
      %dma_start3A_1387 = arith.constant 60 : i32
      %dma_start3A_1388 = arith.constant 0 : i32
      %dma_start3A_1389 = tpu.memref_slice %arg7[%dma_start3A_1387, %dma_start3A_1388] : memref<80x128xf32, #tpu.memory_space<vmem>> -> memref<20x64xf32, #tpu.memory_space<vmem>>
      tpu.enqueue_dma source(%dma_start3A_1389 : memref<20x64xf32, #tpu.memory_space<vmem>>) target(%dma_start3A_1386 : memref<20x64xf32, #tpu.memory_space<hbm>>) target_semaphore(%arg23 : memref<!tpu.dma_semaphore, #tpu.memory_space<semaphore_mem>>)
      %mul3A_1390 = arith.constant 8 : i32
      %mul3A_1391 = arith.muli %scan3A_1221, %mul3A_1390 : i32
      %add3A_1392 = arith.constant 2 : i32
      %add3A_1393 = arith.addi %mul3A_1391, %add3A_1392 : i32
      %mul3A_1394 = arith.constant 1 : i32
      %mul3A_1395 = arith.muli %add3A_1393, %mul3A_1394 : i32
      %add3A_1396 = arith.constant 0 : i32
      %add3A_1397 = arith.addi %mul3A_1395, %add3A_1396 : i32
      %dma_wait3A_1398 = arith.constant 0 : i32
      %dma_wait3A_1399 = arith.constant 0 : i32
      %dma_wait3A_1400 = tpu.memref_slice %arg8[%dma_wait3A_1398, %dma_wait3A_1399] : memref<80x128xf32, #tpu.memory_space<vmem>> -> memref<80x128xf32, #tpu.memory_space<vmem>>
      %dma_wait3A_1401 = arith.constant 0 : i32
      %dma_wait3A_1402 = tpu.memref_slice %arg5[%add3A_1397, %dma_wait3A_1401] : memref<128x80xi32, #tpu.memory_space<vmem>> -> memref<1x80xi32, #tpu.memory_space<vmem>>
      %dma_wait3A_1403 = tpu.memref_squeeze %dma_wait3A_1402 : memref<1x80xi32, #tpu.memory_space<vmem>> -> memref<80xi32, #tpu.memory_space<vmem>>
      %dma_wait3A_1404 = arith.constant 0 : i32
      %dma_wait3A_1405 = arith.constant 0 : i32
      %dma_wait3A_1406 = tpu.memref_slice %arg2[%dma_wait3A_1404, %dma_wait3A_1405] : memref<1000000x128xf32, #tpu.memory_space<hbm>> -> memref<1000000x128xf32, #tpu.memory_space<hbm>>
      tpu.wait_indirect_dma semaphore(%arg16 : memref<!tpu.dma_semaphore, #tpu.memory_space<semaphore_mem>>) src(%dma_wait3A_1406 : memref<1000000x128xf32, #tpu.memory_space<hbm>>) dst(%dma_wait3A_1400 : memref<80x128xf32, #tpu.memory_space<vmem>>)
      %mul3A_1407 = arith.constant 4 : i32
      %mul3A_1408 = arith.muli %add3A_1393, %mul3A_1407 : i32
      %add3A_1409 = arith.addi %mul3A_2, %mul3A_1408 : i32
      %add3A_1410 = arith.constant 0 : i32
      %add3A_1411 = arith.addi %add3A_1409, %add3A_1410 : i32
      %dma_start3A_1412 = arith.constant 0 : i32
      %dma_start3A_1413 = arith.constant 0 : i32
      %dma_start3A_1414 = tpu.memref_slice %arg8[%dma_start3A_1412, %dma_start3A_1413] : memref<80x128xf32, #tpu.memory_space<vmem>> -> memref<20x64xf32, #tpu.memory_space<vmem>>
      %dma_start3A_1415 = arith.constant 0 : i32
      %dma_start3A_1416 = arith.constant 0 : i32
      %dma_start3A_1417 = tpu.memref_slice %arg4[%add3A_1411, %dma_start3A_1415, %dma_start3A_1416] : memref<16384x24x128xf32, #tpu.memory_space<hbm>> -> memref<1x20x64xf32, #tpu.memory_space<hbm>>
      %dma_start3A_1418 = tpu.memref_squeeze %dma_start3A_1417 : memref<1x20x64xf32, #tpu.memory_space<hbm>> -> memref<20x64xf32, #tpu.memory_space<hbm>>
      %dma_start3A_1419 = arith.constant 0 : i32
      %dma_start3A_1420 = arith.constant 0 : i32
      %dma_start3A_1421 = tpu.memref_slice %arg4[%add3A_1411, %dma_start3A_1419, %dma_start3A_1420] : memref<16384x24x128xf32, #tpu.memory_space<hbm>> -> memref<1x20x64xf32, #tpu.memory_space<hbm>>
      %dma_start3A_1422 = tpu.memref_squeeze %dma_start3A_1421 : memref<1x20x64xf32, #tpu.memory_space<hbm>> -> memref<20x64xf32, #tpu.memory_space<hbm>>
      %dma_start3A_1423 = arith.constant 0 : i32
      %dma_start3A_1424 = arith.constant 0 : i32
      %dma_start3A_1425 = tpu.memref_slice %arg8[%dma_start3A_1423, %dma_start3A_1424] : memref<80x128xf32, #tpu.memory_space<vmem>> -> memref<20x64xf32, #tpu.memory_space<vmem>>
      tpu.enqueue_dma source(%dma_start3A_1425 : memref<20x64xf32, #tpu.memory_space<vmem>>) target(%dma_start3A_1422 : memref<20x64xf32, #tpu.memory_space<hbm>>) target_semaphore(%arg24 : memref<!tpu.dma_semaphore, #tpu.memory_space<semaphore_mem>>)
      %add3A_1426 = arith.constant 1 : i32
      %add3A_1427 = arith.addi %add3A_1409, %add3A_1426 : i32
      %dma_start3A_1428 = arith.constant 20 : i32
      %dma_start3A_1429 = arith.constant 0 : i32
      %dma_start3A_1430 = tpu.memref_slice %arg8[%dma_start3A_1428, %dma_start3A_1429] : memref<80x128xf32, #tpu.memory_space<vmem>> -> memref<20x64xf32, #tpu.memory_space<vmem>>
      %dma_start3A_1431 = arith.constant 0 : i32
      %dma_start3A_1432 = arith.constant 0 : i32
      %dma_start3A_1433 = tpu.memref_slice %arg4[%add3A_1427, %dma_start3A_1431, %dma_start3A_1432] : memref<16384x24x128xf32, #tpu.memory_space<hbm>> -> memref<1x20x64xf32, #tpu.memory_space<hbm>>
      %dma_start3A_1434 = tpu.memref_squeeze %dma_start3A_1433 : memref<1x20x64xf32, #tpu.memory_space<hbm>> -> memref<20x64xf32, #tpu.memory_space<hbm>>
      %dma_start3A_1435 = arith.constant 0 : i32
      %dma_start3A_1436 = arith.constant 0 : i32
      %dma_start3A_1437 = tpu.memref_slice %arg4[%add3A_1427, %dma_start3A_1435, %dma_start3A_1436] : memref<16384x24x128xf32, #tpu.memory_space<hbm>> -> memref<1x20x64xf32, #tpu.memory_space<hbm>>
      %dma_start3A_1438 = tpu.memref_squeeze %dma_start3A_1437 : memref<1x20x64xf32, #tpu.memory_space<hbm>> -> memref<20x64xf32, #tpu.memory_space<hbm>>
      %dma_start3A_1439 = arith.constant 20 : i32
      %dma_start3A_1440 = arith.constant 0 : i32
      %dma_start3A_1441 = tpu.memref_slice %arg8[%dma_start3A_1439, %dma_start3A_1440] : memref<80x128xf32, #tpu.memory_space<vmem>> -> memref<20x64xf32, #tpu.memory_space<vmem>>
      tpu.enqueue_dma source(%dma_start3A_1441 : memref<20x64xf32, #tpu.memory_space<vmem>>) target(%dma_start3A_1438 : memref<20x64xf32, #tpu.memory_space<hbm>>) target_semaphore(%arg24 : memref<!tpu.dma_semaphore, #tpu.memory_space<semaphore_mem>>)
      %add3A_1442 = arith.constant 2 : i32
      %add3A_1443 = arith.addi %add3A_1409, %add3A_1442 : i32
      %dma_start3A_1444 = arith.constant 40 : i32
      %dma_start3A_1445 = arith.constant 0 : i32
      %dma_start3A_1446 = tpu.memref_slice %arg8[%dma_start3A_1444, %dma_start3A_1445] : memref<80x128xf32, #tpu.memory_space<vmem>> -> memref<20x64xf32, #tpu.memory_space<vmem>>
      %dma_start3A_1447 = arith.constant 0 : i32
      %dma_start3A_1448 = arith.constant 0 : i32
      %dma_start3A_1449 = tpu.memref_slice %arg4[%add3A_1443, %dma_start3A_1447, %dma_start3A_1448] : memref<16384x24x128xf32, #tpu.memory_space<hbm>> -> memref<1x20x64xf32, #tpu.memory_space<hbm>>
      %dma_start3A_1450 = tpu.memref_squeeze %dma_start3A_1449 : memref<1x20x64xf32, #tpu.memory_space<hbm>> -> memref<20x64xf32, #tpu.memory_space<hbm>>
      %dma_start3A_1451 = arith.constant 0 : i32
      %dma_start3A_1452 = arith.constant 0 : i32
      %dma_start3A_1453 = tpu.memref_slice %arg4[%add3A_1443, %dma_start3A_1451, %dma_start3A_1452] : memref<16384x24x128xf32, #tpu.memory_space<hbm>> -> memref<1x20x64xf32, #tpu.memory_space<hbm>>
      %dma_start3A_1454 = tpu.memref_squeeze %dma_start3A_1453 : memref<1x20x64xf32, #tpu.memory_space<hbm>> -> memref<20x64xf32, #tpu.memory_space<hbm>>
      %dma_start3A_1455 = arith.constant 40 : i32
      %dma_start3A_1456 = arith.constant 0 : i32
      %dma_start3A_1457 = tpu.memref_slice %arg8[%dma_start3A_1455, %dma_start3A_1456] : memref<80x128xf32, #tpu.memory_space<vmem>> -> memref<20x64xf32, #tpu.memory_space<vmem>>
      tpu.enqueue_dma source(%dma_start3A_1457 : memref<20x64xf32, #tpu.memory_space<vmem>>) target(%dma_start3A_1454 : memref<20x64xf32, #tpu.memory_space<hbm>>) target_semaphore(%arg24 : memref<!tpu.dma_semaphore, #tpu.memory_space<semaphore_mem>>)
      %add3A_1458 = arith.constant 3 : i32
      %add3A_1459 = arith.addi %add3A_1409, %add3A_1458 : i32
      %dma_start3A_1460 = arith.constant 60 : i32
      %dma_start3A_1461 = arith.constant 0 : i32
      %dma_start3A_1462 = tpu.memref_slice %arg8[%dma_start3A_1460, %dma_start3A_1461] : memref<80x128xf32, #tpu.memory_space<vmem>> -> memref<20x64xf32, #tpu.memory_space<vmem>>
      %dma_start3A_1463 = arith.constant 0 : i32
      %dma_start3A_1464 = arith.constant 0 : i32
      %dma_start3A_1465 = tpu.memref_slice %arg4[%add3A_1459, %dma_start3A_1463, %dma_start3A_1464] : memref<16384x24x128xf32, #tpu.memory_space<hbm>> -> memref<1x20x64xf32, #tpu.memory_space<hbm>>
      %dma_start3A_1466 = tpu.memref_squeeze %dma_start3A_1465 : memref<1x20x64xf32, #tpu.memory_space<hbm>> -> memref<20x64xf32, #tpu.memory_space<hbm>>
      %dma_start3A_1467 = arith.constant 0 : i32
      %dma_start3A_1468 = arith.constant 0 : i32
      %dma_start3A_1469 = tpu.memref_slice %arg4[%add3A_1459, %dma_start3A_1467, %dma_start3A_1468] : memref<16384x24x128xf32, #tpu.memory_space<hbm>> -> memref<1x20x64xf32, #tpu.memory_space<hbm>>
      %dma_start3A_1470 = tpu.memref_squeeze %dma_start3A_1469 : memref<1x20x64xf32, #tpu.memory_space<hbm>> -> memref<20x64xf32, #tpu.memory_space<hbm>>
      %dma_start3A_1471 = arith.constant 60 : i32
      %dma_start3A_1472 = arith.constant 0 : i32
      %dma_start3A_1473 = tpu.memref_slice %arg8[%dma_start3A_1471, %dma_start3A_1472] : memref<80x128xf32, #tpu.memory_space<vmem>> -> memref<20x64xf32, #tpu.memory_space<vmem>>
      tpu.enqueue_dma source(%dma_start3A_1473 : memref<20x64xf32, #tpu.memory_space<vmem>>) target(%dma_start3A_1470 : memref<20x64xf32, #tpu.memory_space<hbm>>) target_semaphore(%arg24 : memref<!tpu.dma_semaphore, #tpu.memory_space<semaphore_mem>>)
      %mul3A_1474 = arith.constant 8 : i32
      %mul3A_1475 = arith.muli %scan3A_1221, %mul3A_1474 : i32
      %add3A_1476 = arith.constant 3 : i32
      %add3A_1477 = arith.addi %mul3A_1475, %add3A_1476 : i32
      %mul3A_1478 = arith.constant 1 : i32
      %mul3A_1479 = arith.muli %add3A_1477, %mul3A_1478 : i32
      %add3A_1480 = arith.constant 0 : i32
      %add3A_1481 = arith.addi %mul3A_1479, %add3A_1480 : i32
      %dma_wait3A_1482 = arith.constant 0 : i32
      %dma_wait3A_1483 = arith.constant 0 : i32
      %dma_wait3A_1484 = tpu.memref_slice %arg9[%dma_wait3A_1482, %dma_wait3A_1483] : memref<80x128xf32, #tpu.memory_space<vmem>> -> memref<80x128xf32, #tpu.memory_space<vmem>>
      %dma_wait3A_1485 = arith.constant 0 : i32
      %dma_wait3A_1486 = tpu.memref_slice %arg5[%add3A_1481, %dma_wait3A_1485] : memref<128x80xi32, #tpu.memory_space<vmem>> -> memref<1x80xi32, #tpu.memory_space<vmem>>
      %dma_wait3A_1487 = tpu.memref_squeeze %dma_wait3A_1486 : memref<1x80xi32, #tpu.memory_space<vmem>> -> memref<80xi32, #tpu.memory_space<vmem>>
      %dma_wait3A_1488 = arith.constant 0 : i32
      %dma_wait3A_1489 = arith.constant 0 : i32
      %dma_wait3A_1490 = tpu.memref_slice %arg2[%dma_wait3A_1488, %dma_wait3A_1489] : memref<1000000x128xf32, #tpu.memory_space<hbm>> -> memref<1000000x128xf32, #tpu.memory_space<hbm>>
      tpu.wait_indirect_dma semaphore(%arg17 : memref<!tpu.dma_semaphore, #tpu.memory_space<semaphore_mem>>) src(%dma_wait3A_1490 : memref<1000000x128xf32, #tpu.memory_space<hbm>>) dst(%dma_wait3A_1484 : memref<80x128xf32, #tpu.memory_space<vmem>>)
      %mul3A_1491 = arith.constant 4 : i32
      %mul3A_1492 = arith.muli %add3A_1477, %mul3A_1491 : i32
      %add3A_1493 = arith.addi %mul3A_2, %mul3A_1492 : i32
      %add3A_1494 = arith.constant 0 : i32
      %add3A_1495 = arith.addi %add3A_1493, %add3A_1494 : i32
      %dma_start3A_1496 = arith.constant 0 : i32
      %dma_start3A_1497 = arith.constant 0 : i32
      %dma_start3A_1498 = tpu.memref_slice %arg9[%dma_start3A_1496, %dma_start3A_1497] : memref<80x128xf32, #tpu.memory_space<vmem>> -> memref<20x64xf32, #tpu.memory_space<vmem>>
      %dma_start3A_1499 = arith.constant 0 : i32
      %dma_start3A_1500 = arith.constant 0 : i32
      %dma_start3A_1501 = tpu.memref_slice %arg4[%add3A_1495, %dma_start3A_1499, %dma_start3A_1500] : memref<16384x24x128xf32, #tpu.memory_space<hbm>> -> memref<1x20x64xf32, #tpu.memory_space<hbm>>
      %dma_start3A_1502 = tpu.memref_squeeze %dma_start3A_1501 : memref<1x20x64xf32, #tpu.memory_space<hbm>> -> memref<20x64xf32, #tpu.memory_space<hbm>>
      %dma_start3A_1503 = arith.constant 0 : i32
      %dma_start3A_1504 = arith.constant 0 : i32
      %dma_start3A_1505 = tpu.memref_slice %arg4[%add3A_1495, %dma_start3A_1503, %dma_start3A_1504] : memref<16384x24x128xf32, #tpu.memory_space<hbm>> -> memref<1x20x64xf32, #tpu.memory_space<hbm>>
      %dma_start3A_1506 = tpu.memref_squeeze %dma_start3A_1505 : memref<1x20x64xf32, #tpu.memory_space<hbm>> -> memref<20x64xf32, #tpu.memory_space<hbm>>
      %dma_start3A_1507 = arith.constant 0 : i32
      %dma_start3A_1508 = arith.constant 0 : i32
      %dma_start3A_1509 = tpu.memref_slice %arg9[%dma_start3A_1507, %dma_start3A_1508] : memref<80x128xf32, #tpu.memory_space<vmem>> -> memref<20x64xf32, #tpu.memory_space<vmem>>
      tpu.enqueue_dma source(%dma_start3A_1509 : memref<20x64xf32, #tpu.memory_space<vmem>>) target(%dma_start3A_1506 : memref<20x64xf32, #tpu.memory_space<hbm>>) target_semaphore(%arg25 : memref<!tpu.dma_semaphore, #tpu.memory_space<semaphore_mem>>)
      %add3A_1510 = arith.constant 1 : i32
      %add3A_1511 = arith.addi %add3A_1493, %add3A_1510 : i32
      %dma_start3A_1512 = arith.constant 20 : i32
      %dma_start3A_1513 = arith.constant 0 : i32
      %dma_start3A_1514 = tpu.memref_slice %arg9[%dma_start3A_1512, %dma_start3A_1513] : memref<80x128xf32, #tpu.memory_space<vmem>> -> memref<20x64xf32, #tpu.memory_space<vmem>>
      %dma_start3A_1515 = arith.constant 0 : i32
      %dma_start3A_1516 = arith.constant 0 : i32
      %dma_start3A_1517 = tpu.memref_slice %arg4[%add3A_1511, %dma_start3A_1515, %dma_start3A_1516] : memref<16384x24x128xf32, #tpu.memory_space<hbm>> -> memref<1x20x64xf32, #tpu.memory_space<hbm>>
      %dma_start3A_1518 = tpu.memref_squeeze %dma_start3A_1517 : memref<1x20x64xf32, #tpu.memory_space<hbm>> -> memref<20x64xf32, #tpu.memory_space<hbm>>
      %dma_start3A_1519 = arith.constant 0 : i32
      %dma_start3A_1520 = arith.constant 0 : i32
      %dma_start3A_1521 = tpu.memref_slice %arg4[%add3A_1511, %dma_start3A_1519, %dma_start3A_1520] : memref<16384x24x128xf32, #tpu.memory_space<hbm>> -> memref<1x20x64xf32, #tpu.memory_space<hbm>>
      %dma_start3A_1522 = tpu.memref_squeeze %dma_start3A_1521 : memref<1x20x64xf32, #tpu.memory_space<hbm>> -> memref<20x64xf32, #tpu.memory_space<hbm>>
      %dma_start3A_1523 = arith.constant 20 : i32
      %dma_start3A_1524 = arith.constant 0 : i32
      %dma_start3A_1525 = tpu.memref_slice %arg9[%dma_start3A_1523, %dma_start3A_1524] : memref<80x128xf32, #tpu.memory_space<vmem>> -> memref<20x64xf32, #tpu.memory_space<vmem>>
      tpu.enqueue_dma source(%dma_start3A_1525 : memref<20x64xf32, #tpu.memory_space<vmem>>) target(%dma_start3A_1522 : memref<20x64xf32, #tpu.memory_space<hbm>>) target_semaphore(%arg25 : memref<!tpu.dma_semaphore, #tpu.memory_space<semaphore_mem>>)
      %add3A_1526 = arith.constant 2 : i32
      %add3A_1527 = arith.addi %add3A_1493, %add3A_1526 : i32
      %dma_start3A_1528 = arith.constant 40 : i32
      %dma_start3A_1529 = arith.constant 0 : i32
      %dma_start3A_1530 = tpu.memref_slice %arg9[%dma_start3A_1528, %dma_start3A_1529] : memref<80x128xf32, #tpu.memory_space<vmem>> -> memref<20x64xf32, #tpu.memory_space<vmem>>
      %dma_start3A_1531 = arith.constant 0 : i32
      %dma_start3A_1532 = arith.constant 0 : i32
      %dma_start3A_1533 = tpu.memref_slice %arg4[%add3A_1527, %dma_start3A_1531, %dma_start3A_1532] : memref<16384x24x128xf32, #tpu.memory_space<hbm>> -> memref<1x20x64xf32, #tpu.memory_space<hbm>>
      %dma_start3A_1534 = tpu.memref_squeeze %dma_start3A_1533 : memref<1x20x64xf32, #tpu.memory_space<hbm>> -> memref<20x64xf32, #tpu.memory_space<hbm>>
      %dma_start3A_1535 = arith.constant 0 : i32
      %dma_start3A_1536 = arith.constant 0 : i32
      %dma_start3A_1537 = tpu.memref_slice %arg4[%add3A_1527, %dma_start3A_1535, %dma_start3A_1536] : memref<16384x24x128xf32, #tpu.memory_space<hbm>> -> memref<1x20x64xf32, #tpu.memory_space<hbm>>
      %dma_start3A_1538 = tpu.memref_squeeze %dma_start3A_1537 : memref<1x20x64xf32, #tpu.memory_space<hbm>> -> memref<20x64xf32, #tpu.memory_space<hbm>>
      %dma_start3A_1539 = arith.constant 40 : i32
      %dma_start3A_1540 = arith.constant 0 : i32
      %dma_start3A_1541 = tpu.memref_slice %arg9[%dma_start3A_1539, %dma_start3A_1540] : memref<80x128xf32, #tpu.memory_space<vmem>> -> memref<20x64xf32, #tpu.memory_space<vmem>>
      tpu.enqueue_dma source(%dma_start3A_1541 : memref<20x64xf32, #tpu.memory_space<vmem>>) target(%dma_start3A_1538 : memref<20x64xf32, #tpu.memory_space<hbm>>) target_semaphore(%arg25 : memref<!tpu.dma_semaphore, #tpu.memory_space<semaphore_mem>>)
      %add3A_1542 = arith.constant 3 : i32
      %add3A_1543 = arith.addi %add3A_1493, %add3A_1542 : i32
      %dma_start3A_1544 = arith.constant 60 : i32
      %dma_start3A_1545 = arith.constant 0 : i32
      %dma_start3A_1546 = tpu.memref_slice %arg9[%dma_start3A_1544, %dma_start3A_1545] : memref<80x128xf32, #tpu.memory_space<vmem>> -> memref<20x64xf32, #tpu.memory_space<vmem>>
      %dma_start3A_1547 = arith.constant 0 : i32
      %dma_start3A_1548 = arith.constant 0 : i32
      %dma_start3A_1549 = tpu.memref_slice %arg4[%add3A_1543, %dma_start3A_1547, %dma_start3A_1548] : memref<16384x24x128xf32, #tpu.memory_space<hbm>> -> memref<1x20x64xf32, #tpu.memory_space<hbm>>
      %dma_start3A_1550 = tpu.memref_squeeze %dma_start3A_1549 : memref<1x20x64xf32, #tpu.memory_space<hbm>> -> memref<20x64xf32, #tpu.memory_space<hbm>>
      %dma_start3A_1551 = arith.constant 0 : i32
      %dma_start3A_1552 = arith.constant 0 : i32
      %dma_start3A_1553 = tpu.memref_slice %arg4[%add3A_1543, %dma_start3A_1551, %dma_start3A_1552] : memref<16384x24x128xf32, #tpu.memory_space<hbm>> -> memref<1x20x64xf32, #tpu.memory_space<hbm>>
      %dma_start3A_1554 = tpu.memref_squeeze %dma_start3A_1553 : memref<1x20x64xf32, #tpu.memory_space<hbm>> -> memref<20x64xf32, #tpu.memory_space<hbm>>
      %dma_start3A_1555 = arith.constant 60 : i32
      %dma_start3A_1556 = arith.constant 0 : i32
      %dma_start3A_1557 = tpu.memref_slice %arg9[%dma_start3A_1555, %dma_start3A_1556] : memref<80x128xf32, #tpu.memory_space<vmem>> -> memref<20x64xf32, #tpu.memory_space<vmem>>
      tpu.enqueue_dma source(%dma_start3A_1557 : memref<20x64xf32, #tpu.memory_space<vmem>>) target(%dma_start3A_1554 : memref<20x64xf32, #tpu.memory_space<hbm>>) target_semaphore(%arg25 : memref<!tpu.dma_semaphore, #tpu.memory_space<semaphore_mem>>)
      %mul3A_1558 = arith.constant 8 : i32
      %mul3A_1559 = arith.muli %scan3A_1221, %mul3A_1558 : i32
      %add3A_1560 = arith.constant 4 : i32
      %add3A_1561 = arith.addi %mul3A_1559, %add3A_1560 : i32
      %mul3A_1562 = arith.constant 1 : i32
      %mul3A_1563 = arith.muli %add3A_1561, %mul3A_1562 : i32
      %add3A_1564 = arith.constant 0 : i32
      %add3A_1565 = arith.addi %mul3A_1563, %add3A_1564 : i32
      %dma_wait3A_1566 = arith.constant 0 : i32
      %dma_wait3A_1567 = arith.constant 0 : i32
      %dma_wait3A_1568 = tpu.memref_slice %arg10[%dma_wait3A_1566, %dma_wait3A_1567] : memref<80x128xf32, #tpu.memory_space<vmem>> -> memref<80x128xf32, #tpu.memory_space<vmem>>
      %dma_wait3A_1569 = arith.constant 0 : i32
      %dma_wait3A_1570 = tpu.memref_slice %arg5[%add3A_1565, %dma_wait3A_1569] : memref<128x80xi32, #tpu.memory_space<vmem>> -> memref<1x80xi32, #tpu.memory_space<vmem>>
      %dma_wait3A_1571 = tpu.memref_squeeze %dma_wait3A_1570 : memref<1x80xi32, #tpu.memory_space<vmem>> -> memref<80xi32, #tpu.memory_space<vmem>>
      %dma_wait3A_1572 = arith.constant 0 : i32
      %dma_wait3A_1573 = arith.constant 0 : i32
      %dma_wait3A_1574 = tpu.memref_slice %arg2[%dma_wait3A_1572, %dma_wait3A_1573] : memref<1000000x128xf32, #tpu.memory_space<hbm>> -> memref<1000000x128xf32, #tpu.memory_space<hbm>>
      tpu.wait_indirect_dma semaphore(%arg18 : memref<!tpu.dma_semaphore, #tpu.memory_space<semaphore_mem>>) src(%dma_wait3A_1574 : memref<1000000x128xf32, #tpu.memory_space<hbm>>) dst(%dma_wait3A_1568 : memref<80x128xf32, #tpu.memory_space<vmem>>)
      %mul3A_1575 = arith.constant 4 : i32
      %mul3A_1576 = arith.muli %add3A_1561, %mul3A_1575 : i32
      %add3A_1577 = arith.addi %mul3A_2, %mul3A_1576 : i32
      %add3A_1578 = arith.constant 0 : i32
      %add3A_1579 = arith.addi %add3A_1577, %add3A_1578 : i32
      %dma_start3A_1580 = arith.constant 0 : i32
      %dma_start3A_1581 = arith.constant 0 : i32
      %dma_start3A_1582 = tpu.memref_slice %arg10[%dma_start3A_1580, %dma_start3A_1581] : memref<80x128xf32, #tpu.memory_space<vmem>> -> memref<20x64xf32, #tpu.memory_space<vmem>>
      %dma_start3A_1583 = arith.constant 0 : i32
      %dma_start3A_1584 = arith.constant 0 : i32
      %dma_start3A_1585 = tpu.memref_slice %arg4[%add3A_1579, %dma_start3A_1583, %dma_start3A_1584] : memref<16384x24x128xf32, #tpu.memory_space<hbm>> -> memref<1x20x64xf32, #tpu.memory_space<hbm>>
      %dma_start3A_1586 = tpu.memref_squeeze %dma_start3A_1585 : memref<1x20x64xf32, #tpu.memory_space<hbm>> -> memref<20x64xf32, #tpu.memory_space<hbm>>
      %dma_start3A_1587 = arith.constant 0 : i32
      %dma_start3A_1588 = arith.constant 0 : i32
      %dma_start3A_1589 = tpu.memref_slice %arg4[%add3A_1579, %dma_start3A_1587, %dma_start3A_1588] : memref<16384x24x128xf32, #tpu.memory_space<hbm>> -> memref<1x20x64xf32, #tpu.memory_space<hbm>>
      %dma_start3A_1590 = tpu.memref_squeeze %dma_start3A_1589 : memref<1x20x64xf32, #tpu.memory_space<hbm>> -> memref<20x64xf32, #tpu.memory_space<hbm>>
      %dma_start3A_1591 = arith.constant 0 : i32
      %dma_start3A_1592 = arith.constant 0 : i32
      %dma_start3A_1593 = tpu.memref_slice %arg10[%dma_start3A_1591, %dma_start3A_1592] : memref<80x128xf32, #tpu.memory_space<vmem>> -> memref<20x64xf32, #tpu.memory_space<vmem>>
      tpu.enqueue_dma source(%dma_start3A_1593 : memref<20x64xf32, #tpu.memory_space<vmem>>) target(%dma_start3A_1590 : memref<20x64xf32, #tpu.memory_space<hbm>>) target_semaphore(%arg26 : memref<!tpu.dma_semaphore, #tpu.memory_space<semaphore_mem>>)
      %add3A_1594 = arith.constant 1 : i32
      %add3A_1595 = arith.addi %add3A_1577, %add3A_1594 : i32
      %dma_start3A_1596 = arith.constant 20 : i32
      %dma_start3A_1597 = arith.constant 0 : i32
      %dma_start3A_1598 = tpu.memref_slice %arg10[%dma_start3A_1596, %dma_start3A_1597] : memref<80x128xf32, #tpu.memory_space<vmem>> -> memref<20x64xf32, #tpu.memory_space<vmem>>
      %dma_start3A_1599 = arith.constant 0 : i32
      %dma_start3A_1600 = arith.constant 0 : i32
      %dma_start3A_1601 = tpu.memref_slice %arg4[%add3A_1595, %dma_start3A_1599, %dma_start3A_1600] : memref<16384x24x128xf32, #tpu.memory_space<hbm>> -> memref<1x20x64xf32, #tpu.memory_space<hbm>>
      %dma_start3A_1602 = tpu.memref_squeeze %dma_start3A_1601 : memref<1x20x64xf32, #tpu.memory_space<hbm>> -> memref<20x64xf32, #tpu.memory_space<hbm>>
      %dma_start3A_1603 = arith.constant 0 : i32
      %dma_start3A_1604 = arith.constant 0 : i32
      %dma_start3A_1605 = tpu.memref_slice %arg4[%add3A_1595, %dma_start3A_1603, %dma_start3A_1604] : memref<16384x24x128xf32, #tpu.memory_space<hbm>> -> memref<1x20x64xf32, #tpu.memory_space<hbm>>
      %dma_start3A_1606 = tpu.memref_squeeze %dma_start3A_1605 : memref<1x20x64xf32, #tpu.memory_space<hbm>> -> memref<20x64xf32, #tpu.memory_space<hbm>>
      %dma_start3A_1607 = arith.constant 20 : i32
      %dma_start3A_1608 = arith.constant 0 : i32
      %dma_start3A_1609 = tpu.memref_slice %arg10[%dma_start3A_1607, %dma_start3A_1608] : memref<80x128xf32, #tpu.memory_space<vmem>> -> memref<20x64xf32, #tpu.memory_space<vmem>>
      tpu.enqueue_dma source(%dma_start3A_1609 : memref<20x64xf32, #tpu.memory_space<vmem>>) target(%dma_start3A_1606 : memref<20x64xf32, #tpu.memory_space<hbm>>) target_semaphore(%arg26 : memref<!tpu.dma_semaphore, #tpu.memory_space<semaphore_mem>>)
      %add3A_1610 = arith.constant 2 : i32
      %add3A_1611 = arith.addi %add3A_1577, %add3A_1610 : i32
      %dma_start3A_1612 = arith.constant 40 : i32
      %dma_start3A_1613 = arith.constant 0 : i32
      %dma_start3A_1614 = tpu.memref_slice %arg10[%dma_start3A_1612, %dma_start3A_1613] : memref<80x128xf32, #tpu.memory_space<vmem>> -> memref<20x64xf32, #tpu.memory_space<vmem>>
      %dma_start3A_1615 = arith.constant 0 : i32
      %dma_start3A_1616 = arith.constant 0 : i32
      %dma_start3A_1617 = tpu.memref_slice %arg4[%add3A_1611, %dma_start3A_1615, %dma_start3A_1616] : memref<16384x24x128xf32, #tpu.memory_space<hbm>> -> memref<1x20x64xf32, #tpu.memory_space<hbm>>
      %dma_start3A_1618 = tpu.memref_squeeze %dma_start3A_1617 : memref<1x20x64xf32, #tpu.memory_space<hbm>> -> memref<20x64xf32, #tpu.memory_space<hbm>>
      %dma_start3A_1619 = arith.constant 0 : i32
      %dma_start3A_1620 = arith.constant 0 : i32
      %dma_start3A_1621 = tpu.memref_slice %arg4[%add3A_1611, %dma_start3A_1619, %dma_start3A_1620] : memref<16384x24x128xf32, #tpu.memory_space<hbm>> -> memref<1x20x64xf32, #tpu.memory_space<hbm>>
      %dma_start3A_1622 = tpu.memref_squeeze %dma_start3A_1621 : memref<1x20x64xf32, #tpu.memory_space<hbm>> -> memref<20x64xf32, #tpu.memory_space<hbm>>
      %dma_start3A_1623 = arith.constant 40 : i32
      %dma_start3A_1624 = arith.constant 0 : i32
      %dma_start3A_1625 = tpu.memref_slice %arg10[%dma_start3A_1623, %dma_start3A_1624] : memref<80x128xf32, #tpu.memory_space<vmem>> -> memref<20x64xf32, #tpu.memory_space<vmem>>
      tpu.enqueue_dma source(%dma_start3A_1625 : memref<20x64xf32, #tpu.memory_space<vmem>>) target(%dma_start3A_1622 : memref<20x64xf32, #tpu.memory_space<hbm>>) target_semaphore(%arg26 : memref<!tpu.dma_semaphore, #tpu.memory_space<semaphore_mem>>)
      %add3A_1626 = arith.constant 3 : i32
      %add3A_1627 = arith.addi %add3A_1577, %add3A_1626 : i32
      %dma_start3A_1628 = arith.constant 60 : i32
      %dma_start3A_1629 = arith.constant 0 : i32
      %dma_start3A_1630 = tpu.memref_slice %arg10[%dma_start3A_1628, %dma_start3A_1629] : memref<80x128xf32, #tpu.memory_space<vmem>> -> memref<20x64xf32, #tpu.memory_space<vmem>>
      %dma_start3A_1631 = arith.constant 0 : i32
      %dma_start3A_1632 = arith.constant 0 : i32
      %dma_start3A_1633 = tpu.memref_slice %arg4[%add3A_1627, %dma_start3A_1631, %dma_start3A_1632] : memref<16384x24x128xf32, #tpu.memory_space<hbm>> -> memref<1x20x64xf32, #tpu.memory_space<hbm>>
      %dma_start3A_1634 = tpu.memref_squeeze %dma_start3A_1633 : memref<1x20x64xf32, #tpu.memory_space<hbm>> -> memref<20x64xf32, #tpu.memory_space<hbm>>
      %dma_start3A_1635 = arith.constant 0 : i32
      %dma_start3A_1636 = arith.constant 0 : i32
      %dma_start3A_1637 = tpu.memref_slice %arg4[%add3A_1627, %dma_start3A_1635, %dma_start3A_1636] : memref<16384x24x128xf32, #tpu.memory_space<hbm>> -> memref<1x20x64xf32, #tpu.memory_space<hbm>>
      %dma_start3A_1638 = tpu.memref_squeeze %dma_start3A_1637 : memref<1x20x64xf32, #tpu.memory_space<hbm>> -> memref<20x64xf32, #tpu.memory_space<hbm>>
      %dma_start3A_1639 = arith.constant 60 : i32
      %dma_start3A_1640 = arith.constant 0 : i32
      %dma_start3A_1641 = tpu.memref_slice %arg10[%dma_start3A_1639, %dma_start3A_1640] : memref<80x128xf32, #tpu.memory_space<vmem>> -> memref<20x64xf32, #tpu.memory_space<vmem>>
      tpu.enqueue_dma source(%dma_start3A_1641 : memref<20x64xf32, #tpu.memory_space<vmem>>) target(%dma_start3A_1638 : memref<20x64xf32, #tpu.memory_space<hbm>>) target_semaphore(%arg26 : memref<!tpu.dma_semaphore, #tpu.memory_space<semaphore_mem>>)
      %mul3A_1642 = arith.constant 8 : i32
      %mul3A_1643 = arith.muli %scan3A_1221, %mul3A_1642 : i32
      %add3A_1644 = arith.constant 5 : i32
      %add3A_1645 = arith.addi %mul3A_1643, %add3A_1644 : i32
      %mul3A_1646 = arith.constant 1 : i32
      %mul3A_1647 = arith.muli %add3A_1645, %mul3A_1646 : i32
      %add3A_1648 = arith.constant 0 : i32
      %add3A_1649 = arith.addi %mul3A_1647, %add3A_1648 : i32
      %dma_wait3A_1650 = arith.constant 0 : i32
      %dma_wait3A_1651 = arith.constant 0 : i32
      %dma_wait3A_1652 = tpu.memref_slice %arg11[%dma_wait3A_1650, %dma_wait3A_1651] : memref<80x128xf32, #tpu.memory_space<vmem>> -> memref<80x128xf32, #tpu.memory_space<vmem>>
      %dma_wait3A_1653 = arith.constant 0 : i32
      %dma_wait3A_1654 = tpu.memref_slice %arg5[%add3A_1649, %dma_wait3A_1653] : memref<128x80xi32, #tpu.memory_space<vmem>> -> memref<1x80xi32, #tpu.memory_space<vmem>>
      %dma_wait3A_1655 = tpu.memref_squeeze %dma_wait3A_1654 : memref<1x80xi32, #tpu.memory_space<vmem>> -> memref<80xi32, #tpu.memory_space<vmem>>
      %dma_wait3A_1656 = arith.constant 0 : i32
      %dma_wait3A_1657 = arith.constant 0 : i32
      %dma_wait3A_1658 = tpu.memref_slice %arg2[%dma_wait3A_1656, %dma_wait3A_1657] : memref<1000000x128xf32, #tpu.memory_space<hbm>> -> memref<1000000x128xf32, #tpu.memory_space<hbm>>
      tpu.wait_indirect_dma semaphore(%arg19 : memref<!tpu.dma_semaphore, #tpu.memory_space<semaphore_mem>>) src(%dma_wait3A_1658 : memref<1000000x128xf32, #tpu.memory_space<hbm>>) dst(%dma_wait3A_1652 : memref<80x128xf32, #tpu.memory_space<vmem>>)
      %mul3A_1659 = arith.constant 4 : i32
      %mul3A_1660 = arith.muli %add3A_1645, %mul3A_1659 : i32
      %add3A_1661 = arith.addi %mul3A_2, %mul3A_1660 : i32
      %add3A_1662 = arith.constant 0 : i32
      %add3A_1663 = arith.addi %add3A_1661, %add3A_1662 : i32
      %dma_start3A_1664 = arith.constant 0 : i32
      %dma_start3A_1665 = arith.constant 0 : i32
      %dma_start3A_1666 = tpu.memref_slice %arg11[%dma_start3A_1664, %dma_start3A_1665] : memref<80x128xf32, #tpu.memory_space<vmem>> -> memref<20x64xf32, #tpu.memory_space<vmem>>
      %dma_start3A_1667 = arith.constant 0 : i32
      %dma_start3A_1668 = arith.constant 0 : i32
      %dma_start3A_1669 = tpu.memref_slice %arg4[%add3A_1663, %dma_start3A_1667, %dma_start3A_1668] : memref<16384x24x128xf32, #tpu.memory_space<hbm>> -> memref<1x20x64xf32, #tpu.memory_space<hbm>>
      %dma_start3A_1670 = tpu.memref_squeeze %dma_start3A_1669 : memref<1x20x64xf32, #tpu.memory_space<hbm>> -> memref<20x64xf32, #tpu.memory_space<hbm>>
      %dma_start3A_1671 = arith.constant 0 : i32
      %dma_start3A_1672 = arith.constant 0 : i32
      %dma_start3A_1673 = tpu.memref_slice %arg4[%add3A_1663, %dma_start3A_1671, %dma_start3A_1672] : memref<16384x24x128xf32, #tpu.memory_space<hbm>> -> memref<1x20x64xf32, #tpu.memory_space<hbm>>
      %dma_start3A_1674 = tpu.memref_squeeze %dma_start3A_1673 : memref<1x20x64xf32, #tpu.memory_space<hbm>> -> memref<20x64xf32, #tpu.memory_space<hbm>>
      %dma_start3A_1675 = arith.constant 0 : i32
      %dma_start3A_1676 = arith.constant 0 : i32
      %dma_start3A_1677 = tpu.memref_slice %arg11[%dma_start3A_1675, %dma_start3A_1676] : memref<80x128xf32, #tpu.memory_space<vmem>> -> memref<20x64xf32, #tpu.memory_space<vmem>>
      tpu.enqueue_dma source(%dma_start3A_1677 : memref<20x64xf32, #tpu.memory_space<vmem>>) target(%dma_start3A_1674 : memref<20x64xf32, #tpu.memory_space<hbm>>) target_semaphore(%arg27 : memref<!tpu.dma_semaphore, #tpu.memory_space<semaphore_mem>>)
      %add3A_1678 = arith.constant 1 : i32
      %add3A_1679 = arith.addi %add3A_1661, %add3A_1678 : i32
      %dma_start3A_1680 = arith.constant 20 : i32
      %dma_start3A_1681 = arith.constant 0 : i32
      %dma_start3A_1682 = tpu.memref_slice %arg11[%dma_start3A_1680, %dma_start3A_1681] : memref<80x128xf32, #tpu.memory_space<vmem>> -> memref<20x64xf32, #tpu.memory_space<vmem>>
      %dma_start3A_1683 = arith.constant 0 : i32
      %dma_start3A_1684 = arith.constant 0 : i32
      %dma_start3A_1685 = tpu.memref_slice %arg4[%add3A_1679, %dma_start3A_1683, %dma_start3A_1684] : memref<16384x24x128xf32, #tpu.memory_space<hbm>> -> memref<1x20x64xf32, #tpu.memory_space<hbm>>
      %dma_start3A_1686 = tpu.memref_squeeze %dma_start3A_1685 : memref<1x20x64xf32, #tpu.memory_space<hbm>> -> memref<20x64xf32, #tpu.memory_space<hbm>>
      %dma_start3A_1687 = arith.constant 0 : i32
      %dma_start3A_1688 = arith.constant 0 : i32
      %dma_start3A_1689 = tpu.memref_slice %arg4[%add3A_1679, %dma_start3A_1687, %dma_start3A_1688] : memref<16384x24x128xf32, #tpu.memory_space<hbm>> -> memref<1x20x64xf32, #tpu.memory_space<hbm>>
      %dma_start3A_1690 = tpu.memref_squeeze %dma_start3A_1689 : memref<1x20x64xf32, #tpu.memory_space<hbm>> -> memref<20x64xf32, #tpu.memory_space<hbm>>
      %dma_start3A_1691 = arith.constant 20 : i32
      %dma_start3A_1692 = arith.constant 0 : i32
      %dma_start3A_1693 = tpu.memref_slice %arg11[%dma_start3A_1691, %dma_start3A_1692] : memref<80x128xf32, #tpu.memory_space<vmem>> -> memref<20x64xf32, #tpu.memory_space<vmem>>
      tpu.enqueue_dma source(%dma_start3A_1693 : memref<20x64xf32, #tpu.memory_space<vmem>>) target(%dma_start3A_1690 : memref<20x64xf32, #tpu.memory_space<hbm>>) target_semaphore(%arg27 : memref<!tpu.dma_semaphore, #tpu.memory_space<semaphore_mem>>)
      %add3A_1694 = arith.constant 2 : i32
      %add3A_1695 = arith.addi %add3A_1661, %add3A_1694 : i32
      %dma_start3A_1696 = arith.constant 40 : i32
      %dma_start3A_1697 = arith.constant 0 : i32
      %dma_start3A_1698 = tpu.memref_slice %arg11[%dma_start3A_1696, %dma_start3A_1697] : memref<80x128xf32, #tpu.memory_space<vmem>> -> memref<20x64xf32, #tpu.memory_space<vmem>>
      %dma_start3A_1699 = arith.constant 0 : i32
      %dma_start3A_1700 = arith.constant 0 : i32
      %dma_start3A_1701 = tpu.memref_slice %arg4[%add3A_1695, %dma_start3A_1699, %dma_start3A_1700] : memref<16384x24x128xf32, #tpu.memory_space<hbm>> -> memref<1x20x64xf32, #tpu.memory_space<hbm>>
      %dma_start3A_1702 = tpu.memref_squeeze %dma_start3A_1701 : memref<1x20x64xf32, #tpu.memory_space<hbm>> -> memref<20x64xf32, #tpu.memory_space<hbm>>
      %dma_start3A_1703 = arith.constant 0 : i32
      %dma_start3A_1704 = arith.constant 0 : i32
      %dma_start3A_1705 = tpu.memref_slice %arg4[%add3A_1695, %dma_start3A_1703, %dma_start3A_1704] : memref<16384x24x128xf32, #tpu.memory_space<hbm>> -> memref<1x20x64xf32, #tpu.memory_space<hbm>>
      %dma_start3A_1706 = tpu.memref_squeeze %dma_start3A_1705 : memref<1x20x64xf32, #tpu.memory_space<hbm>> -> memref<20x64xf32, #tpu.memory_space<hbm>>
      %dma_start3A_1707 = arith.constant 40 : i32
      %dma_start3A_1708 = arith.constant 0 : i32
      %dma_start3A_1709 = tpu.memref_slice %arg11[%dma_start3A_1707, %dma_start3A_1708] : memref<80x128xf32, #tpu.memory_space<vmem>> -> memref<20x64xf32, #tpu.memory_space<vmem>>
      tpu.enqueue_dma source(%dma_start3A_1709 : memref<20x64xf32, #tpu.memory_space<vmem>>) target(%dma_start3A_1706 : memref<20x64xf32, #tpu.memory_space<hbm>>) target_semaphore(%arg27 : memref<!tpu.dma_semaphore, #tpu.memory_space<semaphore_mem>>)
      %add3A_1710 = arith.constant 3 : i32
      %add3A_1711 = arith.addi %add3A_1661, %add3A_1710 : i32
      %dma_start3A_1712 = arith.constant 60 : i32
      %dma_start3A_1713 = arith.constant 0 : i32
      %dma_start3A_1714 = tpu.memref_slice %arg11[%dma_start3A_1712, %dma_start3A_1713] : memref<80x128xf32, #tpu.memory_space<vmem>> -> memref<20x64xf32, #tpu.memory_space<vmem>>
      %dma_start3A_1715 = arith.constant 0 : i32
      %dma_start3A_1716 = arith.constant 0 : i32
      %dma_start3A_1717 = tpu.memref_slice %arg4[%add3A_1711, %dma_start3A_1715, %dma_start3A_1716] : memref<16384x24x128xf32, #tpu.memory_space<hbm>> -> memref<1x20x64xf32, #tpu.memory_space<hbm>>
      %dma_start3A_1718 = tpu.memref_squeeze %dma_start3A_1717 : memref<1x20x64xf32, #tpu.memory_space<hbm>> -> memref<20x64xf32, #tpu.memory_space<hbm>>
      %dma_start3A_1719 = arith.constant 0 : i32
      %dma_start3A_1720 = arith.constant 0 : i32
      %dma_start3A_1721 = tpu.memref_slice %arg4[%add3A_1711, %dma_start3A_1719, %dma_start3A_1720] : memref<16384x24x128xf32, #tpu.memory_space<hbm>> -> memref<1x20x64xf32, #tpu.memory_space<hbm>>
      %dma_start3A_1722 = tpu.memref_squeeze %dma_start3A_1721 : memref<1x20x64xf32, #tpu.memory_space<hbm>> -> memref<20x64xf32, #tpu.memory_space<hbm>>
      %dma_start3A_1723 = arith.constant 60 : i32
      %dma_start3A_1724 = arith.constant 0 : i32
      %dma_start3A_1725 = tpu.memref_slice %arg11[%dma_start3A_1723, %dma_start3A_1724] : memref<80x128xf32, #tpu.memory_space<vmem>> -> memref<20x64xf32, #tpu.memory_space<vmem>>
      tpu.enqueue_dma source(%dma_start3A_1725 : memref<20x64xf32, #tpu.memory_space<vmem>>) target(%dma_start3A_1722 : memref<20x64xf32, #tpu.memory_space<hbm>>) target_semaphore(%arg27 : memref<!tpu.dma_semaphore, #tpu.memory_space<semaphore_mem>>)
      %mul3A_1726 = arith.constant 8 : i32
      %mul3A_1727 = arith.muli %scan3A_1221, %mul3A_1726 : i32
      %add3A_1728 = arith.constant 6 : i32
      %add3A_1729 = arith.addi %mul3A_1727, %add3A_1728 : i32
      %mul3A_1730 = arith.constant 1 : i32
      %mul3A_1731 = arith.muli %add3A_1729, %mul3A_1730 : i32
      %add3A_1732 = arith.constant 0 : i32
      %add3A_1733 = arith.addi %mul3A_1731, %add3A_1732 : i32
      %dma_wait3A_1734 = arith.constant 0 : i32
      %dma_wait3A_1735 = arith.constant 0 : i32
      %dma_wait3A_1736 = tpu.memref_slice %arg12[%dma_wait3A_1734, %dma_wait3A_1735] : memref<80x128xf32, #tpu.memory_space<vmem>> -> memref<80x128xf32, #tpu.memory_space<vmem>>
      %dma_wait3A_1737 = arith.constant 0 : i32
      %dma_wait3A_1738 = tpu.memref_slice %arg5[%add3A_1733, %dma_wait3A_1737] : memref<128x80xi32, #tpu.memory_space<vmem>> -> memref<1x80xi32, #tpu.memory_space<vmem>>
      %dma_wait3A_1739 = tpu.memref_squeeze %dma_wait3A_1738 : memref<1x80xi32, #tpu.memory_space<vmem>> -> memref<80xi32, #tpu.memory_space<vmem>>
      %dma_wait3A_1740 = arith.constant 0 : i32
      %dma_wait3A_1741 = arith.constant 0 : i32
      %dma_wait3A_1742 = tpu.memref_slice %arg2[%dma_wait3A_1740, %dma_wait3A_1741] : memref<1000000x128xf32, #tpu.memory_space<hbm>> -> memref<1000000x128xf32, #tpu.memory_space<hbm>>
      tpu.wait_indirect_dma semaphore(%arg20 : memref<!tpu.dma_semaphore, #tpu.memory_space<semaphore_mem>>) src(%dma_wait3A_1742 : memref<1000000x128xf32, #tpu.memory_space<hbm>>) dst(%dma_wait3A_1736 : memref<80x128xf32, #tpu.memory_space<vmem>>)
      %mul3A_1743 = arith.constant 4 : i32
      %mul3A_1744 = arith.muli %add3A_1729, %mul3A_1743 : i32
      %add3A_1745 = arith.addi %mul3A_2, %mul3A_1744 : i32
      %add3A_1746 = arith.constant 0 : i32
      %add3A_1747 = arith.addi %add3A_1745, %add3A_1746 : i32
      %dma_start3A_1748 = arith.constant 0 : i32
      %dma_start3A_1749 = arith.constant 0 : i32
      %dma_start3A_1750 = tpu.memref_slice %arg12[%dma_start3A_1748, %dma_start3A_1749] : memref<80x128xf32, #tpu.memory_space<vmem>> -> memref<20x64xf32, #tpu.memory_space<vmem>>
      %dma_start3A_1751 = arith.constant 0 : i32
      %dma_start3A_1752 = arith.constant 0 : i32
      %dma_start3A_1753 = tpu.memref_slice %arg4[%add3A_1747, %dma_start3A_1751, %dma_start3A_1752] : memref<16384x24x128xf32, #tpu.memory_space<hbm>> -> memref<1x20x64xf32, #tpu.memory_space<hbm>>
      %dma_start3A_1754 = tpu.memref_squeeze %dma_start3A_1753 : memref<1x20x64xf32, #tpu.memory_space<hbm>> -> memref<20x64xf32, #tpu.memory_space<hbm>>
      %dma_start3A_1755 = arith.constant 0 : i32
      %dma_start3A_1756 = arith.constant 0 : i32
      %dma_start3A_1757 = tpu.memref_slice %arg4[%add3A_1747, %dma_start3A_1755, %dma_start3A_1756] : memref<16384x24x128xf32, #tpu.memory_space<hbm>> -> memref<1x20x64xf32, #tpu.memory_space<hbm>>
      %dma_start3A_1758 = tpu.memref_squeeze %dma_start3A_1757 : memref<1x20x64xf32, #tpu.memory_space<hbm>> -> memref<20x64xf32, #tpu.memory_space<hbm>>
      %dma_start3A_1759 = arith.constant 0 : i32
      %dma_start3A_1760 = arith.constant 0 : i32
      %dma_start3A_1761 = tpu.memref_slice %arg12[%dma_start3A_1759, %dma_start3A_1760] : memref<80x128xf32, #tpu.memory_space<vmem>> -> memref<20x64xf32, #tpu.memory_space<vmem>>
      tpu.enqueue_dma source(%dma_start3A_1761 : memref<20x64xf32, #tpu.memory_space<vmem>>) target(%dma_start3A_1758 : memref<20x64xf32, #tpu.memory_space<hbm>>) target_semaphore(%arg28 : memref<!tpu.dma_semaphore, #tpu.memory_space<semaphore_mem>>)
      %add3A_1762 = arith.constant 1 : i32
      %add3A_1763 = arith.addi %add3A_1745, %add3A_1762 : i32
      %dma_start3A_1764 = arith.constant 20 : i32
      %dma_start3A_1765 = arith.constant 0 : i32
      %dma_start3A_1766 = tpu.memref_slice %arg12[%dma_start3A_1764, %dma_start3A_1765] : memref<80x128xf32, #tpu.memory_space<vmem>> -> memref<20x64xf32, #tpu.memory_space<vmem>>
      %dma_start3A_1767 = arith.constant 0 : i32
      %dma_start3A_1768 = arith.constant 0 : i32
      %dma_start3A_1769 = tpu.memref_slice %arg4[%add3A_1763, %dma_start3A_1767, %dma_start3A_1768] : memref<16384x24x128xf32, #tpu.memory_space<hbm>> -> memref<1x20x64xf32, #tpu.memory_space<hbm>>
      %dma_start3A_1770 = tpu.memref_squeeze %dma_start3A_1769 : memref<1x20x64xf32, #tpu.memory_space<hbm>> -> memref<20x64xf32, #tpu.memory_space<hbm>>
      %dma_start3A_1771 = arith.constant 0 : i32
      %dma_start3A_1772 = arith.constant 0 : i32
      %dma_start3A_1773 = tpu.memref_slice %arg4[%add3A_1763, %dma_start3A_1771, %dma_start3A_1772] : memref<16384x24x128xf32, #tpu.memory_space<hbm>> -> memref<1x20x64xf32, #tpu.memory_space<hbm>>
      %dma_start3A_1774 = tpu.memref_squeeze %dma_start3A_1773 : memref<1x20x64xf32, #tpu.memory_space<hbm>> -> memref<20x64xf32, #tpu.memory_space<hbm>>
      %dma_start3A_1775 = arith.constant 20 : i32
      %dma_start3A_1776 = arith.constant 0 : i32
      %dma_start3A_1777 = tpu.memref_slice %arg12[%dma_start3A_1775, %dma_start3A_1776] : memref<80x128xf32, #tpu.memory_space<vmem>> -> memref<20x64xf32, #tpu.memory_space<vmem>>
      tpu.enqueue_dma source(%dma_start3A_1777 : memref<20x64xf32, #tpu.memory_space<vmem>>) target(%dma_start3A_1774 : memref<20x64xf32, #tpu.memory_space<hbm>>) target_semaphore(%arg28 : memref<!tpu.dma_semaphore, #tpu.memory_space<semaphore_mem>>)
      %add3A_1778 = arith.constant 2 : i32
      %add3A_1779 = arith.addi %add3A_1745, %add3A_1778 : i32
      %dma_start3A_1780 = arith.constant 40 : i32
      %dma_start3A_1781 = arith.constant 0 : i32
      %dma_start3A_1782 = tpu.memref_slice %arg12[%dma_start3A_1780, %dma_start3A_1781] : memref<80x128xf32, #tpu.memory_space<vmem>> -> memref<20x64xf32, #tpu.memory_space<vmem>>
      %dma_start3A_1783 = arith.constant 0 : i32
      %dma_start3A_1784 = arith.constant 0 : i32
      %dma_start3A_1785 = tpu.memref_slice %arg4[%add3A_1779, %dma_start3A_1783, %dma_start3A_1784] : memref<16384x24x128xf32, #tpu.memory_space<hbm>> -> memref<1x20x64xf32, #tpu.memory_space<hbm>>
      %dma_start3A_1786 = tpu.memref_squeeze %dma_start3A_1785 : memref<1x20x64xf32, #tpu.memory_space<hbm>> -> memref<20x64xf32, #tpu.memory_space<hbm>>
      %dma_start3A_1787 = arith.constant 0 : i32
      %dma_start3A_1788 = arith.constant 0 : i32
      %dma_start3A_1789 = tpu.memref_slice %arg4[%add3A_1779, %dma_start3A_1787, %dma_start3A_1788] : memref<16384x24x128xf32, #tpu.memory_space<hbm>> -> memref<1x20x64xf32, #tpu.memory_space<hbm>>
      %dma_start3A_1790 = tpu.memref_squeeze %dma_start3A_1789 : memref<1x20x64xf32, #tpu.memory_space<hbm>> -> memref<20x64xf32, #tpu.memory_space<hbm>>
      %dma_start3A_1791 = arith.constant 40 : i32
      %dma_start3A_1792 = arith.constant 0 : i32
      %dma_start3A_1793 = tpu.memref_slice %arg12[%dma_start3A_1791, %dma_start3A_1792] : memref<80x128xf32, #tpu.memory_space<vmem>> -> memref<20x64xf32, #tpu.memory_space<vmem>>
      tpu.enqueue_dma source(%dma_start3A_1793 : memref<20x64xf32, #tpu.memory_space<vmem>>) target(%dma_start3A_1790 : memref<20x64xf32, #tpu.memory_space<hbm>>) target_semaphore(%arg28 : memref<!tpu.dma_semaphore, #tpu.memory_space<semaphore_mem>>)
      %add3A_1794 = arith.constant 3 : i32
      %add3A_1795 = arith.addi %add3A_1745, %add3A_1794 : i32
      %dma_start3A_1796 = arith.constant 60 : i32
      %dma_start3A_1797 = arith.constant 0 : i32
      %dma_start3A_1798 = tpu.memref_slice %arg12[%dma_start3A_1796, %dma_start3A_1797] : memref<80x128xf32, #tpu.memory_space<vmem>> -> memref<20x64xf32, #tpu.memory_space<vmem>>
      %dma_start3A_1799 = arith.constant 0 : i32
      %dma_start3A_1800 = arith.constant 0 : i32
      %dma_start3A_1801 = tpu.memref_slice %arg4[%add3A_1795, %dma_start3A_1799, %dma_start3A_1800] : memref<16384x24x128xf32, #tpu.memory_space<hbm>> -> memref<1x20x64xf32, #tpu.memory_space<hbm>>
      %dma_start3A_1802 = tpu.memref_squeeze %dma_start3A_1801 : memref<1x20x64xf32, #tpu.memory_space<hbm>> -> memref<20x64xf32, #tpu.memory_space<hbm>>
      %dma_start3A_1803 = arith.constant 0 : i32
      %dma_start3A_1804 = arith.constant 0 : i32
      %dma_start3A_1805 = tpu.memref_slice %arg4[%add3A_1795, %dma_start3A_1803, %dma_start3A_1804] : memref<16384x24x128xf32, #tpu.memory_space<hbm>> -> memref<1x20x64xf32, #tpu.memory_space<hbm>>
      %dma_start3A_1806 = tpu.memref_squeeze %dma_start3A_1805 : memref<1x20x64xf32, #tpu.memory_space<hbm>> -> memref<20x64xf32, #tpu.memory_space<hbm>>
      %dma_start3A_1807 = arith.constant 60 : i32
      %dma_start3A_1808 = arith.constant 0 : i32
      %dma_start3A_1809 = tpu.memref_slice %arg12[%dma_start3A_1807, %dma_start3A_1808] : memref<80x128xf32, #tpu.memory_space<vmem>> -> memref<20x64xf32, #tpu.memory_space<vmem>>
      tpu.enqueue_dma source(%dma_start3A_1809 : memref<20x64xf32, #tpu.memory_space<vmem>>) target(%dma_start3A_1806 : memref<20x64xf32, #tpu.memory_space<hbm>>) target_semaphore(%arg28 : memref<!tpu.dma_semaphore, #tpu.memory_space<semaphore_mem>>)
      %mul3A_1810 = arith.constant 8 : i32
      %mul3A_1811 = arith.muli %scan3A_1221, %mul3A_1810 : i32
      %add3A_1812 = arith.constant 7 : i32
      %add3A_1813 = arith.addi %mul3A_1811, %add3A_1812 : i32
      %mul3A_1814 = arith.constant 1 : i32
      %mul3A_1815 = arith.muli %add3A_1813, %mul3A_1814 : i32
      %add3A_1816 = arith.constant 0 : i32
      %add3A_1817 = arith.addi %mul3A_1815, %add3A_1816 : i32
      %dma_wait3A_1818 = arith.constant 0 : i32
      %dma_wait3A_1819 = arith.constant 0 : i32
      %dma_wait3A_1820 = tpu.memref_slice %arg13[%dma_wait3A_1818, %dma_wait3A_1819] : memref<80x128xf32, #tpu.memory_space<vmem>> -> memref<80x128xf32, #tpu.memory_space<vmem>>
      %dma_wait3A_1821 = arith.constant 0 : i32
      %dma_wait3A_1822 = tpu.memref_slice %arg5[%add3A_1817, %dma_wait3A_1821] : memref<128x80xi32, #tpu.memory_space<vmem>> -> memref<1x80xi32, #tpu.memory_space<vmem>>
      %dma_wait3A_1823 = tpu.memref_squeeze %dma_wait3A_1822 : memref<1x80xi32, #tpu.memory_space<vmem>> -> memref<80xi32, #tpu.memory_space<vmem>>
      %dma_wait3A_1824 = arith.constant 0 : i32
      %dma_wait3A_1825 = arith.constant 0 : i32
      %dma_wait3A_1826 = tpu.memref_slice %arg2[%dma_wait3A_1824, %dma_wait3A_1825] : memref<1000000x128xf32, #tpu.memory_space<hbm>> -> memref<1000000x128xf32, #tpu.memory_space<hbm>>
      tpu.wait_indirect_dma semaphore(%arg21 : memref<!tpu.dma_semaphore, #tpu.memory_space<semaphore_mem>>) src(%dma_wait3A_1826 : memref<1000000x128xf32, #tpu.memory_space<hbm>>) dst(%dma_wait3A_1820 : memref<80x128xf32, #tpu.memory_space<vmem>>)
      %mul3A_1827 = arith.constant 4 : i32
      %mul3A_1828 = arith.muli %add3A_1813, %mul3A_1827 : i32
      %add3A_1829 = arith.addi %mul3A_2, %mul3A_1828 : i32
      %add3A_1830 = arith.constant 0 : i32
      %add3A_1831 = arith.addi %add3A_1829, %add3A_1830 : i32
      %dma_start3A_1832 = arith.constant 0 : i32
      %dma_start3A_1833 = arith.constant 0 : i32
      %dma_start3A_1834 = tpu.memref_slice %arg13[%dma_start3A_1832, %dma_start3A_1833] : memref<80x128xf32, #tpu.memory_space<vmem>> -> memref<20x64xf32, #tpu.memory_space<vmem>>
      %dma_start3A_1835 = arith.constant 0 : i32
      %dma_start3A_1836 = arith.constant 0 : i32
      %dma_start3A_1837 = tpu.memref_slice %arg4[%add3A_1831, %dma_start3A_1835, %dma_start3A_1836] : memref<16384x24x128xf32, #tpu.memory_space<hbm>> -> memref<1x20x64xf32, #tpu.memory_space<hbm>>
      %dma_start3A_1838 = tpu.memref_squeeze %dma_start3A_1837 : memref<1x20x64xf32, #tpu.memory_space<hbm>> -> memref<20x64xf32, #tpu.memory_space<hbm>>
      %dma_start3A_1839 = arith.constant 0 : i32
      %dma_start3A_1840 = arith.constant 0 : i32
      %dma_start3A_1841 = tpu.memref_slice %arg4[%add3A_1831, %dma_start3A_1839, %dma_start3A_1840] : memref<16384x24x128xf32, #tpu.memory_space<hbm>> -> memref<1x20x64xf32, #tpu.memory_space<hbm>>
      %dma_start3A_1842 = tpu.memref_squeeze %dma_start3A_1841 : memref<1x20x64xf32, #tpu.memory_space<hbm>> -> memref<20x64xf32, #tpu.memory_space<hbm>>
      %dma_start3A_1843 = arith.constant 0 : i32
      %dma_start3A_1844 = arith.constant 0 : i32
      %dma_start3A_1845 = tpu.memref_slice %arg13[%dma_start3A_1843, %dma_start3A_1844] : memref<80x128xf32, #tpu.memory_space<vmem>> -> memref<20x64xf32, #tpu.memory_space<vmem>>
      tpu.enqueue_dma source(%dma_start3A_1845 : memref<20x64xf32, #tpu.memory_space<vmem>>) target(%dma_start3A_1842 : memref<20x64xf32, #tpu.memory_space<hbm>>) target_semaphore(%arg29 : memref<!tpu.dma_semaphore, #tpu.memory_space<semaphore_mem>>)
      %add3A_1846 = arith.constant 1 : i32
      %add3A_1847 = arith.addi %add3A_1829, %add3A_1846 : i32
      %dma_start3A_1848 = arith.constant 20 : i32
      %dma_start3A_1849 = arith.constant 0 : i32
      %dma_start3A_1850 = tpu.memref_slice %arg13[%dma_start3A_1848, %dma_start3A_1849] : memref<80x128xf32, #tpu.memory_space<vmem>> -> memref<20x64xf32, #tpu.memory_space<vmem>>
      %dma_start3A_1851 = arith.constant 0 : i32
      %dma_start3A_1852 = arith.constant 0 : i32
      %dma_start3A_1853 = tpu.memref_slice %arg4[%add3A_1847, %dma_start3A_1851, %dma_start3A_1852] : memref<16384x24x128xf32, #tpu.memory_space<hbm>> -> memref<1x20x64xf32, #tpu.memory_space<hbm>>
      %dma_start3A_1854 = tpu.memref_squeeze %dma_start3A_1853 : memref<1x20x64xf32, #tpu.memory_space<hbm>> -> memref<20x64xf32, #tpu.memory_space<hbm>>
      %dma_start3A_1855 = arith.constant 0 : i32
      %dma_start3A_1856 = arith.constant 0 : i32
      %dma_start3A_1857 = tpu.memref_slice %arg4[%add3A_1847, %dma_start3A_1855, %dma_start3A_1856] : memref<16384x24x128xf32, #tpu.memory_space<hbm>> -> memref<1x20x64xf32, #tpu.memory_space<hbm>>
      %dma_start3A_1858 = tpu.memref_squeeze %dma_start3A_1857 : memref<1x20x64xf32, #tpu.memory_space<hbm>> -> memref<20x64xf32, #tpu.memory_space<hbm>>
      %dma_start3A_1859 = arith.constant 20 : i32
      %dma_start3A_1860 = arith.constant 0 : i32
      %dma_start3A_1861 = tpu.memref_slice %arg13[%dma_start3A_1859, %dma_start3A_1860] : memref<80x128xf32, #tpu.memory_space<vmem>> -> memref<20x64xf32, #tpu.memory_space<vmem>>
      tpu.enqueue_dma source(%dma_start3A_1861 : memref<20x64xf32, #tpu.memory_space<vmem>>) target(%dma_start3A_1858 : memref<20x64xf32, #tpu.memory_space<hbm>>) target_semaphore(%arg29 : memref<!tpu.dma_semaphore, #tpu.memory_space<semaphore_mem>>)
      %add3A_1862 = arith.constant 2 : i32
      %add3A_1863 = arith.addi %add3A_1829, %add3A_1862 : i32
      %dma_start3A_1864 = arith.constant 40 : i32
      %dma_start3A_1865 = arith.constant 0 : i32
      %dma_start3A_1866 = tpu.memref_slice %arg13[%dma_start3A_1864, %dma_start3A_1865] : memref<80x128xf32, #tpu.memory_space<vmem>> -> memref<20x64xf32, #tpu.memory_space<vmem>>
      %dma_start3A_1867 = arith.constant 0 : i32
      %dma_start3A_1868 = arith.constant 0 : i32
      %dma_start3A_1869 = tpu.memref_slice %arg4[%add3A_1863, %dma_start3A_1867, %dma_start3A_1868] : memref<16384x24x128xf32, #tpu.memory_space<hbm>> -> memref<1x20x64xf32, #tpu.memory_space<hbm>>
      %dma_start3A_1870 = tpu.memref_squeeze %dma_start3A_1869 : memref<1x20x64xf32, #tpu.memory_space<hbm>> -> memref<20x64xf32, #tpu.memory_space<hbm>>
      %dma_start3A_1871 = arith.constant 0 : i32
      %dma_start3A_1872 = arith.constant 0 : i32
      %dma_start3A_1873 = tpu.memref_slice %arg4[%add3A_1863, %dma_start3A_1871, %dma_start3A_1872] : memref<16384x24x128xf32, #tpu.memory_space<hbm>> -> memref<1x20x64xf32, #tpu.memory_space<hbm>>
      %dma_start3A_1874 = tpu.memref_squeeze %dma_start3A_1873 : memref<1x20x64xf32, #tpu.memory_space<hbm>> -> memref<20x64xf32, #tpu.memory_space<hbm>>
      %dma_start3A_1875 = arith.constant 40 : i32
      %dma_start3A_1876 = arith.constant 0 : i32
      %dma_start3A_1877 = tpu.memref_slice %arg13[%dma_start3A_1875, %dma_start3A_1876] : memref<80x128xf32, #tpu.memory_space<vmem>> -> memref<20x64xf32, #tpu.memory_space<vmem>>
      tpu.enqueue_dma source(%dma_start3A_1877 : memref<20x64xf32, #tpu.memory_space<vmem>>) target(%dma_start3A_1874 : memref<20x64xf32, #tpu.memory_space<hbm>>) target_semaphore(%arg29 : memref<!tpu.dma_semaphore, #tpu.memory_space<semaphore_mem>>)
      %add3A_1878 = arith.constant 3 : i32
      %add3A_1879 = arith.addi %add3A_1829, %add3A_1878 : i32
      %dma_start3A_1880 = arith.constant 60 : i32
      %dma_start3A_1881 = arith.constant 0 : i32
      %dma_start3A_1882 = tpu.memref_slice %arg13[%dma_start3A_1880, %dma_start3A_1881] : memref<80x128xf32, #tpu.memory_space<vmem>> -> memref<20x64xf32, #tpu.memory_space<vmem>>
      %dma_start3A_1883 = arith.constant 0 : i32
      %dma_start3A_1884 = arith.constant 0 : i32
      %dma_start3A_1885 = tpu.memref_slice %arg4[%add3A_1879, %dma_start3A_1883, %dma_start3A_1884] : memref<16384x24x128xf32, #tpu.memory_space<hbm>> -> memref<1x20x64xf32, #tpu.memory_space<hbm>>
      %dma_start3A_1886 = tpu.memref_squeeze %dma_start3A_1885 : memref<1x20x64xf32, #tpu.memory_space<hbm>> -> memref<20x64xf32, #tpu.memory_space<hbm>>
      %dma_start3A_1887 = arith.constant 0 : i32
      %dma_start3A_1888 = arith.constant 0 : i32
      %dma_start3A_1889 = tpu.memref_slice %arg4[%add3A_1879, %dma_start3A_1887, %dma_start3A_1888] : memref<16384x24x128xf32, #tpu.memory_space<hbm>> -> memref<1x20x64xf32, #tpu.memory_space<hbm>>
      %dma_start3A_1890 = tpu.memref_squeeze %dma_start3A_1889 : memref<1x20x64xf32, #tpu.memory_space<hbm>> -> memref<20x64xf32, #tpu.memory_space<hbm>>
      %dma_start3A_1891 = arith.constant 60 : i32
      %dma_start3A_1892 = arith.constant 0 : i32
      %dma_start3A_1893 = tpu.memref_slice %arg13[%dma_start3A_1891, %dma_start3A_1892] : memref<80x128xf32, #tpu.memory_space<vmem>> -> memref<20x64xf32, #tpu.memory_space<vmem>>
      tpu.enqueue_dma source(%dma_start3A_1893 : memref<20x64xf32, #tpu.memory_space<vmem>>) target(%dma_start3A_1890 : memref<20x64xf32, #tpu.memory_space<hbm>>) target_semaphore(%arg29 : memref<!tpu.dma_semaphore, #tpu.memory_space<semaphore_mem>>)
      %mul3A_1894 = arith.constant 8 : i32
      %mul3A_1895 = arith.muli %scan3A_1221, %mul3A_1894 : i32
      %add3A_1896 = arith.constant 0 : i32
      %add3A_1897 = arith.addi %mul3A_1895, %add3A_1896 : i32
      %mul3A_1898 = arith.constant 4 : i32
      %mul3A_1899 = arith.muli %add3A_1897, %mul3A_1898 : i32
      %add3A_1900 = arith.addi %mul3A_2, %mul3A_1899 : i32
      %add3A_1901 = arith.constant 0 : i32
      %add3A_1902 = arith.addi %add3A_1900, %add3A_1901 : i32
      %dma_wait3A_1903 = arith.constant 0 : i32
      %dma_wait3A_1904 = arith.constant 0 : i32
      %dma_wait3A_1905 = tpu.memref_slice %arg6[%dma_wait3A_1903, %dma_wait3A_1904] : memref<80x128xf32, #tpu.memory_space<vmem>> -> memref<20x64xf32, #tpu.memory_space<vmem>>
      %dma_wait3A_1906 = arith.constant 0 : i32
      %dma_wait3A_1907 = arith.constant 0 : i32
      %dma_wait3A_1908 = tpu.memref_slice %arg4[%add3A_1902, %dma_wait3A_1906, %dma_wait3A_1907] : memref<16384x24x128xf32, #tpu.memory_space<hbm>> -> memref<1x20x64xf32, #tpu.memory_space<hbm>>
      %dma_wait3A_1909 = tpu.memref_squeeze %dma_wait3A_1908 : memref<1x20x64xf32, #tpu.memory_space<hbm>> -> memref<20x64xf32, #tpu.memory_space<hbm>>
      %dma_wait3A_1910 = arith.constant 0 : i32
      %dma_wait3A_1911 = arith.constant 0 : i32
      %dma_wait3A_1912 = tpu.memref_slice %arg4[%add3A_1902, %dma_wait3A_1910, %dma_wait3A_1911] : memref<16384x24x128xf32, #tpu.memory_space<hbm>> -> memref<1x20x64xf32, #tpu.memory_space<hbm>>
      %dma_wait3A_1913 = tpu.memref_squeeze %dma_wait3A_1912 : memref<1x20x64xf32, #tpu.memory_space<hbm>> -> memref<20x64xf32, #tpu.memory_space<hbm>>
      %dma_wait3A_1914 = arith.constant 0 : i32
      %dma_wait3A_1915 = arith.constant 0 : i32
      %dma_wait3A_1916 = tpu.memref_slice %arg6[%dma_wait3A_1914, %dma_wait3A_1915] : memref<80x128xf32, #tpu.memory_space<vmem>> -> memref<20x64xf32, #tpu.memory_space<vmem>>
      tpu.wait_dma2 semaphore(%arg22 : memref<!tpu.dma_semaphore, #tpu.memory_space<semaphore_mem>>) src(%dma_wait3A_1916 : memref<20x64xf32, #tpu.memory_space<vmem>>) dst(%dma_wait3A_1913 : memref<20x64xf32, #tpu.memory_space<hbm>>)
      %add3A_1917 = arith.constant 1 : i32
      %add3A_1918 = arith.addi %add3A_1900, %add3A_1917 : i32
      %dma_wait3A_1919 = arith.constant 20 : i32
      %dma_wait3A_1920 = arith.constant 0 : i32
      %dma_wait3A_1921 = tpu.memref_slice %arg6[%dma_wait3A_1919, %dma_wait3A_1920] : memref<80x128xf32, #tpu.memory_space<vmem>> -> memref<20x64xf32, #tpu.memory_space<vmem>>
      %dma_wait3A_1922 = arith.constant 0 : i32
      %dma_wait3A_1923 = arith.constant 0 : i32
      %dma_wait3A_1924 = tpu.memref_slice %arg4[%add3A_1918, %dma_wait3A_1922, %dma_wait3A_1923] : memref<16384x24x128xf32, #tpu.memory_space<hbm>> -> memref<1x20x64xf32, #tpu.memory_space<hbm>>
      %dma_wait3A_1925 = tpu.memref_squeeze %dma_wait3A_1924 : memref<1x20x64xf32, #tpu.memory_space<hbm>> -> memref<20x64xf32, #tpu.memory_space<hbm>>
      %dma_wait3A_1926 = arith.constant 0 : i32
      %dma_wait3A_1927 = arith.constant 0 : i32
      %dma_wait3A_1928 = tpu.memref_slice %arg4[%add3A_1918, %dma_wait3A_1926, %dma_wait3A_1927] : memref<16384x24x128xf32, #tpu.memory_space<hbm>> -> memref<1x20x64xf32, #tpu.memory_space<hbm>>
      %dma_wait3A_1929 = tpu.memref_squeeze %dma_wait3A_1928 : memref<1x20x64xf32, #tpu.memory_space<hbm>> -> memref<20x64xf32, #tpu.memory_space<hbm>>
      %dma_wait3A_1930 = arith.constant 20 : i32
      %dma_wait3A_1931 = arith.constant 0 : i32
      %dma_wait3A_1932 = tpu.memref_slice %arg6[%dma_wait3A_1930, %dma_wait3A_1931] : memref<80x128xf32, #tpu.memory_space<vmem>> -> memref<20x64xf32, #tpu.memory_space<vmem>>
      tpu.wait_dma2 semaphore(%arg22 : memref<!tpu.dma_semaphore, #tpu.memory_space<semaphore_mem>>) src(%dma_wait3A_1932 : memref<20x64xf32, #tpu.memory_space<vmem>>) dst(%dma_wait3A_1929 : memref<20x64xf32, #tpu.memory_space<hbm>>)
      %add3A_1933 = arith.constant 2 : i32
      %add3A_1934 = arith.addi %add3A_1900, %add3A_1933 : i32
      %dma_wait3A_1935 = arith.constant 40 : i32
      %dma_wait3A_1936 = arith.constant 0 : i32
      %dma_wait3A_1937 = tpu.memref_slice %arg6[%dma_wait3A_1935, %dma_wait3A_1936] : memref<80x128xf32, #tpu.memory_space<vmem>> -> memref<20x64xf32, #tpu.memory_space<vmem>>
      %dma_wait3A_1938 = arith.constant 0 : i32
      %dma_wait3A_1939 = arith.constant 0 : i32
      %dma_wait3A_1940 = tpu.memref_slice %arg4[%add3A_1934, %dma_wait3A_1938, %dma_wait3A_1939] : memref<16384x24x128xf32, #tpu.memory_space<hbm>> -> memref<1x20x64xf32, #tpu.memory_space<hbm>>
      %dma_wait3A_1941 = tpu.memref_squeeze %dma_wait3A_1940 : memref<1x20x64xf32, #tpu.memory_space<hbm>> -> memref<20x64xf32, #tpu.memory_space<hbm>>
      %dma_wait3A_1942 = arith.constant 0 : i32
      %dma_wait3A_1943 = arith.constant 0 : i32
      %dma_wait3A_1944 = tpu.memref_slice %arg4[%add3A_1934, %dma_wait3A_1942, %dma_wait3A_1943] : memref<16384x24x128xf32, #tpu.memory_space<hbm>> -> memref<1x20x64xf32, #tpu.memory_space<hbm>>
      %dma_wait3A_1945 = tpu.memref_squeeze %dma_wait3A_1944 : memref<1x20x64xf32, #tpu.memory_space<hbm>> -> memref<20x64xf32, #tpu.memory_space<hbm>>
      %dma_wait3A_1946 = arith.constant 40 : i32
      %dma_wait3A_1947 = arith.constant 0 : i32
      %dma_wait3A_1948 = tpu.memref_slice %arg6[%dma_wait3A_1946, %dma_wait3A_1947] : memref<80x128xf32, #tpu.memory_space<vmem>> -> memref<20x64xf32, #tpu.memory_space<vmem>>
      tpu.wait_dma2 semaphore(%arg22 : memref<!tpu.dma_semaphore, #tpu.memory_space<semaphore_mem>>) src(%dma_wait3A_1948 : memref<20x64xf32, #tpu.memory_space<vmem>>) dst(%dma_wait3A_1945 : memref<20x64xf32, #tpu.memory_space<hbm>>)
      %add3A_1949 = arith.constant 3 : i32
      %add3A_1950 = arith.addi %add3A_1900, %add3A_1949 : i32
      %dma_wait3A_1951 = arith.constant 60 : i32
      %dma_wait3A_1952 = arith.constant 0 : i32
      %dma_wait3A_1953 = tpu.memref_slice %arg6[%dma_wait3A_1951, %dma_wait3A_1952] : memref<80x128xf32, #tpu.memory_space<vmem>> -> memref<20x64xf32, #tpu.memory_space<vmem>>
      %dma_wait3A_1954 = arith.constant 0 : i32
      %dma_wait3A_1955 = arith.constant 0 : i32
      %dma_wait3A_1956 = tpu.memref_slice %arg4[%add3A_1950, %dma_wait3A_1954, %dma_wait3A_1955] : memref<16384x24x128xf32, #tpu.memory_space<hbm>> -> memref<1x20x64xf32, #tpu.memory_space<hbm>>
      %dma_wait3A_1957 = tpu.memref_squeeze %dma_wait3A_1956 : memref<1x20x64xf32, #tpu.memory_space<hbm>> -> memref<20x64xf32, #tpu.memory_space<hbm>>
      %dma_wait3A_1958 = arith.constant 0 : i32
      %dma_wait3A_1959 = arith.constant 0 : i32
      %dma_wait3A_1960 = tpu.memref_slice %arg4[%add3A_1950, %dma_wait3A_1958, %dma_wait3A_1959] : memref<16384x24x128xf32, #tpu.memory_space<hbm>> -> memref<1x20x64xf32, #tpu.memory_space<hbm>>
      %dma_wait3A_1961 = tpu.memref_squeeze %dma_wait3A_1960 : memref<1x20x64xf32, #tpu.memory_space<hbm>> -> memref<20x64xf32, #tpu.memory_space<hbm>>
      %dma_wait3A_1962 = arith.constant 60 : i32
      %dma_wait3A_1963 = arith.constant 0 : i32
      %dma_wait3A_1964 = tpu.memref_slice %arg6[%dma_wait3A_1962, %dma_wait3A_1963] : memref<80x128xf32, #tpu.memory_space<vmem>> -> memref<20x64xf32, #tpu.memory_space<vmem>>
      tpu.wait_dma2 semaphore(%arg22 : memref<!tpu.dma_semaphore, #tpu.memory_space<semaphore_mem>>) src(%dma_wait3A_1964 : memref<20x64xf32, #tpu.memory_space<vmem>>) dst(%dma_wait3A_1961 : memref<20x64xf32, #tpu.memory_space<hbm>>)
      %add3A_1965 = arith.constant 8 : i32
      %add3A_1966 = arith.addi %add3A_1897, %add3A_1965 : i32
      %mul3A_1967 = arith.constant 1 : i32
      %mul3A_1968 = arith.muli %add3A_1966, %mul3A_1967 : i32
      %add3A_1969 = arith.constant 0 : i32
      %add3A_1970 = arith.addi %mul3A_1968, %add3A_1969 : i32
      %dma_start3A_1971 = arith.constant 0 : i32
      %dma_start3A_1972 = arith.constant 0 : i32
      %dma_start3A_1973 = tpu.memref_slice %arg6[%dma_start3A_1971, %dma_start3A_1972] : memref<80x128xf32, #tpu.memory_space<vmem>> -> memref<80x128xf32, #tpu.memory_space<vmem>>
      %dma_start3A_1974 = arith.constant 0 : i32
      %dma_start3A_1975 = tpu.memref_slice %arg5[%add3A_1970, %dma_start3A_1974] : memref<128x80xi32, #tpu.memory_space<vmem>> -> memref<1x80xi32, #tpu.memory_space<vmem>>
      %dma_start3A_1976 = tpu.memref_squeeze %dma_start3A_1975 : memref<1x80xi32, #tpu.memory_space<vmem>> -> memref<80xi32, #tpu.memory_space<vmem>>
      %dma_start3A_1977 = arith.constant 0 : i32
      %dma_start3A_1978 = arith.constant 0 : i32
      %dma_start3A_1979 = tpu.memref_slice %arg2[%dma_start3A_1977, %dma_start3A_1978] : memref<1000000x128xf32, #tpu.memory_space<hbm>> -> memref<1000000x128xf32, #tpu.memory_space<hbm>>
      tpu.enqueue_indirect_dma source(%dma_start3A_1979 : memref<1000000x128xf32, #tpu.memory_space<hbm>>) target(%dma_start3A_1973 : memref<80x128xf32, #tpu.memory_space<vmem>>) offsets(%dma_start3A_1976 : memref<80xi32, #tpu.memory_space<vmem>>) semaphore(%arg14 : memref<!tpu.dma_semaphore, #tpu.memory_space<semaphore_mem>>)
      %mul3A_1980 = arith.constant 8 : i32
      %mul3A_1981 = arith.muli %scan3A_1221, %mul3A_1980 : i32
      %add3A_1982 = arith.constant 1 : i32
      %add3A_1983 = arith.addi %mul3A_1981, %add3A_1982 : i32
      %mul3A_1984 = arith.constant 4 : i32
      %mul3A_1985 = arith.muli %add3A_1983, %mul3A_1984 : i32
      %add3A_1986 = arith.addi %mul3A_2, %mul3A_1985 : i32
      %add3A_1987 = arith.constant 0 : i32
      %add3A_1988 = arith.addi %add3A_1986, %add3A_1987 : i32
      %dma_wait3A_1989 = arith.constant 0 : i32
      %dma_wait3A_1990 = arith.constant 0 : i32
      %dma_wait3A_1991 = tpu.memref_slice %arg7[%dma_wait3A_1989, %dma_wait3A_1990] : memref<80x128xf32, #tpu.memory_space<vmem>> -> memref<20x64xf32, #tpu.memory_space<vmem>>
      %dma_wait3A_1992 = arith.constant 0 : i32
      %dma_wait3A_1993 = arith.constant 0 : i32
      %dma_wait3A_1994 = tpu.memref_slice %arg4[%add3A_1988, %dma_wait3A_1992, %dma_wait3A_1993] : memref<16384x24x128xf32, #tpu.memory_space<hbm>> -> memref<1x20x64xf32, #tpu.memory_space<hbm>>
      %dma_wait3A_1995 = tpu.memref_squeeze %dma_wait3A_1994 : memref<1x20x64xf32, #tpu.memory_space<hbm>> -> memref<20x64xf32, #tpu.memory_space<hbm>>
      %dma_wait3A_1996 = arith.constant 0 : i32
      %dma_wait3A_1997 = arith.constant 0 : i32
      %dma_wait3A_1998 = tpu.memref_slice %arg4[%add3A_1988, %dma_wait3A_1996, %dma_wait3A_1997] : memref<16384x24x128xf32, #tpu.memory_space<hbm>> -> memref<1x20x64xf32, #tpu.memory_space<hbm>>
      %dma_wait3A_1999 = tpu.memref_squeeze %dma_wait3A_1998 : memref<1x20x64xf32, #tpu.memory_space<hbm>> -> memref<20x64xf32, #tpu.memory_space<hbm>>
      %dma_wait3A_2000 = arith.constant 0 : i32
      %dma_wait3A_2001 = arith.constant 0 : i32
      %dma_wait3A_2002 = tpu.memref_slice %arg7[%dma_wait3A_2000, %dma_wait3A_2001] : memref<80x128xf32, #tpu.memory_space<vmem>> -> memref<20x64xf32, #tpu.memory_space<vmem>>
      tpu.wait_dma2 semaphore(%arg23 : memref<!tpu.dma_semaphore, #tpu.memory_space<semaphore_mem>>) src(%dma_wait3A_2002 : memref<20x64xf32, #tpu.memory_space<vmem>>) dst(%dma_wait3A_1999 : memref<20x64xf32, #tpu.memory_space<hbm>>)
      %add3A_2003 = arith.constant 1 : i32
      %add3A_2004 = arith.addi %add3A_1986, %add3A_2003 : i32
      %dma_wait3A_2005 = arith.constant 20 : i32
      %dma_wait3A_2006 = arith.constant 0 : i32
      %dma_wait3A_2007 = tpu.memref_slice %arg7[%dma_wait3A_2005, %dma_wait3A_2006] : memref<80x128xf32, #tpu.memory_space<vmem>> -> memref<20x64xf32, #tpu.memory_space<vmem>>
      %dma_wait3A_2008 = arith.constant 0 : i32
      %dma_wait3A_2009 = arith.constant 0 : i32
      %dma_wait3A_2010 = tpu.memref_slice %arg4[%add3A_2004, %dma_wait3A_2008, %dma_wait3A_2009] : memref<16384x24x128xf32, #tpu.memory_space<hbm>> -> memref<1x20x64xf32, #tpu.memory_space<hbm>>
      %dma_wait3A_2011 = tpu.memref_squeeze %dma_wait3A_2010 : memref<1x20x64xf32, #tpu.memory_space<hbm>> -> memref<20x64xf32, #tpu.memory_space<hbm>>
      %dma_wait3A_2012 = arith.constant 0 : i32
      %dma_wait3A_2013 = arith.constant 0 : i32
      %dma_wait3A_2014 = tpu.memref_slice %arg4[%add3A_2004, %dma_wait3A_2012, %dma_wait3A_2013] : memref<16384x24x128xf32, #tpu.memory_space<hbm>> -> memref<1x20x64xf32, #tpu.memory_space<hbm>>
      %dma_wait3A_2015 = tpu.memref_squeeze %dma_wait3A_2014 : memref<1x20x64xf32, #tpu.memory_space<hbm>> -> memref<20x64xf32, #tpu.memory_space<hbm>>
      %dma_wait3A_2016 = arith.constant 20 : i32
      %dma_wait3A_2017 = arith.constant 0 : i32
      %dma_wait3A_2018 = tpu.memref_slice %arg7[%dma_wait3A_2016, %dma_wait3A_2017] : memref<80x128xf32, #tpu.memory_space<vmem>> -> memref<20x64xf32, #tpu.memory_space<vmem>>
      tpu.wait_dma2 semaphore(%arg23 : memref<!tpu.dma_semaphore, #tpu.memory_space<semaphore_mem>>) src(%dma_wait3A_2018 : memref<20x64xf32, #tpu.memory_space<vmem>>) dst(%dma_wait3A_2015 : memref<20x64xf32, #tpu.memory_space<hbm>>)
      %add3A_2019 = arith.constant 2 : i32
      %add3A_2020 = arith.addi %add3A_1986, %add3A_2019 : i32
      %dma_wait3A_2021 = arith.constant 40 : i32
      %dma_wait3A_2022 = arith.constant 0 : i32
      %dma_wait3A_2023 = tpu.memref_slice %arg7[%dma_wait3A_2021, %dma_wait3A_2022] : memref<80x128xf32, #tpu.memory_space<vmem>> -> memref<20x64xf32, #tpu.memory_space<vmem>>
      %dma_wait3A_2024 = arith.constant 0 : i32
      %dma_wait3A_2025 = arith.constant 0 : i32
      %dma_wait3A_2026 = tpu.memref_slice %arg4[%add3A_2020, %dma_wait3A_2024, %dma_wait3A_2025] : memref<16384x24x128xf32, #tpu.memory_space<hbm>> -> memref<1x20x64xf32, #tpu.memory_space<hbm>>
      %dma_wait3A_2027 = tpu.memref_squeeze %dma_wait3A_2026 : memref<1x20x64xf32, #tpu.memory_space<hbm>> -> memref<20x64xf32, #tpu.memory_space<hbm>>
      %dma_wait3A_2028 = arith.constant 0 : i32
      %dma_wait3A_2029 = arith.constant 0 : i32
      %dma_wait3A_2030 = tpu.memref_slice %arg4[%add3A_2020, %dma_wait3A_2028, %dma_wait3A_2029] : memref<16384x24x128xf32, #tpu.memory_space<hbm>> -> memref<1x20x64xf32, #tpu.memory_space<hbm>>
      %dma_wait3A_2031 = tpu.memref_squeeze %dma_wait3A_2030 : memref<1x20x64xf32, #tpu.memory_space<hbm>> -> memref<20x64xf32, #tpu.memory_space<hbm>>
      %dma_wait3A_2032 = arith.constant 40 : i32
      %dma_wait3A_2033 = arith.constant 0 : i32
      %dma_wait3A_2034 = tpu.memref_slice %arg7[%dma_wait3A_2032, %dma_wait3A_2033] : memref<80x128xf32, #tpu.memory_space<vmem>> -> memref<20x64xf32, #tpu.memory_space<vmem>>
      tpu.wait_dma2 semaphore(%arg23 : memref<!tpu.dma_semaphore, #tpu.memory_space<semaphore_mem>>) src(%dma_wait3A_2034 : memref<20x64xf32, #tpu.memory_space<vmem>>) dst(%dma_wait3A_2031 : memref<20x64xf32, #tpu.memory_space<hbm>>)
      %add3A_2035 = arith.constant 3 : i32
      %add3A_2036 = arith.addi %add3A_1986, %add3A_2035 : i32
      %dma_wait3A_2037 = arith.constant 60 : i32
      %dma_wait3A_2038 = arith.constant 0 : i32
      %dma_wait3A_2039 = tpu.memref_slice %arg7[%dma_wait3A_2037, %dma_wait3A_2038] : memref<80x128xf32, #tpu.memory_space<vmem>> -> memref<20x64xf32, #tpu.memory_space<vmem>>
      %dma_wait3A_2040 = arith.constant 0 : i32
      %dma_wait3A_2041 = arith.constant 0 : i32
      %dma_wait3A_2042 = tpu.memref_slice %arg4[%add3A_2036, %dma_wait3A_2040, %dma_wait3A_2041] : memref<16384x24x128xf32, #tpu.memory_space<hbm>> -> memref<1x20x64xf32, #tpu.memory_space<hbm>>
      %dma_wait3A_2043 = tpu.memref_squeeze %dma_wait3A_2042 : memref<1x20x64xf32, #tpu.memory_space<hbm>> -> memref<20x64xf32, #tpu.memory_space<hbm>>
      %dma_wait3A_2044 = arith.constant 0 : i32
      %dma_wait3A_2045 = arith.constant 0 : i32
      %dma_wait3A_2046 = tpu.memref_slice %arg4[%add3A_2036, %dma_wait3A_2044, %dma_wait3A_2045] : memref<16384x24x128xf32, #tpu.memory_space<hbm>> -> memref<1x20x64xf32, #tpu.memory_space<hbm>>
      %dma_wait3A_2047 = tpu.memref_squeeze %dma_wait3A_2046 : memref<1x20x64xf32, #tpu.memory_space<hbm>> -> memref<20x64xf32, #tpu.memory_space<hbm>>
      %dma_wait3A_2048 = arith.constant 60 : i32
      %dma_wait3A_2049 = arith.constant 0 : i32
      %dma_wait3A_2050 = tpu.memref_slice %arg7[%dma_wait3A_2048, %dma_wait3A_2049] : memref<80x128xf32, #tpu.memory_space<vmem>> -> memref<20x64xf32, #tpu.memory_space<vmem>>
      tpu.wait_dma2 semaphore(%arg23 : memref<!tpu.dma_semaphore, #tpu.memory_space<semaphore_mem>>) src(%dma_wait3A_2050 : memref<20x64xf32, #tpu.memory_space<vmem>>) dst(%dma_wait3A_2047 : memref<20x64xf32, #tpu.memory_space<hbm>>)
      %add3A_2051 = arith.constant 8 : i32
      %add3A_2052 = arith.addi %add3A_1983, %add3A_2051 : i32
      %mul3A_2053 = arith.constant 1 : i32
      %mul3A_2054 = arith.muli %add3A_2052, %mul3A_2053 : i32
      %add3A_2055 = arith.constant 0 : i32
      %add3A_2056 = arith.addi %mul3A_2054, %add3A_2055 : i32
      %dma_start3A_2057 = arith.constant 0 : i32
      %dma_start3A_2058 = arith.constant 0 : i32
      %dma_start3A_2059 = tpu.memref_slice %arg7[%dma_start3A_2057, %dma_start3A_2058] : memref<80x128xf32, #tpu.memory_space<vmem>> -> memref<80x128xf32, #tpu.memory_space<vmem>>
      %dma_start3A_2060 = arith.constant 0 : i32
      %dma_start3A_2061 = tpu.memref_slice %arg5[%add3A_2056, %dma_start3A_2060] : memref<128x80xi32, #tpu.memory_space<vmem>> -> memref<1x80xi32, #tpu.memory_space<vmem>>
      %dma_start3A_2062 = tpu.memref_squeeze %dma_start3A_2061 : memref<1x80xi32, #tpu.memory_space<vmem>> -> memref<80xi32, #tpu.memory_space<vmem>>
      %dma_start3A_2063 = arith.constant 0 : i32
      %dma_start3A_2064 = arith.constant 0 : i32
      %dma_start3A_2065 = tpu.memref_slice %arg2[%dma_start3A_2063, %dma_start3A_2064] : memref<1000000x128xf32, #tpu.memory_space<hbm>> -> memref<1000000x128xf32, #tpu.memory_space<hbm>>
      tpu.enqueue_indirect_dma source(%dma_start3A_2065 : memref<1000000x128xf32, #tpu.memory_space<hbm>>) target(%dma_start3A_2059 : memref<80x128xf32, #tpu.memory_space<vmem>>) offsets(%dma_start3A_2062 : memref<80xi32, #tpu.memory_space<vmem>>) semaphore(%arg15 : memref<!tpu.dma_semaphore, #tpu.memory_space<semaphore_mem>>)
      %mul3A_2066 = arith.constant 8 : i32
      %mul3A_2067 = arith.muli %scan3A_1221, %mul3A_2066 : i32
      %add3A_2068 = arith.constant 2 : i32
      %add3A_2069 = arith.addi %mul3A_2067, %add3A_2068 : i32
      %mul3A_2070 = arith.constant 4 : i32
      %mul3A_2071 = arith.muli %add3A_2069, %mul3A_2070 : i32
      %add3A_2072 = arith.addi %mul3A_2, %mul3A_2071 : i32
      %add3A_2073 = arith.constant 0 : i32
      %add3A_2074 = arith.addi %add3A_2072, %add3A_2073 : i32
      %dma_wait3A_2075 = arith.constant 0 : i32
      %dma_wait3A_2076 = arith.constant 0 : i32
      %dma_wait3A_2077 = tpu.memref_slice %arg8[%dma_wait3A_2075, %dma_wait3A_2076] : memref<80x128xf32, #tpu.memory_space<vmem>> -> memref<20x64xf32, #tpu.memory_space<vmem>>
      %dma_wait3A_2078 = arith.constant 0 : i32
      %dma_wait3A_2079 = arith.constant 0 : i32
      %dma_wait3A_2080 = tpu.memref_slice %arg4[%add3A_2074, %dma_wait3A_2078, %dma_wait3A_2079] : memref<16384x24x128xf32, #tpu.memory_space<hbm>> -> memref<1x20x64xf32, #tpu.memory_space<hbm>>
      %dma_wait3A_2081 = tpu.memref_squeeze %dma_wait3A_2080 : memref<1x20x64xf32, #tpu.memory_space<hbm>> -> memref<20x64xf32, #tpu.memory_space<hbm>>
      %dma_wait3A_2082 = arith.constant 0 : i32
      %dma_wait3A_2083 = arith.constant 0 : i32
      %dma_wait3A_2084 = tpu.memref_slice %arg4[%add3A_2074, %dma_wait3A_2082, %dma_wait3A_2083] : memref<16384x24x128xf32, #tpu.memory_space<hbm>> -> memref<1x20x64xf32, #tpu.memory_space<hbm>>
      %dma_wait3A_2085 = tpu.memref_squeeze %dma_wait3A_2084 : memref<1x20x64xf32, #tpu.memory_space<hbm>> -> memref<20x64xf32, #tpu.memory_space<hbm>>
      %dma_wait3A_2086 = arith.constant 0 : i32
      %dma_wait3A_2087 = arith.constant 0 : i32
      %dma_wait3A_2088 = tpu.memref_slice %arg8[%dma_wait3A_2086, %dma_wait3A_2087] : memref<80x128xf32, #tpu.memory_space<vmem>> -> memref<20x64xf32, #tpu.memory_space<vmem>>
      tpu.wait_dma2 semaphore(%arg24 : memref<!tpu.dma_semaphore, #tpu.memory_space<semaphore_mem>>) src(%dma_wait3A_2088 : memref<20x64xf32, #tpu.memory_space<vmem>>) dst(%dma_wait3A_2085 : memref<20x64xf32, #tpu.memory_space<hbm>>)
      %add3A_2089 = arith.constant 1 : i32
      %add3A_2090 = arith.addi %add3A_2072, %add3A_2089 : i32
      %dma_wait3A_2091 = arith.constant 20 : i32
      %dma_wait3A_2092 = arith.constant 0 : i32
      %dma_wait3A_2093 = tpu.memref_slice %arg8[%dma_wait3A_2091, %dma_wait3A_2092] : memref<80x128xf32, #tpu.memory_space<vmem>> -> memref<20x64xf32, #tpu.memory_space<vmem>>
      %dma_wait3A_2094 = arith.constant 0 : i32
      %dma_wait3A_2095 = arith.constant 0 : i32
      %dma_wait3A_2096 = tpu.memref_slice %arg4[%add3A_2090, %dma_wait3A_2094, %dma_wait3A_2095] : memref<16384x24x128xf32, #tpu.memory_space<hbm>> -> memref<1x20x64xf32, #tpu.memory_space<hbm>>
      %dma_wait3A_2097 = tpu.memref_squeeze %dma_wait3A_2096 : memref<1x20x64xf32, #tpu.memory_space<hbm>> -> memref<20x64xf32, #tpu.memory_space<hbm>>
      %dma_wait3A_2098 = arith.constant 0 : i32
      %dma_wait3A_2099 = arith.constant 0 : i32
      %dma_wait3A_2100 = tpu.memref_slice %arg4[%add3A_2090, %dma_wait3A_2098, %dma_wait3A_2099] : memref<16384x24x128xf32, #tpu.memory_space<hbm>> -> memref<1x20x64xf32, #tpu.memory_space<hbm>>
      %dma_wait3A_2101 = tpu.memref_squeeze %dma_wait3A_2100 : memref<1x20x64xf32, #tpu.memory_space<hbm>> -> memref<20x64xf32, #tpu.memory_space<hbm>>
      %dma_wait3A_2102 = arith.constant 20 : i32
      %dma_wait3A_2103 = arith.constant 0 : i32
      %dma_wait3A_2104 = tpu.memref_slice %arg8[%dma_wait3A_2102, %dma_wait3A_2103] : memref<80x128xf32, #tpu.memory_space<vmem>> -> memref<20x64xf32, #tpu.memory_space<vmem>>
      tpu.wait_dma2 semaphore(%arg24 : memref<!tpu.dma_semaphore, #tpu.memory_space<semaphore_mem>>) src(%dma_wait3A_2104 : memref<20x64xf32, #tpu.memory_space<vmem>>) dst(%dma_wait3A_2101 : memref<20x64xf32, #tpu.memory_space<hbm>>)
      %add3A_2105 = arith.constant 2 : i32
      %add3A_2106 = arith.addi %add3A_2072, %add3A_2105 : i32
      %dma_wait3A_2107 = arith.constant 40 : i32
      %dma_wait3A_2108 = arith.constant 0 : i32
      %dma_wait3A_2109 = tpu.memref_slice %arg8[%dma_wait3A_2107, %dma_wait3A_2108] : memref<80x128xf32, #tpu.memory_space<vmem>> -> memref<20x64xf32, #tpu.memory_space<vmem>>
      %dma_wait3A_2110 = arith.constant 0 : i32
      %dma_wait3A_2111 = arith.constant 0 : i32
      %dma_wait3A_2112 = tpu.memref_slice %arg4[%add3A_2106, %dma_wait3A_2110, %dma_wait3A_2111] : memref<16384x24x128xf32, #tpu.memory_space<hbm>> -> memref<1x20x64xf32, #tpu.memory_space<hbm>>
      %dma_wait3A_2113 = tpu.memref_squeeze %dma_wait3A_2112 : memref<1x20x64xf32, #tpu.memory_space<hbm>> -> memref<20x64xf32, #tpu.memory_space<hbm>>
      %dma_wait3A_2114 = arith.constant 0 : i32
      %dma_wait3A_2115 = arith.constant 0 : i32
      %dma_wait3A_2116 = tpu.memref_slice %arg4[%add3A_2106, %dma_wait3A_2114, %dma_wait3A_2115] : memref<16384x24x128xf32, #tpu.memory_space<hbm>> -> memref<1x20x64xf32, #tpu.memory_space<hbm>>
      %dma_wait3A_2117 = tpu.memref_squeeze %dma_wait3A_2116 : memref<1x20x64xf32, #tpu.memory_space<hbm>> -> memref<20x64xf32, #tpu.memory_space<hbm>>
      %dma_wait3A_2118 = arith.constant 40 : i32
      %dma_wait3A_2119 = arith.constant 0 : i32
      %dma_wait3A_2120 = tpu.memref_slice %arg8[%dma_wait3A_2118, %dma_wait3A_2119] : memref<80x128xf32, #tpu.memory_space<vmem>> -> memref<20x64xf32, #tpu.memory_space<vmem>>
      tpu.wait_dma2 semaphore(%arg24 : memref<!tpu.dma_semaphore, #tpu.memory_space<semaphore_mem>>) src(%dma_wait3A_2120 : memref<20x64xf32, #tpu.memory_space<vmem>>) dst(%dma_wait3A_2117 : memref<20x64xf32, #tpu.memory_space<hbm>>)
      %add3A_2121 = arith.constant 3 : i32
      %add3A_2122 = arith.addi %add3A_2072, %add3A_2121 : i32
      %dma_wait3A_2123 = arith.constant 60 : i32
      %dma_wait3A_2124 = arith.constant 0 : i32
      %dma_wait3A_2125 = tpu.memref_slice %arg8[%dma_wait3A_2123, %dma_wait3A_2124] : memref<80x128xf32, #tpu.memory_space<vmem>> -> memref<20x64xf32, #tpu.memory_space<vmem>>
      %dma_wait3A_2126 = arith.constant 0 : i32
      %dma_wait3A_2127 = arith.constant 0 : i32
      %dma_wait3A_2128 = tpu.memref_slice %arg4[%add3A_2122, %dma_wait3A_2126, %dma_wait3A_2127] : memref<16384x24x128xf32, #tpu.memory_space<hbm>> -> memref<1x20x64xf32, #tpu.memory_space<hbm>>
      %dma_wait3A_2129 = tpu.memref_squeeze %dma_wait3A_2128 : memref<1x20x64xf32, #tpu.memory_space<hbm>> -> memref<20x64xf32, #tpu.memory_space<hbm>>
      %dma_wait3A_2130 = arith.constant 0 : i32
      %dma_wait3A_2131 = arith.constant 0 : i32
      %dma_wait3A_2132 = tpu.memref_slice %arg4[%add3A_2122, %dma_wait3A_2130, %dma_wait3A_2131] : memref<16384x24x128xf32, #tpu.memory_space<hbm>> -> memref<1x20x64xf32, #tpu.memory_space<hbm>>
      %dma_wait3A_2133 = tpu.memref_squeeze %dma_wait3A_2132 : memref<1x20x64xf32, #tpu.memory_space<hbm>> -> memref<20x64xf32, #tpu.memory_space<hbm>>
      %dma_wait3A_2134 = arith.constant 60 : i32
      %dma_wait3A_2135 = arith.constant 0 : i32
      %dma_wait3A_2136 = tpu.memref_slice %arg8[%dma_wait3A_2134, %dma_wait3A_2135] : memref<80x128xf32, #tpu.memory_space<vmem>> -> memref<20x64xf32, #tpu.memory_space<vmem>>
      tpu.wait_dma2 semaphore(%arg24 : memref<!tpu.dma_semaphore, #tpu.memory_space<semaphore_mem>>) src(%dma_wait3A_2136 : memref<20x64xf32, #tpu.memory_space<vmem>>) dst(%dma_wait3A_2133 : memref<20x64xf32, #tpu.memory_space<hbm>>)
      %add3A_2137 = arith.constant 8 : i32
      %add3A_2138 = arith.addi %add3A_2069, %add3A_2137 : i32
      %mul3A_2139 = arith.constant 1 : i32
      %mul3A_2140 = arith.muli %add3A_2138, %mul3A_2139 : i32
      %add3A_2141 = arith.constant 0 : i32
      %add3A_2142 = arith.addi %mul3A_2140, %add3A_2141 : i32
      %dma_start3A_2143 = arith.constant 0 : i32
      %dma_start3A_2144 = arith.constant 0 : i32
      %dma_start3A_2145 = tpu.memref_slice %arg8[%dma_start3A_2143, %dma_start3A_2144] : memref<80x128xf32, #tpu.memory_space<vmem>> -> memref<80x128xf32, #tpu.memory_space<vmem>>
      %dma_start3A_2146 = arith.constant 0 : i32
      %dma_start3A_2147 = tpu.memref_slice %arg5[%add3A_2142, %dma_start3A_2146] : memref<128x80xi32, #tpu.memory_space<vmem>> -> memref<1x80xi32, #tpu.memory_space<vmem>>
      %dma_start3A_2148 = tpu.memref_squeeze %dma_start3A_2147 : memref<1x80xi32, #tpu.memory_space<vmem>> -> memref<80xi32, #tpu.memory_space<vmem>>
      %dma_start3A_2149 = arith.constant 0 : i32
      %dma_start3A_2150 = arith.constant 0 : i32
      %dma_start3A_2151 = tpu.memref_slice %arg2[%dma_start3A_2149, %dma_start3A_2150] : memref<1000000x128xf32, #tpu.memory_space<hbm>> -> memref<1000000x128xf32, #tpu.memory_space<hbm>>
      tpu.enqueue_indirect_dma source(%dma_start3A_2151 : memref<1000000x128xf32, #tpu.memory_space<hbm>>) target(%dma_start3A_2145 : memref<80x128xf32, #tpu.memory_space<vmem>>) offsets(%dma_start3A_2148 : memref<80xi32, #tpu.memory_space<vmem>>) semaphore(%arg16 : memref<!tpu.dma_semaphore, #tpu.memory_space<semaphore_mem>>)
      %mul3A_2152 = arith.constant 8 : i32
      %mul3A_2153 = arith.muli %scan3A_1221, %mul3A_2152 : i32
      %add3A_2154 = arith.constant 3 : i32
      %add3A_2155 = arith.addi %mul3A_2153, %add3A_2154 : i32
      %mul3A_2156 = arith.constant 4 : i32
      %mul3A_2157 = arith.muli %add3A_2155, %mul3A_2156 : i32
      %add3A_2158 = arith.addi %mul3A_2, %mul3A_2157 : i32
      %add3A_2159 = arith.constant 0 : i32
      %add3A_2160 = arith.addi %add3A_2158, %add3A_2159 : i32
      %dma_wait3A_2161 = arith.constant 0 : i32
      %dma_wait3A_2162 = arith.constant 0 : i32
      %dma_wait3A_2163 = tpu.memref_slice %arg9[%dma_wait3A_2161, %dma_wait3A_2162] : memref<80x128xf32, #tpu.memory_space<vmem>> -> memref<20x64xf32, #tpu.memory_space<vmem>>
      %dma_wait3A_2164 = arith.constant 0 : i32
      %dma_wait3A_2165 = arith.constant 0 : i32
      %dma_wait3A_2166 = tpu.memref_slice %arg4[%add3A_2160, %dma_wait3A_2164, %dma_wait3A_2165] : memref<16384x24x128xf32, #tpu.memory_space<hbm>> -> memref<1x20x64xf32, #tpu.memory_space<hbm>>
      %dma_wait3A_2167 = tpu.memref_squeeze %dma_wait3A_2166 : memref<1x20x64xf32, #tpu.memory_space<hbm>> -> memref<20x64xf32, #tpu.memory_space<hbm>>
      %dma_wait3A_2168 = arith.constant 0 : i32
      %dma_wait3A_2169 = arith.constant 0 : i32
      %dma_wait3A_2170 = tpu.memref_slice %arg4[%add3A_2160, %dma_wait3A_2168, %dma_wait3A_2169] : memref<16384x24x128xf32, #tpu.memory_space<hbm>> -> memref<1x20x64xf32, #tpu.memory_space<hbm>>
      %dma_wait3A_2171 = tpu.memref_squeeze %dma_wait3A_2170 : memref<1x20x64xf32, #tpu.memory_space<hbm>> -> memref<20x64xf32, #tpu.memory_space<hbm>>
      %dma_wait3A_2172 = arith.constant 0 : i32
      %dma_wait3A_2173 = arith.constant 0 : i32
      %dma_wait3A_2174 = tpu.memref_slice %arg9[%dma_wait3A_2172, %dma_wait3A_2173] : memref<80x128xf32, #tpu.memory_space<vmem>> -> memref<20x64xf32, #tpu.memory_space<vmem>>
      tpu.wait_dma2 semaphore(%arg25 : memref<!tpu.dma_semaphore, #tpu.memory_space<semaphore_mem>>) src(%dma_wait3A_2174 : memref<20x64xf32, #tpu.memory_space<vmem>>) dst(%dma_wait3A_2171 : memref<20x64xf32, #tpu.memory_space<hbm>>)
      %add3A_2175 = arith.constant 1 : i32
      %add3A_2176 = arith.addi %add3A_2158, %add3A_2175 : i32
      %dma_wait3A_2177 = arith.constant 20 : i32
      %dma_wait3A_2178 = arith.constant 0 : i32
      %dma_wait3A_2179 = tpu.memref_slice %arg9[%dma_wait3A_2177, %dma_wait3A_2178] : memref<80x128xf32, #tpu.memory_space<vmem>> -> memref<20x64xf32, #tpu.memory_space<vmem>>
      %dma_wait3A_2180 = arith.constant 0 : i32
      %dma_wait3A_2181 = arith.constant 0 : i32
      %dma_wait3A_2182 = tpu.memref_slice %arg4[%add3A_2176, %dma_wait3A_2180, %dma_wait3A_2181] : memref<16384x24x128xf32, #tpu.memory_space<hbm>> -> memref<1x20x64xf32, #tpu.memory_space<hbm>>
      %dma_wait3A_2183 = tpu.memref_squeeze %dma_wait3A_2182 : memref<1x20x64xf32, #tpu.memory_space<hbm>> -> memref<20x64xf32, #tpu.memory_space<hbm>>
      %dma_wait3A_2184 = arith.constant 0 : i32
      %dma_wait3A_2185 = arith.constant 0 : i32
      %dma_wait3A_2186 = tpu.memref_slice %arg4[%add3A_2176, %dma_wait3A_2184, %dma_wait3A_2185] : memref<16384x24x128xf32, #tpu.memory_space<hbm>> -> memref<1x20x64xf32, #tpu.memory_space<hbm>>
      %dma_wait3A_2187 = tpu.memref_squeeze %dma_wait3A_2186 : memref<1x20x64xf32, #tpu.memory_space<hbm>> -> memref<20x64xf32, #tpu.memory_space<hbm>>
      %dma_wait3A_2188 = arith.constant 20 : i32
      %dma_wait3A_2189 = arith.constant 0 : i32
      %dma_wait3A_2190 = tpu.memref_slice %arg9[%dma_wait3A_2188, %dma_wait3A_2189] : memref<80x128xf32, #tpu.memory_space<vmem>> -> memref<20x64xf32, #tpu.memory_space<vmem>>
      tpu.wait_dma2 semaphore(%arg25 : memref<!tpu.dma_semaphore, #tpu.memory_space<semaphore_mem>>) src(%dma_wait3A_2190 : memref<20x64xf32, #tpu.memory_space<vmem>>) dst(%dma_wait3A_2187 : memref<20x64xf32, #tpu.memory_space<hbm>>)
      %add3A_2191 = arith.constant 2 : i32
      %add3A_2192 = arith.addi %add3A_2158, %add3A_2191 : i32
      %dma_wait3A_2193 = arith.constant 40 : i32
      %dma_wait3A_2194 = arith.constant 0 : i32
      %dma_wait3A_2195 = tpu.memref_slice %arg9[%dma_wait3A_2193, %dma_wait3A_2194] : memref<80x128xf32, #tpu.memory_space<vmem>> -> memref<20x64xf32, #tpu.memory_space<vmem>>
      %dma_wait3A_2196 = arith.constant 0 : i32
      %dma_wait3A_2197 = arith.constant 0 : i32
      %dma_wait3A_2198 = tpu.memref_slice %arg4[%add3A_2192, %dma_wait3A_2196, %dma_wait3A_2197] : memref<16384x24x128xf32, #tpu.memory_space<hbm>> -> memref<1x20x64xf32, #tpu.memory_space<hbm>>
      %dma_wait3A_2199 = tpu.memref_squeeze %dma_wait3A_2198 : memref<1x20x64xf32, #tpu.memory_space<hbm>> -> memref<20x64xf32, #tpu.memory_space<hbm>>
      %dma_wait3A_2200 = arith.constant 0 : i32
      %dma_wait3A_2201 = arith.constant 0 : i32
      %dma_wait3A_2202 = tpu.memref_slice %arg4[%add3A_2192, %dma_wait3A_2200, %dma_wait3A_2201] : memref<16384x24x128xf32, #tpu.memory_space<hbm>> -> memref<1x20x64xf32, #tpu.memory_space<hbm>>
      %dma_wait3A_2203 = tpu.memref_squeeze %dma_wait3A_2202 : memref<1x20x64xf32, #tpu.memory_space<hbm>> -> memref<20x64xf32, #tpu.memory_space<hbm>>
      %dma_wait3A_2204 = arith.constant 40 : i32
      %dma_wait3A_2205 = arith.constant 0 : i32
      %dma_wait3A_2206 = tpu.memref_slice %arg9[%dma_wait3A_2204, %dma_wait3A_2205] : memref<80x128xf32, #tpu.memory_space<vmem>> -> memref<20x64xf32, #tpu.memory_space<vmem>>
      tpu.wait_dma2 semaphore(%arg25 : memref<!tpu.dma_semaphore, #tpu.memory_space<semaphore_mem>>) src(%dma_wait3A_2206 : memref<20x64xf32, #tpu.memory_space<vmem>>) dst(%dma_wait3A_2203 : memref<20x64xf32, #tpu.memory_space<hbm>>)
      %add3A_2207 = arith.constant 3 : i32
      %add3A_2208 = arith.addi %add3A_2158, %add3A_2207 : i32
      %dma_wait3A_2209 = arith.constant 60 : i32
      %dma_wait3A_2210 = arith.constant 0 : i32
      %dma_wait3A_2211 = tpu.memref_slice %arg9[%dma_wait3A_2209, %dma_wait3A_2210] : memref<80x128xf32, #tpu.memory_space<vmem>> -> memref<20x64xf32, #tpu.memory_space<vmem>>
      %dma_wait3A_2212 = arith.constant 0 : i32
      %dma_wait3A_2213 = arith.constant 0 : i32
      %dma_wait3A_2214 = tpu.memref_slice %arg4[%add3A_2208, %dma_wait3A_2212, %dma_wait3A_2213] : memref<16384x24x128xf32, #tpu.memory_space<hbm>> -> memref<1x20x64xf32, #tpu.memory_space<hbm>>
      %dma_wait3A_2215 = tpu.memref_squeeze %dma_wait3A_2214 : memref<1x20x64xf32, #tpu.memory_space<hbm>> -> memref<20x64xf32, #tpu.memory_space<hbm>>
      %dma_wait3A_2216 = arith.constant 0 : i32
      %dma_wait3A_2217 = arith.constant 0 : i32
      %dma_wait3A_2218 = tpu.memref_slice %arg4[%add3A_2208, %dma_wait3A_2216, %dma_wait3A_2217] : memref<16384x24x128xf32, #tpu.memory_space<hbm>> -> memref<1x20x64xf32, #tpu.memory_space<hbm>>
      %dma_wait3A_2219 = tpu.memref_squeeze %dma_wait3A_2218 : memref<1x20x64xf32, #tpu.memory_space<hbm>> -> memref<20x64xf32, #tpu.memory_space<hbm>>
      %dma_wait3A_2220 = arith.constant 60 : i32
      %dma_wait3A_2221 = arith.constant 0 : i32
      %dma_wait3A_2222 = tpu.memref_slice %arg9[%dma_wait3A_2220, %dma_wait3A_2221] : memref<80x128xf32, #tpu.memory_space<vmem>> -> memref<20x64xf32, #tpu.memory_space<vmem>>
      tpu.wait_dma2 semaphore(%arg25 : memref<!tpu.dma_semaphore, #tpu.memory_space<semaphore_mem>>) src(%dma_wait3A_2222 : memref<20x64xf32, #tpu.memory_space<vmem>>) dst(%dma_wait3A_2219 : memref<20x64xf32, #tpu.memory_space<hbm>>)
      %add3A_2223 = arith.constant 8 : i32
      %add3A_2224 = arith.addi %add3A_2155, %add3A_2223 : i32
      %mul3A_2225 = arith.constant 1 : i32
      %mul3A_2226 = arith.muli %add3A_2224, %mul3A_2225 : i32
      %add3A_2227 = arith.constant 0 : i32
      %add3A_2228 = arith.addi %mul3A_2226, %add3A_2227 : i32
      %dma_start3A_2229 = arith.constant 0 : i32
      %dma_start3A_2230 = arith.constant 0 : i32
      %dma_start3A_2231 = tpu.memref_slice %arg9[%dma_start3A_2229, %dma_start3A_2230] : memref<80x128xf32, #tpu.memory_space<vmem>> -> memref<80x128xf32, #tpu.memory_space<vmem>>
      %dma_start3A_2232 = arith.constant 0 : i32
      %dma_start3A_2233 = tpu.memref_slice %arg5[%add3A_2228, %dma_start3A_2232] : memref<128x80xi32, #tpu.memory_space<vmem>> -> memref<1x80xi32, #tpu.memory_space<vmem>>
      %dma_start3A_2234 = tpu.memref_squeeze %dma_start3A_2233 : memref<1x80xi32, #tpu.memory_space<vmem>> -> memref<80xi32, #tpu.memory_space<vmem>>
      %dma_start3A_2235 = arith.constant 0 : i32
      %dma_start3A_2236 = arith.constant 0 : i32
      %dma_start3A_2237 = tpu.memref_slice %arg2[%dma_start3A_2235, %dma_start3A_2236] : memref<1000000x128xf32, #tpu.memory_space<hbm>> -> memref<1000000x128xf32, #tpu.memory_space<hbm>>
      tpu.enqueue_indirect_dma source(%dma_start3A_2237 : memref<1000000x128xf32, #tpu.memory_space<hbm>>) target(%dma_start3A_2231 : memref<80x128xf32, #tpu.memory_space<vmem>>) offsets(%dma_start3A_2234 : memref<80xi32, #tpu.memory_space<vmem>>) semaphore(%arg17 : memref<!tpu.dma_semaphore, #tpu.memory_space<semaphore_mem>>)
      %mul3A_2238 = arith.constant 8 : i32
      %mul3A_2239 = arith.muli %scan3A_1221, %mul3A_2238 : i32
      %add3A_2240 = arith.constant 4 : i32
      %add3A_2241 = arith.addi %mul3A_2239, %add3A_2240 : i32
      %mul3A_2242 = arith.constant 4 : i32
      %mul3A_2243 = arith.muli %add3A_2241, %mul3A_2242 : i32
      %add3A_2244 = arith.addi %mul3A_2, %mul3A_2243 : i32
      %add3A_2245 = arith.constant 0 : i32
      %add3A_2246 = arith.addi %add3A_2244, %add3A_2245 : i32
      %dma_wait3A_2247 = arith.constant 0 : i32
      %dma_wait3A_2248 = arith.constant 0 : i32
      %dma_wait3A_2249 = tpu.memref_slice %arg10[%dma_wait3A_2247, %dma_wait3A_2248] : memref<80x128xf32, #tpu.memory_space<vmem>> -> memref<20x64xf32, #tpu.memory_space<vmem>>
      %dma_wait3A_2250 = arith.constant 0 : i32
      %dma_wait3A_2251 = arith.constant 0 : i32
      %dma_wait3A_2252 = tpu.memref_slice %arg4[%add3A_2246, %dma_wait3A_2250, %dma_wait3A_2251] : memref<16384x24x128xf32, #tpu.memory_space<hbm>> -> memref<1x20x64xf32, #tpu.memory_space<hbm>>
      %dma_wait3A_2253 = tpu.memref_squeeze %dma_wait3A_2252 : memref<1x20x64xf32, #tpu.memory_space<hbm>> -> memref<20x64xf32, #tpu.memory_space<hbm>>
      %dma_wait3A_2254 = arith.constant 0 : i32
      %dma_wait3A_2255 = arith.constant 0 : i32
      %dma_wait3A_2256 = tpu.memref_slice %arg4[%add3A_2246, %dma_wait3A_2254, %dma_wait3A_2255] : memref<16384x24x128xf32, #tpu.memory_space<hbm>> -> memref<1x20x64xf32, #tpu.memory_space<hbm>>
      %dma_wait3A_2257 = tpu.memref_squeeze %dma_wait3A_2256 : memref<1x20x64xf32, #tpu.memory_space<hbm>> -> memref<20x64xf32, #tpu.memory_space<hbm>>
      %dma_wait3A_2258 = arith.constant 0 : i32
      %dma_wait3A_2259 = arith.constant 0 : i32
      %dma_wait3A_2260 = tpu.memref_slice %arg10[%dma_wait3A_2258, %dma_wait3A_2259] : memref<80x128xf32, #tpu.memory_space<vmem>> -> memref<20x64xf32, #tpu.memory_space<vmem>>
      tpu.wait_dma2 semaphore(%arg26 : memref<!tpu.dma_semaphore, #tpu.memory_space<semaphore_mem>>) src(%dma_wait3A_2260 : memref<20x64xf32, #tpu.memory_space<vmem>>) dst(%dma_wait3A_2257 : memref<20x64xf32, #tpu.memory_space<hbm>>)
      %add3A_2261 = arith.constant 1 : i32
      %add3A_2262 = arith.addi %add3A_2244, %add3A_2261 : i32
      %dma_wait3A_2263 = arith.constant 20 : i32
      %dma_wait3A_2264 = arith.constant 0 : i32
      %dma_wait3A_2265 = tpu.memref_slice %arg10[%dma_wait3A_2263, %dma_wait3A_2264] : memref<80x128xf32, #tpu.memory_space<vmem>> -> memref<20x64xf32, #tpu.memory_space<vmem>>
      %dma_wait3A_2266 = arith.constant 0 : i32
      %dma_wait3A_2267 = arith.constant 0 : i32
      %dma_wait3A_2268 = tpu.memref_slice %arg4[%add3A_2262, %dma_wait3A_2266, %dma_wait3A_2267] : memref<16384x24x128xf32, #tpu.memory_space<hbm>> -> memref<1x20x64xf32, #tpu.memory_space<hbm>>
      %dma_wait3A_2269 = tpu.memref_squeeze %dma_wait3A_2268 : memref<1x20x64xf32, #tpu.memory_space<hbm>> -> memref<20x64xf32, #tpu.memory_space<hbm>>
      %dma_wait3A_2270 = arith.constant 0 : i32
      %dma_wait3A_2271 = arith.constant 0 : i32
      %dma_wait3A_2272 = tpu.memref_slice %arg4[%add3A_2262, %dma_wait3A_2270, %dma_wait3A_2271] : memref<16384x24x128xf32, #tpu.memory_space<hbm>> -> memref<1x20x64xf32, #tpu.memory_space<hbm>>
      %dma_wait3A_2273 = tpu.memref_squeeze %dma_wait3A_2272 : memref<1x20x64xf32, #tpu.memory_space<hbm>> -> memref<20x64xf32, #tpu.memory_space<hbm>>
      %dma_wait3A_2274 = arith.constant 20 : i32
      %dma_wait3A_2275 = arith.constant 0 : i32
      %dma_wait3A_2276 = tpu.memref_slice %arg10[%dma_wait3A_2274, %dma_wait3A_2275] : memref<80x128xf32, #tpu.memory_space<vmem>> -> memref<20x64xf32, #tpu.memory_space<vmem>>
      tpu.wait_dma2 semaphore(%arg26 : memref<!tpu.dma_semaphore, #tpu.memory_space<semaphore_mem>>) src(%dma_wait3A_2276 : memref<20x64xf32, #tpu.memory_space<vmem>>) dst(%dma_wait3A_2273 : memref<20x64xf32, #tpu.memory_space<hbm>>)
      %add3A_2277 = arith.constant 2 : i32
      %add3A_2278 = arith.addi %add3A_2244, %add3A_2277 : i32
      %dma_wait3A_2279 = arith.constant 40 : i32
      %dma_wait3A_2280 = arith.constant 0 : i32
      %dma_wait3A_2281 = tpu.memref_slice %arg10[%dma_wait3A_2279, %dma_wait3A_2280] : memref<80x128xf32, #tpu.memory_space<vmem>> -> memref<20x64xf32, #tpu.memory_space<vmem>>
      %dma_wait3A_2282 = arith.constant 0 : i32
      %dma_wait3A_2283 = arith.constant 0 : i32
      %dma_wait3A_2284 = tpu.memref_slice %arg4[%add3A_2278, %dma_wait3A_2282, %dma_wait3A_2283] : memref<16384x24x128xf32, #tpu.memory_space<hbm>> -> memref<1x20x64xf32, #tpu.memory_space<hbm>>
      %dma_wait3A_2285 = tpu.memref_squeeze %dma_wait3A_2284 : memref<1x20x64xf32, #tpu.memory_space<hbm>> -> memref<20x64xf32, #tpu.memory_space<hbm>>
      %dma_wait3A_2286 = arith.constant 0 : i32
      %dma_wait3A_2287 = arith.constant 0 : i32
      %dma_wait3A_2288 = tpu.memref_slice %arg4[%add3A_2278, %dma_wait3A_2286, %dma_wait3A_2287] : memref<16384x24x128xf32, #tpu.memory_space<hbm>> -> memref<1x20x64xf32, #tpu.memory_space<hbm>>
      %dma_wait3A_2289 = tpu.memref_squeeze %dma_wait3A_2288 : memref<1x20x64xf32, #tpu.memory_space<hbm>> -> memref<20x64xf32, #tpu.memory_space<hbm>>
      %dma_wait3A_2290 = arith.constant 40 : i32
      %dma_wait3A_2291 = arith.constant 0 : i32
      %dma_wait3A_2292 = tpu.memref_slice %arg10[%dma_wait3A_2290, %dma_wait3A_2291] : memref<80x128xf32, #tpu.memory_space<vmem>> -> memref<20x64xf32, #tpu.memory_space<vmem>>
      tpu.wait_dma2 semaphore(%arg26 : memref<!tpu.dma_semaphore, #tpu.memory_space<semaphore_mem>>) src(%dma_wait3A_2292 : memref<20x64xf32, #tpu.memory_space<vmem>>) dst(%dma_wait3A_2289 : memref<20x64xf32, #tpu.memory_space<hbm>>)
      %add3A_2293 = arith.constant 3 : i32
      %add3A_2294 = arith.addi %add3A_2244, %add3A_2293 : i32
      %dma_wait3A_2295 = arith.constant 60 : i32
      %dma_wait3A_2296 = arith.constant 0 : i32
      %dma_wait3A_2297 = tpu.memref_slice %arg10[%dma_wait3A_2295, %dma_wait3A_2296] : memref<80x128xf32, #tpu.memory_space<vmem>> -> memref<20x64xf32, #tpu.memory_space<vmem>>
      %dma_wait3A_2298 = arith.constant 0 : i32
      %dma_wait3A_2299 = arith.constant 0 : i32
      %dma_wait3A_2300 = tpu.memref_slice %arg4[%add3A_2294, %dma_wait3A_2298, %dma_wait3A_2299] : memref<16384x24x128xf32, #tpu.memory_space<hbm>> -> memref<1x20x64xf32, #tpu.memory_space<hbm>>
      %dma_wait3A_2301 = tpu.memref_squeeze %dma_wait3A_2300 : memref<1x20x64xf32, #tpu.memory_space<hbm>> -> memref<20x64xf32, #tpu.memory_space<hbm>>
      %dma_wait3A_2302 = arith.constant 0 : i32
      %dma_wait3A_2303 = arith.constant 0 : i32
      %dma_wait3A_2304 = tpu.memref_slice %arg4[%add3A_2294, %dma_wait3A_2302, %dma_wait3A_2303] : memref<16384x24x128xf32, #tpu.memory_space<hbm>> -> memref<1x20x64xf32, #tpu.memory_space<hbm>>
      %dma_wait3A_2305 = tpu.memref_squeeze %dma_wait3A_2304 : memref<1x20x64xf32, #tpu.memory_space<hbm>> -> memref<20x64xf32, #tpu.memory_space<hbm>>
      %dma_wait3A_2306 = arith.constant 60 : i32
      %dma_wait3A_2307 = arith.constant 0 : i32
      %dma_wait3A_2308 = tpu.memref_slice %arg10[%dma_wait3A_2306, %dma_wait3A_2307] : memref<80x128xf32, #tpu.memory_space<vmem>> -> memref<20x64xf32, #tpu.memory_space<vmem>>
      tpu.wait_dma2 semaphore(%arg26 : memref<!tpu.dma_semaphore, #tpu.memory_space<semaphore_mem>>) src(%dma_wait3A_2308 : memref<20x64xf32, #tpu.memory_space<vmem>>) dst(%dma_wait3A_2305 : memref<20x64xf32, #tpu.memory_space<hbm>>)
      %add3A_2309 = arith.constant 8 : i32
      %add3A_2310 = arith.addi %add3A_2241, %add3A_2309 : i32
      %mul3A_2311 = arith.constant 1 : i32
      %mul3A_2312 = arith.muli %add3A_2310, %mul3A_2311 : i32
      %add3A_2313 = arith.constant 0 : i32
      %add3A_2314 = arith.addi %mul3A_2312, %add3A_2313 : i32
      %dma_start3A_2315 = arith.constant 0 : i32
      %dma_start3A_2316 = arith.constant 0 : i32
      %dma_start3A_2317 = tpu.memref_slice %arg10[%dma_start3A_2315, %dma_start3A_2316] : memref<80x128xf32, #tpu.memory_space<vmem>> -> memref<80x128xf32, #tpu.memory_space<vmem>>
      %dma_start3A_2318 = arith.constant 0 : i32
      %dma_start3A_2319 = tpu.memref_slice %arg5[%add3A_2314, %dma_start3A_2318] : memref<128x80xi32, #tpu.memory_space<vmem>> -> memref<1x80xi32, #tpu.memory_space<vmem>>
      %dma_start3A_2320 = tpu.memref_squeeze %dma_start3A_2319 : memref<1x80xi32, #tpu.memory_space<vmem>> -> memref<80xi32, #tpu.memory_space<vmem>>
      %dma_start3A_2321 = arith.constant 0 : i32
      %dma_start3A_2322 = arith.constant 0 : i32
      %dma_start3A_2323 = tpu.memref_slice %arg2[%dma_start3A_2321, %dma_start3A_2322] : memref<1000000x128xf32, #tpu.memory_space<hbm>> -> memref<1000000x128xf32, #tpu.memory_space<hbm>>
      tpu.enqueue_indirect_dma source(%dma_start3A_2323 : memref<1000000x128xf32, #tpu.memory_space<hbm>>) target(%dma_start3A_2317 : memref<80x128xf32, #tpu.memory_space<vmem>>) offsets(%dma_start3A_2320 : memref<80xi32, #tpu.memory_space<vmem>>) semaphore(%arg18 : memref<!tpu.dma_semaphore, #tpu.memory_space<semaphore_mem>>)
      %mul3A_2324 = arith.constant 8 : i32
      %mul3A_2325 = arith.muli %scan3A_1221, %mul3A_2324 : i32
      %add3A_2326 = arith.constant 5 : i32
      %add3A_2327 = arith.addi %mul3A_2325, %add3A_2326 : i32
      %mul3A_2328 = arith.constant 4 : i32
      %mul3A_2329 = arith.muli %add3A_2327, %mul3A_2328 : i32
      %add3A_2330 = arith.addi %mul3A_2, %mul3A_2329 : i32
      %add3A_2331 = arith.constant 0 : i32
      %add3A_2332 = arith.addi %add3A_2330, %add3A_2331 : i32
      %dma_wait3A_2333 = arith.constant 0 : i32
      %dma_wait3A_2334 = arith.constant 0 : i32
      %dma_wait3A_2335 = tpu.memref_slice %arg11[%dma_wait3A_2333, %dma_wait3A_2334] : memref<80x128xf32, #tpu.memory_space<vmem>> -> memref<20x64xf32, #tpu.memory_space<vmem>>
      %dma_wait3A_2336 = arith.constant 0 : i32
      %dma_wait3A_2337 = arith.constant 0 : i32
      %dma_wait3A_2338 = tpu.memref_slice %arg4[%add3A_2332, %dma_wait3A_2336, %dma_wait3A_2337] : memref<16384x24x128xf32, #tpu.memory_space<hbm>> -> memref<1x20x64xf32, #tpu.memory_space<hbm>>
      %dma_wait3A_2339 = tpu.memref_squeeze %dma_wait3A_2338 : memref<1x20x64xf32, #tpu.memory_space<hbm>> -> memref<20x64xf32, #tpu.memory_space<hbm>>
      %dma_wait3A_2340 = arith.constant 0 : i32
      %dma_wait3A_2341 = arith.constant 0 : i32
      %dma_wait3A_2342 = tpu.memref_slice %arg4[%add3A_2332, %dma_wait3A_2340, %dma_wait3A_2341] : memref<16384x24x128xf32, #tpu.memory_space<hbm>> -> memref<1x20x64xf32, #tpu.memory_space<hbm>>
      %dma_wait3A_2343 = tpu.memref_squeeze %dma_wait3A_2342 : memref<1x20x64xf32, #tpu.memory_space<hbm>> -> memref<20x64xf32, #tpu.memory_space<hbm>>
      %dma_wait3A_2344 = arith.constant 0 : i32
      %dma_wait3A_2345 = arith.constant 0 : i32
      %dma_wait3A_2346 = tpu.memref_slice %arg11[%dma_wait3A_2344, %dma_wait3A_2345] : memref<80x128xf32, #tpu.memory_space<vmem>> -> memref<20x64xf32, #tpu.memory_space<vmem>>
      tpu.wait_dma2 semaphore(%arg27 : memref<!tpu.dma_semaphore, #tpu.memory_space<semaphore_mem>>) src(%dma_wait3A_2346 : memref<20x64xf32, #tpu.memory_space<vmem>>) dst(%dma_wait3A_2343 : memref<20x64xf32, #tpu.memory_space<hbm>>)
      %add3A_2347 = arith.constant 1 : i32
      %add3A_2348 = arith.addi %add3A_2330, %add3A_2347 : i32
      %dma_wait3A_2349 = arith.constant 20 : i32
      %dma_wait3A_2350 = arith.constant 0 : i32
      %dma_wait3A_2351 = tpu.memref_slice %arg11[%dma_wait3A_2349, %dma_wait3A_2350] : memref<80x128xf32, #tpu.memory_space<vmem>> -> memref<20x64xf32, #tpu.memory_space<vmem>>
      %dma_wait3A_2352 = arith.constant 0 : i32
      %dma_wait3A_2353 = arith.constant 0 : i32
      %dma_wait3A_2354 = tpu.memref_slice %arg4[%add3A_2348, %dma_wait3A_2352, %dma_wait3A_2353] : memref<16384x24x128xf32, #tpu.memory_space<hbm>> -> memref<1x20x64xf32, #tpu.memory_space<hbm>>
      %dma_wait3A_2355 = tpu.memref_squeeze %dma_wait3A_2354 : memref<1x20x64xf32, #tpu.memory_space<hbm>> -> memref<20x64xf32, #tpu.memory_space<hbm>>
      %dma_wait3A_2356 = arith.constant 0 : i32
      %dma_wait3A_2357 = arith.constant 0 : i32
      %dma_wait3A_2358 = tpu.memref_slice %arg4[%add3A_2348, %dma_wait3A_2356, %dma_wait3A_2357] : memref<16384x24x128xf32, #tpu.memory_space<hbm>> -> memref<1x20x64xf32, #tpu.memory_space<hbm>>
      %dma_wait3A_2359 = tpu.memref_squeeze %dma_wait3A_2358 : memref<1x20x64xf32, #tpu.memory_space<hbm>> -> memref<20x64xf32, #tpu.memory_space<hbm>>
      %dma_wait3A_2360 = arith.constant 20 : i32
      %dma_wait3A_2361 = arith.constant 0 : i32
      %dma_wait3A_2362 = tpu.memref_slice %arg11[%dma_wait3A_2360, %dma_wait3A_2361] : memref<80x128xf32, #tpu.memory_space<vmem>> -> memref<20x64xf32, #tpu.memory_space<vmem>>
      tpu.wait_dma2 semaphore(%arg27 : memref<!tpu.dma_semaphore, #tpu.memory_space<semaphore_mem>>) src(%dma_wait3A_2362 : memref<20x64xf32, #tpu.memory_space<vmem>>) dst(%dma_wait3A_2359 : memref<20x64xf32, #tpu.memory_space<hbm>>)
      %add3A_2363 = arith.constant 2 : i32
      %add3A_2364 = arith.addi %add3A_2330, %add3A_2363 : i32
      %dma_wait3A_2365 = arith.constant 40 : i32
      %dma_wait3A_2366 = arith.constant 0 : i32
      %dma_wait3A_2367 = tpu.memref_slice %arg11[%dma_wait3A_2365, %dma_wait3A_2366] : memref<80x128xf32, #tpu.memory_space<vmem>> -> memref<20x64xf32, #tpu.memory_space<vmem>>
      %dma_wait3A_2368 = arith.constant 0 : i32
      %dma_wait3A_2369 = arith.constant 0 : i32
      %dma_wait3A_2370 = tpu.memref_slice %arg4[%add3A_2364, %dma_wait3A_2368, %dma_wait3A_2369] : memref<16384x24x128xf32, #tpu.memory_space<hbm>> -> memref<1x20x64xf32, #tpu.memory_space<hbm>>
      %dma_wait3A_2371 = tpu.memref_squeeze %dma_wait3A_2370 : memref<1x20x64xf32, #tpu.memory_space<hbm>> -> memref<20x64xf32, #tpu.memory_space<hbm>>
      %dma_wait3A_2372 = arith.constant 0 : i32
      %dma_wait3A_2373 = arith.constant 0 : i32
      %dma_wait3A_2374 = tpu.memref_slice %arg4[%add3A_2364, %dma_wait3A_2372, %dma_wait3A_2373] : memref<16384x24x128xf32, #tpu.memory_space<hbm>> -> memref<1x20x64xf32, #tpu.memory_space<hbm>>
      %dma_wait3A_2375 = tpu.memref_squeeze %dma_wait3A_2374 : memref<1x20x64xf32, #tpu.memory_space<hbm>> -> memref<20x64xf32, #tpu.memory_space<hbm>>
      %dma_wait3A_2376 = arith.constant 40 : i32
      %dma_wait3A_2377 = arith.constant 0 : i32
      %dma_wait3A_2378 = tpu.memref_slice %arg11[%dma_wait3A_2376, %dma_wait3A_2377] : memref<80x128xf32, #tpu.memory_space<vmem>> -> memref<20x64xf32, #tpu.memory_space<vmem>>
      tpu.wait_dma2 semaphore(%arg27 : memref<!tpu.dma_semaphore, #tpu.memory_space<semaphore_mem>>) src(%dma_wait3A_2378 : memref<20x64xf32, #tpu.memory_space<vmem>>) dst(%dma_wait3A_2375 : memref<20x64xf32, #tpu.memory_space<hbm>>)
      %add3A_2379 = arith.constant 3 : i32
      %add3A_2380 = arith.addi %add3A_2330, %add3A_2379 : i32
      %dma_wait3A_2381 = arith.constant 60 : i32
      %dma_wait3A_2382 = arith.constant 0 : i32
      %dma_wait3A_2383 = tpu.memref_slice %arg11[%dma_wait3A_2381, %dma_wait3A_2382] : memref<80x128xf32, #tpu.memory_space<vmem>> -> memref<20x64xf32, #tpu.memory_space<vmem>>
      %dma_wait3A_2384 = arith.constant 0 : i32
      %dma_wait3A_2385 = arith.constant 0 : i32
      %dma_wait3A_2386 = tpu.memref_slice %arg4[%add3A_2380, %dma_wait3A_2384, %dma_wait3A_2385] : memref<16384x24x128xf32, #tpu.memory_space<hbm>> -> memref<1x20x64xf32, #tpu.memory_space<hbm>>
      %dma_wait3A_2387 = tpu.memref_squeeze %dma_wait3A_2386 : memref<1x20x64xf32, #tpu.memory_space<hbm>> -> memref<20x64xf32, #tpu.memory_space<hbm>>
      %dma_wait3A_2388 = arith.constant 0 : i32
      %dma_wait3A_2389 = arith.constant 0 : i32
      %dma_wait3A_2390 = tpu.memref_slice %arg4[%add3A_2380, %dma_wait3A_2388, %dma_wait3A_2389] : memref<16384x24x128xf32, #tpu.memory_space<hbm>> -> memref<1x20x64xf32, #tpu.memory_space<hbm>>
      %dma_wait3A_2391 = tpu.memref_squeeze %dma_wait3A_2390 : memref<1x20x64xf32, #tpu.memory_space<hbm>> -> memref<20x64xf32, #tpu.memory_space<hbm>>
      %dma_wait3A_2392 = arith.constant 60 : i32
      %dma_wait3A_2393 = arith.constant 0 : i32
      %dma_wait3A_2394 = tpu.memref_slice %arg11[%dma_wait3A_2392, %dma_wait3A_2393] : memref<80x128xf32, #tpu.memory_space<vmem>> -> memref<20x64xf32, #tpu.memory_space<vmem>>
      tpu.wait_dma2 semaphore(%arg27 : memref<!tpu.dma_semaphore, #tpu.memory_space<semaphore_mem>>) src(%dma_wait3A_2394 : memref<20x64xf32, #tpu.memory_space<vmem>>) dst(%dma_wait3A_2391 : memref<20x64xf32, #tpu.memory_space<hbm>>)
      %add3A_2395 = arith.constant 8 : i32
      %add3A_2396 = arith.addi %add3A_2327, %add3A_2395 : i32
      %mul3A_2397 = arith.constant 1 : i32
      %mul3A_2398 = arith.muli %add3A_2396, %mul3A_2397 : i32
      %add3A_2399 = arith.constant 0 : i32
      %add3A_2400 = arith.addi %mul3A_2398, %add3A_2399 : i32
      %dma_start3A_2401 = arith.constant 0 : i32
      %dma_start3A_2402 = arith.constant 0 : i32
      %dma_start3A_2403 = tpu.memref_slice %arg11[%dma_start3A_2401, %dma_start3A_2402] : memref<80x128xf32, #tpu.memory_space<vmem>> -> memref<80x128xf32, #tpu.memory_space<vmem>>
      %dma_start3A_2404 = arith.constant 0 : i32
      %dma_start3A_2405 = tpu.memref_slice %arg5[%add3A_2400, %dma_start3A_2404] : memref<128x80xi32, #tpu.memory_space<vmem>> -> memref<1x80xi32, #tpu.memory_space<vmem>>
      %dma_start3A_2406 = tpu.memref_squeeze %dma_start3A_2405 : memref<1x80xi32, #tpu.memory_space<vmem>> -> memref<80xi32, #tpu.memory_space<vmem>>
      %dma_start3A_2407 = arith.constant 0 : i32
      %dma_start3A_2408 = arith.constant 0 : i32
      %dma_start3A_2409 = tpu.memref_slice %arg2[%dma_start3A_2407, %dma_start3A_2408] : memref<1000000x128xf32, #tpu.memory_space<hbm>> -> memref<1000000x128xf32, #tpu.memory_space<hbm>>
      tpu.enqueue_indirect_dma source(%dma_start3A_2409 : memref<1000000x128xf32, #tpu.memory_space<hbm>>) target(%dma_start3A_2403 : memref<80x128xf32, #tpu.memory_space<vmem>>) offsets(%dma_start3A_2406 : memref<80xi32, #tpu.memory_space<vmem>>) semaphore(%arg19 : memref<!tpu.dma_semaphore, #tpu.memory_space<semaphore_mem>>)
      %mul3A_2410 = arith.constant 8 : i32
      %mul3A_2411 = arith.muli %scan3A_1221, %mul3A_2410 : i32
      %add3A_2412 = arith.constant 6 : i32
      %add3A_2413 = arith.addi %mul3A_2411, %add3A_2412 : i32
      %mul3A_2414 = arith.constant 4 : i32
      %mul3A_2415 = arith.muli %add3A_2413, %mul3A_2414 : i32
      %add3A_2416 = arith.addi %mul3A_2, %mul3A_2415 : i32
      %add3A_2417 = arith.constant 0 : i32
      %add3A_2418 = arith.addi %add3A_2416, %add3A_2417 : i32
      %dma_wait3A_2419 = arith.constant 0 : i32
      %dma_wait3A_2420 = arith.constant 0 : i32
      %dma_wait3A_2421 = tpu.memref_slice %arg12[%dma_wait3A_2419, %dma_wait3A_2420] : memref<80x128xf32, #tpu.memory_space<vmem>> -> memref<20x64xf32, #tpu.memory_space<vmem>>
      %dma_wait3A_2422 = arith.constant 0 : i32
      %dma_wait3A_2423 = arith.constant 0 : i32
      %dma_wait3A_2424 = tpu.memref_slice %arg4[%add3A_2418, %dma_wait3A_2422, %dma_wait3A_2423] : memref<16384x24x128xf32, #tpu.memory_space<hbm>> -> memref<1x20x64xf32, #tpu.memory_space<hbm>>
      %dma_wait3A_2425 = tpu.memref_squeeze %dma_wait3A_2424 : memref<1x20x64xf32, #tpu.memory_space<hbm>> -> memref<20x64xf32, #tpu.memory_space<hbm>>
      %dma_wait3A_2426 = arith.constant 0 : i32
      %dma_wait3A_2427 = arith.constant 0 : i32
      %dma_wait3A_2428 = tpu.memref_slice %arg4[%add3A_2418, %dma_wait3A_2426, %dma_wait3A_2427] : memref<16384x24x128xf32, #tpu.memory_space<hbm>> -> memref<1x20x64xf32, #tpu.memory_space<hbm>>
      %dma_wait3A_2429 = tpu.memref_squeeze %dma_wait3A_2428 : memref<1x20x64xf32, #tpu.memory_space<hbm>> -> memref<20x64xf32, #tpu.memory_space<hbm>>
      %dma_wait3A_2430 = arith.constant 0 : i32
      %dma_wait3A_2431 = arith.constant 0 : i32
      %dma_wait3A_2432 = tpu.memref_slice %arg12[%dma_wait3A_2430, %dma_wait3A_2431] : memref<80x128xf32, #tpu.memory_space<vmem>> -> memref<20x64xf32, #tpu.memory_space<vmem>>
      tpu.wait_dma2 semaphore(%arg28 : memref<!tpu.dma_semaphore, #tpu.memory_space<semaphore_mem>>) src(%dma_wait3A_2432 : memref<20x64xf32, #tpu.memory_space<vmem>>) dst(%dma_wait3A_2429 : memref<20x64xf32, #tpu.memory_space<hbm>>)
      %add3A_2433 = arith.constant 1 : i32
      %add3A_2434 = arith.addi %add3A_2416, %add3A_2433 : i32
      %dma_wait3A_2435 = arith.constant 20 : i32
      %dma_wait3A_2436 = arith.constant 0 : i32
      %dma_wait3A_2437 = tpu.memref_slice %arg12[%dma_wait3A_2435, %dma_wait3A_2436] : memref<80x128xf32, #tpu.memory_space<vmem>> -> memref<20x64xf32, #tpu.memory_space<vmem>>
      %dma_wait3A_2438 = arith.constant 0 : i32
      %dma_wait3A_2439 = arith.constant 0 : i32
      %dma_wait3A_2440 = tpu.memref_slice %arg4[%add3A_2434, %dma_wait3A_2438, %dma_wait3A_2439] : memref<16384x24x128xf32, #tpu.memory_space<hbm>> -> memref<1x20x64xf32, #tpu.memory_space<hbm>>
      %dma_wait3A_2441 = tpu.memref_squeeze %dma_wait3A_2440 : memref<1x20x64xf32, #tpu.memory_space<hbm>> -> memref<20x64xf32, #tpu.memory_space<hbm>>
      %dma_wait3A_2442 = arith.constant 0 : i32
      %dma_wait3A_2443 = arith.constant 0 : i32
      %dma_wait3A_2444 = tpu.memref_slice %arg4[%add3A_2434, %dma_wait3A_2442, %dma_wait3A_2443] : memref<16384x24x128xf32, #tpu.memory_space<hbm>> -> memref<1x20x64xf32, #tpu.memory_space<hbm>>
      %dma_wait3A_2445 = tpu.memref_squeeze %dma_wait3A_2444 : memref<1x20x64xf32, #tpu.memory_space<hbm>> -> memref<20x64xf32, #tpu.memory_space<hbm>>
      %dma_wait3A_2446 = arith.constant 20 : i32
      %dma_wait3A_2447 = arith.constant 0 : i32
      %dma_wait3A_2448 = tpu.memref_slice %arg12[%dma_wait3A_2446, %dma_wait3A_2447] : memref<80x128xf32, #tpu.memory_space<vmem>> -> memref<20x64xf32, #tpu.memory_space<vmem>>
      tpu.wait_dma2 semaphore(%arg28 : memref<!tpu.dma_semaphore, #tpu.memory_space<semaphore_mem>>) src(%dma_wait3A_2448 : memref<20x64xf32, #tpu.memory_space<vmem>>) dst(%dma_wait3A_2445 : memref<20x64xf32, #tpu.memory_space<hbm>>)
      %add3A_2449 = arith.constant 2 : i32
      %add3A_2450 = arith.addi %add3A_2416, %add3A_2449 : i32
      %dma_wait3A_2451 = arith.constant 40 : i32
      %dma_wait3A_2452 = arith.constant 0 : i32
      %dma_wait3A_2453 = tpu.memref_slice %arg12[%dma_wait3A_2451, %dma_wait3A_2452] : memref<80x128xf32, #tpu.memory_space<vmem>> -> memref<20x64xf32, #tpu.memory_space<vmem>>
      %dma_wait3A_2454 = arith.constant 0 : i32
      %dma_wait3A_2455 = arith.constant 0 : i32
      %dma_wait3A_2456 = tpu.memref_slice %arg4[%add3A_2450, %dma_wait3A_2454, %dma_wait3A_2455] : memref<16384x24x128xf32, #tpu.memory_space<hbm>> -> memref<1x20x64xf32, #tpu.memory_space<hbm>>
      %dma_wait3A_2457 = tpu.memref_squeeze %dma_wait3A_2456 : memref<1x20x64xf32, #tpu.memory_space<hbm>> -> memref<20x64xf32, #tpu.memory_space<hbm>>
      %dma_wait3A_2458 = arith.constant 0 : i32
      %dma_wait3A_2459 = arith.constant 0 : i32
      %dma_wait3A_2460 = tpu.memref_slice %arg4[%add3A_2450, %dma_wait3A_2458, %dma_wait3A_2459] : memref<16384x24x128xf32, #tpu.memory_space<hbm>> -> memref<1x20x64xf32, #tpu.memory_space<hbm>>
      %dma_wait3A_2461 = tpu.memref_squeeze %dma_wait3A_2460 : memref<1x20x64xf32, #tpu.memory_space<hbm>> -> memref<20x64xf32, #tpu.memory_space<hbm>>
      %dma_wait3A_2462 = arith.constant 40 : i32
      %dma_wait3A_2463 = arith.constant 0 : i32
      %dma_wait3A_2464 = tpu.memref_slice %arg12[%dma_wait3A_2462, %dma_wait3A_2463] : memref<80x128xf32, #tpu.memory_space<vmem>> -> memref<20x64xf32, #tpu.memory_space<vmem>>
      tpu.wait_dma2 semaphore(%arg28 : memref<!tpu.dma_semaphore, #tpu.memory_space<semaphore_mem>>) src(%dma_wait3A_2464 : memref<20x64xf32, #tpu.memory_space<vmem>>) dst(%dma_wait3A_2461 : memref<20x64xf32, #tpu.memory_space<hbm>>)
      %add3A_2465 = arith.constant 3 : i32
      %add3A_2466 = arith.addi %add3A_2416, %add3A_2465 : i32
      %dma_wait3A_2467 = arith.constant 60 : i32
      %dma_wait3A_2468 = arith.constant 0 : i32
      %dma_wait3A_2469 = tpu.memref_slice %arg12[%dma_wait3A_2467, %dma_wait3A_2468] : memref<80x128xf32, #tpu.memory_space<vmem>> -> memref<20x64xf32, #tpu.memory_space<vmem>>
      %dma_wait3A_2470 = arith.constant 0 : i32
      %dma_wait3A_2471 = arith.constant 0 : i32
      %dma_wait3A_2472 = tpu.memref_slice %arg4[%add3A_2466, %dma_wait3A_2470, %dma_wait3A_2471] : memref<16384x24x128xf32, #tpu.memory_space<hbm>> -> memref<1x20x64xf32, #tpu.memory_space<hbm>>
      %dma_wait3A_2473 = tpu.memref_squeeze %dma_wait3A_2472 : memref<1x20x64xf32, #tpu.memory_space<hbm>> -> memref<20x64xf32, #tpu.memory_space<hbm>>
      %dma_wait3A_2474 = arith.constant 0 : i32
      %dma_wait3A_2475 = arith.constant 0 : i32
      %dma_wait3A_2476 = tpu.memref_slice %arg4[%add3A_2466, %dma_wait3A_2474, %dma_wait3A_2475] : memref<16384x24x128xf32, #tpu.memory_space<hbm>> -> memref<1x20x64xf32, #tpu.memory_space<hbm>>
      %dma_wait3A_2477 = tpu.memref_squeeze %dma_wait3A_2476 : memref<1x20x64xf32, #tpu.memory_space<hbm>> -> memref<20x64xf32, #tpu.memory_space<hbm>>
      %dma_wait3A_2478 = arith.constant 60 : i32
      %dma_wait3A_2479 = arith.constant 0 : i32
      %dma_wait3A_2480 = tpu.memref_slice %arg12[%dma_wait3A_2478, %dma_wait3A_2479] : memref<80x128xf32, #tpu.memory_space<vmem>> -> memref<20x64xf32, #tpu.memory_space<vmem>>
      tpu.wait_dma2 semaphore(%arg28 : memref<!tpu.dma_semaphore, #tpu.memory_space<semaphore_mem>>) src(%dma_wait3A_2480 : memref<20x64xf32, #tpu.memory_space<vmem>>) dst(%dma_wait3A_2477 : memref<20x64xf32, #tpu.memory_space<hbm>>)
      %add3A_2481 = arith.constant 8 : i32
      %add3A_2482 = arith.addi %add3A_2413, %add3A_2481 : i32
      %mul3A_2483 = arith.constant 1 : i32
      %mul3A_2484 = arith.muli %add3A_2482, %mul3A_2483 : i32
      %add3A_2485 = arith.constant 0 : i32
      %add3A_2486 = arith.addi %mul3A_2484, %add3A_2485 : i32
      %dma_start3A_2487 = arith.constant 0 : i32
      %dma_start3A_2488 = arith.constant 0 : i32
      %dma_start3A_2489 = tpu.memref_slice %arg12[%dma_start3A_2487, %dma_start3A_2488] : memref<80x128xf32, #tpu.memory_space<vmem>> -> memref<80x128xf32, #tpu.memory_space<vmem>>
      %dma_start3A_2490 = arith.constant 0 : i32
      %dma_start3A_2491 = tpu.memref_slice %arg5[%add3A_2486, %dma_start3A_2490] : memref<128x80xi32, #tpu.memory_space<vmem>> -> memref<1x80xi32, #tpu.memory_space<vmem>>
      %dma_start3A_2492 = tpu.memref_squeeze %dma_start3A_2491 : memref<1x80xi32, #tpu.memory_space<vmem>> -> memref<80xi32, #tpu.memory_space<vmem>>
      %dma_start3A_2493 = arith.constant 0 : i32
      %dma_start3A_2494 = arith.constant 0 : i32
      %dma_start3A_2495 = tpu.memref_slice %arg2[%dma_start3A_2493, %dma_start3A_2494] : memref<1000000x128xf32, #tpu.memory_space<hbm>> -> memref<1000000x128xf32, #tpu.memory_space<hbm>>
      tpu.enqueue_indirect_dma source(%dma_start3A_2495 : memref<1000000x128xf32, #tpu.memory_space<hbm>>) target(%dma_start3A_2489 : memref<80x128xf32, #tpu.memory_space<vmem>>) offsets(%dma_start3A_2492 : memref<80xi32, #tpu.memory_space<vmem>>) semaphore(%arg20 : memref<!tpu.dma_semaphore, #tpu.memory_space<semaphore_mem>>)
      %mul3A_2496 = arith.constant 8 : i32
      %mul3A_2497 = arith.muli %scan3A_1221, %mul3A_2496 : i32
      %add3A_2498 = arith.constant 7 : i32
      %add3A_2499 = arith.addi %mul3A_2497, %add3A_2498 : i32
      %mul3A_2500 = arith.constant 4 : i32
      %mul3A_2501 = arith.muli %add3A_2499, %mul3A_2500 : i32
      %add3A_2502 = arith.addi %mul3A_2, %mul3A_2501 : i32
      %add3A_2503 = arith.constant 0 : i32
      %add3A_2504 = arith.addi %add3A_2502, %add3A_2503 : i32
      %dma_wait3A_2505 = arith.constant 0 : i32
      %dma_wait3A_2506 = arith.constant 0 : i32
      %dma_wait3A_2507 = tpu.memref_slice %arg13[%dma_wait3A_2505, %dma_wait3A_2506] : memref<80x128xf32, #tpu.memory_space<vmem>> -> memref<20x64xf32, #tpu.memory_space<vmem>>
      %dma_wait3A_2508 = arith.constant 0 : i32
      %dma_wait3A_2509 = arith.constant 0 : i32
      %dma_wait3A_2510 = tpu.memref_slice %arg4[%add3A_2504, %dma_wait3A_2508, %dma_wait3A_2509] : memref<16384x24x128xf32, #tpu.memory_space<hbm>> -> memref<1x20x64xf32, #tpu.memory_space<hbm>>
      %dma_wait3A_2511 = tpu.memref_squeeze %dma_wait3A_2510 : memref<1x20x64xf32, #tpu.memory_space<hbm>> -> memref<20x64xf32, #tpu.memory_space<hbm>>
      %dma_wait3A_2512 = arith.constant 0 : i32
      %dma_wait3A_2513 = arith.constant 0 : i32
      %dma_wait3A_2514 = tpu.memref_slice %arg4[%add3A_2504, %dma_wait3A_2512, %dma_wait3A_2513] : memref<16384x24x128xf32, #tpu.memory_space<hbm>> -> memref<1x20x64xf32, #tpu.memory_space<hbm>>
      %dma_wait3A_2515 = tpu.memref_squeeze %dma_wait3A_2514 : memref<1x20x64xf32, #tpu.memory_space<hbm>> -> memref<20x64xf32, #tpu.memory_space<hbm>>
      %dma_wait3A_2516 = arith.constant 0 : i32
      %dma_wait3A_2517 = arith.constant 0 : i32
      %dma_wait3A_2518 = tpu.memref_slice %arg13[%dma_wait3A_2516, %dma_wait3A_2517] : memref<80x128xf32, #tpu.memory_space<vmem>> -> memref<20x64xf32, #tpu.memory_space<vmem>>
      tpu.wait_dma2 semaphore(%arg29 : memref<!tpu.dma_semaphore, #tpu.memory_space<semaphore_mem>>) src(%dma_wait3A_2518 : memref<20x64xf32, #tpu.memory_space<vmem>>) dst(%dma_wait3A_2515 : memref<20x64xf32, #tpu.memory_space<hbm>>)
      %add3A_2519 = arith.constant 1 : i32
      %add3A_2520 = arith.addi %add3A_2502, %add3A_2519 : i32
      %dma_wait3A_2521 = arith.constant 20 : i32
      %dma_wait3A_2522 = arith.constant 0 : i32
      %dma_wait3A_2523 = tpu.memref_slice %arg13[%dma_wait3A_2521, %dma_wait3A_2522] : memref<80x128xf32, #tpu.memory_space<vmem>> -> memref<20x64xf32, #tpu.memory_space<vmem>>
      %dma_wait3A_2524 = arith.constant 0 : i32
      %dma_wait3A_2525 = arith.constant 0 : i32
      %dma_wait3A_2526 = tpu.memref_slice %arg4[%add3A_2520, %dma_wait3A_2524, %dma_wait3A_2525] : memref<16384x24x128xf32, #tpu.memory_space<hbm>> -> memref<1x20x64xf32, #tpu.memory_space<hbm>>
      %dma_wait3A_2527 = tpu.memref_squeeze %dma_wait3A_2526 : memref<1x20x64xf32, #tpu.memory_space<hbm>> -> memref<20x64xf32, #tpu.memory_space<hbm>>
      %dma_wait3A_2528 = arith.constant 0 : i32
      %dma_wait3A_2529 = arith.constant 0 : i32
      %dma_wait3A_2530 = tpu.memref_slice %arg4[%add3A_2520, %dma_wait3A_2528, %dma_wait3A_2529] : memref<16384x24x128xf32, #tpu.memory_space<hbm>> -> memref<1x20x64xf32, #tpu.memory_space<hbm>>
      %dma_wait3A_2531 = tpu.memref_squeeze %dma_wait3A_2530 : memref<1x20x64xf32, #tpu.memory_space<hbm>> -> memref<20x64xf32, #tpu.memory_space<hbm>>
      %dma_wait3A_2532 = arith.constant 20 : i32
      %dma_wait3A_2533 = arith.constant 0 : i32
      %dma_wait3A_2534 = tpu.memref_slice %arg13[%dma_wait3A_2532, %dma_wait3A_2533] : memref<80x128xf32, #tpu.memory_space<vmem>> -> memref<20x64xf32, #tpu.memory_space<vmem>>
      tpu.wait_dma2 semaphore(%arg29 : memref<!tpu.dma_semaphore, #tpu.memory_space<semaphore_mem>>) src(%dma_wait3A_2534 : memref<20x64xf32, #tpu.memory_space<vmem>>) dst(%dma_wait3A_2531 : memref<20x64xf32, #tpu.memory_space<hbm>>)
      %add3A_2535 = arith.constant 2 : i32
      %add3A_2536 = arith.addi %add3A_2502, %add3A_2535 : i32
      %dma_wait3A_2537 = arith.constant 40 : i32
      %dma_wait3A_2538 = arith.constant 0 : i32
      %dma_wait3A_2539 = tpu.memref_slice %arg13[%dma_wait3A_2537, %dma_wait3A_2538] : memref<80x128xf32, #tpu.memory_space<vmem>> -> memref<20x64xf32, #tpu.memory_space<vmem>>
      %dma_wait3A_2540 = arith.constant 0 : i32
      %dma_wait3A_2541 = arith.constant 0 : i32
      %dma_wait3A_2542 = tpu.memref_slice %arg4[%add3A_2536, %dma_wait3A_2540, %dma_wait3A_2541] : memref<16384x24x128xf32, #tpu.memory_space<hbm>> -> memref<1x20x64xf32, #tpu.memory_space<hbm>>
      %dma_wait3A_2543 = tpu.memref_squeeze %dma_wait3A_2542 : memref<1x20x64xf32, #tpu.memory_space<hbm>> -> memref<20x64xf32, #tpu.memory_space<hbm>>
      %dma_wait3A_2544 = arith.constant 0 : i32
      %dma_wait3A_2545 = arith.constant 0 : i32
      %dma_wait3A_2546 = tpu.memref_slice %arg4[%add3A_2536, %dma_wait3A_2544, %dma_wait3A_2545] : memref<16384x24x128xf32, #tpu.memory_space<hbm>> -> memref<1x20x64xf32, #tpu.memory_space<hbm>>
      %dma_wait3A_2547 = tpu.memref_squeeze %dma_wait3A_2546 : memref<1x20x64xf32, #tpu.memory_space<hbm>> -> memref<20x64xf32, #tpu.memory_space<hbm>>
      %dma_wait3A_2548 = arith.constant 40 : i32
      %dma_wait3A_2549 = arith.constant 0 : i32
      %dma_wait3A_2550 = tpu.memref_slice %arg13[%dma_wait3A_2548, %dma_wait3A_2549] : memref<80x128xf32, #tpu.memory_space<vmem>> -> memref<20x64xf32, #tpu.memory_space<vmem>>
      tpu.wait_dma2 semaphore(%arg29 : memref<!tpu.dma_semaphore, #tpu.memory_space<semaphore_mem>>) src(%dma_wait3A_2550 : memref<20x64xf32, #tpu.memory_space<vmem>>) dst(%dma_wait3A_2547 : memref<20x64xf32, #tpu.memory_space<hbm>>)
      %add3A_2551 = arith.constant 3 : i32
      %add3A_2552 = arith.addi %add3A_2502, %add3A_2551 : i32
      %dma_wait3A_2553 = arith.constant 60 : i32
      %dma_wait3A_2554 = arith.constant 0 : i32
      %dma_wait3A_2555 = tpu.memref_slice %arg13[%dma_wait3A_2553, %dma_wait3A_2554] : memref<80x128xf32, #tpu.memory_space<vmem>> -> memref<20x64xf32, #tpu.memory_space<vmem>>
      %dma_wait3A_2556 = arith.constant 0 : i32
      %dma_wait3A_2557 = arith.constant 0 : i32
      %dma_wait3A_2558 = tpu.memref_slice %arg4[%add3A_2552, %dma_wait3A_2556, %dma_wait3A_2557] : memref<16384x24x128xf32, #tpu.memory_space<hbm>> -> memref<1x20x64xf32, #tpu.memory_space<hbm>>
      %dma_wait3A_2559 = tpu.memref_squeeze %dma_wait3A_2558 : memref<1x20x64xf32, #tpu.memory_space<hbm>> -> memref<20x64xf32, #tpu.memory_space<hbm>>
      %dma_wait3A_2560 = arith.constant 0 : i32
      %dma_wait3A_2561 = arith.constant 0 : i32
      %dma_wait3A_2562 = tpu.memref_slice %arg4[%add3A_2552, %dma_wait3A_2560, %dma_wait3A_2561] : memref<16384x24x128xf32, #tpu.memory_space<hbm>> -> memref<1x20x64xf32, #tpu.memory_space<hbm>>
      %dma_wait3A_2563 = tpu.memref_squeeze %dma_wait3A_2562 : memref<1x20x64xf32, #tpu.memory_space<hbm>> -> memref<20x64xf32, #tpu.memory_space<hbm>>
      %dma_wait3A_2564 = arith.constant 60 : i32
      %dma_wait3A_2565 = arith.constant 0 : i32
      %dma_wait3A_2566 = tpu.memref_slice %arg13[%dma_wait3A_2564, %dma_wait3A_2565] : memref<80x128xf32, #tpu.memory_space<vmem>> -> memref<20x64xf32, #tpu.memory_space<vmem>>
      tpu.wait_dma2 semaphore(%arg29 : memref<!tpu.dma_semaphore, #tpu.memory_space<semaphore_mem>>) src(%dma_wait3A_2566 : memref<20x64xf32, #tpu.memory_space<vmem>>) dst(%dma_wait3A_2563 : memref<20x64xf32, #tpu.memory_space<hbm>>)
      %add3A_2567 = arith.constant 8 : i32
      %add3A_2568 = arith.addi %add3A_2499, %add3A_2567 : i32
      %mul3A_2569 = arith.constant 1 : i32
      %mul3A_2570 = arith.muli %add3A_2568, %mul3A_2569 : i32
      %add3A_2571 = arith.constant 0 : i32
      %add3A_2572 = arith.addi %mul3A_2570, %add3A_2571 : i32
      %dma_start3A_2573 = arith.constant 0 : i32
      %dma_start3A_2574 = arith.constant 0 : i32
      %dma_start3A_2575 = tpu.memref_slice %arg13[%dma_start3A_2573, %dma_start3A_2574] : memref<80x128xf32, #tpu.memory_space<vmem>> -> memref<80x128xf32, #tpu.memory_space<vmem>>
      %dma_start3A_2576 = arith.constant 0 : i32
      %dma_start3A_2577 = tpu.memref_slice %arg5[%add3A_2572, %dma_start3A_2576] : memref<128x80xi32, #tpu.memory_space<vmem>> -> memref<1x80xi32, #tpu.memory_space<vmem>>
      %dma_start3A_2578 = tpu.memref_squeeze %dma_start3A_2577 : memref<1x80xi32, #tpu.memory_space<vmem>> -> memref<80xi32, #tpu.memory_space<vmem>>
      %dma_start3A_2579 = arith.constant 0 : i32
      %dma_start3A_2580 = arith.constant 0 : i32
      %dma_start3A_2581 = tpu.memref_slice %arg2[%dma_start3A_2579, %dma_start3A_2580] : memref<1000000x128xf32, #tpu.memory_space<hbm>> -> memref<1000000x128xf32, #tpu.memory_space<hbm>>
      tpu.enqueue_indirect_dma source(%dma_start3A_2581 : memref<1000000x128xf32, #tpu.memory_space<hbm>>) target(%dma_start3A_2575 : memref<80x128xf32, #tpu.memory_space<vmem>>) offsets(%dma_start3A_2578 : memref<80xi32, #tpu.memory_space<vmem>>) semaphore(%arg21 : memref<!tpu.dma_semaphore, #tpu.memory_space<semaphore_mem>>)
    }
    %scan3A_85 = arith.constant 15 : i32
    %dma_wait3A = arith.constant 120 : i32
    %dma_wait3A_86 = arith.constant 0 : i32
    %dma_wait3A_87 = arith.constant 0 : i32
    %dma_wait3A_88 = tpu.memref_slice %arg6[%dma_wait3A_86, %dma_wait3A_87] : memref<80x128xf32, #tpu.memory_space<vmem>> -> memref<80x128xf32, #tpu.memory_space<vmem>>
    %dma_wait3A_89 = arith.constant 0 : i32
    %dma_wait3A_90 = tpu.memref_slice %arg5[%dma_wait3A, %dma_wait3A_89] : memref<128x80xi32, #tpu.memory_space<vmem>> -> memref<1x80xi32, #tpu.memory_space<vmem>>
    %dma_wait3A_91 = tpu.memref_squeeze %dma_wait3A_90 : memref<1x80xi32, #tpu.memory_space<vmem>> -> memref<80xi32, #tpu.memory_space<vmem>>
    %dma_wait3A_92 = arith.constant 0 : i32
    %dma_wait3A_93 = arith.constant 0 : i32
    %dma_wait3A_94 = tpu.memref_slice %arg2[%dma_wait3A_92, %dma_wait3A_93] : memref<1000000x128xf32, #tpu.memory_space<hbm>> -> memref<1000000x128xf32, #tpu.memory_space<hbm>>
    tpu.wait_indirect_dma semaphore(%arg14 : memref<!tpu.dma_semaphore, #tpu.memory_space<semaphore_mem>>) src(%dma_wait3A_94 : memref<1000000x128xf32, #tpu.memory_space<hbm>>) dst(%dma_wait3A_88 : memref<80x128xf32, #tpu.memory_space<vmem>>)
    %add3A_95 = arith.constant 480 : i32
    %add3A_96 = arith.addi %mul3A_2, %add3A_95 : i32
    %add3A_97 = arith.constant 0 : i32
    %add3A_98 = arith.addi %add3A_96, %add3A_97 : i32
    %dma_start3A_99 = arith.constant 0 : i32
    %dma_start3A_100 = arith.constant 0 : i32
    %dma_start3A_101 = tpu.memref_slice %arg6[%dma_start3A_99, %dma_start3A_100] : memref<80x128xf32, #tpu.memory_space<vmem>> -> memref<20x64xf32, #tpu.memory_space<vmem>>
    %dma_start3A_102 = arith.constant 0 : i32
    %dma_start3A_103 = arith.constant 0 : i32
    %dma_start3A_104 = tpu.memref_slice %arg4[%add3A_98, %dma_start3A_102, %dma_start3A_103] : memref<16384x24x128xf32, #tpu.memory_space<hbm>> -> memref<1x20x64xf32, #tpu.memory_space<hbm>>
    %dma_start3A_105 = tpu.memref_squeeze %dma_start3A_104 : memref<1x20x64xf32, #tpu.memory_space<hbm>> -> memref<20x64xf32, #tpu.memory_space<hbm>>
    %dma_start3A_106 = arith.constant 0 : i32
    %dma_start3A_107 = arith.constant 0 : i32
    %dma_start3A_108 = tpu.memref_slice %arg4[%add3A_98, %dma_start3A_106, %dma_start3A_107] : memref<16384x24x128xf32, #tpu.memory_space<hbm>> -> memref<1x20x64xf32, #tpu.memory_space<hbm>>
    %dma_start3A_109 = tpu.memref_squeeze %dma_start3A_108 : memref<1x20x64xf32, #tpu.memory_space<hbm>> -> memref<20x64xf32, #tpu.memory_space<hbm>>
    %dma_start3A_110 = arith.constant 0 : i32
    %dma_start3A_111 = arith.constant 0 : i32
    %dma_start3A_112 = tpu.memref_slice %arg6[%dma_start3A_110, %dma_start3A_111] : memref<80x128xf32, #tpu.memory_space<vmem>> -> memref<20x64xf32, #tpu.memory_space<vmem>>
    tpu.enqueue_dma source(%dma_start3A_112 : memref<20x64xf32, #tpu.memory_space<vmem>>) target(%dma_start3A_109 : memref<20x64xf32, #tpu.memory_space<hbm>>) target_semaphore(%arg22 : memref<!tpu.dma_semaphore, #tpu.memory_space<semaphore_mem>>)
    %add3A_113 = arith.constant 1 : i32
    %add3A_114 = arith.addi %add3A_96, %add3A_113 : i32
    %dma_start3A_115 = arith.constant 20 : i32
    %dma_start3A_116 = arith.constant 0 : i32
    %dma_start3A_117 = tpu.memref_slice %arg6[%dma_start3A_115, %dma_start3A_116] : memref<80x128xf32, #tpu.memory_space<vmem>> -> memref<20x64xf32, #tpu.memory_space<vmem>>
    %dma_start3A_118 = arith.constant 0 : i32
    %dma_start3A_119 = arith.constant 0 : i32
    %dma_start3A_120 = tpu.memref_slice %arg4[%add3A_114, %dma_start3A_118, %dma_start3A_119] : memref<16384x24x128xf32, #tpu.memory_space<hbm>> -> memref<1x20x64xf32, #tpu.memory_space<hbm>>
    %dma_start3A_121 = tpu.memref_squeeze %dma_start3A_120 : memref<1x20x64xf32, #tpu.memory_space<hbm>> -> memref<20x64xf32, #tpu.memory_space<hbm>>
    %dma_start3A_122 = arith.constant 0 : i32
    %dma_start3A_123 = arith.constant 0 : i32
    %dma_start3A_124 = tpu.memref_slice %arg4[%add3A_114, %dma_start3A_122, %dma_start3A_123] : memref<16384x24x128xf32, #tpu.memory_space<hbm>> -> memref<1x20x64xf32, #tpu.memory_space<hbm>>
    %dma_start3A_125 = tpu.memref_squeeze %dma_start3A_124 : memref<1x20x64xf32, #tpu.memory_space<hbm>> -> memref<20x64xf32, #tpu.memory_space<hbm>>
    %dma_start3A_126 = arith.constant 20 : i32
    %dma_start3A_127 = arith.constant 0 : i32
    %dma_start3A_128 = tpu.memref_slice %arg6[%dma_start3A_126, %dma_start3A_127] : memref<80x128xf32, #tpu.memory_space<vmem>> -> memref<20x64xf32, #tpu.memory_space<vmem>>
    tpu.enqueue_dma source(%dma_start3A_128 : memref<20x64xf32, #tpu.memory_space<vmem>>) target(%dma_start3A_125 : memref<20x64xf32, #tpu.memory_space<hbm>>) target_semaphore(%arg22 : memref<!tpu.dma_semaphore, #tpu.memory_space<semaphore_mem>>)
    %add3A_129 = arith.constant 2 : i32
    %add3A_130 = arith.addi %add3A_96, %add3A_129 : i32
    %dma_start3A_131 = arith.constant 40 : i32
    %dma_start3A_132 = arith.constant 0 : i32
    %dma_start3A_133 = tpu.memref_slice %arg6[%dma_start3A_131, %dma_start3A_132] : memref<80x128xf32, #tpu.memory_space<vmem>> -> memref<20x64xf32, #tpu.memory_space<vmem>>
    %dma_start3A_134 = arith.constant 0 : i32
    %dma_start3A_135 = arith.constant 0 : i32
    %dma_start3A_136 = tpu.memref_slice %arg4[%add3A_130, %dma_start3A_134, %dma_start3A_135] : memref<16384x24x128xf32, #tpu.memory_space<hbm>> -> memref<1x20x64xf32, #tpu.memory_space<hbm>>
    %dma_start3A_137 = tpu.memref_squeeze %dma_start3A_136 : memref<1x20x64xf32, #tpu.memory_space<hbm>> -> memref<20x64xf32, #tpu.memory_space<hbm>>
    %dma_start3A_138 = arith.constant 0 : i32
    %dma_start3A_139 = arith.constant 0 : i32
    %dma_start3A_140 = tpu.memref_slice %arg4[%add3A_130, %dma_start3A_138, %dma_start3A_139] : memref<16384x24x128xf32, #tpu.memory_space<hbm>> -> memref<1x20x64xf32, #tpu.memory_space<hbm>>
    %dma_start3A_141 = tpu.memref_squeeze %dma_start3A_140 : memref<1x20x64xf32, #tpu.memory_space<hbm>> -> memref<20x64xf32, #tpu.memory_space<hbm>>
    %dma_start3A_142 = arith.constant 40 : i32
    %dma_start3A_143 = arith.constant 0 : i32
    %dma_start3A_144 = tpu.memref_slice %arg6[%dma_start3A_142, %dma_start3A_143] : memref<80x128xf32, #tpu.memory_space<vmem>> -> memref<20x64xf32, #tpu.memory_space<vmem>>
    tpu.enqueue_dma source(%dma_start3A_144 : memref<20x64xf32, #tpu.memory_space<vmem>>) target(%dma_start3A_141 : memref<20x64xf32, #tpu.memory_space<hbm>>) target_semaphore(%arg22 : memref<!tpu.dma_semaphore, #tpu.memory_space<semaphore_mem>>)
    %add3A_145 = arith.constant 3 : i32
    %add3A_146 = arith.addi %add3A_96, %add3A_145 : i32
    %dma_start3A_147 = arith.constant 60 : i32
    %dma_start3A_148 = arith.constant 0 : i32
    %dma_start3A_149 = tpu.memref_slice %arg6[%dma_start3A_147, %dma_start3A_148] : memref<80x128xf32, #tpu.memory_space<vmem>> -> memref<20x64xf32, #tpu.memory_space<vmem>>
    %dma_start3A_150 = arith.constant 0 : i32
    %dma_start3A_151 = arith.constant 0 : i32
    %dma_start3A_152 = tpu.memref_slice %arg4[%add3A_146, %dma_start3A_150, %dma_start3A_151] : memref<16384x24x128xf32, #tpu.memory_space<hbm>> -> memref<1x20x64xf32, #tpu.memory_space<hbm>>
    %dma_start3A_153 = tpu.memref_squeeze %dma_start3A_152 : memref<1x20x64xf32, #tpu.memory_space<hbm>> -> memref<20x64xf32, #tpu.memory_space<hbm>>
    %dma_start3A_154 = arith.constant 0 : i32
    %dma_start3A_155 = arith.constant 0 : i32
    %dma_start3A_156 = tpu.memref_slice %arg4[%add3A_146, %dma_start3A_154, %dma_start3A_155] : memref<16384x24x128xf32, #tpu.memory_space<hbm>> -> memref<1x20x64xf32, #tpu.memory_space<hbm>>
    %dma_start3A_157 = tpu.memref_squeeze %dma_start3A_156 : memref<1x20x64xf32, #tpu.memory_space<hbm>> -> memref<20x64xf32, #tpu.memory_space<hbm>>
    %dma_start3A_158 = arith.constant 60 : i32
    %dma_start3A_159 = arith.constant 0 : i32
    %dma_start3A_160 = tpu.memref_slice %arg6[%dma_start3A_158, %dma_start3A_159] : memref<80x128xf32, #tpu.memory_space<vmem>> -> memref<20x64xf32, #tpu.memory_space<vmem>>
    tpu.enqueue_dma source(%dma_start3A_160 : memref<20x64xf32, #tpu.memory_space<vmem>>) target(%dma_start3A_157 : memref<20x64xf32, #tpu.memory_space<hbm>>) target_semaphore(%arg22 : memref<!tpu.dma_semaphore, #tpu.memory_space<semaphore_mem>>)
    %dma_wait3A_161 = arith.constant 121 : i32
    %dma_wait3A_162 = arith.constant 0 : i32
    %dma_wait3A_163 = arith.constant 0 : i32
    %dma_wait3A_164 = tpu.memref_slice %arg7[%dma_wait3A_162, %dma_wait3A_163] : memref<80x128xf32, #tpu.memory_space<vmem>> -> memref<80x128xf32, #tpu.memory_space<vmem>>
    %dma_wait3A_165 = arith.constant 0 : i32
    %dma_wait3A_166 = tpu.memref_slice %arg5[%dma_wait3A_161, %dma_wait3A_165] : memref<128x80xi32, #tpu.memory_space<vmem>> -> memref<1x80xi32, #tpu.memory_space<vmem>>
    %dma_wait3A_167 = tpu.memref_squeeze %dma_wait3A_166 : memref<1x80xi32, #tpu.memory_space<vmem>> -> memref<80xi32, #tpu.memory_space<vmem>>
    %dma_wait3A_168 = arith.constant 0 : i32
    %dma_wait3A_169 = arith.constant 0 : i32
    %dma_wait3A_170 = tpu.memref_slice %arg2[%dma_wait3A_168, %dma_wait3A_169] : memref<1000000x128xf32, #tpu.memory_space<hbm>> -> memref<1000000x128xf32, #tpu.memory_space<hbm>>
    tpu.wait_indirect_dma semaphore(%arg15 : memref<!tpu.dma_semaphore, #tpu.memory_space<semaphore_mem>>) src(%dma_wait3A_170 : memref<1000000x128xf32, #tpu.memory_space<hbm>>) dst(%dma_wait3A_164 : memref<80x128xf32, #tpu.memory_space<vmem>>)
    %add3A_171 = arith.constant 484 : i32
    %add3A_172 = arith.addi %mul3A_2, %add3A_171 : i32
    %add3A_173 = arith.constant 0 : i32
    %add3A_174 = arith.addi %add3A_172, %add3A_173 : i32
    %dma_start3A_175 = arith.constant 0 : i32
    %dma_start3A_176 = arith.constant 0 : i32
    %dma_start3A_177 = tpu.memref_slice %arg7[%dma_start3A_175, %dma_start3A_176] : memref<80x128xf32, #tpu.memory_space<vmem>> -> memref<20x64xf32, #tpu.memory_space<vmem>>
    %dma_start3A_178 = arith.constant 0 : i32
    %dma_start3A_179 = arith.constant 0 : i32
    %dma_start3A_180 = tpu.memref_slice %arg4[%add3A_174, %dma_start3A_178, %dma_start3A_179] : memref<16384x24x128xf32, #tpu.memory_space<hbm>> -> memref<1x20x64xf32, #tpu.memory_space<hbm>>
    %dma_start3A_181 = tpu.memref_squeeze %dma_start3A_180 : memref<1x20x64xf32, #tpu.memory_space<hbm>> -> memref<20x64xf32, #tpu.memory_space<hbm>>
    %dma_start3A_182 = arith.constant 0 : i32
    %dma_start3A_183 = arith.constant 0 : i32
    %dma_start3A_184 = tpu.memref_slice %arg4[%add3A_174, %dma_start3A_182, %dma_start3A_183] : memref<16384x24x128xf32, #tpu.memory_space<hbm>> -> memref<1x20x64xf32, #tpu.memory_space<hbm>>
    %dma_start3A_185 = tpu.memref_squeeze %dma_start3A_184 : memref<1x20x64xf32, #tpu.memory_space<hbm>> -> memref<20x64xf32, #tpu.memory_space<hbm>>
    %dma_start3A_186 = arith.constant 0 : i32
    %dma_start3A_187 = arith.constant 0 : i32
    %dma_start3A_188 = tpu.memref_slice %arg7[%dma_start3A_186, %dma_start3A_187] : memref<80x128xf32, #tpu.memory_space<vmem>> -> memref<20x64xf32, #tpu.memory_space<vmem>>
    tpu.enqueue_dma source(%dma_start3A_188 : memref<20x64xf32, #tpu.memory_space<vmem>>) target(%dma_start3A_185 : memref<20x64xf32, #tpu.memory_space<hbm>>) target_semaphore(%arg23 : memref<!tpu.dma_semaphore, #tpu.memory_space<semaphore_mem>>)
    %add3A_189 = arith.constant 1 : i32
    %add3A_190 = arith.addi %add3A_172, %add3A_189 : i32
    %dma_start3A_191 = arith.constant 20 : i32
    %dma_start3A_192 = arith.constant 0 : i32
    %dma_start3A_193 = tpu.memref_slice %arg7[%dma_start3A_191, %dma_start3A_192] : memref<80x128xf32, #tpu.memory_space<vmem>> -> memref<20x64xf32, #tpu.memory_space<vmem>>
    %dma_start3A_194 = arith.constant 0 : i32
    %dma_start3A_195 = arith.constant 0 : i32
    %dma_start3A_196 = tpu.memref_slice %arg4[%add3A_190, %dma_start3A_194, %dma_start3A_195] : memref<16384x24x128xf32, #tpu.memory_space<hbm>> -> memref<1x20x64xf32, #tpu.memory_space<hbm>>
    %dma_start3A_197 = tpu.memref_squeeze %dma_start3A_196 : memref<1x20x64xf32, #tpu.memory_space<hbm>> -> memref<20x64xf32, #tpu.memory_space<hbm>>
    %dma_start3A_198 = arith.constant 0 : i32
    %dma_start3A_199 = arith.constant 0 : i32
    %dma_start3A_200 = tpu.memref_slice %arg4[%add3A_190, %dma_start3A_198, %dma_start3A_199] : memref<16384x24x128xf32, #tpu.memory_space<hbm>> -> memref<1x20x64xf32, #tpu.memory_space<hbm>>
    %dma_start3A_201 = tpu.memref_squeeze %dma_start3A_200 : memref<1x20x64xf32, #tpu.memory_space<hbm>> -> memref<20x64xf32, #tpu.memory_space<hbm>>
    %dma_start3A_202 = arith.constant 20 : i32
    %dma_start3A_203 = arith.constant 0 : i32
    %dma_start3A_204 = tpu.memref_slice %arg7[%dma_start3A_202, %dma_start3A_203] : memref<80x128xf32, #tpu.memory_space<vmem>> -> memref<20x64xf32, #tpu.memory_space<vmem>>
    tpu.enqueue_dma source(%dma_start3A_204 : memref<20x64xf32, #tpu.memory_space<vmem>>) target(%dma_start3A_201 : memref<20x64xf32, #tpu.memory_space<hbm>>) target_semaphore(%arg23 : memref<!tpu.dma_semaphore, #tpu.memory_space<semaphore_mem>>)
    %add3A_205 = arith.constant 2 : i32
    %add3A_206 = arith.addi %add3A_172, %add3A_205 : i32
    %dma_start3A_207 = arith.constant 40 : i32
    %dma_start3A_208 = arith.constant 0 : i32
    %dma_start3A_209 = tpu.memref_slice %arg7[%dma_start3A_207, %dma_start3A_208] : memref<80x128xf32, #tpu.memory_space<vmem>> -> memref<20x64xf32, #tpu.memory_space<vmem>>
    %dma_start3A_210 = arith.constant 0 : i32
    %dma_start3A_211 = arith.constant 0 : i32
    %dma_start3A_212 = tpu.memref_slice %arg4[%add3A_206, %dma_start3A_210, %dma_start3A_211] : memref<16384x24x128xf32, #tpu.memory_space<hbm>> -> memref<1x20x64xf32, #tpu.memory_space<hbm>>
    %dma_start3A_213 = tpu.memref_squeeze %dma_start3A_212 : memref<1x20x64xf32, #tpu.memory_space<hbm>> -> memref<20x64xf32, #tpu.memory_space<hbm>>
    %dma_start3A_214 = arith.constant 0 : i32
    %dma_start3A_215 = arith.constant 0 : i32
    %dma_start3A_216 = tpu.memref_slice %arg4[%add3A_206, %dma_start3A_214, %dma_start3A_215] : memref<16384x24x128xf32, #tpu.memory_space<hbm>> -> memref<1x20x64xf32, #tpu.memory_space<hbm>>
    %dma_start3A_217 = tpu.memref_squeeze %dma_start3A_216 : memref<1x20x64xf32, #tpu.memory_space<hbm>> -> memref<20x64xf32, #tpu.memory_space<hbm>>
    %dma_start3A_218 = arith.constant 40 : i32
    %dma_start3A_219 = arith.constant 0 : i32
    %dma_start3A_220 = tpu.memref_slice %arg7[%dma_start3A_218, %dma_start3A_219] : memref<80x128xf32, #tpu.memory_space<vmem>> -> memref<20x64xf32, #tpu.memory_space<vmem>>
    tpu.enqueue_dma source(%dma_start3A_220 : memref<20x64xf32, #tpu.memory_space<vmem>>) target(%dma_start3A_217 : memref<20x64xf32, #tpu.memory_space<hbm>>) target_semaphore(%arg23 : memref<!tpu.dma_semaphore, #tpu.memory_space<semaphore_mem>>)
    %add3A_221 = arith.constant 3 : i32
    %add3A_222 = arith.addi %add3A_172, %add3A_221 : i32
    %dma_start3A_223 = arith.constant 60 : i32
    %dma_start3A_224 = arith.constant 0 : i32
    %dma_start3A_225 = tpu.memref_slice %arg7[%dma_start3A_223, %dma_start3A_224] : memref<80x128xf32, #tpu.memory_space<vmem>> -> memref<20x64xf32, #tpu.memory_space<vmem>>
    %dma_start3A_226 = arith.constant 0 : i32
    %dma_start3A_227 = arith.constant 0 : i32
    %dma_start3A_228 = tpu.memref_slice %arg4[%add3A_222, %dma_start3A_226, %dma_start3A_227] : memref<16384x24x128xf32, #tpu.memory_space<hbm>> -> memref<1x20x64xf32, #tpu.memory_space<hbm>>
    %dma_start3A_229 = tpu.memref_squeeze %dma_start3A_228 : memref<1x20x64xf32, #tpu.memory_space<hbm>> -> memref<20x64xf32, #tpu.memory_space<hbm>>
    %dma_start3A_230 = arith.constant 0 : i32
    %dma_start3A_231 = arith.constant 0 : i32
    %dma_start3A_232 = tpu.memref_slice %arg4[%add3A_222, %dma_start3A_230, %dma_start3A_231] : memref<16384x24x128xf32, #tpu.memory_space<hbm>> -> memref<1x20x64xf32, #tpu.memory_space<hbm>>
    %dma_start3A_233 = tpu.memref_squeeze %dma_start3A_232 : memref<1x20x64xf32, #tpu.memory_space<hbm>> -> memref<20x64xf32, #tpu.memory_space<hbm>>
    %dma_start3A_234 = arith.constant 60 : i32
    %dma_start3A_235 = arith.constant 0 : i32
    %dma_start3A_236 = tpu.memref_slice %arg7[%dma_start3A_234, %dma_start3A_235] : memref<80x128xf32, #tpu.memory_space<vmem>> -> memref<20x64xf32, #tpu.memory_space<vmem>>
    tpu.enqueue_dma source(%dma_start3A_236 : memref<20x64xf32, #tpu.memory_space<vmem>>) target(%dma_start3A_233 : memref<20x64xf32, #tpu.memory_space<hbm>>) target_semaphore(%arg23 : memref<!tpu.dma_semaphore, #tpu.memory_space<semaphore_mem>>)
    %dma_wait3A_237 = arith.constant 122 : i32
    %dma_wait3A_238 = arith.constant 0 : i32
    %dma_wait3A_239 = arith.constant 0 : i32
    %dma_wait3A_240 = tpu.memref_slice %arg8[%dma_wait3A_238, %dma_wait3A_239] : memref<80x128xf32, #tpu.memory_space<vmem>> -> memref<80x128xf32, #tpu.memory_space<vmem>>
    %dma_wait3A_241 = arith.constant 0 : i32
    %dma_wait3A_242 = tpu.memref_slice %arg5[%dma_wait3A_237, %dma_wait3A_241] : memref<128x80xi32, #tpu.memory_space<vmem>> -> memref<1x80xi32, #tpu.memory_space<vmem>>
    %dma_wait3A_243 = tpu.memref_squeeze %dma_wait3A_242 : memref<1x80xi32, #tpu.memory_space<vmem>> -> memref<80xi32, #tpu.memory_space<vmem>>
    %dma_wait3A_244 = arith.constant 0 : i32
    %dma_wait3A_245 = arith.constant 0 : i32
    %dma_wait3A_246 = tpu.memref_slice %arg2[%dma_wait3A_244, %dma_wait3A_245] : memref<1000000x128xf32, #tpu.memory_space<hbm>> -> memref<1000000x128xf32, #tpu.memory_space<hbm>>
    tpu.wait_indirect_dma semaphore(%arg16 : memref<!tpu.dma_semaphore, #tpu.memory_space<semaphore_mem>>) src(%dma_wait3A_246 : memref<1000000x128xf32, #tpu.memory_space<hbm>>) dst(%dma_wait3A_240 : memref<80x128xf32, #tpu.memory_space<vmem>>)
    %add3A_247 = arith.constant 488 : i32
    %add3A_248 = arith.addi %mul3A_2, %add3A_247 : i32
    %add3A_249 = arith.constant 0 : i32
    %add3A_250 = arith.addi %add3A_248, %add3A_249 : i32
    %dma_start3A_251 = arith.constant 0 : i32
    %dma_start3A_252 = arith.constant 0 : i32
    %dma_start3A_253 = tpu.memref_slice %arg8[%dma_start3A_251, %dma_start3A_252] : memref<80x128xf32, #tpu.memory_space<vmem>> -> memref<20x64xf32, #tpu.memory_space<vmem>>
    %dma_start3A_254 = arith.constant 0 : i32
    %dma_start3A_255 = arith.constant 0 : i32
    %dma_start3A_256 = tpu.memref_slice %arg4[%add3A_250, %dma_start3A_254, %dma_start3A_255] : memref<16384x24x128xf32, #tpu.memory_space<hbm>> -> memref<1x20x64xf32, #tpu.memory_space<hbm>>
    %dma_start3A_257 = tpu.memref_squeeze %dma_start3A_256 : memref<1x20x64xf32, #tpu.memory_space<hbm>> -> memref<20x64xf32, #tpu.memory_space<hbm>>
    %dma_start3A_258 = arith.constant 0 : i32
    %dma_start3A_259 = arith.constant 0 : i32
    %dma_start3A_260 = tpu.memref_slice %arg4[%add3A_250, %dma_start3A_258, %dma_start3A_259] : memref<16384x24x128xf32, #tpu.memory_space<hbm>> -> memref<1x20x64xf32, #tpu.memory_space<hbm>>
    %dma_start3A_261 = tpu.memref_squeeze %dma_start3A_260 : memref<1x20x64xf32, #tpu.memory_space<hbm>> -> memref<20x64xf32, #tpu.memory_space<hbm>>
    %dma_start3A_262 = arith.constant 0 : i32
    %dma_start3A_263 = arith.constant 0 : i32
    %dma_start3A_264 = tpu.memref_slice %arg8[%dma_start3A_262, %dma_start3A_263] : memref<80x128xf32, #tpu.memory_space<vmem>> -> memref<20x64xf32, #tpu.memory_space<vmem>>
    tpu.enqueue_dma source(%dma_start3A_264 : memref<20x64xf32, #tpu.memory_space<vmem>>) target(%dma_start3A_261 : memref<20x64xf32, #tpu.memory_space<hbm>>) target_semaphore(%arg24 : memref<!tpu.dma_semaphore, #tpu.memory_space<semaphore_mem>>)
    %add3A_265 = arith.constant 1 : i32
    %add3A_266 = arith.addi %add3A_248, %add3A_265 : i32
    %dma_start3A_267 = arith.constant 20 : i32
    %dma_start3A_268 = arith.constant 0 : i32
    %dma_start3A_269 = tpu.memref_slice %arg8[%dma_start3A_267, %dma_start3A_268] : memref<80x128xf32, #tpu.memory_space<vmem>> -> memref<20x64xf32, #tpu.memory_space<vmem>>
    %dma_start3A_270 = arith.constant 0 : i32
    %dma_start3A_271 = arith.constant 0 : i32
    %dma_start3A_272 = tpu.memref_slice %arg4[%add3A_266, %dma_start3A_270, %dma_start3A_271] : memref<16384x24x128xf32, #tpu.memory_space<hbm>> -> memref<1x20x64xf32, #tpu.memory_space<hbm>>
    %dma_start3A_273 = tpu.memref_squeeze %dma_start3A_272 : memref<1x20x64xf32, #tpu.memory_space<hbm>> -> memref<20x64xf32, #tpu.memory_space<hbm>>
    %dma_start3A_274 = arith.constant 0 : i32
    %dma_start3A_275 = arith.constant 0 : i32
    %dma_start3A_276 = tpu.memref_slice %arg4[%add3A_266, %dma_start3A_274, %dma_start3A_275] : memref<16384x24x128xf32, #tpu.memory_space<hbm>> -> memref<1x20x64xf32, #tpu.memory_space<hbm>>
    %dma_start3A_277 = tpu.memref_squeeze %dma_start3A_276 : memref<1x20x64xf32, #tpu.memory_space<hbm>> -> memref<20x64xf32, #tpu.memory_space<hbm>>
    %dma_start3A_278 = arith.constant 20 : i32
    %dma_start3A_279 = arith.constant 0 : i32
    %dma_start3A_280 = tpu.memref_slice %arg8[%dma_start3A_278, %dma_start3A_279] : memref<80x128xf32, #tpu.memory_space<vmem>> -> memref<20x64xf32, #tpu.memory_space<vmem>>
    tpu.enqueue_dma source(%dma_start3A_280 : memref<20x64xf32, #tpu.memory_space<vmem>>) target(%dma_start3A_277 : memref<20x64xf32, #tpu.memory_space<hbm>>) target_semaphore(%arg24 : memref<!tpu.dma_semaphore, #tpu.memory_space<semaphore_mem>>)
    %add3A_281 = arith.constant 2 : i32
    %add3A_282 = arith.addi %add3A_248, %add3A_281 : i32
    %dma_start3A_283 = arith.constant 40 : i32
    %dma_start3A_284 = arith.constant 0 : i32
    %dma_start3A_285 = tpu.memref_slice %arg8[%dma_start3A_283, %dma_start3A_284] : memref<80x128xf32, #tpu.memory_space<vmem>> -> memref<20x64xf32, #tpu.memory_space<vmem>>
    %dma_start3A_286 = arith.constant 0 : i32
    %dma_start3A_287 = arith.constant 0 : i32
    %dma_start3A_288 = tpu.memref_slice %arg4[%add3A_282, %dma_start3A_286, %dma_start3A_287] : memref<16384x24x128xf32, #tpu.memory_space<hbm>> -> memref<1x20x64xf32, #tpu.memory_space<hbm>>
    %dma_start3A_289 = tpu.memref_squeeze %dma_start3A_288 : memref<1x20x64xf32, #tpu.memory_space<hbm>> -> memref<20x64xf32, #tpu.memory_space<hbm>>
    %dma_start3A_290 = arith.constant 0 : i32
    %dma_start3A_291 = arith.constant 0 : i32
    %dma_start3A_292 = tpu.memref_slice %arg4[%add3A_282, %dma_start3A_290, %dma_start3A_291] : memref<16384x24x128xf32, #tpu.memory_space<hbm>> -> memref<1x20x64xf32, #tpu.memory_space<hbm>>
    %dma_start3A_293 = tpu.memref_squeeze %dma_start3A_292 : memref<1x20x64xf32, #tpu.memory_space<hbm>> -> memref<20x64xf32, #tpu.memory_space<hbm>>
    %dma_start3A_294 = arith.constant 40 : i32
    %dma_start3A_295 = arith.constant 0 : i32
    %dma_start3A_296 = tpu.memref_slice %arg8[%dma_start3A_294, %dma_start3A_295] : memref<80x128xf32, #tpu.memory_space<vmem>> -> memref<20x64xf32, #tpu.memory_space<vmem>>
    tpu.enqueue_dma source(%dma_start3A_296 : memref<20x64xf32, #tpu.memory_space<vmem>>) target(%dma_start3A_293 : memref<20x64xf32, #tpu.memory_space<hbm>>) target_semaphore(%arg24 : memref<!tpu.dma_semaphore, #tpu.memory_space<semaphore_mem>>)
    %add3A_297 = arith.constant 3 : i32
    %add3A_298 = arith.addi %add3A_248, %add3A_297 : i32
    %dma_start3A_299 = arith.constant 60 : i32
    %dma_start3A_300 = arith.constant 0 : i32
    %dma_start3A_301 = tpu.memref_slice %arg8[%dma_start3A_299, %dma_start3A_300] : memref<80x128xf32, #tpu.memory_space<vmem>> -> memref<20x64xf32, #tpu.memory_space<vmem>>
    %dma_start3A_302 = arith.constant 0 : i32
    %dma_start3A_303 = arith.constant 0 : i32
    %dma_start3A_304 = tpu.memref_slice %arg4[%add3A_298, %dma_start3A_302, %dma_start3A_303] : memref<16384x24x128xf32, #tpu.memory_space<hbm>> -> memref<1x20x64xf32, #tpu.memory_space<hbm>>
    %dma_start3A_305 = tpu.memref_squeeze %dma_start3A_304 : memref<1x20x64xf32, #tpu.memory_space<hbm>> -> memref<20x64xf32, #tpu.memory_space<hbm>>
    %dma_start3A_306 = arith.constant 0 : i32
    %dma_start3A_307 = arith.constant 0 : i32
    %dma_start3A_308 = tpu.memref_slice %arg4[%add3A_298, %dma_start3A_306, %dma_start3A_307] : memref<16384x24x128xf32, #tpu.memory_space<hbm>> -> memref<1x20x64xf32, #tpu.memory_space<hbm>>
    %dma_start3A_309 = tpu.memref_squeeze %dma_start3A_308 : memref<1x20x64xf32, #tpu.memory_space<hbm>> -> memref<20x64xf32, #tpu.memory_space<hbm>>
    %dma_start3A_310 = arith.constant 60 : i32
    %dma_start3A_311 = arith.constant 0 : i32
    %dma_start3A_312 = tpu.memref_slice %arg8[%dma_start3A_310, %dma_start3A_311] : memref<80x128xf32, #tpu.memory_space<vmem>> -> memref<20x64xf32, #tpu.memory_space<vmem>>
    tpu.enqueue_dma source(%dma_start3A_312 : memref<20x64xf32, #tpu.memory_space<vmem>>) target(%dma_start3A_309 : memref<20x64xf32, #tpu.memory_space<hbm>>) target_semaphore(%arg24 : memref<!tpu.dma_semaphore, #tpu.memory_space<semaphore_mem>>)
    %dma_wait3A_313 = arith.constant 123 : i32
    %dma_wait3A_314 = arith.constant 0 : i32
    %dma_wait3A_315 = arith.constant 0 : i32
    %dma_wait3A_316 = tpu.memref_slice %arg9[%dma_wait3A_314, %dma_wait3A_315] : memref<80x128xf32, #tpu.memory_space<vmem>> -> memref<80x128xf32, #tpu.memory_space<vmem>>
    %dma_wait3A_317 = arith.constant 0 : i32
    %dma_wait3A_318 = tpu.memref_slice %arg5[%dma_wait3A_313, %dma_wait3A_317] : memref<128x80xi32, #tpu.memory_space<vmem>> -> memref<1x80xi32, #tpu.memory_space<vmem>>
    %dma_wait3A_319 = tpu.memref_squeeze %dma_wait3A_318 : memref<1x80xi32, #tpu.memory_space<vmem>> -> memref<80xi32, #tpu.memory_space<vmem>>
    %dma_wait3A_320 = arith.constant 0 : i32
    %dma_wait3A_321 = arith.constant 0 : i32
    %dma_wait3A_322 = tpu.memref_slice %arg2[%dma_wait3A_320, %dma_wait3A_321] : memref<1000000x128xf32, #tpu.memory_space<hbm>> -> memref<1000000x128xf32, #tpu.memory_space<hbm>>
    tpu.wait_indirect_dma semaphore(%arg17 : memref<!tpu.dma_semaphore, #tpu.memory_space<semaphore_mem>>) src(%dma_wait3A_322 : memref<1000000x128xf32, #tpu.memory_space<hbm>>) dst(%dma_wait3A_316 : memref<80x128xf32, #tpu.memory_space<vmem>>)
    %add3A_323 = arith.constant 492 : i32
    %add3A_324 = arith.addi %mul3A_2, %add3A_323 : i32
    %add3A_325 = arith.constant 0 : i32
    %add3A_326 = arith.addi %add3A_324, %add3A_325 : i32
    %dma_start3A_327 = arith.constant 0 : i32
    %dma_start3A_328 = arith.constant 0 : i32
    %dma_start3A_329 = tpu.memref_slice %arg9[%dma_start3A_327, %dma_start3A_328] : memref<80x128xf32, #tpu.memory_space<vmem>> -> memref<20x64xf32, #tpu.memory_space<vmem>>
    %dma_start3A_330 = arith.constant 0 : i32
    %dma_start3A_331 = arith.constant 0 : i32
    %dma_start3A_332 = tpu.memref_slice %arg4[%add3A_326, %dma_start3A_330, %dma_start3A_331] : memref<16384x24x128xf32, #tpu.memory_space<hbm>> -> memref<1x20x64xf32, #tpu.memory_space<hbm>>
    %dma_start3A_333 = tpu.memref_squeeze %dma_start3A_332 : memref<1x20x64xf32, #tpu.memory_space<hbm>> -> memref<20x64xf32, #tpu.memory_space<hbm>>
    %dma_start3A_334 = arith.constant 0 : i32
    %dma_start3A_335 = arith.constant 0 : i32
    %dma_start3A_336 = tpu.memref_slice %arg4[%add3A_326, %dma_start3A_334, %dma_start3A_335] : memref<16384x24x128xf32, #tpu.memory_space<hbm>> -> memref<1x20x64xf32, #tpu.memory_space<hbm>>
    %dma_start3A_337 = tpu.memref_squeeze %dma_start3A_336 : memref<1x20x64xf32, #tpu.memory_space<hbm>> -> memref<20x64xf32, #tpu.memory_space<hbm>>
    %dma_start3A_338 = arith.constant 0 : i32
    %dma_start3A_339 = arith.constant 0 : i32
    %dma_start3A_340 = tpu.memref_slice %arg9[%dma_start3A_338, %dma_start3A_339] : memref<80x128xf32, #tpu.memory_space<vmem>> -> memref<20x64xf32, #tpu.memory_space<vmem>>
    tpu.enqueue_dma source(%dma_start3A_340 : memref<20x64xf32, #tpu.memory_space<vmem>>) target(%dma_start3A_337 : memref<20x64xf32, #tpu.memory_space<hbm>>) target_semaphore(%arg25 : memref<!tpu.dma_semaphore, #tpu.memory_space<semaphore_mem>>)
    %add3A_341 = arith.constant 1 : i32
    %add3A_342 = arith.addi %add3A_324, %add3A_341 : i32
    %dma_start3A_343 = arith.constant 20 : i32
    %dma_start3A_344 = arith.constant 0 : i32
    %dma_start3A_345 = tpu.memref_slice %arg9[%dma_start3A_343, %dma_start3A_344] : memref<80x128xf32, #tpu.memory_space<vmem>> -> memref<20x64xf32, #tpu.memory_space<vmem>>
    %dma_start3A_346 = arith.constant 0 : i32
    %dma_start3A_347 = arith.constant 0 : i32
    %dma_start3A_348 = tpu.memref_slice %arg4[%add3A_342, %dma_start3A_346, %dma_start3A_347] : memref<16384x24x128xf32, #tpu.memory_space<hbm>> -> memref<1x20x64xf32, #tpu.memory_space<hbm>>
    %dma_start3A_349 = tpu.memref_squeeze %dma_start3A_348 : memref<1x20x64xf32, #tpu.memory_space<hbm>> -> memref<20x64xf32, #tpu.memory_space<hbm>>
    %dma_start3A_350 = arith.constant 0 : i32
    %dma_start3A_351 = arith.constant 0 : i32
    %dma_start3A_352 = tpu.memref_slice %arg4[%add3A_342, %dma_start3A_350, %dma_start3A_351] : memref<16384x24x128xf32, #tpu.memory_space<hbm>> -> memref<1x20x64xf32, #tpu.memory_space<hbm>>
    %dma_start3A_353 = tpu.memref_squeeze %dma_start3A_352 : memref<1x20x64xf32, #tpu.memory_space<hbm>> -> memref<20x64xf32, #tpu.memory_space<hbm>>
    %dma_start3A_354 = arith.constant 20 : i32
    %dma_start3A_355 = arith.constant 0 : i32
    %dma_start3A_356 = tpu.memref_slice %arg9[%dma_start3A_354, %dma_start3A_355] : memref<80x128xf32, #tpu.memory_space<vmem>> -> memref<20x64xf32, #tpu.memory_space<vmem>>
    tpu.enqueue_dma source(%dma_start3A_356 : memref<20x64xf32, #tpu.memory_space<vmem>>) target(%dma_start3A_353 : memref<20x64xf32, #tpu.memory_space<hbm>>) target_semaphore(%arg25 : memref<!tpu.dma_semaphore, #tpu.memory_space<semaphore_mem>>)
    %add3A_357 = arith.constant 2 : i32
    %add3A_358 = arith.addi %add3A_324, %add3A_357 : i32
    %dma_start3A_359 = arith.constant 40 : i32
    %dma_start3A_360 = arith.constant 0 : i32
    %dma_start3A_361 = tpu.memref_slice %arg9[%dma_start3A_359, %dma_start3A_360] : memref<80x128xf32, #tpu.memory_space<vmem>> -> memref<20x64xf32, #tpu.memory_space<vmem>>
    %dma_start3A_362 = arith.constant 0 : i32
    %dma_start3A_363 = arith.constant 0 : i32
    %dma_start3A_364 = tpu.memref_slice %arg4[%add3A_358, %dma_start3A_362, %dma_start3A_363] : memref<16384x24x128xf32, #tpu.memory_space<hbm>> -> memref<1x20x64xf32, #tpu.memory_space<hbm>>
    %dma_start3A_365 = tpu.memref_squeeze %dma_start3A_364 : memref<1x20x64xf32, #tpu.memory_space<hbm>> -> memref<20x64xf32, #tpu.memory_space<hbm>>
    %dma_start3A_366 = arith.constant 0 : i32
    %dma_start3A_367 = arith.constant 0 : i32
    %dma_start3A_368 = tpu.memref_slice %arg4[%add3A_358, %dma_start3A_366, %dma_start3A_367] : memref<16384x24x128xf32, #tpu.memory_space<hbm>> -> memref<1x20x64xf32, #tpu.memory_space<hbm>>
    %dma_start3A_369 = tpu.memref_squeeze %dma_start3A_368 : memref<1x20x64xf32, #tpu.memory_space<hbm>> -> memref<20x64xf32, #tpu.memory_space<hbm>>
    %dma_start3A_370 = arith.constant 40 : i32
    %dma_start3A_371 = arith.constant 0 : i32
    %dma_start3A_372 = tpu.memref_slice %arg9[%dma_start3A_370, %dma_start3A_371] : memref<80x128xf32, #tpu.memory_space<vmem>> -> memref<20x64xf32, #tpu.memory_space<vmem>>
    tpu.enqueue_dma source(%dma_start3A_372 : memref<20x64xf32, #tpu.memory_space<vmem>>) target(%dma_start3A_369 : memref<20x64xf32, #tpu.memory_space<hbm>>) target_semaphore(%arg25 : memref<!tpu.dma_semaphore, #tpu.memory_space<semaphore_mem>>)
    %add3A_373 = arith.constant 3 : i32
    %add3A_374 = arith.addi %add3A_324, %add3A_373 : i32
    %dma_start3A_375 = arith.constant 60 : i32
    %dma_start3A_376 = arith.constant 0 : i32
    %dma_start3A_377 = tpu.memref_slice %arg9[%dma_start3A_375, %dma_start3A_376] : memref<80x128xf32, #tpu.memory_space<vmem>> -> memref<20x64xf32, #tpu.memory_space<vmem>>
    %dma_start3A_378 = arith.constant 0 : i32
    %dma_start3A_379 = arith.constant 0 : i32
    %dma_start3A_380 = tpu.memref_slice %arg4[%add3A_374, %dma_start3A_378, %dma_start3A_379] : memref<16384x24x128xf32, #tpu.memory_space<hbm>> -> memref<1x20x64xf32, #tpu.memory_space<hbm>>
    %dma_start3A_381 = tpu.memref_squeeze %dma_start3A_380 : memref<1x20x64xf32, #tpu.memory_space<hbm>> -> memref<20x64xf32, #tpu.memory_space<hbm>>
    %dma_start3A_382 = arith.constant 0 : i32
    %dma_start3A_383 = arith.constant 0 : i32
    %dma_start3A_384 = tpu.memref_slice %arg4[%add3A_374, %dma_start3A_382, %dma_start3A_383] : memref<16384x24x128xf32, #tpu.memory_space<hbm>> -> memref<1x20x64xf32, #tpu.memory_space<hbm>>
    %dma_start3A_385 = tpu.memref_squeeze %dma_start3A_384 : memref<1x20x64xf32, #tpu.memory_space<hbm>> -> memref<20x64xf32, #tpu.memory_space<hbm>>
    %dma_start3A_386 = arith.constant 60 : i32
    %dma_start3A_387 = arith.constant 0 : i32
    %dma_start3A_388 = tpu.memref_slice %arg9[%dma_start3A_386, %dma_start3A_387] : memref<80x128xf32, #tpu.memory_space<vmem>> -> memref<20x64xf32, #tpu.memory_space<vmem>>
    tpu.enqueue_dma source(%dma_start3A_388 : memref<20x64xf32, #tpu.memory_space<vmem>>) target(%dma_start3A_385 : memref<20x64xf32, #tpu.memory_space<hbm>>) target_semaphore(%arg25 : memref<!tpu.dma_semaphore, #tpu.memory_space<semaphore_mem>>)
    %dma_wait3A_389 = arith.constant 124 : i32
    %dma_wait3A_390 = arith.constant 0 : i32
    %dma_wait3A_391 = arith.constant 0 : i32
    %dma_wait3A_392 = tpu.memref_slice %arg10[%dma_wait3A_390, %dma_wait3A_391] : memref<80x128xf32, #tpu.memory_space<vmem>> -> memref<80x128xf32, #tpu.memory_space<vmem>>
    %dma_wait3A_393 = arith.constant 0 : i32
    %dma_wait3A_394 = tpu.memref_slice %arg5[%dma_wait3A_389, %dma_wait3A_393] : memref<128x80xi32, #tpu.memory_space<vmem>> -> memref<1x80xi32, #tpu.memory_space<vmem>>
    %dma_wait3A_395 = tpu.memref_squeeze %dma_wait3A_394 : memref<1x80xi32, #tpu.memory_space<vmem>> -> memref<80xi32, #tpu.memory_space<vmem>>
    %dma_wait3A_396 = arith.constant 0 : i32
    %dma_wait3A_397 = arith.constant 0 : i32
    %dma_wait3A_398 = tpu.memref_slice %arg2[%dma_wait3A_396, %dma_wait3A_397] : memref<1000000x128xf32, #tpu.memory_space<hbm>> -> memref<1000000x128xf32, #tpu.memory_space<hbm>>
    tpu.wait_indirect_dma semaphore(%arg18 : memref<!tpu.dma_semaphore, #tpu.memory_space<semaphore_mem>>) src(%dma_wait3A_398 : memref<1000000x128xf32, #tpu.memory_space<hbm>>) dst(%dma_wait3A_392 : memref<80x128xf32, #tpu.memory_space<vmem>>)
    %add3A_399 = arith.constant 496 : i32
    %add3A_400 = arith.addi %mul3A_2, %add3A_399 : i32
    %add3A_401 = arith.constant 0 : i32
    %add3A_402 = arith.addi %add3A_400, %add3A_401 : i32
    %dma_start3A_403 = arith.constant 0 : i32
    %dma_start3A_404 = arith.constant 0 : i32
    %dma_start3A_405 = tpu.memref_slice %arg10[%dma_start3A_403, %dma_start3A_404] : memref<80x128xf32, #tpu.memory_space<vmem>> -> memref<20x64xf32, #tpu.memory_space<vmem>>
    %dma_start3A_406 = arith.constant 0 : i32
    %dma_start3A_407 = arith.constant 0 : i32
    %dma_start3A_408 = tpu.memref_slice %arg4[%add3A_402, %dma_start3A_406, %dma_start3A_407] : memref<16384x24x128xf32, #tpu.memory_space<hbm>> -> memref<1x20x64xf32, #tpu.memory_space<hbm>>
    %dma_start3A_409 = tpu.memref_squeeze %dma_start3A_408 : memref<1x20x64xf32, #tpu.memory_space<hbm>> -> memref<20x64xf32, #tpu.memory_space<hbm>>
    %dma_start3A_410 = arith.constant 0 : i32
    %dma_start3A_411 = arith.constant 0 : i32
    %dma_start3A_412 = tpu.memref_slice %arg4[%add3A_402, %dma_start3A_410, %dma_start3A_411] : memref<16384x24x128xf32, #tpu.memory_space<hbm>> -> memref<1x20x64xf32, #tpu.memory_space<hbm>>
    %dma_start3A_413 = tpu.memref_squeeze %dma_start3A_412 : memref<1x20x64xf32, #tpu.memory_space<hbm>> -> memref<20x64xf32, #tpu.memory_space<hbm>>
    %dma_start3A_414 = arith.constant 0 : i32
    %dma_start3A_415 = arith.constant 0 : i32
    %dma_start3A_416 = tpu.memref_slice %arg10[%dma_start3A_414, %dma_start3A_415] : memref<80x128xf32, #tpu.memory_space<vmem>> -> memref<20x64xf32, #tpu.memory_space<vmem>>
    tpu.enqueue_dma source(%dma_start3A_416 : memref<20x64xf32, #tpu.memory_space<vmem>>) target(%dma_start3A_413 : memref<20x64xf32, #tpu.memory_space<hbm>>) target_semaphore(%arg26 : memref<!tpu.dma_semaphore, #tpu.memory_space<semaphore_mem>>)
    %add3A_417 = arith.constant 1 : i32
    %add3A_418 = arith.addi %add3A_400, %add3A_417 : i32
    %dma_start3A_419 = arith.constant 20 : i32
    %dma_start3A_420 = arith.constant 0 : i32
    %dma_start3A_421 = tpu.memref_slice %arg10[%dma_start3A_419, %dma_start3A_420] : memref<80x128xf32, #tpu.memory_space<vmem>> -> memref<20x64xf32, #tpu.memory_space<vmem>>
    %dma_start3A_422 = arith.constant 0 : i32
    %dma_start3A_423 = arith.constant 0 : i32
    %dma_start3A_424 = tpu.memref_slice %arg4[%add3A_418, %dma_start3A_422, %dma_start3A_423] : memref<16384x24x128xf32, #tpu.memory_space<hbm>> -> memref<1x20x64xf32, #tpu.memory_space<hbm>>
    %dma_start3A_425 = tpu.memref_squeeze %dma_start3A_424 : memref<1x20x64xf32, #tpu.memory_space<hbm>> -> memref<20x64xf32, #tpu.memory_space<hbm>>
    %dma_start3A_426 = arith.constant 0 : i32
    %dma_start3A_427 = arith.constant 0 : i32
    %dma_start3A_428 = tpu.memref_slice %arg4[%add3A_418, %dma_start3A_426, %dma_start3A_427] : memref<16384x24x128xf32, #tpu.memory_space<hbm>> -> memref<1x20x64xf32, #tpu.memory_space<hbm>>
    %dma_start3A_429 = tpu.memref_squeeze %dma_start3A_428 : memref<1x20x64xf32, #tpu.memory_space<hbm>> -> memref<20x64xf32, #tpu.memory_space<hbm>>
    %dma_start3A_430 = arith.constant 20 : i32
    %dma_start3A_431 = arith.constant 0 : i32
    %dma_start3A_432 = tpu.memref_slice %arg10[%dma_start3A_430, %dma_start3A_431] : memref<80x128xf32, #tpu.memory_space<vmem>> -> memref<20x64xf32, #tpu.memory_space<vmem>>
    tpu.enqueue_dma source(%dma_start3A_432 : memref<20x64xf32, #tpu.memory_space<vmem>>) target(%dma_start3A_429 : memref<20x64xf32, #tpu.memory_space<hbm>>) target_semaphore(%arg26 : memref<!tpu.dma_semaphore, #tpu.memory_space<semaphore_mem>>)
    %add3A_433 = arith.constant 2 : i32
    %add3A_434 = arith.addi %add3A_400, %add3A_433 : i32
    %dma_start3A_435 = arith.constant 40 : i32
    %dma_start3A_436 = arith.constant 0 : i32
    %dma_start3A_437 = tpu.memref_slice %arg10[%dma_start3A_435, %dma_start3A_436] : memref<80x128xf32, #tpu.memory_space<vmem>> -> memref<20x64xf32, #tpu.memory_space<vmem>>
    %dma_start3A_438 = arith.constant 0 : i32
    %dma_start3A_439 = arith.constant 0 : i32
    %dma_start3A_440 = tpu.memref_slice %arg4[%add3A_434, %dma_start3A_438, %dma_start3A_439] : memref<16384x24x128xf32, #tpu.memory_space<hbm>> -> memref<1x20x64xf32, #tpu.memory_space<hbm>>
    %dma_start3A_441 = tpu.memref_squeeze %dma_start3A_440 : memref<1x20x64xf32, #tpu.memory_space<hbm>> -> memref<20x64xf32, #tpu.memory_space<hbm>>
    %dma_start3A_442 = arith.constant 0 : i32
    %dma_start3A_443 = arith.constant 0 : i32
    %dma_start3A_444 = tpu.memref_slice %arg4[%add3A_434, %dma_start3A_442, %dma_start3A_443] : memref<16384x24x128xf32, #tpu.memory_space<hbm>> -> memref<1x20x64xf32, #tpu.memory_space<hbm>>
    %dma_start3A_445 = tpu.memref_squeeze %dma_start3A_444 : memref<1x20x64xf32, #tpu.memory_space<hbm>> -> memref<20x64xf32, #tpu.memory_space<hbm>>
    %dma_start3A_446 = arith.constant 40 : i32
    %dma_start3A_447 = arith.constant 0 : i32
    %dma_start3A_448 = tpu.memref_slice %arg10[%dma_start3A_446, %dma_start3A_447] : memref<80x128xf32, #tpu.memory_space<vmem>> -> memref<20x64xf32, #tpu.memory_space<vmem>>
    tpu.enqueue_dma source(%dma_start3A_448 : memref<20x64xf32, #tpu.memory_space<vmem>>) target(%dma_start3A_445 : memref<20x64xf32, #tpu.memory_space<hbm>>) target_semaphore(%arg26 : memref<!tpu.dma_semaphore, #tpu.memory_space<semaphore_mem>>)
    %add3A_449 = arith.constant 3 : i32
    %add3A_450 = arith.addi %add3A_400, %add3A_449 : i32
    %dma_start3A_451 = arith.constant 60 : i32
    %dma_start3A_452 = arith.constant 0 : i32
    %dma_start3A_453 = tpu.memref_slice %arg10[%dma_start3A_451, %dma_start3A_452] : memref<80x128xf32, #tpu.memory_space<vmem>> -> memref<20x64xf32, #tpu.memory_space<vmem>>
    %dma_start3A_454 = arith.constant 0 : i32
    %dma_start3A_455 = arith.constant 0 : i32
    %dma_start3A_456 = tpu.memref_slice %arg4[%add3A_450, %dma_start3A_454, %dma_start3A_455] : memref<16384x24x128xf32, #tpu.memory_space<hbm>> -> memref<1x20x64xf32, #tpu.memory_space<hbm>>
    %dma_start3A_457 = tpu.memref_squeeze %dma_start3A_456 : memref<1x20x64xf32, #tpu.memory_space<hbm>> -> memref<20x64xf32, #tpu.memory_space<hbm>>
    %dma_start3A_458 = arith.constant 0 : i32
    %dma_start3A_459 = arith.constant 0 : i32
    %dma_start3A_460 = tpu.memref_slice %arg4[%add3A_450, %dma_start3A_458, %dma_start3A_459] : memref<16384x24x128xf32, #tpu.memory_space<hbm>> -> memref<1x20x64xf32, #tpu.memory_space<hbm>>
    %dma_start3A_461 = tpu.memref_squeeze %dma_start3A_460 : memref<1x20x64xf32, #tpu.memory_space<hbm>> -> memref<20x64xf32, #tpu.memory_space<hbm>>
    %dma_start3A_462 = arith.constant 60 : i32
    %dma_start3A_463 = arith.constant 0 : i32
    %dma_start3A_464 = tpu.memref_slice %arg10[%dma_start3A_462, %dma_start3A_463] : memref<80x128xf32, #tpu.memory_space<vmem>> -> memref<20x64xf32, #tpu.memory_space<vmem>>
    tpu.enqueue_dma source(%dma_start3A_464 : memref<20x64xf32, #tpu.memory_space<vmem>>) target(%dma_start3A_461 : memref<20x64xf32, #tpu.memory_space<hbm>>) target_semaphore(%arg26 : memref<!tpu.dma_semaphore, #tpu.memory_space<semaphore_mem>>)
    %dma_wait3A_465 = arith.constant 125 : i32
    %dma_wait3A_466 = arith.constant 0 : i32
    %dma_wait3A_467 = arith.constant 0 : i32
    %dma_wait3A_468 = tpu.memref_slice %arg11[%dma_wait3A_466, %dma_wait3A_467] : memref<80x128xf32, #tpu.memory_space<vmem>> -> memref<80x128xf32, #tpu.memory_space<vmem>>
    %dma_wait3A_469 = arith.constant 0 : i32
    %dma_wait3A_470 = tpu.memref_slice %arg5[%dma_wait3A_465, %dma_wait3A_469] : memref<128x80xi32, #tpu.memory_space<vmem>> -> memref<1x80xi32, #tpu.memory_space<vmem>>
    %dma_wait3A_471 = tpu.memref_squeeze %dma_wait3A_470 : memref<1x80xi32, #tpu.memory_space<vmem>> -> memref<80xi32, #tpu.memory_space<vmem>>
    %dma_wait3A_472 = arith.constant 0 : i32
    %dma_wait3A_473 = arith.constant 0 : i32
    %dma_wait3A_474 = tpu.memref_slice %arg2[%dma_wait3A_472, %dma_wait3A_473] : memref<1000000x128xf32, #tpu.memory_space<hbm>> -> memref<1000000x128xf32, #tpu.memory_space<hbm>>
    tpu.wait_indirect_dma semaphore(%arg19 : memref<!tpu.dma_semaphore, #tpu.memory_space<semaphore_mem>>) src(%dma_wait3A_474 : memref<1000000x128xf32, #tpu.memory_space<hbm>>) dst(%dma_wait3A_468 : memref<80x128xf32, #tpu.memory_space<vmem>>)
    %add3A_475 = arith.constant 500 : i32
    %add3A_476 = arith.addi %mul3A_2, %add3A_475 : i32
    %add3A_477 = arith.constant 0 : i32
    %add3A_478 = arith.addi %add3A_476, %add3A_477 : i32
    %dma_start3A_479 = arith.constant 0 : i32
    %dma_start3A_480 = arith.constant 0 : i32
    %dma_start3A_481 = tpu.memref_slice %arg11[%dma_start3A_479, %dma_start3A_480] : memref<80x128xf32, #tpu.memory_space<vmem>> -> memref<20x64xf32, #tpu.memory_space<vmem>>
    %dma_start3A_482 = arith.constant 0 : i32
    %dma_start3A_483 = arith.constant 0 : i32
    %dma_start3A_484 = tpu.memref_slice %arg4[%add3A_478, %dma_start3A_482, %dma_start3A_483] : memref<16384x24x128xf32, #tpu.memory_space<hbm>> -> memref<1x20x64xf32, #tpu.memory_space<hbm>>
    %dma_start3A_485 = tpu.memref_squeeze %dma_start3A_484 : memref<1x20x64xf32, #tpu.memory_space<hbm>> -> memref<20x64xf32, #tpu.memory_space<hbm>>
    %dma_start3A_486 = arith.constant 0 : i32
    %dma_start3A_487 = arith.constant 0 : i32
    %dma_start3A_488 = tpu.memref_slice %arg4[%add3A_478, %dma_start3A_486, %dma_start3A_487] : memref<16384x24x128xf32, #tpu.memory_space<hbm>> -> memref<1x20x64xf32, #tpu.memory_space<hbm>>
    %dma_start3A_489 = tpu.memref_squeeze %dma_start3A_488 : memref<1x20x64xf32, #tpu.memory_space<hbm>> -> memref<20x64xf32, #tpu.memory_space<hbm>>
    %dma_start3A_490 = arith.constant 0 : i32
    %dma_start3A_491 = arith.constant 0 : i32
    %dma_start3A_492 = tpu.memref_slice %arg11[%dma_start3A_490, %dma_start3A_491] : memref<80x128xf32, #tpu.memory_space<vmem>> -> memref<20x64xf32, #tpu.memory_space<vmem>>
    tpu.enqueue_dma source(%dma_start3A_492 : memref<20x64xf32, #tpu.memory_space<vmem>>) target(%dma_start3A_489 : memref<20x64xf32, #tpu.memory_space<hbm>>) target_semaphore(%arg27 : memref<!tpu.dma_semaphore, #tpu.memory_space<semaphore_mem>>)
    %add3A_493 = arith.constant 1 : i32
    %add3A_494 = arith.addi %add3A_476, %add3A_493 : i32
    %dma_start3A_495 = arith.constant 20 : i32
    %dma_start3A_496 = arith.constant 0 : i32
    %dma_start3A_497 = tpu.memref_slice %arg11[%dma_start3A_495, %dma_start3A_496] : memref<80x128xf32, #tpu.memory_space<vmem>> -> memref<20x64xf32, #tpu.memory_space<vmem>>
    %dma_start3A_498 = arith.constant 0 : i32
    %dma_start3A_499 = arith.constant 0 : i32
    %dma_start3A_500 = tpu.memref_slice %arg4[%add3A_494, %dma_start3A_498, %dma_start3A_499] : memref<16384x24x128xf32, #tpu.memory_space<hbm>> -> memref<1x20x64xf32, #tpu.memory_space<hbm>>
    %dma_start3A_501 = tpu.memref_squeeze %dma_start3A_500 : memref<1x20x64xf32, #tpu.memory_space<hbm>> -> memref<20x64xf32, #tpu.memory_space<hbm>>
    %dma_start3A_502 = arith.constant 0 : i32
    %dma_start3A_503 = arith.constant 0 : i32
    %dma_start3A_504 = tpu.memref_slice %arg4[%add3A_494, %dma_start3A_502, %dma_start3A_503] : memref<16384x24x128xf32, #tpu.memory_space<hbm>> -> memref<1x20x64xf32, #tpu.memory_space<hbm>>
    %dma_start3A_505 = tpu.memref_squeeze %dma_start3A_504 : memref<1x20x64xf32, #tpu.memory_space<hbm>> -> memref<20x64xf32, #tpu.memory_space<hbm>>
    %dma_start3A_506 = arith.constant 20 : i32
    %dma_start3A_507 = arith.constant 0 : i32
    %dma_start3A_508 = tpu.memref_slice %arg11[%dma_start3A_506, %dma_start3A_507] : memref<80x128xf32, #tpu.memory_space<vmem>> -> memref<20x64xf32, #tpu.memory_space<vmem>>
    tpu.enqueue_dma source(%dma_start3A_508 : memref<20x64xf32, #tpu.memory_space<vmem>>) target(%dma_start3A_505 : memref<20x64xf32, #tpu.memory_space<hbm>>) target_semaphore(%arg27 : memref<!tpu.dma_semaphore, #tpu.memory_space<semaphore_mem>>)
    %add3A_509 = arith.constant 2 : i32
    %add3A_510 = arith.addi %add3A_476, %add3A_509 : i32
    %dma_start3A_511 = arith.constant 40 : i32
    %dma_start3A_512 = arith.constant 0 : i32
    %dma_start3A_513 = tpu.memref_slice %arg11[%dma_start3A_511, %dma_start3A_512] : memref<80x128xf32, #tpu.memory_space<vmem>> -> memref<20x64xf32, #tpu.memory_space<vmem>>
    %dma_start3A_514 = arith.constant 0 : i32
    %dma_start3A_515 = arith.constant 0 : i32
    %dma_start3A_516 = tpu.memref_slice %arg4[%add3A_510, %dma_start3A_514, %dma_start3A_515] : memref<16384x24x128xf32, #tpu.memory_space<hbm>> -> memref<1x20x64xf32, #tpu.memory_space<hbm>>
    %dma_start3A_517 = tpu.memref_squeeze %dma_start3A_516 : memref<1x20x64xf32, #tpu.memory_space<hbm>> -> memref<20x64xf32, #tpu.memory_space<hbm>>
    %dma_start3A_518 = arith.constant 0 : i32
    %dma_start3A_519 = arith.constant 0 : i32
    %dma_start3A_520 = tpu.memref_slice %arg4[%add3A_510, %dma_start3A_518, %dma_start3A_519] : memref<16384x24x128xf32, #tpu.memory_space<hbm>> -> memref<1x20x64xf32, #tpu.memory_space<hbm>>
    %dma_start3A_521 = tpu.memref_squeeze %dma_start3A_520 : memref<1x20x64xf32, #tpu.memory_space<hbm>> -> memref<20x64xf32, #tpu.memory_space<hbm>>
    %dma_start3A_522 = arith.constant 40 : i32
    %dma_start3A_523 = arith.constant 0 : i32
    %dma_start3A_524 = tpu.memref_slice %arg11[%dma_start3A_522, %dma_start3A_523] : memref<80x128xf32, #tpu.memory_space<vmem>> -> memref<20x64xf32, #tpu.memory_space<vmem>>
    tpu.enqueue_dma source(%dma_start3A_524 : memref<20x64xf32, #tpu.memory_space<vmem>>) target(%dma_start3A_521 : memref<20x64xf32, #tpu.memory_space<hbm>>) target_semaphore(%arg27 : memref<!tpu.dma_semaphore, #tpu.memory_space<semaphore_mem>>)
    %add3A_525 = arith.constant 3 : i32
    %add3A_526 = arith.addi %add3A_476, %add3A_525 : i32
    %dma_start3A_527 = arith.constant 60 : i32
    %dma_start3A_528 = arith.constant 0 : i32
    %dma_start3A_529 = tpu.memref_slice %arg11[%dma_start3A_527, %dma_start3A_528] : memref<80x128xf32, #tpu.memory_space<vmem>> -> memref<20x64xf32, #tpu.memory_space<vmem>>
    %dma_start3A_530 = arith.constant 0 : i32
    %dma_start3A_531 = arith.constant 0 : i32
    %dma_start3A_532 = tpu.memref_slice %arg4[%add3A_526, %dma_start3A_530, %dma_start3A_531] : memref<16384x24x128xf32, #tpu.memory_space<hbm>> -> memref<1x20x64xf32, #tpu.memory_space<hbm>>
    %dma_start3A_533 = tpu.memref_squeeze %dma_start3A_532 : memref<1x20x64xf32, #tpu.memory_space<hbm>> -> memref<20x64xf32, #tpu.memory_space<hbm>>
    %dma_start3A_534 = arith.constant 0 : i32
    %dma_start3A_535 = arith.constant 0 : i32
    %dma_start3A_536 = tpu.memref_slice %arg4[%add3A_526, %dma_start3A_534, %dma_start3A_535] : memref<16384x24x128xf32, #tpu.memory_space<hbm>> -> memref<1x20x64xf32, #tpu.memory_space<hbm>>
    %dma_start3A_537 = tpu.memref_squeeze %dma_start3A_536 : memref<1x20x64xf32, #tpu.memory_space<hbm>> -> memref<20x64xf32, #tpu.memory_space<hbm>>
    %dma_start3A_538 = arith.constant 60 : i32
    %dma_start3A_539 = arith.constant 0 : i32
    %dma_start3A_540 = tpu.memref_slice %arg11[%dma_start3A_538, %dma_start3A_539] : memref<80x128xf32, #tpu.memory_space<vmem>> -> memref<20x64xf32, #tpu.memory_space<vmem>>
    tpu.enqueue_dma source(%dma_start3A_540 : memref<20x64xf32, #tpu.memory_space<vmem>>) target(%dma_start3A_537 : memref<20x64xf32, #tpu.memory_space<hbm>>) target_semaphore(%arg27 : memref<!tpu.dma_semaphore, #tpu.memory_space<semaphore_mem>>)
    %dma_wait3A_541 = arith.constant 126 : i32
    %dma_wait3A_542 = arith.constant 0 : i32
    %dma_wait3A_543 = arith.constant 0 : i32
    %dma_wait3A_544 = tpu.memref_slice %arg12[%dma_wait3A_542, %dma_wait3A_543] : memref<80x128xf32, #tpu.memory_space<vmem>> -> memref<80x128xf32, #tpu.memory_space<vmem>>
    %dma_wait3A_545 = arith.constant 0 : i32
    %dma_wait3A_546 = tpu.memref_slice %arg5[%dma_wait3A_541, %dma_wait3A_545] : memref<128x80xi32, #tpu.memory_space<vmem>> -> memref<1x80xi32, #tpu.memory_space<vmem>>
    %dma_wait3A_547 = tpu.memref_squeeze %dma_wait3A_546 : memref<1x80xi32, #tpu.memory_space<vmem>> -> memref<80xi32, #tpu.memory_space<vmem>>
    %dma_wait3A_548 = arith.constant 0 : i32
    %dma_wait3A_549 = arith.constant 0 : i32
    %dma_wait3A_550 = tpu.memref_slice %arg2[%dma_wait3A_548, %dma_wait3A_549] : memref<1000000x128xf32, #tpu.memory_space<hbm>> -> memref<1000000x128xf32, #tpu.memory_space<hbm>>
    tpu.wait_indirect_dma semaphore(%arg20 : memref<!tpu.dma_semaphore, #tpu.memory_space<semaphore_mem>>) src(%dma_wait3A_550 : memref<1000000x128xf32, #tpu.memory_space<hbm>>) dst(%dma_wait3A_544 : memref<80x128xf32, #tpu.memory_space<vmem>>)
    %add3A_551 = arith.constant 504 : i32
    %add3A_552 = arith.addi %mul3A_2, %add3A_551 : i32
    %add3A_553 = arith.constant 0 : i32
    %add3A_554 = arith.addi %add3A_552, %add3A_553 : i32
    %dma_start3A_555 = arith.constant 0 : i32
    %dma_start3A_556 = arith.constant 0 : i32
    %dma_start3A_557 = tpu.memref_slice %arg12[%dma_start3A_555, %dma_start3A_556] : memref<80x128xf32, #tpu.memory_space<vmem>> -> memref<20x64xf32, #tpu.memory_space<vmem>>
    %dma_start3A_558 = arith.constant 0 : i32
    %dma_start3A_559 = arith.constant 0 : i32
    %dma_start3A_560 = tpu.memref_slice %arg4[%add3A_554, %dma_start3A_558, %dma_start3A_559] : memref<16384x24x128xf32, #tpu.memory_space<hbm>> -> memref<1x20x64xf32, #tpu.memory_space<hbm>>
    %dma_start3A_561 = tpu.memref_squeeze %dma_start3A_560 : memref<1x20x64xf32, #tpu.memory_space<hbm>> -> memref<20x64xf32, #tpu.memory_space<hbm>>
    %dma_start3A_562 = arith.constant 0 : i32
    %dma_start3A_563 = arith.constant 0 : i32
    %dma_start3A_564 = tpu.memref_slice %arg4[%add3A_554, %dma_start3A_562, %dma_start3A_563] : memref<16384x24x128xf32, #tpu.memory_space<hbm>> -> memref<1x20x64xf32, #tpu.memory_space<hbm>>
    %dma_start3A_565 = tpu.memref_squeeze %dma_start3A_564 : memref<1x20x64xf32, #tpu.memory_space<hbm>> -> memref<20x64xf32, #tpu.memory_space<hbm>>
    %dma_start3A_566 = arith.constant 0 : i32
    %dma_start3A_567 = arith.constant 0 : i32
    %dma_start3A_568 = tpu.memref_slice %arg12[%dma_start3A_566, %dma_start3A_567] : memref<80x128xf32, #tpu.memory_space<vmem>> -> memref<20x64xf32, #tpu.memory_space<vmem>>
    tpu.enqueue_dma source(%dma_start3A_568 : memref<20x64xf32, #tpu.memory_space<vmem>>) target(%dma_start3A_565 : memref<20x64xf32, #tpu.memory_space<hbm>>) target_semaphore(%arg28 : memref<!tpu.dma_semaphore, #tpu.memory_space<semaphore_mem>>)
    %add3A_569 = arith.constant 1 : i32
    %add3A_570 = arith.addi %add3A_552, %add3A_569 : i32
    %dma_start3A_571 = arith.constant 20 : i32
    %dma_start3A_572 = arith.constant 0 : i32
    %dma_start3A_573 = tpu.memref_slice %arg12[%dma_start3A_571, %dma_start3A_572] : memref<80x128xf32, #tpu.memory_space<vmem>> -> memref<20x64xf32, #tpu.memory_space<vmem>>
    %dma_start3A_574 = arith.constant 0 : i32
    %dma_start3A_575 = arith.constant 0 : i32
    %dma_start3A_576 = tpu.memref_slice %arg4[%add3A_570, %dma_start3A_574, %dma_start3A_575] : memref<16384x24x128xf32, #tpu.memory_space<hbm>> -> memref<1x20x64xf32, #tpu.memory_space<hbm>>
    %dma_start3A_577 = tpu.memref_squeeze %dma_start3A_576 : memref<1x20x64xf32, #tpu.memory_space<hbm>> -> memref<20x64xf32, #tpu.memory_space<hbm>>
    %dma_start3A_578 = arith.constant 0 : i32
    %dma_start3A_579 = arith.constant 0 : i32
    %dma_start3A_580 = tpu.memref_slice %arg4[%add3A_570, %dma_start3A_578, %dma_start3A_579] : memref<16384x24x128xf32, #tpu.memory_space<hbm>> -> memref<1x20x64xf32, #tpu.memory_space<hbm>>
    %dma_start3A_581 = tpu.memref_squeeze %dma_start3A_580 : memref<1x20x64xf32, #tpu.memory_space<hbm>> -> memref<20x64xf32, #tpu.memory_space<hbm>>
    %dma_start3A_582 = arith.constant 20 : i32
    %dma_start3A_583 = arith.constant 0 : i32
    %dma_start3A_584 = tpu.memref_slice %arg12[%dma_start3A_582, %dma_start3A_583] : memref<80x128xf32, #tpu.memory_space<vmem>> -> memref<20x64xf32, #tpu.memory_space<vmem>>
    tpu.enqueue_dma source(%dma_start3A_584 : memref<20x64xf32, #tpu.memory_space<vmem>>) target(%dma_start3A_581 : memref<20x64xf32, #tpu.memory_space<hbm>>) target_semaphore(%arg28 : memref<!tpu.dma_semaphore, #tpu.memory_space<semaphore_mem>>)
    %add3A_585 = arith.constant 2 : i32
    %add3A_586 = arith.addi %add3A_552, %add3A_585 : i32
    %dma_start3A_587 = arith.constant 40 : i32
    %dma_start3A_588 = arith.constant 0 : i32
    %dma_start3A_589 = tpu.memref_slice %arg12[%dma_start3A_587, %dma_start3A_588] : memref<80x128xf32, #tpu.memory_space<vmem>> -> memref<20x64xf32, #tpu.memory_space<vmem>>
    %dma_start3A_590 = arith.constant 0 : i32
    %dma_start3A_591 = arith.constant 0 : i32
    %dma_start3A_592 = tpu.memref_slice %arg4[%add3A_586, %dma_start3A_590, %dma_start3A_591] : memref<16384x24x128xf32, #tpu.memory_space<hbm>> -> memref<1x20x64xf32, #tpu.memory_space<hbm>>
    %dma_start3A_593 = tpu.memref_squeeze %dma_start3A_592 : memref<1x20x64xf32, #tpu.memory_space<hbm>> -> memref<20x64xf32, #tpu.memory_space<hbm>>
    %dma_start3A_594 = arith.constant 0 : i32
    %dma_start3A_595 = arith.constant 0 : i32
    %dma_start3A_596 = tpu.memref_slice %arg4[%add3A_586, %dma_start3A_594, %dma_start3A_595] : memref<16384x24x128xf32, #tpu.memory_space<hbm>> -> memref<1x20x64xf32, #tpu.memory_space<hbm>>
    %dma_start3A_597 = tpu.memref_squeeze %dma_start3A_596 : memref<1x20x64xf32, #tpu.memory_space<hbm>> -> memref<20x64xf32, #tpu.memory_space<hbm>>
    %dma_start3A_598 = arith.constant 40 : i32
    %dma_start3A_599 = arith.constant 0 : i32
    %dma_start3A_600 = tpu.memref_slice %arg12[%dma_start3A_598, %dma_start3A_599] : memref<80x128xf32, #tpu.memory_space<vmem>> -> memref<20x64xf32, #tpu.memory_space<vmem>>
    tpu.enqueue_dma source(%dma_start3A_600 : memref<20x64xf32, #tpu.memory_space<vmem>>) target(%dma_start3A_597 : memref<20x64xf32, #tpu.memory_space<hbm>>) target_semaphore(%arg28 : memref<!tpu.dma_semaphore, #tpu.memory_space<semaphore_mem>>)
    %add3A_601 = arith.constant 3 : i32
    %add3A_602 = arith.addi %add3A_552, %add3A_601 : i32
    %dma_start3A_603 = arith.constant 60 : i32
    %dma_start3A_604 = arith.constant 0 : i32
    %dma_start3A_605 = tpu.memref_slice %arg12[%dma_start3A_603, %dma_start3A_604] : memref<80x128xf32, #tpu.memory_space<vmem>> -> memref<20x64xf32, #tpu.memory_space<vmem>>
    %dma_start3A_606 = arith.constant 0 : i32
    %dma_start3A_607 = arith.constant 0 : i32
    %dma_start3A_608 = tpu.memref_slice %arg4[%add3A_602, %dma_start3A_606, %dma_start3A_607] : memref<16384x24x128xf32, #tpu.memory_space<hbm>> -> memref<1x20x64xf32, #tpu.memory_space<hbm>>
    %dma_start3A_609 = tpu.memref_squeeze %dma_start3A_608 : memref<1x20x64xf32, #tpu.memory_space<hbm>> -> memref<20x64xf32, #tpu.memory_space<hbm>>
    %dma_start3A_610 = arith.constant 0 : i32
    %dma_start3A_611 = arith.constant 0 : i32
    %dma_start3A_612 = tpu.memref_slice %arg4[%add3A_602, %dma_start3A_610, %dma_start3A_611] : memref<16384x24x128xf32, #tpu.memory_space<hbm>> -> memref<1x20x64xf32, #tpu.memory_space<hbm>>
    %dma_start3A_613 = tpu.memref_squeeze %dma_start3A_612 : memref<1x20x64xf32, #tpu.memory_space<hbm>> -> memref<20x64xf32, #tpu.memory_space<hbm>>
    %dma_start3A_614 = arith.constant 60 : i32
    %dma_start3A_615 = arith.constant 0 : i32
    %dma_start3A_616 = tpu.memref_slice %arg12[%dma_start3A_614, %dma_start3A_615] : memref<80x128xf32, #tpu.memory_space<vmem>> -> memref<20x64xf32, #tpu.memory_space<vmem>>
    tpu.enqueue_dma source(%dma_start3A_616 : memref<20x64xf32, #tpu.memory_space<vmem>>) target(%dma_start3A_613 : memref<20x64xf32, #tpu.memory_space<hbm>>) target_semaphore(%arg28 : memref<!tpu.dma_semaphore, #tpu.memory_space<semaphore_mem>>)
    %dma_wait3A_617 = arith.constant 127 : i32
    %dma_wait3A_618 = arith.constant 0 : i32
    %dma_wait3A_619 = arith.constant 0 : i32
    %dma_wait3A_620 = tpu.memref_slice %arg13[%dma_wait3A_618, %dma_wait3A_619] : memref<80x128xf32, #tpu.memory_space<vmem>> -> memref<80x128xf32, #tpu.memory_space<vmem>>
    %dma_wait3A_621 = arith.constant 0 : i32
    %dma_wait3A_622 = tpu.memref_slice %arg5[%dma_wait3A_617, %dma_wait3A_621] : memref<128x80xi32, #tpu.memory_space<vmem>> -> memref<1x80xi32, #tpu.memory_space<vmem>>
    %dma_wait3A_623 = tpu.memref_squeeze %dma_wait3A_622 : memref<1x80xi32, #tpu.memory_space<vmem>> -> memref<80xi32, #tpu.memory_space<vmem>>
    %dma_wait3A_624 = arith.constant 0 : i32
    %dma_wait3A_625 = arith.constant 0 : i32
    %dma_wait3A_626 = tpu.memref_slice %arg2[%dma_wait3A_624, %dma_wait3A_625] : memref<1000000x128xf32, #tpu.memory_space<hbm>> -> memref<1000000x128xf32, #tpu.memory_space<hbm>>
    tpu.wait_indirect_dma semaphore(%arg21 : memref<!tpu.dma_semaphore, #tpu.memory_space<semaphore_mem>>) src(%dma_wait3A_626 : memref<1000000x128xf32, #tpu.memory_space<hbm>>) dst(%dma_wait3A_620 : memref<80x128xf32, #tpu.memory_space<vmem>>)
    %add3A_627 = arith.constant 508 : i32
    %add3A_628 = arith.addi %mul3A_2, %add3A_627 : i32
    %add3A_629 = arith.constant 0 : i32
    %add3A_630 = arith.addi %add3A_628, %add3A_629 : i32
    %dma_start3A_631 = arith.constant 0 : i32
    %dma_start3A_632 = arith.constant 0 : i32
    %dma_start3A_633 = tpu.memref_slice %arg13[%dma_start3A_631, %dma_start3A_632] : memref<80x128xf32, #tpu.memory_space<vmem>> -> memref<20x64xf32, #tpu.memory_space<vmem>>
    %dma_start3A_634 = arith.constant 0 : i32
    %dma_start3A_635 = arith.constant 0 : i32
    %dma_start3A_636 = tpu.memref_slice %arg4[%add3A_630, %dma_start3A_634, %dma_start3A_635] : memref<16384x24x128xf32, #tpu.memory_space<hbm>> -> memref<1x20x64xf32, #tpu.memory_space<hbm>>
    %dma_start3A_637 = tpu.memref_squeeze %dma_start3A_636 : memref<1x20x64xf32, #tpu.memory_space<hbm>> -> memref<20x64xf32, #tpu.memory_space<hbm>>
    %dma_start3A_638 = arith.constant 0 : i32
    %dma_start3A_639 = arith.constant 0 : i32
    %dma_start3A_640 = tpu.memref_slice %arg4[%add3A_630, %dma_start3A_638, %dma_start3A_639] : memref<16384x24x128xf32, #tpu.memory_space<hbm>> -> memref<1x20x64xf32, #tpu.memory_space<hbm>>
    %dma_start3A_641 = tpu.memref_squeeze %dma_start3A_640 : memref<1x20x64xf32, #tpu.memory_space<hbm>> -> memref<20x64xf32, #tpu.memory_space<hbm>>
    %dma_start3A_642 = arith.constant 0 : i32
    %dma_start3A_643 = arith.constant 0 : i32
    %dma_start3A_644 = tpu.memref_slice %arg13[%dma_start3A_642, %dma_start3A_643] : memref<80x128xf32, #tpu.memory_space<vmem>> -> memref<20x64xf32, #tpu.memory_space<vmem>>
    tpu.enqueue_dma source(%dma_start3A_644 : memref<20x64xf32, #tpu.memory_space<vmem>>) target(%dma_start3A_641 : memref<20x64xf32, #tpu.memory_space<hbm>>) target_semaphore(%arg29 : memref<!tpu.dma_semaphore, #tpu.memory_space<semaphore_mem>>)
    %add3A_645 = arith.constant 1 : i32
    %add3A_646 = arith.addi %add3A_628, %add3A_645 : i32
    %dma_start3A_647 = arith.constant 20 : i32
    %dma_start3A_648 = arith.constant 0 : i32
    %dma_start3A_649 = tpu.memref_slice %arg13[%dma_start3A_647, %dma_start3A_648] : memref<80x128xf32, #tpu.memory_space<vmem>> -> memref<20x64xf32, #tpu.memory_space<vmem>>
    %dma_start3A_650 = arith.constant 0 : i32
    %dma_start3A_651 = arith.constant 0 : i32
    %dma_start3A_652 = tpu.memref_slice %arg4[%add3A_646, %dma_start3A_650, %dma_start3A_651] : memref<16384x24x128xf32, #tpu.memory_space<hbm>> -> memref<1x20x64xf32, #tpu.memory_space<hbm>>
    %dma_start3A_653 = tpu.memref_squeeze %dma_start3A_652 : memref<1x20x64xf32, #tpu.memory_space<hbm>> -> memref<20x64xf32, #tpu.memory_space<hbm>>
    %dma_start3A_654 = arith.constant 0 : i32
    %dma_start3A_655 = arith.constant 0 : i32
    %dma_start3A_656 = tpu.memref_slice %arg4[%add3A_646, %dma_start3A_654, %dma_start3A_655] : memref<16384x24x128xf32, #tpu.memory_space<hbm>> -> memref<1x20x64xf32, #tpu.memory_space<hbm>>
    %dma_start3A_657 = tpu.memref_squeeze %dma_start3A_656 : memref<1x20x64xf32, #tpu.memory_space<hbm>> -> memref<20x64xf32, #tpu.memory_space<hbm>>
    %dma_start3A_658 = arith.constant 20 : i32
    %dma_start3A_659 = arith.constant 0 : i32
    %dma_start3A_660 = tpu.memref_slice %arg13[%dma_start3A_658, %dma_start3A_659] : memref<80x128xf32, #tpu.memory_space<vmem>> -> memref<20x64xf32, #tpu.memory_space<vmem>>
    tpu.enqueue_dma source(%dma_start3A_660 : memref<20x64xf32, #tpu.memory_space<vmem>>) target(%dma_start3A_657 : memref<20x64xf32, #tpu.memory_space<hbm>>) target_semaphore(%arg29 : memref<!tpu.dma_semaphore, #tpu.memory_space<semaphore_mem>>)
    %add3A_661 = arith.constant 2 : i32
    %add3A_662 = arith.addi %add3A_628, %add3A_661 : i32
    %dma_start3A_663 = arith.constant 40 : i32
    %dma_start3A_664 = arith.constant 0 : i32
    %dma_start3A_665 = tpu.memref_slice %arg13[%dma_start3A_663, %dma_start3A_664] : memref<80x128xf32, #tpu.memory_space<vmem>> -> memref<20x64xf32, #tpu.memory_space<vmem>>
    %dma_start3A_666 = arith.constant 0 : i32
    %dma_start3A_667 = arith.constant 0 : i32
    %dma_start3A_668 = tpu.memref_slice %arg4[%add3A_662, %dma_start3A_666, %dma_start3A_667] : memref<16384x24x128xf32, #tpu.memory_space<hbm>> -> memref<1x20x64xf32, #tpu.memory_space<hbm>>
    %dma_start3A_669 = tpu.memref_squeeze %dma_start3A_668 : memref<1x20x64xf32, #tpu.memory_space<hbm>> -> memref<20x64xf32, #tpu.memory_space<hbm>>
    %dma_start3A_670 = arith.constant 0 : i32
    %dma_start3A_671 = arith.constant 0 : i32
    %dma_start3A_672 = tpu.memref_slice %arg4[%add3A_662, %dma_start3A_670, %dma_start3A_671] : memref<16384x24x128xf32, #tpu.memory_space<hbm>> -> memref<1x20x64xf32, #tpu.memory_space<hbm>>
    %dma_start3A_673 = tpu.memref_squeeze %dma_start3A_672 : memref<1x20x64xf32, #tpu.memory_space<hbm>> -> memref<20x64xf32, #tpu.memory_space<hbm>>
    %dma_start3A_674 = arith.constant 40 : i32
    %dma_start3A_675 = arith.constant 0 : i32
    %dma_start3A_676 = tpu.memref_slice %arg13[%dma_start3A_674, %dma_start3A_675] : memref<80x128xf32, #tpu.memory_space<vmem>> -> memref<20x64xf32, #tpu.memory_space<vmem>>
    tpu.enqueue_dma source(%dma_start3A_676 : memref<20x64xf32, #tpu.memory_space<vmem>>) target(%dma_start3A_673 : memref<20x64xf32, #tpu.memory_space<hbm>>) target_semaphore(%arg29 : memref<!tpu.dma_semaphore, #tpu.memory_space<semaphore_mem>>)
    %add3A_677 = arith.constant 3 : i32
    %add3A_678 = arith.addi %add3A_628, %add3A_677 : i32
    %dma_start3A_679 = arith.constant 60 : i32
    %dma_start3A_680 = arith.constant 0 : i32
    %dma_start3A_681 = tpu.memref_slice %arg13[%dma_start3A_679, %dma_start3A_680] : memref<80x128xf32, #tpu.memory_space<vmem>> -> memref<20x64xf32, #tpu.memory_space<vmem>>
    %dma_start3A_682 = arith.constant 0 : i32
    %dma_start3A_683 = arith.constant 0 : i32
    %dma_start3A_684 = tpu.memref_slice %arg4[%add3A_678, %dma_start3A_682, %dma_start3A_683] : memref<16384x24x128xf32, #tpu.memory_space<hbm>> -> memref<1x20x64xf32, #tpu.memory_space<hbm>>
    %dma_start3A_685 = tpu.memref_squeeze %dma_start3A_684 : memref<1x20x64xf32, #tpu.memory_space<hbm>> -> memref<20x64xf32, #tpu.memory_space<hbm>>
    %dma_start3A_686 = arith.constant 0 : i32
    %dma_start3A_687 = arith.constant 0 : i32
    %dma_start3A_688 = tpu.memref_slice %arg4[%add3A_678, %dma_start3A_686, %dma_start3A_687] : memref<16384x24x128xf32, #tpu.memory_space<hbm>> -> memref<1x20x64xf32, #tpu.memory_space<hbm>>
    %dma_start3A_689 = tpu.memref_squeeze %dma_start3A_688 : memref<1x20x64xf32, #tpu.memory_space<hbm>> -> memref<20x64xf32, #tpu.memory_space<hbm>>
    %dma_start3A_690 = arith.constant 60 : i32
    %dma_start3A_691 = arith.constant 0 : i32
    %dma_start3A_692 = tpu.memref_slice %arg13[%dma_start3A_690, %dma_start3A_691] : memref<80x128xf32, #tpu.memory_space<vmem>> -> memref<20x64xf32, #tpu.memory_space<vmem>>
    tpu.enqueue_dma source(%dma_start3A_692 : memref<20x64xf32, #tpu.memory_space<vmem>>) target(%dma_start3A_689 : memref<20x64xf32, #tpu.memory_space<hbm>>) target_semaphore(%arg29 : memref<!tpu.dma_semaphore, #tpu.memory_space<semaphore_mem>>)
    %add3A_693 = arith.constant 480 : i32
    %add3A_694 = arith.addi %mul3A_2, %add3A_693 : i32
    %add3A_695 = arith.constant 0 : i32
    %add3A_696 = arith.addi %add3A_694, %add3A_695 : i32
    %dma_wait3A_697 = arith.constant 0 : i32
    %dma_wait3A_698 = arith.constant 0 : i32
    %dma_wait3A_699 = tpu.memref_slice %arg6[%dma_wait3A_697, %dma_wait3A_698] : memref<80x128xf32, #tpu.memory_space<vmem>> -> memref<20x64xf32, #tpu.memory_space<vmem>>
    %dma_wait3A_700 = arith.constant 0 : i32
    %dma_wait3A_701 = arith.constant 0 : i32
    %dma_wait3A_702 = tpu.memref_slice %arg4[%add3A_696, %dma_wait3A_700, %dma_wait3A_701] : memref<16384x24x128xf32, #tpu.memory_space<hbm>> -> memref<1x20x64xf32, #tpu.memory_space<hbm>>
    %dma_wait3A_703 = tpu.memref_squeeze %dma_wait3A_702 : memref<1x20x64xf32, #tpu.memory_space<hbm>> -> memref<20x64xf32, #tpu.memory_space<hbm>>
    %dma_wait3A_704 = arith.constant 0 : i32
    %dma_wait3A_705 = arith.constant 0 : i32
    %dma_wait3A_706 = tpu.memref_slice %arg4[%add3A_696, %dma_wait3A_704, %dma_wait3A_705] : memref<16384x24x128xf32, #tpu.memory_space<hbm>> -> memref<1x20x64xf32, #tpu.memory_space<hbm>>
    %dma_wait3A_707 = tpu.memref_squeeze %dma_wait3A_706 : memref<1x20x64xf32, #tpu.memory_space<hbm>> -> memref<20x64xf32, #tpu.memory_space<hbm>>
    %dma_wait3A_708 = arith.constant 0 : i32
    %dma_wait3A_709 = arith.constant 0 : i32
    %dma_wait3A_710 = tpu.memref_slice %arg6[%dma_wait3A_708, %dma_wait3A_709] : memref<80x128xf32, #tpu.memory_space<vmem>> -> memref<20x64xf32, #tpu.memory_space<vmem>>
    tpu.wait_dma2 semaphore(%arg22 : memref<!tpu.dma_semaphore, #tpu.memory_space<semaphore_mem>>) src(%dma_wait3A_710 : memref<20x64xf32, #tpu.memory_space<vmem>>) dst(%dma_wait3A_707 : memref<20x64xf32, #tpu.memory_space<hbm>>)
    %add3A_711 = arith.constant 1 : i32
    %add3A_712 = arith.addi %add3A_694, %add3A_711 : i32
    %dma_wait3A_713 = arith.constant 20 : i32
    %dma_wait3A_714 = arith.constant 0 : i32
    %dma_wait3A_715 = tpu.memref_slice %arg6[%dma_wait3A_713, %dma_wait3A_714] : memref<80x128xf32, #tpu.memory_space<vmem>> -> memref<20x64xf32, #tpu.memory_space<vmem>>
    %dma_wait3A_716 = arith.constant 0 : i32
    %dma_wait3A_717 = arith.constant 0 : i32
    %dma_wait3A_718 = tpu.memref_slice %arg4[%add3A_712, %dma_wait3A_716, %dma_wait3A_717] : memref<16384x24x128xf32, #tpu.memory_space<hbm>> -> memref<1x20x64xf32, #tpu.memory_space<hbm>>
    %dma_wait3A_719 = tpu.memref_squeeze %dma_wait3A_718 : memref<1x20x64xf32, #tpu.memory_space<hbm>> -> memref<20x64xf32, #tpu.memory_space<hbm>>
    %dma_wait3A_720 = arith.constant 0 : i32
    %dma_wait3A_721 = arith.constant 0 : i32
    %dma_wait3A_722 = tpu.memref_slice %arg4[%add3A_712, %dma_wait3A_720, %dma_wait3A_721] : memref<16384x24x128xf32, #tpu.memory_space<hbm>> -> memref<1x20x64xf32, #tpu.memory_space<hbm>>
    %dma_wait3A_723 = tpu.memref_squeeze %dma_wait3A_722 : memref<1x20x64xf32, #tpu.memory_space<hbm>> -> memref<20x64xf32, #tpu.memory_space<hbm>>
    %dma_wait3A_724 = arith.constant 20 : i32
    %dma_wait3A_725 = arith.constant 0 : i32
    %dma_wait3A_726 = tpu.memref_slice %arg6[%dma_wait3A_724, %dma_wait3A_725] : memref<80x128xf32, #tpu.memory_space<vmem>> -> memref<20x64xf32, #tpu.memory_space<vmem>>
    tpu.wait_dma2 semaphore(%arg22 : memref<!tpu.dma_semaphore, #tpu.memory_space<semaphore_mem>>) src(%dma_wait3A_726 : memref<20x64xf32, #tpu.memory_space<vmem>>) dst(%dma_wait3A_723 : memref<20x64xf32, #tpu.memory_space<hbm>>)
    %add3A_727 = arith.constant 2 : i32
    %add3A_728 = arith.addi %add3A_694, %add3A_727 : i32
    %dma_wait3A_729 = arith.constant 40 : i32
    %dma_wait3A_730 = arith.constant 0 : i32
    %dma_wait3A_731 = tpu.memref_slice %arg6[%dma_wait3A_729, %dma_wait3A_730] : memref<80x128xf32, #tpu.memory_space<vmem>> -> memref<20x64xf32, #tpu.memory_space<vmem>>
    %dma_wait3A_732 = arith.constant 0 : i32
    %dma_wait3A_733 = arith.constant 0 : i32
    %dma_wait3A_734 = tpu.memref_slice %arg4[%add3A_728, %dma_wait3A_732, %dma_wait3A_733] : memref<16384x24x128xf32, #tpu.memory_space<hbm>> -> memref<1x20x64xf32, #tpu.memory_space<hbm>>
    %dma_wait3A_735 = tpu.memref_squeeze %dma_wait3A_734 : memref<1x20x64xf32, #tpu.memory_space<hbm>> -> memref<20x64xf32, #tpu.memory_space<hbm>>
    %dma_wait3A_736 = arith.constant 0 : i32
    %dma_wait3A_737 = arith.constant 0 : i32
    %dma_wait3A_738 = tpu.memref_slice %arg4[%add3A_728, %dma_wait3A_736, %dma_wait3A_737] : memref<16384x24x128xf32, #tpu.memory_space<hbm>> -> memref<1x20x64xf32, #tpu.memory_space<hbm>>
    %dma_wait3A_739 = tpu.memref_squeeze %dma_wait3A_738 : memref<1x20x64xf32, #tpu.memory_space<hbm>> -> memref<20x64xf32, #tpu.memory_space<hbm>>
    %dma_wait3A_740 = arith.constant 40 : i32
    %dma_wait3A_741 = arith.constant 0 : i32
    %dma_wait3A_742 = tpu.memref_slice %arg6[%dma_wait3A_740, %dma_wait3A_741] : memref<80x128xf32, #tpu.memory_space<vmem>> -> memref<20x64xf32, #tpu.memory_space<vmem>>
    tpu.wait_dma2 semaphore(%arg22 : memref<!tpu.dma_semaphore, #tpu.memory_space<semaphore_mem>>) src(%dma_wait3A_742 : memref<20x64xf32, #tpu.memory_space<vmem>>) dst(%dma_wait3A_739 : memref<20x64xf32, #tpu.memory_space<hbm>>)
    %add3A_743 = arith.constant 3 : i32
    %add3A_744 = arith.addi %add3A_694, %add3A_743 : i32
    %dma_wait3A_745 = arith.constant 60 : i32
    %dma_wait3A_746 = arith.constant 0 : i32
    %dma_wait3A_747 = tpu.memref_slice %arg6[%dma_wait3A_745, %dma_wait3A_746] : memref<80x128xf32, #tpu.memory_space<vmem>> -> memref<20x64xf32, #tpu.memory_space<vmem>>
    %dma_wait3A_748 = arith.constant 0 : i32
    %dma_wait3A_749 = arith.constant 0 : i32
    %dma_wait3A_750 = tpu.memref_slice %arg4[%add3A_744, %dma_wait3A_748, %dma_wait3A_749] : memref<16384x24x128xf32, #tpu.memory_space<hbm>> -> memref<1x20x64xf32, #tpu.memory_space<hbm>>
    %dma_wait3A_751 = tpu.memref_squeeze %dma_wait3A_750 : memref<1x20x64xf32, #tpu.memory_space<hbm>> -> memref<20x64xf32, #tpu.memory_space<hbm>>
    %dma_wait3A_752 = arith.constant 0 : i32
    %dma_wait3A_753 = arith.constant 0 : i32
    %dma_wait3A_754 = tpu.memref_slice %arg4[%add3A_744, %dma_wait3A_752, %dma_wait3A_753] : memref<16384x24x128xf32, #tpu.memory_space<hbm>> -> memref<1x20x64xf32, #tpu.memory_space<hbm>>
    %dma_wait3A_755 = tpu.memref_squeeze %dma_wait3A_754 : memref<1x20x64xf32, #tpu.memory_space<hbm>> -> memref<20x64xf32, #tpu.memory_space<hbm>>
    %dma_wait3A_756 = arith.constant 60 : i32
    %dma_wait3A_757 = arith.constant 0 : i32
    %dma_wait3A_758 = tpu.memref_slice %arg6[%dma_wait3A_756, %dma_wait3A_757] : memref<80x128xf32, #tpu.memory_space<vmem>> -> memref<20x64xf32, #tpu.memory_space<vmem>>
    tpu.wait_dma2 semaphore(%arg22 : memref<!tpu.dma_semaphore, #tpu.memory_space<semaphore_mem>>) src(%dma_wait3A_758 : memref<20x64xf32, #tpu.memory_space<vmem>>) dst(%dma_wait3A_755 : memref<20x64xf32, #tpu.memory_space<hbm>>)
    %add3A_759 = arith.constant 484 : i32
    %add3A_760 = arith.addi %mul3A_2, %add3A_759 : i32
    %add3A_761 = arith.constant 0 : i32
    %add3A_762 = arith.addi %add3A_760, %add3A_761 : i32
    %dma_wait3A_763 = arith.constant 0 : i32
    %dma_wait3A_764 = arith.constant 0 : i32
    %dma_wait3A_765 = tpu.memref_slice %arg7[%dma_wait3A_763, %dma_wait3A_764] : memref<80x128xf32, #tpu.memory_space<vmem>> -> memref<20x64xf32, #tpu.memory_space<vmem>>
    %dma_wait3A_766 = arith.constant 0 : i32
    %dma_wait3A_767 = arith.constant 0 : i32
    %dma_wait3A_768 = tpu.memref_slice %arg4[%add3A_762, %dma_wait3A_766, %dma_wait3A_767] : memref<16384x24x128xf32, #tpu.memory_space<hbm>> -> memref<1x20x64xf32, #tpu.memory_space<hbm>>
    %dma_wait3A_769 = tpu.memref_squeeze %dma_wait3A_768 : memref<1x20x64xf32, #tpu.memory_space<hbm>> -> memref<20x64xf32, #tpu.memory_space<hbm>>
    %dma_wait3A_770 = arith.constant 0 : i32
    %dma_wait3A_771 = arith.constant 0 : i32
    %dma_wait3A_772 = tpu.memref_slice %arg4[%add3A_762, %dma_wait3A_770, %dma_wait3A_771] : memref<16384x24x128xf32, #tpu.memory_space<hbm>> -> memref<1x20x64xf32, #tpu.memory_space<hbm>>
    %dma_wait3A_773 = tpu.memref_squeeze %dma_wait3A_772 : memref<1x20x64xf32, #tpu.memory_space<hbm>> -> memref<20x64xf32, #tpu.memory_space<hbm>>
    %dma_wait3A_774 = arith.constant 0 : i32
    %dma_wait3A_775 = arith.constant 0 : i32
    %dma_wait3A_776 = tpu.memref_slice %arg7[%dma_wait3A_774, %dma_wait3A_775] : memref<80x128xf32, #tpu.memory_space<vmem>> -> memref<20x64xf32, #tpu.memory_space<vmem>>
    tpu.wait_dma2 semaphore(%arg23 : memref<!tpu.dma_semaphore, #tpu.memory_space<semaphore_mem>>) src(%dma_wait3A_776 : memref<20x64xf32, #tpu.memory_space<vmem>>) dst(%dma_wait3A_773 : memref<20x64xf32, #tpu.memory_space<hbm>>)
    %add3A_777 = arith.constant 1 : i32
    %add3A_778 = arith.addi %add3A_760, %add3A_777 : i32
    %dma_wait3A_779 = arith.constant 20 : i32
    %dma_wait3A_780 = arith.constant 0 : i32
    %dma_wait3A_781 = tpu.memref_slice %arg7[%dma_wait3A_779, %dma_wait3A_780] : memref<80x128xf32, #tpu.memory_space<vmem>> -> memref<20x64xf32, #tpu.memory_space<vmem>>
    %dma_wait3A_782 = arith.constant 0 : i32
    %dma_wait3A_783 = arith.constant 0 : i32
    %dma_wait3A_784 = tpu.memref_slice %arg4[%add3A_778, %dma_wait3A_782, %dma_wait3A_783] : memref<16384x24x128xf32, #tpu.memory_space<hbm>> -> memref<1x20x64xf32, #tpu.memory_space<hbm>>
    %dma_wait3A_785 = tpu.memref_squeeze %dma_wait3A_784 : memref<1x20x64xf32, #tpu.memory_space<hbm>> -> memref<20x64xf32, #tpu.memory_space<hbm>>
    %dma_wait3A_786 = arith.constant 0 : i32
    %dma_wait3A_787 = arith.constant 0 : i32
    %dma_wait3A_788 = tpu.memref_slice %arg4[%add3A_778, %dma_wait3A_786, %dma_wait3A_787] : memref<16384x24x128xf32, #tpu.memory_space<hbm>> -> memref<1x20x64xf32, #tpu.memory_space<hbm>>
    %dma_wait3A_789 = tpu.memref_squeeze %dma_wait3A_788 : memref<1x20x64xf32, #tpu.memory_space<hbm>> -> memref<20x64xf32, #tpu.memory_space<hbm>>
    %dma_wait3A_790 = arith.constant 20 : i32
    %dma_wait3A_791 = arith.constant 0 : i32
    %dma_wait3A_792 = tpu.memref_slice %arg7[%dma_wait3A_790, %dma_wait3A_791] : memref<80x128xf32, #tpu.memory_space<vmem>> -> memref<20x64xf32, #tpu.memory_space<vmem>>
    tpu.wait_dma2 semaphore(%arg23 : memref<!tpu.dma_semaphore, #tpu.memory_space<semaphore_mem>>) src(%dma_wait3A_792 : memref<20x64xf32, #tpu.memory_space<vmem>>) dst(%dma_wait3A_789 : memref<20x64xf32, #tpu.memory_space<hbm>>)
    %add3A_793 = arith.constant 2 : i32
    %add3A_794 = arith.addi %add3A_760, %add3A_793 : i32
    %dma_wait3A_795 = arith.constant 40 : i32
    %dma_wait3A_796 = arith.constant 0 : i32
    %dma_wait3A_797 = tpu.memref_slice %arg7[%dma_wait3A_795, %dma_wait3A_796] : memref<80x128xf32, #tpu.memory_space<vmem>> -> memref<20x64xf32, #tpu.memory_space<vmem>>
    %dma_wait3A_798 = arith.constant 0 : i32
    %dma_wait3A_799 = arith.constant 0 : i32
    %dma_wait3A_800 = tpu.memref_slice %arg4[%add3A_794, %dma_wait3A_798, %dma_wait3A_799] : memref<16384x24x128xf32, #tpu.memory_space<hbm>> -> memref<1x20x64xf32, #tpu.memory_space<hbm>>
    %dma_wait3A_801 = tpu.memref_squeeze %dma_wait3A_800 : memref<1x20x64xf32, #tpu.memory_space<hbm>> -> memref<20x64xf32, #tpu.memory_space<hbm>>
    %dma_wait3A_802 = arith.constant 0 : i32
    %dma_wait3A_803 = arith.constant 0 : i32
    %dma_wait3A_804 = tpu.memref_slice %arg4[%add3A_794, %dma_wait3A_802, %dma_wait3A_803] : memref<16384x24x128xf32, #tpu.memory_space<hbm>> -> memref<1x20x64xf32, #tpu.memory_space<hbm>>
    %dma_wait3A_805 = tpu.memref_squeeze %dma_wait3A_804 : memref<1x20x64xf32, #tpu.memory_space<hbm>> -> memref<20x64xf32, #tpu.memory_space<hbm>>
    %dma_wait3A_806 = arith.constant 40 : i32
    %dma_wait3A_807 = arith.constant 0 : i32
    %dma_wait3A_808 = tpu.memref_slice %arg7[%dma_wait3A_806, %dma_wait3A_807] : memref<80x128xf32, #tpu.memory_space<vmem>> -> memref<20x64xf32, #tpu.memory_space<vmem>>
    tpu.wait_dma2 semaphore(%arg23 : memref<!tpu.dma_semaphore, #tpu.memory_space<semaphore_mem>>) src(%dma_wait3A_808 : memref<20x64xf32, #tpu.memory_space<vmem>>) dst(%dma_wait3A_805 : memref<20x64xf32, #tpu.memory_space<hbm>>)
    %add3A_809 = arith.constant 3 : i32
    %add3A_810 = arith.addi %add3A_760, %add3A_809 : i32
    %dma_wait3A_811 = arith.constant 60 : i32
    %dma_wait3A_812 = arith.constant 0 : i32
    %dma_wait3A_813 = tpu.memref_slice %arg7[%dma_wait3A_811, %dma_wait3A_812] : memref<80x128xf32, #tpu.memory_space<vmem>> -> memref<20x64xf32, #tpu.memory_space<vmem>>
    %dma_wait3A_814 = arith.constant 0 : i32
    %dma_wait3A_815 = arith.constant 0 : i32
    %dma_wait3A_816 = tpu.memref_slice %arg4[%add3A_810, %dma_wait3A_814, %dma_wait3A_815] : memref<16384x24x128xf32, #tpu.memory_space<hbm>> -> memref<1x20x64xf32, #tpu.memory_space<hbm>>
    %dma_wait3A_817 = tpu.memref_squeeze %dma_wait3A_816 : memref<1x20x64xf32, #tpu.memory_space<hbm>> -> memref<20x64xf32, #tpu.memory_space<hbm>>
    %dma_wait3A_818 = arith.constant 0 : i32
    %dma_wait3A_819 = arith.constant 0 : i32
    %dma_wait3A_820 = tpu.memref_slice %arg4[%add3A_810, %dma_wait3A_818, %dma_wait3A_819] : memref<16384x24x128xf32, #tpu.memory_space<hbm>> -> memref<1x20x64xf32, #tpu.memory_space<hbm>>
    %dma_wait3A_821 = tpu.memref_squeeze %dma_wait3A_820 : memref<1x20x64xf32, #tpu.memory_space<hbm>> -> memref<20x64xf32, #tpu.memory_space<hbm>>
    %dma_wait3A_822 = arith.constant 60 : i32
    %dma_wait3A_823 = arith.constant 0 : i32
    %dma_wait3A_824 = tpu.memref_slice %arg7[%dma_wait3A_822, %dma_wait3A_823] : memref<80x128xf32, #tpu.memory_space<vmem>> -> memref<20x64xf32, #tpu.memory_space<vmem>>
    tpu.wait_dma2 semaphore(%arg23 : memref<!tpu.dma_semaphore, #tpu.memory_space<semaphore_mem>>) src(%dma_wait3A_824 : memref<20x64xf32, #tpu.memory_space<vmem>>) dst(%dma_wait3A_821 : memref<20x64xf32, #tpu.memory_space<hbm>>)
    %add3A_825 = arith.constant 488 : i32
    %add3A_826 = arith.addi %mul3A_2, %add3A_825 : i32
    %add3A_827 = arith.constant 0 : i32
    %add3A_828 = arith.addi %add3A_826, %add3A_827 : i32
    %dma_wait3A_829 = arith.constant 0 : i32
    %dma_wait3A_830 = arith.constant 0 : i32
    %dma_wait3A_831 = tpu.memref_slice %arg8[%dma_wait3A_829, %dma_wait3A_830] : memref<80x128xf32, #tpu.memory_space<vmem>> -> memref<20x64xf32, #tpu.memory_space<vmem>>
    %dma_wait3A_832 = arith.constant 0 : i32
    %dma_wait3A_833 = arith.constant 0 : i32
    %dma_wait3A_834 = tpu.memref_slice %arg4[%add3A_828, %dma_wait3A_832, %dma_wait3A_833] : memref<16384x24x128xf32, #tpu.memory_space<hbm>> -> memref<1x20x64xf32, #tpu.memory_space<hbm>>
    %dma_wait3A_835 = tpu.memref_squeeze %dma_wait3A_834 : memref<1x20x64xf32, #tpu.memory_space<hbm>> -> memref<20x64xf32, #tpu.memory_space<hbm>>
    %dma_wait3A_836 = arith.constant 0 : i32
    %dma_wait3A_837 = arith.constant 0 : i32
    %dma_wait3A_838 = tpu.memref_slice %arg4[%add3A_828, %dma_wait3A_836, %dma_wait3A_837] : memref<16384x24x128xf32, #tpu.memory_space<hbm>> -> memref<1x20x64xf32, #tpu.memory_space<hbm>>
    %dma_wait3A_839 = tpu.memref_squeeze %dma_wait3A_838 : memref<1x20x64xf32, #tpu.memory_space<hbm>> -> memref<20x64xf32, #tpu.memory_space<hbm>>
    %dma_wait3A_840 = arith.constant 0 : i32
    %dma_wait3A_841 = arith.constant 0 : i32
    %dma_wait3A_842 = tpu.memref_slice %arg8[%dma_wait3A_840, %dma_wait3A_841] : memref<80x128xf32, #tpu.memory_space<vmem>> -> memref<20x64xf32, #tpu.memory_space<vmem>>
    tpu.wait_dma2 semaphore(%arg24 : memref<!tpu.dma_semaphore, #tpu.memory_space<semaphore_mem>>) src(%dma_wait3A_842 : memref<20x64xf32, #tpu.memory_space<vmem>>) dst(%dma_wait3A_839 : memref<20x64xf32, #tpu.memory_space<hbm>>)
    %add3A_843 = arith.constant 1 : i32
    %add3A_844 = arith.addi %add3A_826, %add3A_843 : i32
    %dma_wait3A_845 = arith.constant 20 : i32
    %dma_wait3A_846 = arith.constant 0 : i32
    %dma_wait3A_847 = tpu.memref_slice %arg8[%dma_wait3A_845, %dma_wait3A_846] : memref<80x128xf32, #tpu.memory_space<vmem>> -> memref<20x64xf32, #tpu.memory_space<vmem>>
    %dma_wait3A_848 = arith.constant 0 : i32
    %dma_wait3A_849 = arith.constant 0 : i32
    %dma_wait3A_850 = tpu.memref_slice %arg4[%add3A_844, %dma_wait3A_848, %dma_wait3A_849] : memref<16384x24x128xf32, #tpu.memory_space<hbm>> -> memref<1x20x64xf32, #tpu.memory_space<hbm>>
    %dma_wait3A_851 = tpu.memref_squeeze %dma_wait3A_850 : memref<1x20x64xf32, #tpu.memory_space<hbm>> -> memref<20x64xf32, #tpu.memory_space<hbm>>
    %dma_wait3A_852 = arith.constant 0 : i32
    %dma_wait3A_853 = arith.constant 0 : i32
    %dma_wait3A_854 = tpu.memref_slice %arg4[%add3A_844, %dma_wait3A_852, %dma_wait3A_853] : memref<16384x24x128xf32, #tpu.memory_space<hbm>> -> memref<1x20x64xf32, #tpu.memory_space<hbm>>
    %dma_wait3A_855 = tpu.memref_squeeze %dma_wait3A_854 : memref<1x20x64xf32, #tpu.memory_space<hbm>> -> memref<20x64xf32, #tpu.memory_space<hbm>>
    %dma_wait3A_856 = arith.constant 20 : i32
    %dma_wait3A_857 = arith.constant 0 : i32
    %dma_wait3A_858 = tpu.memref_slice %arg8[%dma_wait3A_856, %dma_wait3A_857] : memref<80x128xf32, #tpu.memory_space<vmem>> -> memref<20x64xf32, #tpu.memory_space<vmem>>
    tpu.wait_dma2 semaphore(%arg24 : memref<!tpu.dma_semaphore, #tpu.memory_space<semaphore_mem>>) src(%dma_wait3A_858 : memref<20x64xf32, #tpu.memory_space<vmem>>) dst(%dma_wait3A_855 : memref<20x64xf32, #tpu.memory_space<hbm>>)
    %add3A_859 = arith.constant 2 : i32
    %add3A_860 = arith.addi %add3A_826, %add3A_859 : i32
    %dma_wait3A_861 = arith.constant 40 : i32
    %dma_wait3A_862 = arith.constant 0 : i32
    %dma_wait3A_863 = tpu.memref_slice %arg8[%dma_wait3A_861, %dma_wait3A_862] : memref<80x128xf32, #tpu.memory_space<vmem>> -> memref<20x64xf32, #tpu.memory_space<vmem>>
    %dma_wait3A_864 = arith.constant 0 : i32
    %dma_wait3A_865 = arith.constant 0 : i32
    %dma_wait3A_866 = tpu.memref_slice %arg4[%add3A_860, %dma_wait3A_864, %dma_wait3A_865] : memref<16384x24x128xf32, #tpu.memory_space<hbm>> -> memref<1x20x64xf32, #tpu.memory_space<hbm>>
    %dma_wait3A_867 = tpu.memref_squeeze %dma_wait3A_866 : memref<1x20x64xf32, #tpu.memory_space<hbm>> -> memref<20x64xf32, #tpu.memory_space<hbm>>
    %dma_wait3A_868 = arith.constant 0 : i32
    %dma_wait3A_869 = arith.constant 0 : i32
    %dma_wait3A_870 = tpu.memref_slice %arg4[%add3A_860, %dma_wait3A_868, %dma_wait3A_869] : memref<16384x24x128xf32, #tpu.memory_space<hbm>> -> memref<1x20x64xf32, #tpu.memory_space<hbm>>
    %dma_wait3A_871 = tpu.memref_squeeze %dma_wait3A_870 : memref<1x20x64xf32, #tpu.memory_space<hbm>> -> memref<20x64xf32, #tpu.memory_space<hbm>>
    %dma_wait3A_872 = arith.constant 40 : i32
    %dma_wait3A_873 = arith.constant 0 : i32
    %dma_wait3A_874 = tpu.memref_slice %arg8[%dma_wait3A_872, %dma_wait3A_873] : memref<80x128xf32, #tpu.memory_space<vmem>> -> memref<20x64xf32, #tpu.memory_space<vmem>>
    tpu.wait_dma2 semaphore(%arg24 : memref<!tpu.dma_semaphore, #tpu.memory_space<semaphore_mem>>) src(%dma_wait3A_874 : memref<20x64xf32, #tpu.memory_space<vmem>>) dst(%dma_wait3A_871 : memref<20x64xf32, #tpu.memory_space<hbm>>)
    %add3A_875 = arith.constant 3 : i32
    %add3A_876 = arith.addi %add3A_826, %add3A_875 : i32
    %dma_wait3A_877 = arith.constant 60 : i32
    %dma_wait3A_878 = arith.constant 0 : i32
    %dma_wait3A_879 = tpu.memref_slice %arg8[%dma_wait3A_877, %dma_wait3A_878] : memref<80x128xf32, #tpu.memory_space<vmem>> -> memref<20x64xf32, #tpu.memory_space<vmem>>
    %dma_wait3A_880 = arith.constant 0 : i32
    %dma_wait3A_881 = arith.constant 0 : i32
    %dma_wait3A_882 = tpu.memref_slice %arg4[%add3A_876, %dma_wait3A_880, %dma_wait3A_881] : memref<16384x24x128xf32, #tpu.memory_space<hbm>> -> memref<1x20x64xf32, #tpu.memory_space<hbm>>
    %dma_wait3A_883 = tpu.memref_squeeze %dma_wait3A_882 : memref<1x20x64xf32, #tpu.memory_space<hbm>> -> memref<20x64xf32, #tpu.memory_space<hbm>>
    %dma_wait3A_884 = arith.constant 0 : i32
    %dma_wait3A_885 = arith.constant 0 : i32
    %dma_wait3A_886 = tpu.memref_slice %arg4[%add3A_876, %dma_wait3A_884, %dma_wait3A_885] : memref<16384x24x128xf32, #tpu.memory_space<hbm>> -> memref<1x20x64xf32, #tpu.memory_space<hbm>>
    %dma_wait3A_887 = tpu.memref_squeeze %dma_wait3A_886 : memref<1x20x64xf32, #tpu.memory_space<hbm>> -> memref<20x64xf32, #tpu.memory_space<hbm>>
    %dma_wait3A_888 = arith.constant 60 : i32
    %dma_wait3A_889 = arith.constant 0 : i32
    %dma_wait3A_890 = tpu.memref_slice %arg8[%dma_wait3A_888, %dma_wait3A_889] : memref<80x128xf32, #tpu.memory_space<vmem>> -> memref<20x64xf32, #tpu.memory_space<vmem>>
    tpu.wait_dma2 semaphore(%arg24 : memref<!tpu.dma_semaphore, #tpu.memory_space<semaphore_mem>>) src(%dma_wait3A_890 : memref<20x64xf32, #tpu.memory_space<vmem>>) dst(%dma_wait3A_887 : memref<20x64xf32, #tpu.memory_space<hbm>>)
    %add3A_891 = arith.constant 492 : i32
    %add3A_892 = arith.addi %mul3A_2, %add3A_891 : i32
    %add3A_893 = arith.constant 0 : i32
    %add3A_894 = arith.addi %add3A_892, %add3A_893 : i32
    %dma_wait3A_895 = arith.constant 0 : i32
    %dma_wait3A_896 = arith.constant 0 : i32
    %dma_wait3A_897 = tpu.memref_slice %arg9[%dma_wait3A_895, %dma_wait3A_896] : memref<80x128xf32, #tpu.memory_space<vmem>> -> memref<20x64xf32, #tpu.memory_space<vmem>>
    %dma_wait3A_898 = arith.constant 0 : i32
    %dma_wait3A_899 = arith.constant 0 : i32
    %dma_wait3A_900 = tpu.memref_slice %arg4[%add3A_894, %dma_wait3A_898, %dma_wait3A_899] : memref<16384x24x128xf32, #tpu.memory_space<hbm>> -> memref<1x20x64xf32, #tpu.memory_space<hbm>>
    %dma_wait3A_901 = tpu.memref_squeeze %dma_wait3A_900 : memref<1x20x64xf32, #tpu.memory_space<hbm>> -> memref<20x64xf32, #tpu.memory_space<hbm>>
    %dma_wait3A_902 = arith.constant 0 : i32
    %dma_wait3A_903 = arith.constant 0 : i32
    %dma_wait3A_904 = tpu.memref_slice %arg4[%add3A_894, %dma_wait3A_902, %dma_wait3A_903] : memref<16384x24x128xf32, #tpu.memory_space<hbm>> -> memref<1x20x64xf32, #tpu.memory_space<hbm>>
    %dma_wait3A_905 = tpu.memref_squeeze %dma_wait3A_904 : memref<1x20x64xf32, #tpu.memory_space<hbm>> -> memref<20x64xf32, #tpu.memory_space<hbm>>
    %dma_wait3A_906 = arith.constant 0 : i32
    %dma_wait3A_907 = arith.constant 0 : i32
    %dma_wait3A_908 = tpu.memref_slice %arg9[%dma_wait3A_906, %dma_wait3A_907] : memref<80x128xf32, #tpu.memory_space<vmem>> -> memref<20x64xf32, #tpu.memory_space<vmem>>
    tpu.wait_dma2 semaphore(%arg25 : memref<!tpu.dma_semaphore, #tpu.memory_space<semaphore_mem>>) src(%dma_wait3A_908 : memref<20x64xf32, #tpu.memory_space<vmem>>) dst(%dma_wait3A_905 : memref<20x64xf32, #tpu.memory_space<hbm>>)
    %add3A_909 = arith.constant 1 : i32
    %add3A_910 = arith.addi %add3A_892, %add3A_909 : i32
    %dma_wait3A_911 = arith.constant 20 : i32
    %dma_wait3A_912 = arith.constant 0 : i32
    %dma_wait3A_913 = tpu.memref_slice %arg9[%dma_wait3A_911, %dma_wait3A_912] : memref<80x128xf32, #tpu.memory_space<vmem>> -> memref<20x64xf32, #tpu.memory_space<vmem>>
    %dma_wait3A_914 = arith.constant 0 : i32
    %dma_wait3A_915 = arith.constant 0 : i32
    %dma_wait3A_916 = tpu.memref_slice %arg4[%add3A_910, %dma_wait3A_914, %dma_wait3A_915] : memref<16384x24x128xf32, #tpu.memory_space<hbm>> -> memref<1x20x64xf32, #tpu.memory_space<hbm>>
    %dma_wait3A_917 = tpu.memref_squeeze %dma_wait3A_916 : memref<1x20x64xf32, #tpu.memory_space<hbm>> -> memref<20x64xf32, #tpu.memory_space<hbm>>
    %dma_wait3A_918 = arith.constant 0 : i32
    %dma_wait3A_919 = arith.constant 0 : i32
    %dma_wait3A_920 = tpu.memref_slice %arg4[%add3A_910, %dma_wait3A_918, %dma_wait3A_919] : memref<16384x24x128xf32, #tpu.memory_space<hbm>> -> memref<1x20x64xf32, #tpu.memory_space<hbm>>
    %dma_wait3A_921 = tpu.memref_squeeze %dma_wait3A_920 : memref<1x20x64xf32, #tpu.memory_space<hbm>> -> memref<20x64xf32, #tpu.memory_space<hbm>>
    %dma_wait3A_922 = arith.constant 20 : i32
    %dma_wait3A_923 = arith.constant 0 : i32
    %dma_wait3A_924 = tpu.memref_slice %arg9[%dma_wait3A_922, %dma_wait3A_923] : memref<80x128xf32, #tpu.memory_space<vmem>> -> memref<20x64xf32, #tpu.memory_space<vmem>>
    tpu.wait_dma2 semaphore(%arg25 : memref<!tpu.dma_semaphore, #tpu.memory_space<semaphore_mem>>) src(%dma_wait3A_924 : memref<20x64xf32, #tpu.memory_space<vmem>>) dst(%dma_wait3A_921 : memref<20x64xf32, #tpu.memory_space<hbm>>)
    %add3A_925 = arith.constant 2 : i32
    %add3A_926 = arith.addi %add3A_892, %add3A_925 : i32
    %dma_wait3A_927 = arith.constant 40 : i32
    %dma_wait3A_928 = arith.constant 0 : i32
    %dma_wait3A_929 = tpu.memref_slice %arg9[%dma_wait3A_927, %dma_wait3A_928] : memref<80x128xf32, #tpu.memory_space<vmem>> -> memref<20x64xf32, #tpu.memory_space<vmem>>
    %dma_wait3A_930 = arith.constant 0 : i32
    %dma_wait3A_931 = arith.constant 0 : i32
    %dma_wait3A_932 = tpu.memref_slice %arg4[%add3A_926, %dma_wait3A_930, %dma_wait3A_931] : memref<16384x24x128xf32, #tpu.memory_space<hbm>> -> memref<1x20x64xf32, #tpu.memory_space<hbm>>
    %dma_wait3A_933 = tpu.memref_squeeze %dma_wait3A_932 : memref<1x20x64xf32, #tpu.memory_space<hbm>> -> memref<20x64xf32, #tpu.memory_space<hbm>>
    %dma_wait3A_934 = arith.constant 0 : i32
    %dma_wait3A_935 = arith.constant 0 : i32
    %dma_wait3A_936 = tpu.memref_slice %arg4[%add3A_926, %dma_wait3A_934, %dma_wait3A_935] : memref<16384x24x128xf32, #tpu.memory_space<hbm>> -> memref<1x20x64xf32, #tpu.memory_space<hbm>>
    %dma_wait3A_937 = tpu.memref_squeeze %dma_wait3A_936 : memref<1x20x64xf32, #tpu.memory_space<hbm>> -> memref<20x64xf32, #tpu.memory_space<hbm>>
    %dma_wait3A_938 = arith.constant 40 : i32
    %dma_wait3A_939 = arith.constant 0 : i32
    %dma_wait3A_940 = tpu.memref_slice %arg9[%dma_wait3A_938, %dma_wait3A_939] : memref<80x128xf32, #tpu.memory_space<vmem>> -> memref<20x64xf32, #tpu.memory_space<vmem>>
    tpu.wait_dma2 semaphore(%arg25 : memref<!tpu.dma_semaphore, #tpu.memory_space<semaphore_mem>>) src(%dma_wait3A_940 : memref<20x64xf32, #tpu.memory_space<vmem>>) dst(%dma_wait3A_937 : memref<20x64xf32, #tpu.memory_space<hbm>>)
    %add3A_941 = arith.constant 3 : i32
    %add3A_942 = arith.addi %add3A_892, %add3A_941 : i32
    %dma_wait3A_943 = arith.constant 60 : i32
    %dma_wait3A_944 = arith.constant 0 : i32
    %dma_wait3A_945 = tpu.memref_slice %arg9[%dma_wait3A_943, %dma_wait3A_944] : memref<80x128xf32, #tpu.memory_space<vmem>> -> memref<20x64xf32, #tpu.memory_space<vmem>>
    %dma_wait3A_946 = arith.constant 0 : i32
    %dma_wait3A_947 = arith.constant 0 : i32
    %dma_wait3A_948 = tpu.memref_slice %arg4[%add3A_942, %dma_wait3A_946, %dma_wait3A_947] : memref<16384x24x128xf32, #tpu.memory_space<hbm>> -> memref<1x20x64xf32, #tpu.memory_space<hbm>>
    %dma_wait3A_949 = tpu.memref_squeeze %dma_wait3A_948 : memref<1x20x64xf32, #tpu.memory_space<hbm>> -> memref<20x64xf32, #tpu.memory_space<hbm>>
    %dma_wait3A_950 = arith.constant 0 : i32
    %dma_wait3A_951 = arith.constant 0 : i32
    %dma_wait3A_952 = tpu.memref_slice %arg4[%add3A_942, %dma_wait3A_950, %dma_wait3A_951] : memref<16384x24x128xf32, #tpu.memory_space<hbm>> -> memref<1x20x64xf32, #tpu.memory_space<hbm>>
    %dma_wait3A_953 = tpu.memref_squeeze %dma_wait3A_952 : memref<1x20x64xf32, #tpu.memory_space<hbm>> -> memref<20x64xf32, #tpu.memory_space<hbm>>
    %dma_wait3A_954 = arith.constant 60 : i32
    %dma_wait3A_955 = arith.constant 0 : i32
    %dma_wait3A_956 = tpu.memref_slice %arg9[%dma_wait3A_954, %dma_wait3A_955] : memref<80x128xf32, #tpu.memory_space<vmem>> -> memref<20x64xf32, #tpu.memory_space<vmem>>
    tpu.wait_dma2 semaphore(%arg25 : memref<!tpu.dma_semaphore, #tpu.memory_space<semaphore_mem>>) src(%dma_wait3A_956 : memref<20x64xf32, #tpu.memory_space<vmem>>) dst(%dma_wait3A_953 : memref<20x64xf32, #tpu.memory_space<hbm>>)
    %add3A_957 = arith.constant 496 : i32
    %add3A_958 = arith.addi %mul3A_2, %add3A_957 : i32
    %add3A_959 = arith.constant 0 : i32
    %add3A_960 = arith.addi %add3A_958, %add3A_959 : i32
    %dma_wait3A_961 = arith.constant 0 : i32
    %dma_wait3A_962 = arith.constant 0 : i32
    %dma_wait3A_963 = tpu.memref_slice %arg10[%dma_wait3A_961, %dma_wait3A_962] : memref<80x128xf32, #tpu.memory_space<vmem>> -> memref<20x64xf32, #tpu.memory_space<vmem>>
    %dma_wait3A_964 = arith.constant 0 : i32
    %dma_wait3A_965 = arith.constant 0 : i32
    %dma_wait3A_966 = tpu.memref_slice %arg4[%add3A_960, %dma_wait3A_964, %dma_wait3A_965] : memref<16384x24x128xf32, #tpu.memory_space<hbm>> -> memref<1x20x64xf32, #tpu.memory_space<hbm>>
    %dma_wait3A_967 = tpu.memref_squeeze %dma_wait3A_966 : memref<1x20x64xf32, #tpu.memory_space<hbm>> -> memref<20x64xf32, #tpu.memory_space<hbm>>
    %dma_wait3A_968 = arith.constant 0 : i32
    %dma_wait3A_969 = arith.constant 0 : i32
    %dma_wait3A_970 = tpu.memref_slice %arg4[%add3A_960, %dma_wait3A_968, %dma_wait3A_969] : memref<16384x24x128xf32, #tpu.memory_space<hbm>> -> memref<1x20x64xf32, #tpu.memory_space<hbm>>
    %dma_wait3A_971 = tpu.memref_squeeze %dma_wait3A_970 : memref<1x20x64xf32, #tpu.memory_space<hbm>> -> memref<20x64xf32, #tpu.memory_space<hbm>>
    %dma_wait3A_972 = arith.constant 0 : i32
    %dma_wait3A_973 = arith.constant 0 : i32
    %dma_wait3A_974 = tpu.memref_slice %arg10[%dma_wait3A_972, %dma_wait3A_973] : memref<80x128xf32, #tpu.memory_space<vmem>> -> memref<20x64xf32, #tpu.memory_space<vmem>>
    tpu.wait_dma2 semaphore(%arg26 : memref<!tpu.dma_semaphore, #tpu.memory_space<semaphore_mem>>) src(%dma_wait3A_974 : memref<20x64xf32, #tpu.memory_space<vmem>>) dst(%dma_wait3A_971 : memref<20x64xf32, #tpu.memory_space<hbm>>)
    %add3A_975 = arith.constant 1 : i32
    %add3A_976 = arith.addi %add3A_958, %add3A_975 : i32
    %dma_wait3A_977 = arith.constant 20 : i32
    %dma_wait3A_978 = arith.constant 0 : i32
    %dma_wait3A_979 = tpu.memref_slice %arg10[%dma_wait3A_977, %dma_wait3A_978] : memref<80x128xf32, #tpu.memory_space<vmem>> -> memref<20x64xf32, #tpu.memory_space<vmem>>
    %dma_wait3A_980 = arith.constant 0 : i32
    %dma_wait3A_981 = arith.constant 0 : i32
    %dma_wait3A_982 = tpu.memref_slice %arg4[%add3A_976, %dma_wait3A_980, %dma_wait3A_981] : memref<16384x24x128xf32, #tpu.memory_space<hbm>> -> memref<1x20x64xf32, #tpu.memory_space<hbm>>
    %dma_wait3A_983 = tpu.memref_squeeze %dma_wait3A_982 : memref<1x20x64xf32, #tpu.memory_space<hbm>> -> memref<20x64xf32, #tpu.memory_space<hbm>>
    %dma_wait3A_984 = arith.constant 0 : i32
    %dma_wait3A_985 = arith.constant 0 : i32
    %dma_wait3A_986 = tpu.memref_slice %arg4[%add3A_976, %dma_wait3A_984, %dma_wait3A_985] : memref<16384x24x128xf32, #tpu.memory_space<hbm>> -> memref<1x20x64xf32, #tpu.memory_space<hbm>>
    %dma_wait3A_987 = tpu.memref_squeeze %dma_wait3A_986 : memref<1x20x64xf32, #tpu.memory_space<hbm>> -> memref<20x64xf32, #tpu.memory_space<hbm>>
    %dma_wait3A_988 = arith.constant 20 : i32
    %dma_wait3A_989 = arith.constant 0 : i32
    %dma_wait3A_990 = tpu.memref_slice %arg10[%dma_wait3A_988, %dma_wait3A_989] : memref<80x128xf32, #tpu.memory_space<vmem>> -> memref<20x64xf32, #tpu.memory_space<vmem>>
    tpu.wait_dma2 semaphore(%arg26 : memref<!tpu.dma_semaphore, #tpu.memory_space<semaphore_mem>>) src(%dma_wait3A_990 : memref<20x64xf32, #tpu.memory_space<vmem>>) dst(%dma_wait3A_987 : memref<20x64xf32, #tpu.memory_space<hbm>>)
    %add3A_991 = arith.constant 2 : i32
    %add3A_992 = arith.addi %add3A_958, %add3A_991 : i32
    %dma_wait3A_993 = arith.constant 40 : i32
    %dma_wait3A_994 = arith.constant 0 : i32
    %dma_wait3A_995 = tpu.memref_slice %arg10[%dma_wait3A_993, %dma_wait3A_994] : memref<80x128xf32, #tpu.memory_space<vmem>> -> memref<20x64xf32, #tpu.memory_space<vmem>>
    %dma_wait3A_996 = arith.constant 0 : i32
    %dma_wait3A_997 = arith.constant 0 : i32
    %dma_wait3A_998 = tpu.memref_slice %arg4[%add3A_992, %dma_wait3A_996, %dma_wait3A_997] : memref<16384x24x128xf32, #tpu.memory_space<hbm>> -> memref<1x20x64xf32, #tpu.memory_space<hbm>>
    %dma_wait3A_999 = tpu.memref_squeeze %dma_wait3A_998 : memref<1x20x64xf32, #tpu.memory_space<hbm>> -> memref<20x64xf32, #tpu.memory_space<hbm>>
    %dma_wait3A_1000 = arith.constant 0 : i32
    %dma_wait3A_1001 = arith.constant 0 : i32
    %dma_wait3A_1002 = tpu.memref_slice %arg4[%add3A_992, %dma_wait3A_1000, %dma_wait3A_1001] : memref<16384x24x128xf32, #tpu.memory_space<hbm>> -> memref<1x20x64xf32, #tpu.memory_space<hbm>>
    %dma_wait3A_1003 = tpu.memref_squeeze %dma_wait3A_1002 : memref<1x20x64xf32, #tpu.memory_space<hbm>> -> memref<20x64xf32, #tpu.memory_space<hbm>>
    %dma_wait3A_1004 = arith.constant 40 : i32
    %dma_wait3A_1005 = arith.constant 0 : i32
    %dma_wait3A_1006 = tpu.memref_slice %arg10[%dma_wait3A_1004, %dma_wait3A_1005] : memref<80x128xf32, #tpu.memory_space<vmem>> -> memref<20x64xf32, #tpu.memory_space<vmem>>
    tpu.wait_dma2 semaphore(%arg26 : memref<!tpu.dma_semaphore, #tpu.memory_space<semaphore_mem>>) src(%dma_wait3A_1006 : memref<20x64xf32, #tpu.memory_space<vmem>>) dst(%dma_wait3A_1003 : memref<20x64xf32, #tpu.memory_space<hbm>>)
    %add3A_1007 = arith.constant 3 : i32
    %add3A_1008 = arith.addi %add3A_958, %add3A_1007 : i32
    %dma_wait3A_1009 = arith.constant 60 : i32
    %dma_wait3A_1010 = arith.constant 0 : i32
    %dma_wait3A_1011 = tpu.memref_slice %arg10[%dma_wait3A_1009, %dma_wait3A_1010] : memref<80x128xf32, #tpu.memory_space<vmem>> -> memref<20x64xf32, #tpu.memory_space<vmem>>
    %dma_wait3A_1012 = arith.constant 0 : i32
    %dma_wait3A_1013 = arith.constant 0 : i32
    %dma_wait3A_1014 = tpu.memref_slice %arg4[%add3A_1008, %dma_wait3A_1012, %dma_wait3A_1013] : memref<16384x24x128xf32, #tpu.memory_space<hbm>> -> memref<1x20x64xf32, #tpu.memory_space<hbm>>
    %dma_wait3A_1015 = tpu.memref_squeeze %dma_wait3A_1014 : memref<1x20x64xf32, #tpu.memory_space<hbm>> -> memref<20x64xf32, #tpu.memory_space<hbm>>
    %dma_wait3A_1016 = arith.constant 0 : i32
    %dma_wait3A_1017 = arith.constant 0 : i32
    %dma_wait3A_1018 = tpu.memref_slice %arg4[%add3A_1008, %dma_wait3A_1016, %dma_wait3A_1017] : memref<16384x24x128xf32, #tpu.memory_space<hbm>> -> memref<1x20x64xf32, #tpu.memory_space<hbm>>
    %dma_wait3A_1019 = tpu.memref_squeeze %dma_wait3A_1018 : memref<1x20x64xf32, #tpu.memory_space<hbm>> -> memref<20x64xf32, #tpu.memory_space<hbm>>
    %dma_wait3A_1020 = arith.constant 60 : i32
    %dma_wait3A_1021 = arith.constant 0 : i32
    %dma_wait3A_1022 = tpu.memref_slice %arg10[%dma_wait3A_1020, %dma_wait3A_1021] : memref<80x128xf32, #tpu.memory_space<vmem>> -> memref<20x64xf32, #tpu.memory_space<vmem>>
    tpu.wait_dma2 semaphore(%arg26 : memref<!tpu.dma_semaphore, #tpu.memory_space<semaphore_mem>>) src(%dma_wait3A_1022 : memref<20x64xf32, #tpu.memory_space<vmem>>) dst(%dma_wait3A_1019 : memref<20x64xf32, #tpu.memory_space<hbm>>)
    %add3A_1023 = arith.constant 500 : i32
    %add3A_1024 = arith.addi %mul3A_2, %add3A_1023 : i32
    %add3A_1025 = arith.constant 0 : i32
    %add3A_1026 = arith.addi %add3A_1024, %add3A_1025 : i32
    %dma_wait3A_1027 = arith.constant 0 : i32
    %dma_wait3A_1028 = arith.constant 0 : i32
    %dma_wait3A_1029 = tpu.memref_slice %arg11[%dma_wait3A_1027, %dma_wait3A_1028] : memref<80x128xf32, #tpu.memory_space<vmem>> -> memref<20x64xf32, #tpu.memory_space<vmem>>
    %dma_wait3A_1030 = arith.constant 0 : i32
    %dma_wait3A_1031 = arith.constant 0 : i32
    %dma_wait3A_1032 = tpu.memref_slice %arg4[%add3A_1026, %dma_wait3A_1030, %dma_wait3A_1031] : memref<16384x24x128xf32, #tpu.memory_space<hbm>> -> memref<1x20x64xf32, #tpu.memory_space<hbm>>
    %dma_wait3A_1033 = tpu.memref_squeeze %dma_wait3A_1032 : memref<1x20x64xf32, #tpu.memory_space<hbm>> -> memref<20x64xf32, #tpu.memory_space<hbm>>
    %dma_wait3A_1034 = arith.constant 0 : i32
    %dma_wait3A_1035 = arith.constant 0 : i32
    %dma_wait3A_1036 = tpu.memref_slice %arg4[%add3A_1026, %dma_wait3A_1034, %dma_wait3A_1035] : memref<16384x24x128xf32, #tpu.memory_space<hbm>> -> memref<1x20x64xf32, #tpu.memory_space<hbm>>
    %dma_wait3A_1037 = tpu.memref_squeeze %dma_wait3A_1036 : memref<1x20x64xf32, #tpu.memory_space<hbm>> -> memref<20x64xf32, #tpu.memory_space<hbm>>
    %dma_wait3A_1038 = arith.constant 0 : i32
    %dma_wait3A_1039 = arith.constant 0 : i32
    %dma_wait3A_1040 = tpu.memref_slice %arg11[%dma_wait3A_1038, %dma_wait3A_1039] : memref<80x128xf32, #tpu.memory_space<vmem>> -> memref<20x64xf32, #tpu.memory_space<vmem>>
    tpu.wait_dma2 semaphore(%arg27 : memref<!tpu.dma_semaphore, #tpu.memory_space<semaphore_mem>>) src(%dma_wait3A_1040 : memref<20x64xf32, #tpu.memory_space<vmem>>) dst(%dma_wait3A_1037 : memref<20x64xf32, #tpu.memory_space<hbm>>)
    %add3A_1041 = arith.constant 1 : i32
    %add3A_1042 = arith.addi %add3A_1024, %add3A_1041 : i32
    %dma_wait3A_1043 = arith.constant 20 : i32
    %dma_wait3A_1044 = arith.constant 0 : i32
    %dma_wait3A_1045 = tpu.memref_slice %arg11[%dma_wait3A_1043, %dma_wait3A_1044] : memref<80x128xf32, #tpu.memory_space<vmem>> -> memref<20x64xf32, #tpu.memory_space<vmem>>
    %dma_wait3A_1046 = arith.constant 0 : i32
    %dma_wait3A_1047 = arith.constant 0 : i32
    %dma_wait3A_1048 = tpu.memref_slice %arg4[%add3A_1042, %dma_wait3A_1046, %dma_wait3A_1047] : memref<16384x24x128xf32, #tpu.memory_space<hbm>> -> memref<1x20x64xf32, #tpu.memory_space<hbm>>
    %dma_wait3A_1049 = tpu.memref_squeeze %dma_wait3A_1048 : memref<1x20x64xf32, #tpu.memory_space<hbm>> -> memref<20x64xf32, #tpu.memory_space<hbm>>
    %dma_wait3A_1050 = arith.constant 0 : i32
    %dma_wait3A_1051 = arith.constant 0 : i32
    %dma_wait3A_1052 = tpu.memref_slice %arg4[%add3A_1042, %dma_wait3A_1050, %dma_wait3A_1051] : memref<16384x24x128xf32, #tpu.memory_space<hbm>> -> memref<1x20x64xf32, #tpu.memory_space<hbm>>
    %dma_wait3A_1053 = tpu.memref_squeeze %dma_wait3A_1052 : memref<1x20x64xf32, #tpu.memory_space<hbm>> -> memref<20x64xf32, #tpu.memory_space<hbm>>
    %dma_wait3A_1054 = arith.constant 20 : i32
    %dma_wait3A_1055 = arith.constant 0 : i32
    %dma_wait3A_1056 = tpu.memref_slice %arg11[%dma_wait3A_1054, %dma_wait3A_1055] : memref<80x128xf32, #tpu.memory_space<vmem>> -> memref<20x64xf32, #tpu.memory_space<vmem>>
    tpu.wait_dma2 semaphore(%arg27 : memref<!tpu.dma_semaphore, #tpu.memory_space<semaphore_mem>>) src(%dma_wait3A_1056 : memref<20x64xf32, #tpu.memory_space<vmem>>) dst(%dma_wait3A_1053 : memref<20x64xf32, #tpu.memory_space<hbm>>)
    %add3A_1057 = arith.constant 2 : i32
    %add3A_1058 = arith.addi %add3A_1024, %add3A_1057 : i32
    %dma_wait3A_1059 = arith.constant 40 : i32
    %dma_wait3A_1060 = arith.constant 0 : i32
    %dma_wait3A_1061 = tpu.memref_slice %arg11[%dma_wait3A_1059, %dma_wait3A_1060] : memref<80x128xf32, #tpu.memory_space<vmem>> -> memref<20x64xf32, #tpu.memory_space<vmem>>
    %dma_wait3A_1062 = arith.constant 0 : i32
    %dma_wait3A_1063 = arith.constant 0 : i32
    %dma_wait3A_1064 = tpu.memref_slice %arg4[%add3A_1058, %dma_wait3A_1062, %dma_wait3A_1063] : memref<16384x24x128xf32, #tpu.memory_space<hbm>> -> memref<1x20x64xf32, #tpu.memory_space<hbm>>
    %dma_wait3A_1065 = tpu.memref_squeeze %dma_wait3A_1064 : memref<1x20x64xf32, #tpu.memory_space<hbm>> -> memref<20x64xf32, #tpu.memory_space<hbm>>
    %dma_wait3A_1066 = arith.constant 0 : i32
    %dma_wait3A_1067 = arith.constant 0 : i32
    %dma_wait3A_1068 = tpu.memref_slice %arg4[%add3A_1058, %dma_wait3A_1066, %dma_wait3A_1067] : memref<16384x24x128xf32, #tpu.memory_space<hbm>> -> memref<1x20x64xf32, #tpu.memory_space<hbm>>
    %dma_wait3A_1069 = tpu.memref_squeeze %dma_wait3A_1068 : memref<1x20x64xf32, #tpu.memory_space<hbm>> -> memref<20x64xf32, #tpu.memory_space<hbm>>
    %dma_wait3A_1070 = arith.constant 40 : i32
    %dma_wait3A_1071 = arith.constant 0 : i32
    %dma_wait3A_1072 = tpu.memref_slice %arg11[%dma_wait3A_1070, %dma_wait3A_1071] : memref<80x128xf32, #tpu.memory_space<vmem>> -> memref<20x64xf32, #tpu.memory_space<vmem>>
    tpu.wait_dma2 semaphore(%arg27 : memref<!tpu.dma_semaphore, #tpu.memory_space<semaphore_mem>>) src(%dma_wait3A_1072 : memref<20x64xf32, #tpu.memory_space<vmem>>) dst(%dma_wait3A_1069 : memref<20x64xf32, #tpu.memory_space<hbm>>)
    %add3A_1073 = arith.constant 3 : i32
    %add3A_1074 = arith.addi %add3A_1024, %add3A_1073 : i32
    %dma_wait3A_1075 = arith.constant 60 : i32
    %dma_wait3A_1076 = arith.constant 0 : i32
    %dma_wait3A_1077 = tpu.memref_slice %arg11[%dma_wait3A_1075, %dma_wait3A_1076] : memref<80x128xf32, #tpu.memory_space<vmem>> -> memref<20x64xf32, #tpu.memory_space<vmem>>
    %dma_wait3A_1078 = arith.constant 0 : i32
    %dma_wait3A_1079 = arith.constant 0 : i32
    %dma_wait3A_1080 = tpu.memref_slice %arg4[%add3A_1074, %dma_wait3A_1078, %dma_wait3A_1079] : memref<16384x24x128xf32, #tpu.memory_space<hbm>> -> memref<1x20x64xf32, #tpu.memory_space<hbm>>
    %dma_wait3A_1081 = tpu.memref_squeeze %dma_wait3A_1080 : memref<1x20x64xf32, #tpu.memory_space<hbm>> -> memref<20x64xf32, #tpu.memory_space<hbm>>
    %dma_wait3A_1082 = arith.constant 0 : i32
    %dma_wait3A_1083 = arith.constant 0 : i32
    %dma_wait3A_1084 = tpu.memref_slice %arg4[%add3A_1074, %dma_wait3A_1082, %dma_wait3A_1083] : memref<16384x24x128xf32, #tpu.memory_space<hbm>> -> memref<1x20x64xf32, #tpu.memory_space<hbm>>
    %dma_wait3A_1085 = tpu.memref_squeeze %dma_wait3A_1084 : memref<1x20x64xf32, #tpu.memory_space<hbm>> -> memref<20x64xf32, #tpu.memory_space<hbm>>
    %dma_wait3A_1086 = arith.constant 60 : i32
    %dma_wait3A_1087 = arith.constant 0 : i32
    %dma_wait3A_1088 = tpu.memref_slice %arg11[%dma_wait3A_1086, %dma_wait3A_1087] : memref<80x128xf32, #tpu.memory_space<vmem>> -> memref<20x64xf32, #tpu.memory_space<vmem>>
    tpu.wait_dma2 semaphore(%arg27 : memref<!tpu.dma_semaphore, #tpu.memory_space<semaphore_mem>>) src(%dma_wait3A_1088 : memref<20x64xf32, #tpu.memory_space<vmem>>) dst(%dma_wait3A_1085 : memref<20x64xf32, #tpu.memory_space<hbm>>)
    %add3A_1089 = arith.constant 504 : i32
    %add3A_1090 = arith.addi %mul3A_2, %add3A_1089 : i32
    %add3A_1091 = arith.constant 0 : i32
    %add3A_1092 = arith.addi %add3A_1090, %add3A_1091 : i32
    %dma_wait3A_1093 = arith.constant 0 : i32
    %dma_wait3A_1094 = arith.constant 0 : i32
    %dma_wait3A_1095 = tpu.memref_slice %arg12[%dma_wait3A_1093, %dma_wait3A_1094] : memref<80x128xf32, #tpu.memory_space<vmem>> -> memref<20x64xf32, #tpu.memory_space<vmem>>
    %dma_wait3A_1096 = arith.constant 0 : i32
    %dma_wait3A_1097 = arith.constant 0 : i32
    %dma_wait3A_1098 = tpu.memref_slice %arg4[%add3A_1092, %dma_wait3A_1096, %dma_wait3A_1097] : memref<16384x24x128xf32, #tpu.memory_space<hbm>> -> memref<1x20x64xf32, #tpu.memory_space<hbm>>
    %dma_wait3A_1099 = tpu.memref_squeeze %dma_wait3A_1098 : memref<1x20x64xf32, #tpu.memory_space<hbm>> -> memref<20x64xf32, #tpu.memory_space<hbm>>
    %dma_wait3A_1100 = arith.constant 0 : i32
    %dma_wait3A_1101 = arith.constant 0 : i32
    %dma_wait3A_1102 = tpu.memref_slice %arg4[%add3A_1092, %dma_wait3A_1100, %dma_wait3A_1101] : memref<16384x24x128xf32, #tpu.memory_space<hbm>> -> memref<1x20x64xf32, #tpu.memory_space<hbm>>
    %dma_wait3A_1103 = tpu.memref_squeeze %dma_wait3A_1102 : memref<1x20x64xf32, #tpu.memory_space<hbm>> -> memref<20x64xf32, #tpu.memory_space<hbm>>
    %dma_wait3A_1104 = arith.constant 0 : i32
    %dma_wait3A_1105 = arith.constant 0 : i32
    %dma_wait3A_1106 = tpu.memref_slice %arg12[%dma_wait3A_1104, %dma_wait3A_1105] : memref<80x128xf32, #tpu.memory_space<vmem>> -> memref<20x64xf32, #tpu.memory_space<vmem>>
    tpu.wait_dma2 semaphore(%arg28 : memref<!tpu.dma_semaphore, #tpu.memory_space<semaphore_mem>>) src(%dma_wait3A_1106 : memref<20x64xf32, #tpu.memory_space<vmem>>) dst(%dma_wait3A_1103 : memref<20x64xf32, #tpu.memory_space<hbm>>)
    %add3A_1107 = arith.constant 1 : i32
    %add3A_1108 = arith.addi %add3A_1090, %add3A_1107 : i32
    %dma_wait3A_1109 = arith.constant 20 : i32
    %dma_wait3A_1110 = arith.constant 0 : i32
    %dma_wait3A_1111 = tpu.memref_slice %arg12[%dma_wait3A_1109, %dma_wait3A_1110] : memref<80x128xf32, #tpu.memory_space<vmem>> -> memref<20x64xf32, #tpu.memory_space<vmem>>
    %dma_wait3A_1112 = arith.constant 0 : i32
    %dma_wait3A_1113 = arith.constant 0 : i32
    %dma_wait3A_1114 = tpu.memref_slice %arg4[%add3A_1108, %dma_wait3A_1112, %dma_wait3A_1113] : memref<16384x24x128xf32, #tpu.memory_space<hbm>> -> memref<1x20x64xf32, #tpu.memory_space<hbm>>
    %dma_wait3A_1115 = tpu.memref_squeeze %dma_wait3A_1114 : memref<1x20x64xf32, #tpu.memory_space<hbm>> -> memref<20x64xf32, #tpu.memory_space<hbm>>
    %dma_wait3A_1116 = arith.constant 0 : i32
    %dma_wait3A_1117 = arith.constant 0 : i32
    %dma_wait3A_1118 = tpu.memref_slice %arg4[%add3A_1108, %dma_wait3A_1116, %dma_wait3A_1117] : memref<16384x24x128xf32, #tpu.memory_space<hbm>> -> memref<1x20x64xf32, #tpu.memory_space<hbm>>
    %dma_wait3A_1119 = tpu.memref_squeeze %dma_wait3A_1118 : memref<1x20x64xf32, #tpu.memory_space<hbm>> -> memref<20x64xf32, #tpu.memory_space<hbm>>
    %dma_wait3A_1120 = arith.constant 20 : i32
    %dma_wait3A_1121 = arith.constant 0 : i32
    %dma_wait3A_1122 = tpu.memref_slice %arg12[%dma_wait3A_1120, %dma_wait3A_1121] : memref<80x128xf32, #tpu.memory_space<vmem>> -> memref<20x64xf32, #tpu.memory_space<vmem>>
    tpu.wait_dma2 semaphore(%arg28 : memref<!tpu.dma_semaphore, #tpu.memory_space<semaphore_mem>>) src(%dma_wait3A_1122 : memref<20x64xf32, #tpu.memory_space<vmem>>) dst(%dma_wait3A_1119 : memref<20x64xf32, #tpu.memory_space<hbm>>)
    %add3A_1123 = arith.constant 2 : i32
    %add3A_1124 = arith.addi %add3A_1090, %add3A_1123 : i32
    %dma_wait3A_1125 = arith.constant 40 : i32
    %dma_wait3A_1126 = arith.constant 0 : i32
    %dma_wait3A_1127 = tpu.memref_slice %arg12[%dma_wait3A_1125, %dma_wait3A_1126] : memref<80x128xf32, #tpu.memory_space<vmem>> -> memref<20x64xf32, #tpu.memory_space<vmem>>
    %dma_wait3A_1128 = arith.constant 0 : i32
    %dma_wait3A_1129 = arith.constant 0 : i32
    %dma_wait3A_1130 = tpu.memref_slice %arg4[%add3A_1124, %dma_wait3A_1128, %dma_wait3A_1129] : memref<16384x24x128xf32, #tpu.memory_space<hbm>> -> memref<1x20x64xf32, #tpu.memory_space<hbm>>
    %dma_wait3A_1131 = tpu.memref_squeeze %dma_wait3A_1130 : memref<1x20x64xf32, #tpu.memory_space<hbm>> -> memref<20x64xf32, #tpu.memory_space<hbm>>
    %dma_wait3A_1132 = arith.constant 0 : i32
    %dma_wait3A_1133 = arith.constant 0 : i32
    %dma_wait3A_1134 = tpu.memref_slice %arg4[%add3A_1124, %dma_wait3A_1132, %dma_wait3A_1133] : memref<16384x24x128xf32, #tpu.memory_space<hbm>> -> memref<1x20x64xf32, #tpu.memory_space<hbm>>
    %dma_wait3A_1135 = tpu.memref_squeeze %dma_wait3A_1134 : memref<1x20x64xf32, #tpu.memory_space<hbm>> -> memref<20x64xf32, #tpu.memory_space<hbm>>
    %dma_wait3A_1136 = arith.constant 40 : i32
    %dma_wait3A_1137 = arith.constant 0 : i32
    %dma_wait3A_1138 = tpu.memref_slice %arg12[%dma_wait3A_1136, %dma_wait3A_1137] : memref<80x128xf32, #tpu.memory_space<vmem>> -> memref<20x64xf32, #tpu.memory_space<vmem>>
    tpu.wait_dma2 semaphore(%arg28 : memref<!tpu.dma_semaphore, #tpu.memory_space<semaphore_mem>>) src(%dma_wait3A_1138 : memref<20x64xf32, #tpu.memory_space<vmem>>) dst(%dma_wait3A_1135 : memref<20x64xf32, #tpu.memory_space<hbm>>)
    %add3A_1139 = arith.constant 3 : i32
    %add3A_1140 = arith.addi %add3A_1090, %add3A_1139 : i32
    %dma_wait3A_1141 = arith.constant 60 : i32
    %dma_wait3A_1142 = arith.constant 0 : i32
    %dma_wait3A_1143 = tpu.memref_slice %arg12[%dma_wait3A_1141, %dma_wait3A_1142] : memref<80x128xf32, #tpu.memory_space<vmem>> -> memref<20x64xf32, #tpu.memory_space<vmem>>
    %dma_wait3A_1144 = arith.constant 0 : i32
    %dma_wait3A_1145 = arith.constant 0 : i32
    %dma_wait3A_1146 = tpu.memref_slice %arg4[%add3A_1140, %dma_wait3A_1144, %dma_wait3A_1145] : memref<16384x24x128xf32, #tpu.memory_space<hbm>> -> memref<1x20x64xf32, #tpu.memory_space<hbm>>
    %dma_wait3A_1147 = tpu.memref_squeeze %dma_wait3A_1146 : memref<1x20x64xf32, #tpu.memory_space<hbm>> -> memref<20x64xf32, #tpu.memory_space<hbm>>
    %dma_wait3A_1148 = arith.constant 0 : i32
    %dma_wait3A_1149 = arith.constant 0 : i32
    %dma_wait3A_1150 = tpu.memref_slice %arg4[%add3A_1140, %dma_wait3A_1148, %dma_wait3A_1149] : memref<16384x24x128xf32, #tpu.memory_space<hbm>> -> memref<1x20x64xf32, #tpu.memory_space<hbm>>
    %dma_wait3A_1151 = tpu.memref_squeeze %dma_wait3A_1150 : memref<1x20x64xf32, #tpu.memory_space<hbm>> -> memref<20x64xf32, #tpu.memory_space<hbm>>
    %dma_wait3A_1152 = arith.constant 60 : i32
    %dma_wait3A_1153 = arith.constant 0 : i32
    %dma_wait3A_1154 = tpu.memref_slice %arg12[%dma_wait3A_1152, %dma_wait3A_1153] : memref<80x128xf32, #tpu.memory_space<vmem>> -> memref<20x64xf32, #tpu.memory_space<vmem>>
    tpu.wait_dma2 semaphore(%arg28 : memref<!tpu.dma_semaphore, #tpu.memory_space<semaphore_mem>>) src(%dma_wait3A_1154 : memref<20x64xf32, #tpu.memory_space<vmem>>) dst(%dma_wait3A_1151 : memref<20x64xf32, #tpu.memory_space<hbm>>)
    %add3A_1155 = arith.constant 508 : i32
    %add3A_1156 = arith.addi %mul3A_2, %add3A_1155 : i32
    %add3A_1157 = arith.constant 0 : i32
    %add3A_1158 = arith.addi %add3A_1156, %add3A_1157 : i32
    %dma_wait3A_1159 = arith.constant 0 : i32
    %dma_wait3A_1160 = arith.constant 0 : i32
    %dma_wait3A_1161 = tpu.memref_slice %arg13[%dma_wait3A_1159, %dma_wait3A_1160] : memref<80x128xf32, #tpu.memory_space<vmem>> -> memref<20x64xf32, #tpu.memory_space<vmem>>
    %dma_wait3A_1162 = arith.constant 0 : i32
    %dma_wait3A_1163 = arith.constant 0 : i32
    %dma_wait3A_1164 = tpu.memref_slice %arg4[%add3A_1158, %dma_wait3A_1162, %dma_wait3A_1163] : memref<16384x24x128xf32, #tpu.memory_space<hbm>> -> memref<1x20x64xf32, #tpu.memory_space<hbm>>
    %dma_wait3A_1165 = tpu.memref_squeeze %dma_wait3A_1164 : memref<1x20x64xf32, #tpu.memory_space<hbm>> -> memref<20x64xf32, #tpu.memory_space<hbm>>
    %dma_wait3A_1166 = arith.constant 0 : i32
    %dma_wait3A_1167 = arith.constant 0 : i32
    %dma_wait3A_1168 = tpu.memref_slice %arg4[%add3A_1158, %dma_wait3A_1166, %dma_wait3A_1167] : memref<16384x24x128xf32, #tpu.memory_space<hbm>> -> memref<1x20x64xf32, #tpu.memory_space<hbm>>
    %dma_wait3A_1169 = tpu.memref_squeeze %dma_wait3A_1168 : memref<1x20x64xf32, #tpu.memory_space<hbm>> -> memref<20x64xf32, #tpu.memory_space<hbm>>
    %dma_wait3A_1170 = arith.constant 0 : i32
    %dma_wait3A_1171 = arith.constant 0 : i32
    %dma_wait3A_1172 = tpu.memref_slice %arg13[%dma_wait3A_1170, %dma_wait3A_1171] : memref<80x128xf32, #tpu.memory_space<vmem>> -> memref<20x64xf32, #tpu.memory_space<vmem>>
    tpu.wait_dma2 semaphore(%arg29 : memref<!tpu.dma_semaphore, #tpu.memory_space<semaphore_mem>>) src(%dma_wait3A_1172 : memref<20x64xf32, #tpu.memory_space<vmem>>) dst(%dma_wait3A_1169 : memref<20x64xf32, #tpu.memory_space<hbm>>)
    %add3A_1173 = arith.constant 1 : i32
    %add3A_1174 = arith.addi %add3A_1156, %add3A_1173 : i32
    %dma_wait3A_1175 = arith.constant 20 : i32
    %dma_wait3A_1176 = arith.constant 0 : i32
    %dma_wait3A_1177 = tpu.memref_slice %arg13[%dma_wait3A_1175, %dma_wait3A_1176] : memref<80x128xf32, #tpu.memory_space<vmem>> -> memref<20x64xf32, #tpu.memory_space<vmem>>
    %dma_wait3A_1178 = arith.constant 0 : i32
    %dma_wait3A_1179 = arith.constant 0 : i32
    %dma_wait3A_1180 = tpu.memref_slice %arg4[%add3A_1174, %dma_wait3A_1178, %dma_wait3A_1179] : memref<16384x24x128xf32, #tpu.memory_space<hbm>> -> memref<1x20x64xf32, #tpu.memory_space<hbm>>
    %dma_wait3A_1181 = tpu.memref_squeeze %dma_wait3A_1180 : memref<1x20x64xf32, #tpu.memory_space<hbm>> -> memref<20x64xf32, #tpu.memory_space<hbm>>
    %dma_wait3A_1182 = arith.constant 0 : i32
    %dma_wait3A_1183 = arith.constant 0 : i32
    %dma_wait3A_1184 = tpu.memref_slice %arg4[%add3A_1174, %dma_wait3A_1182, %dma_wait3A_1183] : memref<16384x24x128xf32, #tpu.memory_space<hbm>> -> memref<1x20x64xf32, #tpu.memory_space<hbm>>
    %dma_wait3A_1185 = tpu.memref_squeeze %dma_wait3A_1184 : memref<1x20x64xf32, #tpu.memory_space<hbm>> -> memref<20x64xf32, #tpu.memory_space<hbm>>
    %dma_wait3A_1186 = arith.constant 20 : i32
    %dma_wait3A_1187 = arith.constant 0 : i32
    %dma_wait3A_1188 = tpu.memref_slice %arg13[%dma_wait3A_1186, %dma_wait3A_1187] : memref<80x128xf32, #tpu.memory_space<vmem>> -> memref<20x64xf32, #tpu.memory_space<vmem>>
    tpu.wait_dma2 semaphore(%arg29 : memref<!tpu.dma_semaphore, #tpu.memory_space<semaphore_mem>>) src(%dma_wait3A_1188 : memref<20x64xf32, #tpu.memory_space<vmem>>) dst(%dma_wait3A_1185 : memref<20x64xf32, #tpu.memory_space<hbm>>)
    %add3A_1189 = arith.constant 2 : i32
    %add3A_1190 = arith.addi %add3A_1156, %add3A_1189 : i32
    %dma_wait3A_1191 = arith.constant 40 : i32
    %dma_wait3A_1192 = arith.constant 0 : i32
    %dma_wait3A_1193 = tpu.memref_slice %arg13[%dma_wait3A_1191, %dma_wait3A_1192] : memref<80x128xf32, #tpu.memory_space<vmem>> -> memref<20x64xf32, #tpu.memory_space<vmem>>
    %dma_wait3A_1194 = arith.constant 0 : i32
    %dma_wait3A_1195 = arith.constant 0 : i32
    %dma_wait3A_1196 = tpu.memref_slice %arg4[%add3A_1190, %dma_wait3A_1194, %dma_wait3A_1195] : memref<16384x24x128xf32, #tpu.memory_space<hbm>> -> memref<1x20x64xf32, #tpu.memory_space<hbm>>
    %dma_wait3A_1197 = tpu.memref_squeeze %dma_wait3A_1196 : memref<1x20x64xf32, #tpu.memory_space<hbm>> -> memref<20x64xf32, #tpu.memory_space<hbm>>
    %dma_wait3A_1198 = arith.constant 0 : i32
    %dma_wait3A_1199 = arith.constant 0 : i32
    %dma_wait3A_1200 = tpu.memref_slice %arg4[%add3A_1190, %dma_wait3A_1198, %dma_wait3A_1199] : memref<16384x24x128xf32, #tpu.memory_space<hbm>> -> memref<1x20x64xf32, #tpu.memory_space<hbm>>
    %dma_wait3A_1201 = tpu.memref_squeeze %dma_wait3A_1200 : memref<1x20x64xf32, #tpu.memory_space<hbm>> -> memref<20x64xf32, #tpu.memory_space<hbm>>
    %dma_wait3A_1202 = arith.constant 40 : i32
    %dma_wait3A_1203 = arith.constant 0 : i32
    %dma_wait3A_1204 = tpu.memref_slice %arg13[%dma_wait3A_1202, %dma_wait3A_1203] : memref<80x128xf32, #tpu.memory_space<vmem>> -> memref<20x64xf32, #tpu.memory_space<vmem>>
    tpu.wait_dma2 semaphore(%arg29 : memref<!tpu.dma_semaphore, #tpu.memory_space<semaphore_mem>>) src(%dma_wait3A_1204 : memref<20x64xf32, #tpu.memory_space<vmem>>) dst(%dma_wait3A_1201 : memref<20x64xf32, #tpu.memory_space<hbm>>)
    %add3A_1205 = arith.constant 3 : i32
    %add3A_1206 = arith.addi %add3A_1156, %add3A_1205 : i32
    %dma_wait3A_1207 = arith.constant 60 : i32
    %dma_wait3A_1208 = arith.constant 0 : i32
    %dma_wait3A_1209 = tpu.memref_slice %arg13[%dma_wait3A_1207, %dma_wait3A_1208] : memref<80x128xf32, #tpu.memory_space<vmem>> -> memref<20x64xf32, #tpu.memory_space<vmem>>
    %dma_wait3A_1210 = arith.constant 0 : i32
    %dma_wait3A_1211 = arith.constant 0 : i32
    %dma_wait3A_1212 = tpu.memref_slice %arg4[%add3A_1206, %dma_wait3A_1210, %dma_wait3A_1211] : memref<16384x24x128xf32, #tpu.memory_space<hbm>> -> memref<1x20x64xf32, #tpu.memory_space<hbm>>
    %dma_wait3A_1213 = tpu.memref_squeeze %dma_wait3A_1212 : memref<1x20x64xf32, #tpu.memory_space<hbm>> -> memref<20x64xf32, #tpu.memory_space<hbm>>
    %dma_wait3A_1214 = arith.constant 0 : i32
    %dma_wait3A_1215 = arith.constant 0 : i32
    %dma_wait3A_1216 = tpu.memref_slice %arg4[%add3A_1206, %dma_wait3A_1214, %dma_wait3A_1215] : memref<16384x24x128xf32, #tpu.memory_space<hbm>> -> memref<1x20x64xf32, #tpu.memory_space<hbm>>
    %dma_wait3A_1217 = tpu.memref_squeeze %dma_wait3A_1216 : memref<1x20x64xf32, #tpu.memory_space<hbm>> -> memref<20x64xf32, #tpu.memory_space<hbm>>
    %dma_wait3A_1218 = arith.constant 60 : i32
    %dma_wait3A_1219 = arith.constant 0 : i32
    %dma_wait3A_1220 = tpu.memref_slice %arg13[%dma_wait3A_1218, %dma_wait3A_1219] : memref<80x128xf32, #tpu.memory_space<vmem>> -> memref<20x64xf32, #tpu.memory_space<vmem>>
    tpu.wait_dma2 semaphore(%arg29 : memref<!tpu.dma_semaphore, #tpu.memory_space<semaphore_mem>>) src(%dma_wait3A_1220 : memref<20x64xf32, #tpu.memory_space<vmem>>) dst(%dma_wait3A_1217 : memref<20x64xf32, #tpu.memory_space<hbm>>)
    return
  }
}

</mosaic_0001>

<sc_bundles>
// kernel: kernel.3.cloned.1.call-start
scs
__scs_entry_jumppad:
0x0: {  	(pc) =	sbr.rel $0x88, $3  }
0x1: {  	(tag) =	ssettag $0x0;
	lr =	simm.s32 $0x1  }
0x2: {  	[smem:$0x3F9F] =	sst lr;
	_ =	strace $0xD0000000  }
0x3: {  	_ = 	snop  }
0x4: {  	_ = 	snop  }
0x5: {  	_ = 	snop  }
0x6: {  	_ = 	snop  }
0x7: {  	_ = 	snop  }
__scs_overlays_trampoline_lowered:
0x8: {  	[smem:$0x3FAE] =	sst s0  }
0x9: {  	[smem:$0x3FAF] =	sst s1  }
0xa: {  	[smem:$0x3FB0] =	sst s2  }
0xb: {  	[smem:$0x3FB1] =	sst s3  }
0xc: {  	[smem:$0x3FB2] =	sst s4  }
0xd: {  	[smem:$0x3FB3] =	sst s5  }
0xe: {  	[smem:$0x3FB4] =	sst s6  }
0xf: {  	[smem:$0x3FB5] =	sst s7  }
0x10: {  	[smem:$0x3FB6] =	sst s8  }
0x11: {  	[smem:$0x3FB7] =	sst s9;
	s0 =	simm.s32 @!p0 $0x0  }
0x12: {  	s1 =	sld [smem:$0x3F9D];
	s0 =	simm.s32 @p0 $0x1  }
0x13: {  	[smem:$0x3FB8] =	sst s0;
	s0 =	simm.s32 @!p1 $0x0  }
0x14: {  	s2 =	sld [smem:$0x3F9C];
	s0 =	simm.s32 @p1 $0x1  }
0x15: {  	[smem:$0x3FB9] =	sst s0;
	s0 =	simm.s32 @!p2 $0x0  }
0x16: {  	s3 =	sld [smem:$0x3FDB];
	s0 =	simm.s32 @p2 $0x1  }
0x17: {  	s4 =	simm.s32 $0x1BF5;
	[smem:$0x3FBB] =	sst s0  }
0x18: {  	s0 =	sld [smem:$0x3F9E];
	_ =	swait.ge [sflag:s4], $0x0  }
0x19: {  	s7 =	sld [smem:$0x3F9F]  }
0x1a: {  	s8 =	sadd.s32 $0xFFFFE003, lr  }
0x1b: {  	s9 =	sadd.s32 $0xFFFFFEF7, lr;
	s5 =	simm.s32 $0xFFFFFFFF;
	p2 =	slt.u32 s8, $0xFFFFF086  }
0x1c: {  	p1 =	slt.u32 s9, $0xF7A;
	s5 =	simm.s32 @!p2 $0x0  }
0x1d: {  	s5 =	simm.s32 @p1 $0x1;
	p0 =	seq.s32 s7, s2  }
0x1e: {  	s7 =	smul.u32 @!p0 $0xF7A, s2;
	p2 =	seq.s32 @!p0 s5, $0x0  }
0x1f: {  	s9 =	smul.u32 $0xF7A, s1;
	s8 =	simm.s32 @!p0 $0x1BF5;
	p2 =	por !p2, p0  }
0x20: {  	[sflag:s8] =	ssyncset.s32 @!p0 $0xFFFFF086;
	s6 =	sadd.s32 @!p0 s3, s7;
	s7 =	simm.s32 @!p0 $0x108  }
0x21: {  	s3 =	sadd.s32 s3, s9;
	s6 =	sadd.s32 @!p0 $0x88, s6;
	s7 =	simm.s32 @p2 $0x1082  }
0x22: {  	[simem:s7], [sflag:s8] =	dma.local @!p0 [hbm:s6], $0xF7A  }
0x23: {  	s9 =	sor.u32 $0xD0000000, s2;
	s6 =	simm.s32 $0x108;
	_ =	swait.ge @!p0 [sflag:s8], $0x0  }
0x24: {  	s3 =	sadd.s32 $0x88, s3;
	s6 =	simm.s32 @!p1 $0x1082;
	[sflag:s4] =	ssyncset.s32 $0xFFFFF086  }
0x25: {  	[simem:s6], [sflag:s4] =	dma.local [hbm:s3], $0xF7A  }
0x26: {  	[smem:$0x3F9F] =	sst s1;
	(tag) =	ssettag s2;
	_ =	strace s9  }
0x27: {  	s1 =	sld [smem:$0x3FAF]  }
0x28: {  	s2 =	sld [smem:$0x3FB0]  }
0x29: {  	s4 =	sld [smem:$0x3FB2]  }
0x2a: {  	p0 =	seq.s32 s5, $0x0;
	s5 =	sld [smem:$0x3FB3]  }
0x2b: {  	s6 =	sld [smem:$0x3FB4]  }
0x2c: {  	s7 =	sld [smem:$0x3FB5]  }
0x2d: {  	s3 =	simm.s32 $0x108;
	s8 =	sld [smem:$0x3FB6]  }
0x2e: {  	s3 =	simm.s32 @!p0 $0x1082;
	s9 =	sld [smem:$0x3FB7]  }
0x2f: {  	lr =	sadd.s32 s0, s3;
	s0 =	sld [smem:$0x3FAE]  }
0x30: {  	s3 =	sld [smem:$0x3FB1]  }
0x31: {  	[smem:$0x3FBA] =	sst s10  }
0x32: {  	s10 =	sld [smem:$0x3FB8];
	_ =	sdelay $0x3  }
0x33: {  	p0 =	seq.s32 s10, $0x1;
	s10 =	sld [smem:$0x3FBA];
	_ =	sdelay $0x3  }
0x34: {  	[smem:$0x3FBA] =	sst s10  }
0x35: {  	s10 =	sld [smem:$0x3FB9];
	_ =	sdelay $0x3  }
0x36: {  	p1 =	seq.s32 s10, $0x1;
	s10 =	sld [smem:$0x3FBA];
	_ =	sdelay $0x3  }
0x37: {  	[smem:$0x3FBA] =	sst s10  }
0x38: {  	s10 =	sld [smem:$0x3FBB]  }
0x39: {  	_ = 	snop;
	(pc) =	sbr.ind lr, $3  }
0x3a: {  	_ = 	snop  }
0x3b: {  	_ = 	snop  }
0x3c: {  	p2 =	seq.s32 s10, $0x1;
	s10 =	sld [smem:$0x3FBA]  }
0x3d: {  	_ =	shalt  }
0x3e: {  	_ =	shalt  }
0x3f: {  	_ =	shalt  }
0x40: {  	_ =	shalt  }
0x41: {  	_ =	shalt  }
0x42: {  	_ =	shalt  }
0x43: {  	_ =	shalt  }
0x44: {  	_ =	shalt  }
0x45: {  	_ =	shalt  }
0x46: {  	_ =	shalt  }
0x47: {  	_ =	shalt  }
0x48: {  	_ =	shalt  }
0x49: {  	_ =	shalt  }
0x4a: {  	_ =	shalt  }
0x4b: {  	_ =	shalt  }
0x4c: {  	_ =	shalt  }
0x4d: {  	_ =	shalt  }
0x4e: {  	_ =	shalt  }
0x4f: {  	_ =	shalt  }
0x50: {  	_ =	shalt  }
0x51: {  	_ =	shalt  }
0x52: {  	_ =	shalt  }
0x53: {  	_ =	shalt  }
0x54: {  	_ =	shalt  }
0x55: {  	_ =	shalt  }
0x56: {  	_ =	shalt  }
0x57: {  	_ =	shalt  }
0x58: {  	_ =	shalt  }
0x59: {  	_ =	shalt  }
0x5a: {  	_ =	shalt  }
0x5b: {  	_ =	shalt  }
0x5c: {  	_ =	shalt  }
0x5d: {  	_ =	shalt  }
0x5e: {  	_ =	shalt  }
0x5f: {  	_ =	shalt  }
0x60: {  	_ =	shalt  }
0x61: {  	_ =	shalt  }
0x62: {  	_ =	shalt  }
0x63: {  	_ =	shalt  }
0x64: {  	_ =	shalt  }
0x65: {  	_ =	shalt  }
0x66: {  	_ =	shalt  }
0x67: {  	_ =	shalt  }
0x68: {  	_ =	shalt  }
0x69: {  	_ =	shalt  }
0x6a: {  	_ =	shalt  }
0x6b: {  	_ =	shalt  }
0x6c: {  	_ =	shalt  }
0x6d: {  	_ =	shalt  }
0x6e: {  	_ =	shalt  }
0x6f: {  	_ =	shalt  }
0x70: {  	_ =	shalt  }
0x71: {  	_ =	shalt  }
0x72: {  	_ =	shalt  }
0x73: {  	_ =	shalt  }
0x74: {  	_ =	shalt  }
0x75: {  	_ =	shalt  }
0x76: {  	_ =	shalt  }
0x77: {  	_ =	shalt  }
0x78: {  	_ =	shalt  }
0x79: {  	_ =	shalt  }
0x7a: {  	_ =	shalt  }
0x7b: {  	_ =	shalt  }
0x7c: {  	_ =	shalt  }
0x7d: {  	_ =	shalt  }
0x7e: {  	_ =	shalt  }
0x7f: {  	_ =	shalt  }
0x80: {  	_ =	shalt  }
0x81: {  	_ =	shalt  }
0x82: {  	_ =	shalt  }
0x83: {  	_ =	shalt  }
0x84: {  	_ =	shalt  }
0x85: {  	_ =	shalt  }
0x86: {  	_ =	shalt  }
0x87: {  	_ =	shalt  }
.Lfunc_end0:
.L_simem_size_0:
called_computation.1_lowered:
.L_overlay_start_0:
0x88: {  	s2 =	sld [smem:$0x3FD9]  }
0x89: {  	s3 =	sld [smem:$0x3FFE];
	_ =	sdelay $0x1  }
0x8a: {  	s1 =	srdreg.scid  }
0x8b: {  	s0 =	sand.u32 $0x1, s1  }
0x8c: {  	s17 =	sshll.u32 s0, $0xA;
	s2 =	sadd.s32 s3, s2  }
0x8d: {  	s2 =	sadd.s32 s2, s17  }
0x8e: {  	[smem:$0x3FC6] =	sst s2  }
0x8f: {  	_ = 	snop  }
0x90: {  	s2 =	sld [smem:$0x3FD0];
	(tm) =	ssettm $0x1  }
0x91: {  	s18 =	sld [smem:$0x3FFB];
	_ =	sdelay $0x3  }
0x92: {  	_ =	strace s18  }
0x93: {  	s3 =	sld [smem:$0x3FFC];
	_ =	sdelay $0x3  }
0x94: {  	_ =	strace s3  }
0x95: {  	s3 =	sld [smem:$0x3FFD];
	_ =	sdelay $0x3  }
0x96: {  	_ =	strace s3  }
0x97: {  	_ =	strace $0x8FFFFFFF  }
0x98: {  	s19 =	sld [smem:$0x3FDB];
	_ =	sdelay $0x1  }
0x99: {  	s4 =	simm.s32 $_scs_section_size  }
0x9a: {  	s5 =	simm.s32 $_size__tile_overlayer_lowered;
	s6 =	simm.s32 $_tile_overlayer_lowered  }
0x9b: {  	s22 =	simm.s32 $0x1BFF;
	s21 =	sshll.u32 s6, $0x1;
	s3 =	sadd.s32 s4, s19  }
0x9c: {  	s7 =	simm.s32 $0x0;
	s20 =	sshll.u32 s5, $0x1;
	s5 =	sadd.s32 s21, s3  }
0x9d: {  	[timem:s7], [sflag:s22] =	dma.local [hbm:s5], s20  }
0x9e: {  	_ =	swait.ge [sflag:s22], s20  }
0x9f: {  	s4 =	ssub.s32 $0x0, s20;
	[sflag:s22] =	ssyncset.done $0x0  }
0xa0: {  	[sflag:s22] =	ssyncadd.s32 s4;
	_ =	sdelay $0x1  }
0xa1: {  	s23 =	simm.s32 $0x1B8B  }
0xa2: {  	_ =	swait.ge [sflag:s23], $0x1  }
0xa3: {  	[sflag:s23] =	ssyncset.done $0x0  }
0xa4: {  	s25 =	simm.s32 $0x1B8E;
	s24 =	sld [smem:$0x3FFE];
	[sflag:s23] =	ssyncadd.s32 $0xFFFFFFFF  }
0xa5: {  	s26 =	simm.s32 $execute0_lowered;
	[smem:$0x3FD2] =	sst s25  }
0xa6: {  	s5 =	sshll.u32 s26, $0x1;
	_ =	strace $0x80000046;
	[dreg:$0x1] =	wrdreg $0xFFFFFFFF  }
0xa7: {  	s28 =	simm.s32 $_size_execute0_lowered;
	s3 =	sadd.s32 s3, s5;
	[dreg:$0x0] =	wrdreg $0x0  }
0xa8: {  	s5 =	sshll.u32 s28, $0x1;
	[dreg:$0x2] =	wrdreg s3  }
0xa9: {  	[dreg:$0x3] =	wrdreg s5  }
0xaa: {  	[dreg:$0x4] =	wrdreg $0xC0  }
0xab: {  	_ =	task [dreg:s7], $0x5FFFF  }
0xac: {  	[dreg:$0x1] =	wrdreg $0xFFFFFFFF  }
0xad: {  	[dreg:$0x0] =	wrdreg $0x60  }
0xae: {  	[dreg:$0x2] =	wrdreg s24  }
0xaf: {  	[dreg:$0x3] =	wrdreg s2  }
0xb0: {  	[dreg:$0x4] =	wrdreg $0x9  }
0xb1: {  	_ =	task.clear_ibuf [dreg:s7], $0x5FFFF;
	_ =	strace $0x90000046  }
0xb2: {  	s29 =	simm.s32 $0x9;
	_ =	strace $0x80000048  }
0xb3: {  	_ =	swait.ge [sflag:s29], $0x1  }
0xb4: {  	[sflag:s29] =	ssyncadd.s32 $0xFFFFFFFF  }
0xb5: {  	_ =	strace $0x90000048  }
0xb6: {  	_ =	sfence  }
0xb7: {  	s30 =	sld [smem:$0x0];
	_ =	sdelay $0x2  }
0xb8: {  	s31 =	sshll.u32 s1, $0xD;
	s1 =	sshrl.u32 s1, $0x2  }
0xb9: {  	s3 =	sand.u32 $0x4000, s31;
	s1 =	sadd.s32 s1, s30  }
0xba: {  	s0 =	sor.u32 s3, s0;
	s1 =	sshll.u32 s1, $0x11  }
0xbb: {  	s0 =	sor.u32 s1, s0  }
0xbc: {  	s0 =	sadd.s32 $0x8F2B, s0  }
0xbd: {  	[sflag:s0] =	ssyncadd.remote.s32 $0x1  }
0xbe: {  	_ =	sfence.sel $0xFFFF  }
0xbf: {  	[dreg:$0x0] =	wrdreg $0xFFFFFFFF;
	(pc) =	sbr.abs _section_cstart, $3  }
0xc0: {  	[dreg:$0x1] =	wrdreg $0xFFFFFFFF  }
0xc1: {  	_ =	task.clear_ibuf [dreg:s7], $0x2FFFF;
	_ =	strace $0x9FFFFFFF  }
0xc2: {  	(tm) =	ssettm $0x7FFFFFFF  }
0xc3: {  	_ =	shalt  }
tec
execute0_lowered:
.L_overlay_start_1:
0x0: {  	(tag) =	ssettag $0x1  }
0x1: {  	s0 =	rddreg [dreg:$0x0]  }
0x2: {  	s1 =	rddreg [dreg:$0x1]  }
0x3: {  	s3 =	srdreg.scid;
	s4 =	stileid.u32;
	s2 =	simm.s32 $0x0  }
0x4: {  	s3 =	sand.u32 $0x1, s3;
	s4 =	sshll.u32 s4, $0x1;
	[smem:$0x7FF] =	sst s2  }
0x5: {  	s6 =	sadd.s32 $0xF42E00, s0;
	s8 =	sadd.s32 $0xA00, s0;
	s18 =	sadd.s32 $0xB80, s0  }
0x6: {  	s20 =	sadd.s32 $0xD00, s0;
	_ =	strace $0x80000047;
	[dreg:$0x3] =	wrdreg s6  }
0x7: {  	s0 =	sadd.s32 $0xE80, s0;
	s4 =	sor.u32 s3, s4;
	[dreg:$0x7] =	wrdreg s18  }
0x8: {  	s3 =	ssub.s32 $0x2, s3;
	[dreg:$0x8] =	wrdreg s20;
	s5 =	smul.u32 $0x500, s4  }
0x9: {  	[dreg:$0x9] =	wrdreg s0;
	s16 =	sshrl.u32 s3, $0x1;
	s7 =	smul.u32 $0x180000, s4  }
0xa: {  	[dreg:$0x4] =	wrdreg s8;
	s17 =	sshll.u32 s4, $0x9;
	s12 =	ssub.s32 s3, s16  }
0xb: {  	[dreg:$0x5] =	wrdreg s17;
	s1 =	sadd.s32 s1, s5;
	s19 =	sshrl.u32 s7, $0x3  }
0xc: {  	s12 =	smax.u32 s12, $0x1;
	[dreg:$0x6] =	wrdreg s1;
	s11 =	sadd.s32 s8, s19  }
0xd: {  	s14 =	simm.s32 $0x0;
	[dreg:$0x18] =	wrdreg s12;
	s16 =	sadd.s32 $0x2D000, s11  }
0xe: {  	s17 =	sadd.s32 $0x2D180, s11;
	s21 =	sadd.s32 $0x2D300, s11;
	s18 =	sadd.s32 $0x2D480, s11  }
0xf: {  	s22 =	sadd.s32 $0x2D600, s11;
	s19 =	sadd.s32 $0x2D780, s11;
	[dreg:$0xc] =	wrdreg s21  }
0x10: {  	s23 =	sadd.s32 $0x2D900, s11;
	s20 =	sadd.s32 $0x2DA80, s11;
	[dreg:$0xe] =	wrdreg s22  }
0x11: {  	s24 =	sadd.s32 $0x2DC00, s11;
	s25 =	sadd.s32 $0x2DF00, s11;
	[dreg:$0x10] =	wrdreg s23  }
0x12: {  	s26 =	sadd.s32 $0x2E200, s11;
	s28 =	sadd.s32 $0x2E980, s11;
	[dreg:$0x12] =	wrdreg s24  }
0x13: {  	s29 =	sadd.s32 $0x2EB00, s11;
	s30 =	sadd.s32 $0x2EC80, s11;
	[dreg:$0x14] =	wrdreg s25  }
0x14: {  	s31 =	sadd.s32 $0x2EE00, s11;
	s0 =	sadd.s32 $0x2EF80, s11;
	[dreg:$0x16] =	wrdreg s26  }
0x15: {  	s1 =	sadd.s32 $0x2F100, s11;
	s6 =	sadd.s32 $0x2F280, s11;
	[dreg:$0xa] =	wrdreg s16  }
0x16: {  	s5 =	sadd.s32 $0x2F400, s11;
	s8 =	sadd.s32 $0x2F580, s11;
	[dreg:$0xb] =	wrdreg s17  }
0x17: {  	s9 =	sadd.s32 $0x2F700, s11;
	s7 =	sadd.s32 $0x2F880, s11;
	[dreg:$0xd] =	wrdreg s18  }
0x18: {  	s3 =	sadd.s32 $0x2FA00, s11;
	s4 =	sadd.s32 $0x2FB80, s11;
	[dreg:$0xf] =	wrdreg s19  }
0x19: {  	s10 =	sadd.s32 $0x2FD00, s11;
	s21 =	sadd.s32 $0x2DD80, s11;
	[dreg:$0x11] =	wrdreg s20  }
0x1a: {  	s22 =	sadd.s32 $0x2E080, s11;
	s23 =	sadd.s32 $0x2E380, s11;
	[dreg:$0x13] =	wrdreg s21  }
0x1b: {  	s24 =	sadd.s32 $0x2E500, s11;
	s25 =	sadd.s32 $0x2E680, s11;
	[dreg:$0x15] =	wrdreg s22  }
0x1c: {  	s26 =	sadd.s32 $0x2E800, s11;
	s11 =	sadd.s32 $0x2FE80, s11;
	[dreg:$0x17] =	wrdreg s23  }
.LBB2_1:
0x1d: {  	[dreg:$0x19] =	wrdreg s14  }
0x1e: {  	s12 =	rddreg [dreg:$0x6];
	s18 =	simm.s32 $0x11  }
0x1f: {  	[tilespmem:s2], [sflag:$0x11] =	stream.linear.gather [hbm4b:s12+s2], $0x2800, $0x38;
	[tilespmem:$0x16800] =	vst v63  }
0x20: {  	_ =	swait.ge [sflag:s18], $0x2800  }
0x21: {  	s13 =	simm.s32 $0x50;
	[sflag:s18] =	ssyncset.done $0x0  }
0x22: {  	s19 =	simm.s32 $0x2800;
	s12 =	rddreg [dreg:$0x3];
	[sflag:s18] =	ssyncadd.s32 $0xFFFFD800  }
0x23: {  	[tilespmem:s19], [sflag:$0x1] =	stream.indirect.gather [hbm4b:s12+s13], $0x80, s2, s13, $0xb8;
	[tilespmem:$0x16800] =	vst v63  }
0x24: {  	s20 =	simm.s32 $0x5000  }
0x25: {  	[tilespmem:s20], [sflag:$0x2] =	stream.indirect.gather [hbm4b:s12+s13], $0x80, s13, s13, $0xb8;
	[tilespmem:$0x16800] =	vst v63  }
0x26: {  	s21 =	simm.s32 $0xA0;
	s15 =	simm.s32 $0x7800  }
0x27: {  	[tilespmem:s15], [sflag:$0x3] =	stream.indirect.gather [hbm4b:s12+s13], $0x80, s21, s13, $0xb8;
	[tilespmem:$0x16800] =	vst v63  }
0x28: {  	s22 =	simm.s32 $0xF0;
	s23 =	simm.s32 $0xA000  }
0x29: {  	[tilespmem:s23], [sflag:$0x4] =	stream.indirect.gather [hbm4b:s12+s13], $0x80, s22, s13, $0xb8;
	[tilespmem:$0x16800] =	vst v63  }
0x2a: {  	s16 =	simm.s32 $0x140;
	s17 =	simm.s32 $0xC800  }
0x2b: {  	[tilespmem:s17], [sflag:$0x5] =	stream.indirect.gather [hbm4b:s12+s13], $0x80, s16, s13, $0xb8;
	[tilespmem:$0x16800] =	vst v63  }
0x2c: {  	s18 =	simm.s32 $0x190;
	s19 =	simm.s32 $0xF000  }
0x2d: {  	[tilespmem:s19], [sflag:$0x6] =	stream.indirect.gather [hbm4b:s12+s13], $0x80, s18, s13, $0xb8;
	[tilespmem:$0x16800] =	vst v63  }
0x2e: {  	s20 =	simm.s32 $0x1E0;
	s21 =	simm.s32 $0x11800  }
0x2f: {  	[tilespmem:s21], [sflag:$0x7] =	stream.indirect.gather [hbm4b:s12+s13], $0x80, s20, s13, $0xb8;
	[tilespmem:$0x16800] =	vst v63  }
0x30: {  	s22 =	simm.s32 $0x230;
	s23 =	simm.s32 $0x14000  }
0x31: {  	[tilespmem:s23], [sflag:$0x8] =	stream.indirect.gather [hbm4b:s12+s13], $0x80, s22, s13, $0xb8;
	[tilespmem:$0x16800] =	vst v63  }
0x32: {  	s12 =	simm.s32 $0x0  }
.LBB2_2:
0x33: {  	s21 =	sshll.u32 s12, $0x5;
	s13 =	rddreg [dreg:$0x5]  }
0x34: {  	[dreg:$0x1a] =	wrdreg s12;
	s22 =	simm.s32 $0x1;
	s13 =	sor.u32 s13, s21  }
0x35: {  	_ =	swait.ge [sflag:s22], $0x2800;
	[dreg:$0x1b] =	wrdreg s13;
	s13 =	smul.u32 $0x180, s13  }
0x36: {  	s14 =	simm.s32 $0x10;
	[sflag:s22] =	ssyncset.done $0x0;
	s23 =	rddreg [dreg:$0x4]  }
0x37: {  	s15 =	simm.s32 $0x2880;
	[sflag:s22] =	ssyncadd.s32 $0xFFFFD800;
	s12 =	sadd.s32 s23, s13  }
0x38: {  	[dreg:$0x1c] =	wrdreg s13;
	s13 =	simm.s32 $0x2800;
	s16 =	sadd.s32 $0x0, s12  }
.LBB2_3:
0x39: {  	[hbm4b:s16+s2] =	stream.linear.scatter [tilespmem:s13], [sflag:$0x9], $0x40, $0x38;
	[tilespmem:$0x16800] =	vst v63  }
0x3a: {  	s16 =	smov.u32 s14;
	s13 =	smov.u32 s15;
	p0 =	sne.s32 s14, $0x130  }
.Ltmp0:
0x3b: {  	s14 =	sadd.s32 $0x10, s14;
	(pc) =	sbr.rel @p0 .LBB2_3-.Ltmp0, $2  }
0x3c: {  	_ =	sdelay $0x2  }
0x3d: {  	s15 =	sadd.s32 $0x80, s15;
	s16 =	sadd.s32 s16, s12  }
0x3e: {  	[hbm4b:s16+s2] =	stream.linear.scatter [tilespmem:s13], [sflag:$0x9], $0x40, $0x38;
	[tilespmem:$0x16800] =	vst v63  }
0x3f: {  	s12 =	rddreg [dreg:$0x7]  }
0x40: {  	s23 =	rddreg [dreg:$0x1c]  }
0x41: {  	s13 =	simm.s32 $0x3200;
	s12 =	sadd.s32 s23, s12  }
0x42: {  	s14 =	simm.s32 $0x10;
	s15 =	simm.s32 $0x3280;
	s16 =	sadd.s32 $0x0, s12  }
.LBB2_5:
0x43: {  	[hbm4b:s16+s2] =	stream.linear.scatter [tilespmem:s13], [sflag:$0x9], $0x40, $0x38;
	[tilespmem:$0x16800] =	vst v63  }
0x44: {  	s16 =	smov.u32 s14;
	s13 =	smov.u32 s15;
	p0 =	sne.s32 s14, $0x130  }
.Ltmp1:
0x45: {  	s14 =	sadd.s32 $0x10, s14;
	(pc) =	sbr.rel @p0 .LBB2_5-.Ltmp1, $2  }
0x46: {  	_ =	sdelay $0x2  }
0x47: {  	s15 =	sadd.s32 $0x80, s15;
	s16 =	sadd.s32 s16, s12  }
0x48: {  	[hbm4b:s16+s2] =	stream.linear.scatter [tilespmem:s13], [sflag:$0x9], $0x40, $0x38;
	[tilespmem:$0x16800] =	vst v63  }
0x49: {  	s12 =	rddreg [dreg:$0x8]  }
0x4a: {  	s23 =	rddreg [dreg:$0x1c]  }
0x4b: {  	s13 =	simm.s32 $0x3C00;
	s12 =	sadd.s32 s23, s12  }
0x4c: {  	s14 =	simm.s32 $0x10;
	s15 =	simm.s32 $0x3C80;
	s16 =	sadd.s32 $0x0, s12  }
.LBB2_7:
0x4d: {  	[hbm4b:s16+s2] =	stream.linear.scatter [tilespmem:s13], [sflag:$0x9], $0x40, $0x38;
	[tilespmem:$0x16800] =	vst v63  }
0x4e: {  	s16 =	smov.u32 s14;
	s13 =	smov.u32 s15;
	p0 =	sne.s32 s14, $0x130  }
.Ltmp2:
0x4f: {  	s14 =	sadd.s32 $0x10, s14;
	(pc) =	sbr.rel @p0 .LBB2_7-.Ltmp2, $2  }
0x50: {  	_ =	sdelay $0x2  }
0x51: {  	s15 =	sadd.s32 $0x80, s15;
	s16 =	sadd.s32 s16, s12  }
0x52: {  	[hbm4b:s16+s2] =	stream.linear.scatter [tilespmem:s13], [sflag:$0x9], $0x40, $0x38;
	[tilespmem:$0x16800] =	vst v63  }
0x53: {  	s12 =	rddreg [dreg:$0x9]  }
0x54: {  	s23 =	rddreg [dreg:$0x1c]  }
0x55: {  	s13 =	simm.s32 $0x4600;
	s12 =	sadd.s32 s23, s12  }
0x56: {  	s14 =	simm.s32 $0x10;
	s15 =	simm.s32 $0x4680;
	s16 =	sadd.s32 $0x0, s12  }
.LBB2_9:
0x57: {  	[hbm4b:s16+s2] =	stream.linear.scatter [tilespmem:s13], [sflag:$0x9], $0x40, $0x38;
	[tilespmem:$0x16800] =	vst v63  }
0x58: {  	s16 =	smov.u32 s14;
	s13 =	smov.u32 s15;
	p0 =	sne.s32 s14, $0x130  }
.Ltmp3:
0x59: {  	s14 =	sadd.s32 $0x10, s14;
	(pc) =	sbr.rel @p0 .LBB2_9-.Ltmp3, $2  }
0x5a: {  	_ =	sdelay $0x2  }
0x5b: {  	s15 =	sadd.s32 $0x80, s15;
	s16 =	sadd.s32 s16, s12  }
0x5c: {  	[hbm4b:s16+s2] =	stream.linear.scatter [tilespmem:s13], [sflag:$0x9], $0x40, $0x38;
	[tilespmem:$0x16800] =	vst v63  }
0x5d: {  	s12 =	rddreg [dreg:$0x1b]  }
0x5e: {  	s14 =	simm.s32 $0x2;
	s12 =	sor.u32 $0x4, s12  }
0x5f: {  	_ =	swait.ge [sflag:s14], $0x2800;
	s13 =	smul.u32 $0x180, s12  }
0x60: {  	[sflag:s14] =	ssyncset.done $0x0;
	s23 =	rddreg [dreg:$0x4]  }
0x61: {  	s15 =	simm.s32 $0x5000;
	[sflag:s14] =	ssyncadd.s32 $0xFFFFD800;
	s14 =	sadd.s32 s23, s13  }
0x62: {  	s16 =	simm.s32 $0x10;
	s17 =	simm.s32 $0x5080;
	s18 =	sadd.s32 $0x0, s14  }
.LBB2_11:
0x63: {  	[hbm4b:s18+s2] =	stream.linear.scatter [tilespmem:s15], [sflag:$0xA], $0x40, $0x38;
	[tilespmem:$0x16800] =	vst v63  }
0x64: {  	s18 =	smov.u32 s16;
	s15 =	smov.u32 s17;
	p0 =	sne.s32 s16, $0x130  }
.Ltmp4:
0x65: {  	s16 =	sadd.s32 $0x10, s16;
	(pc) =	sbr.rel @p0 .LBB2_11-.Ltmp4, $2  }
0x66: {  	_ =	sdelay $0x2  }
0x67: {  	s17 =	sadd.s32 $0x80, s17;
	s18 =	sadd.s32 s18, s14  }
0x68: {  	[hbm4b:s18+s2] =	stream.linear.scatter [tilespmem:s15], [sflag:$0xA], $0x40, $0x38;
	[tilespmem:$0x16800] =	vst v63  }
0x69: {  	s14 =	rddreg [dreg:$0x7]  }
0x6a: {  	s15 =	simm.s32 $0x10;
	s13 =	sadd.s32 s13, s14  }
0x6b: {  	s16 =	simm.s32 $0x5A80;
	s14 =	simm.s32 $0x5A00;
	s17 =	sadd.s32 $0x0, s13  }
.LBB2_13:
0x6c: {  	[hbm4b:s17+s2] =	stream.linear.scatter [tilespmem:s14], [sflag:$0xA], $0x40, $0x38;
	[tilespmem:$0x16800] =	vst v63  }
0x6d: {  	s17 =	smov.u32 s15;
	s14 =	smov.u32 s16;
	p0 =	sne.s32 s15, $0x130  }
.Ltmp5:
0x6e: {  	s15 =	sadd.s32 $0x10, s15;
	(pc) =	sbr.rel @p0 .LBB2_13-.Ltmp5, $2  }
0x6f: {  	_ =	sdelay $0x2  }
0x70: {  	s16 =	sadd.s32 $0x80, s16;
	s17 =	sadd.s32 s17, s13  }
0x71: {  	s12 =	smul.u32 $0xC00, s12  }
0x72: {  	[hbm4b:s17+s2] =	stream.linear.scatter [tilespmem:s14], [sflag:$0xA], $0x40, $0x38;
	[tilespmem:$0x16800] =	vst v63  }
0x73: {  	s18 =	rddreg [dreg:$0x4];
	s12 =	sshrl.u32 s12, $0x3  }
0x74: {  	s12 =	sadd.s32 s18, s12  }
0x75: {  	s14 =	simm.s32 $0x6400;
	s13 =	sadd.s32 $0x300, s12  }
0x76: {  	s15 =	simm.s32 $0x10;
	s16 =	simm.s32 $0x6480;
	s17 =	sadd.s32 $0x0, s13  }
.LBB2_15:
0x77: {  	[hbm4b:s17+s2] =	stream.linear.scatter [tilespmem:s14], [sflag:$0xA], $0x40, $0x38;
	[tilespmem:$0x16800] =	vst v63  }
0x78: {  	s17 =	smov.u32 s15;
	s14 =	smov.u32 s16;
	p0 =	sne.s32 s15, $0x130  }
.Ltmp6:
0x79: {  	s15 =	sadd.s32 $0x10, s15;
	(pc) =	sbr.rel @p0 .LBB2_15-.Ltmp6, $2  }
0x7a: {  	_ =	sdelay $0x2  }
0x7b: {  	s16 =	sadd.s32 $0x80, s16;
	s17 =	sadd.s32 s17, s13  }
0x7c: {  	[hbm4b:s17+s2] =	stream.linear.scatter [tilespmem:s14], [sflag:$0xA], $0x40, $0x38;
	[tilespmem:$0x16800] =	vst v63  }
0x7d: {  	s12 =	sadd.s32 $0x480, s12;
	s13 =	simm.s32 $0x6E00  }
0x7e: {  	s14 =	simm.s32 $0x10;
	s15 =	simm.s32 $0x6E80;
	s16 =	sadd.s32 $0x0, s12  }
.LBB2_17:
0x7f: {  	[hbm4b:s16+s2] =	stream.linear.scatter [tilespmem:s13], [sflag:$0xA], $0x40, $0x38;
	[tilespmem:$0x16800] =	vst v63  }
0x80: {  	s16 =	smov.u32 s14;
	s13 =	smov.u32 s15;
	p0 =	sne.s32 s14, $0x130  }
.Ltmp7:
0x81: {  	s14 =	sadd.s32 $0x10, s14;
	(pc) =	sbr.rel @p0 .LBB2_17-.Ltmp7, $2  }
0x82: {  	_ =	sdelay $0x2  }
0x83: {  	s15 =	sadd.s32 $0x80, s15;
	s16 =	sadd.s32 s16, s12  }
0x84: {  	[hbm4b:s16+s2] =	stream.linear.scatter [tilespmem:s13], [sflag:$0xA], $0x40, $0x38;
	[tilespmem:$0x16800] =	vst v63  }
0x85: {  	s12 =	rddreg [dreg:$0x1b]  }
0x86: {  	s14 =	simm.s32 $0x3;
	s12 =	sor.u32 $0x8, s12  }
0x87: {  	_ =	swait.ge [sflag:s14], $0x2800;
	s13 =	smul.u32 $0x180, s12  }
0x88: {  	[sflag:s14] =	ssyncset.done $0x0  }
0x89: {  	s15 =	simm.s32 $0x7800;
	[sflag:s14] =	ssyncadd.s32 $0xFFFFD800;
	s14 =	sadd.s32 s18, s13  }
0x8a: {  	s16 =	simm.s32 $0x10;
	s17 =	simm.s32 $0x7880;
	s18 =	sadd.s32 $0x0, s14  }
.LBB2_19:
0x8b: {  	[hbm4b:s18+s2] =	stream.linear.scatter [tilespmem:s15], [sflag:$0xB], $0x40, $0x38;
	[tilespmem:$0x16800] =	vst v63  }
0x8c: {  	s18 =	smov.u32 s16;
	s15 =	smov.u32 s17;
	p0 =	sne.s32 s16, $0x130  }
.Ltmp8:
0x8d: {  	s16 =	sadd.s32 $0x10, s16;
	(pc) =	sbr.rel @p0 .LBB2_19-.Ltmp8, $2  }
0x8e: {  	_ =	sdelay $0x2  }
0x8f: {  	s17 =	sadd.s32 $0x80, s17;
	s18 =	sadd.s32 s18, s14  }
0x90: {  	[hbm4b:s18+s2] =	stream.linear.scatter [tilespmem:s15], [sflag:$0xB], $0x40, $0x38;
	[tilespmem:$0x16800] =	vst v63  }
0x91: {  	s14 =	rddreg [dreg:$0x7]  }
0x92: {  	s15 =	simm.s32 $0x8200;
	s14 =	sadd.s32 s13, s14  }
0x93: {  	s16 =	simm.s32 $0x10;
	s17 =	simm.s32 $0x8280;
	s18 =	sadd.s32 $0x0, s14  }
.LBB2_21:
0x94: {  	[hbm4b:s18+s2] =	stream.linear.scatter [tilespmem:s15], [sflag:$0xB], $0x40, $0x38;
	[tilespmem:$0x16800] =	vst v63  }
0x95: {  	s18 =	smov.u32 s16;
	s15 =	smov.u32 s17;
	p0 =	sne.s32 s16, $0x130  }
.Ltmp9:
0x96: {  	s16 =	sadd.s32 $0x10, s16;
	(pc) =	sbr.rel @p0 .LBB2_21-.Ltmp9, $2  }
0x97: {  	_ =	sdelay $0x2  }
0x98: {  	s17 =	sadd.s32 $0x80, s17;
	s18 =	sadd.s32 s18, s14  }
0x99: {  	[hbm4b:s18+s2] =	stream.linear.scatter [tilespmem:s15], [sflag:$0xB], $0x40, $0x38;
	[tilespmem:$0x16800] =	vst v63  }
0x9a: {  	s14 =	rddreg [dreg:$0x8]  }
0x9b: {  	s15 =	simm.s32 $0x10;
	s13 =	sadd.s32 s13, s14  }
0x9c: {  	s16 =	simm.s32 $0x8C80;
	s14 =	simm.s32 $0x8C00;
	s17 =	sadd.s32 $0x0, s13  }
.LBB2_23:
0x9d: {  	[hbm4b:s17+s2] =	stream.linear.scatter [tilespmem:s14], [sflag:$0xB], $0x40, $0x38;
	[tilespmem:$0x16800] =	vst v63  }
0x9e: {  	s17 =	smov.u32 s15;
	s14 =	smov.u32 s16;
	p0 =	sne.s32 s15, $0x130  }
.Ltmp10:
0x9f: {  	s15 =	sadd.s32 $0x10, s15;
	(pc) =	sbr.rel @p0 .LBB2_23-.Ltmp10, $2  }
0xa0: {  	_ =	sdelay $0x2  }
0xa1: {  	s16 =	sadd.s32 $0x80, s16;
	s17 =	sadd.s32 s17, s13  }
0xa2: {  	s12 =	smul.u32 $0xC00, s12  }
0xa3: {  	[hbm4b:s17+s2] =	stream.linear.scatter [tilespmem:s14], [sflag:$0xB], $0x40, $0x38;
	[tilespmem:$0x16800] =	vst v63  }
0xa4: {  	s17 =	rddreg [dreg:$0x4];
	s12 =	sshrl.u32 s12, $0x3  }
0xa5: {  	s12 =	sadd.s32 s17, s12  }
0xa6: {  	s13 =	simm.s32 $0x9600;
	s12 =	sadd.s32 $0x480, s12  }
0xa7: {  	s14 =	simm.s32 $0x10;
	s15 =	simm.s32 $0x9680;
	s16 =	sadd.s32 $0x0, s12  }
.LBB2_25:
0xa8: {  	[hbm4b:s16+s2] =	stream.linear.scatter [tilespmem:s13], [sflag:$0xB], $0x40, $0x38;
	[tilespmem:$0x16800] =	vst v63  }
0xa9: {  	s16 =	smov.u32 s14;
	s13 =	smov.u32 s15;
	p0 =	sne.s32 s14, $0x130  }
.Ltmp11:
0xaa: {  	s14 =	sadd.s32 $0x10, s14;
	(pc) =	sbr.rel @p0 .LBB2_25-.Ltmp11, $2  }
0xab: {  	_ =	sdelay $0x2  }
0xac: {  	s15 =	sadd.s32 $0x80, s15;
	s16 =	sadd.s32 s16, s12  }
0xad: {  	[hbm4b:s16+s2] =	stream.linear.scatter [tilespmem:s13], [sflag:$0xB], $0x40, $0x38;
	[tilespmem:$0x16800] =	vst v63  }
0xae: {  	s12 =	rddreg [dreg:$0x1b]  }
0xaf: {  	s14 =	simm.s32 $0x4;
	s13 =	sor.u32 $0xC, s12  }
0xb0: {  	_ =	swait.ge [sflag:s14], $0x2800;
	s12 =	smul.u32 $0x180, s13  }
0xb1: {  	[sflag:s14] =	ssyncset.done $0x0  }
0xb2: {  	s15 =	simm.s32 $0xA000;
	[sflag:s14] =	ssyncadd.s32 $0xFFFFD800;
	s14 =	sadd.s32 s17, s12  }
0xb3: {  	s16 =	simm.s32 $0x10;
	s17 =	simm.s32 $0xA080;
	s18 =	sadd.s32 $0x0, s14  }
.LBB2_27:
0xb4: {  	[hbm4b:s18+s2] =	stream.linear.scatter [tilespmem:s15], [sflag:$0xC], $0x40, $0x38;
	[tilespmem:$0x16800] =	vst v63  }
0xb5: {  	s18 =	smov.u32 s16;
	s15 =	smov.u32 s17;
	p0 =	sne.s32 s16, $0x130  }
.Ltmp12:
0xb6: {  	s16 =	sadd.s32 $0x10, s16;
	(pc) =	sbr.rel @p0 .LBB2_27-.Ltmp12, $2  }
0xb7: {  	_ =	sdelay $0x2  }
0xb8: {  	s17 =	sadd.s32 $0x80, s17;
	s18 =	sadd.s32 s18, s14  }
0xb9: {  	[hbm4b:s18+s2] =	stream.linear.scatter [tilespmem:s15], [sflag:$0xC], $0x40, $0x38;
	[tilespmem:$0x16800] =	vst v63  }
0xba: {  	s14 =	rddreg [dreg:$0x7]  }
0xbb: {  	s15 =	simm.s32 $0xAA00;
	s14 =	sadd.s32 s12, s14  }
0xbc: {  	s16 =	simm.s32 $0x10;
	s17 =	simm.s32 $0xAA80;
	s18 =	sadd.s32 $0x0, s14  }
.LBB2_29:
0xbd: {  	[hbm4b:s18+s2] =	stream.linear.scatter [tilespmem:s15], [sflag:$0xC], $0x40, $0x38;
	[tilespmem:$0x16800] =	vst v63  }
0xbe: {  	s18 =	smov.u32 s16;
	s15 =	smov.u32 s17;
	p0 =	sne.s32 s16, $0x130  }
.Ltmp13:
0xbf: {  	s16 =	sadd.s32 $0x10, s16;
	(pc) =	sbr.rel @p0 .LBB2_29-.Ltmp13, $2  }
0xc0: {  	_ =	sdelay $0x2  }
0xc1: {  	s17 =	sadd.s32 $0x80, s17;
	s18 =	sadd.s32 s18, s14  }
0xc2: {  	s13 =	smul.u32 $0xC00, s13  }
0xc3: {  	[hbm4b:s18+s2] =	stream.linear.scatter [tilespmem:s15], [sflag:$0xC], $0x40, $0x38;
	[tilespmem:$0x16800] =	vst v63  }
0xc4: {  	s18 =	rddreg [dreg:$0x4];
	s13 =	sshrl.u32 s13, $0x3  }
0xc5: {  	s13 =	sadd.s32 s18, s13  }
0xc6: {  	s14 =	simm.s32 $0xB400;
	s13 =	sadd.s32 $0x300, s13  }
0xc7: {  	s15 =	simm.s32 $0x10;
	s16 =	simm.s32 $0xB480;
	s17 =	sadd.s32 $0x0, s13  }
.LBB2_31:
0xc8: {  	[hbm4b:s17+s2] =	stream.linear.scatter [tilespmem:s14], [sflag:$0xC], $0x40, $0x38;
	[tilespmem:$0x16800] =	vst v63  }
0xc9: {  	s17 =	smov.u32 s15;
	s14 =	smov.u32 s16;
	p0 =	sne.s32 s15, $0x130  }
.Ltmp14:
0xca: {  	s15 =	sadd.s32 $0x10, s15;
	(pc) =	sbr.rel @p0 .LBB2_31-.Ltmp14, $2  }
0xcb: {  	_ =	sdelay $0x2  }
0xcc: {  	s16 =	sadd.s32 $0x80, s16;
	s17 =	sadd.s32 s17, s13  }
0xcd: {  	[hbm4b:s17+s2] =	stream.linear.scatter [tilespmem:s14], [sflag:$0xC], $0x40, $0x38;
	[tilespmem:$0x16800] =	vst v63  }
0xce: {  	s13 =	rddreg [dreg:$0x9]  }
0xcf: {  	s14 =	simm.s32 $0x10;
	s12 =	sadd.s32 s12, s13  }
0xd0: {  	s15 =	simm.s32 $0xBE80;
	s13 =	simm.s32 $0xBE00;
	s16 =	sadd.s32 $0x0, s12  }
.LBB2_33:
0xd1: {  	[hbm4b:s16+s2] =	stream.linear.scatter [tilespmem:s13], [sflag:$0xC], $0x40, $0x38;
	[tilespmem:$0x16800] =	vst v63  }
0xd2: {  	s16 =	smov.u32 s14;
	s13 =	smov.u32 s15;
	p0 =	sne.s32 s14, $0x130  }
.Ltmp15:
0xd3: {  	s14 =	sadd.s32 $0x10, s14;
	(pc) =	sbr.rel @p0 .LBB2_33-.Ltmp15, $2  }
0xd4: {  	_ =	sdelay $0x2  }
0xd5: {  	s15 =	sadd.s32 $0x80, s15;
	s16 =	sadd.s32 s16, s12  }
0xd6: {  	[hbm4b:s16+s2] =	stream.linear.scatter [tilespmem:s13], [sflag:$0xC], $0x40, $0x38;
	[tilespmem:$0x16800] =	vst v63  }
0xd7: {  	s23 =	simm.s32 $0x5  }
0xd8: {  	_ =	swait.ge [sflag:s23], $0x2800  }
0xd9: {  	s12 =	rddreg [dreg:$0x1c]  }
0xda: {  	s14 =	simm.s32 $0xC800;
	s12 =	sadd.s32 $0x1800, s12  }
0xdb: {  	s15 =	simm.s32 $0x10;
	[sflag:s23] =	ssyncset.done $0x0;
	s13 =	sadd.s32 s18, s12  }
0xdc: {  	s16 =	simm.s32 $0xC880;
	[sflag:s23] =	ssyncadd.s32 $0xFFFFD800;
	s17 =	sadd.s32 $0x0, s13  }
.LBB2_35:
0xdd: {  	[hbm4b:s17+s2] =	stream.linear.scatter [tilespmem:s14], [sflag:$0xD], $0x40, $0x38;
	[tilespmem:$0x16800] =	vst v63  }
0xde: {  	s17 =	smov.u32 s15;
	s14 =	smov.u32 s16;
	p0 =	sne.s32 s15, $0x130  }
.Ltmp16:
0xdf: {  	s15 =	sadd.s32 $0x10, s15;
	(pc) =	sbr.rel @p0 .LBB2_35-.Ltmp16, $2  }
0xe0: {  	_ =	sdelay $0x2  }
0xe1: {  	s16 =	sadd.s32 $0x80, s16;
	s17 =	sadd.s32 s17, s13  }
0xe2: {  	[hbm4b:s17+s2] =	stream.linear.scatter [tilespmem:s14], [sflag:$0xD], $0x40, $0x38;
	[tilespmem:$0x16800] =	vst v63  }
0xe3: {  	s13 =	rddreg [dreg:$0x7]  }
0xe4: {  	s14 =	simm.s32 $0xD200;
	s13 =	sadd.s32 s12, s13  }
0xe5: {  	s15 =	simm.s32 $0x10;
	s16 =	simm.s32 $0xD280;
	s17 =	sadd.s32 $0x0, s13  }
.LBB2_37:
0xe6: {  	[hbm4b:s17+s2] =	stream.linear.scatter [tilespmem:s14], [sflag:$0xD], $0x40, $0x38;
	[tilespmem:$0x16800] =	vst v63  }
0xe7: {  	s17 =	smov.u32 s15;
	s14 =	smov.u32 s16;
	p0 =	sne.s32 s15, $0x130  }
.Ltmp17:
0xe8: {  	s15 =	sadd.s32 $0x10, s15;
	(pc) =	sbr.rel @p0 .LBB2_37-.Ltmp17, $2  }
0xe9: {  	_ =	sdelay $0x2  }
0xea: {  	s16 =	sadd.s32 $0x80, s16;
	s17 =	sadd.s32 s17, s13  }
0xeb: {  	[hbm4b:s17+s2] =	stream.linear.scatter [tilespmem:s14], [sflag:$0xD], $0x40, $0x38;
	[tilespmem:$0x16800] =	vst v63  }
0xec: {  	s13 =	rddreg [dreg:$0x8]  }
0xed: {  	s14 =	simm.s32 $0xDC00;
	s13 =	sadd.s32 s12, s13  }
0xee: {  	s15 =	simm.s32 $0x10;
	s16 =	simm.s32 $0xDC80;
	s17 =	sadd.s32 $0x0, s13  }
.LBB2_39:
0xef: {  	[hbm4b:s17+s2] =	stream.linear.scatter [tilespmem:s14], [sflag:$0xD], $0x40, $0x38;
	[tilespmem:$0x16800] =	vst v63  }
0xf0: {  	s17 =	smov.u32 s15;
	s14 =	smov.u32 s16;
	p0 =	sne.s32 s15, $0x130  }
.Ltmp18:
0xf1: {  	s15 =	sadd.s32 $0x10, s15;
	(pc) =	sbr.rel @p0 .LBB2_39-.Ltmp18, $2  }
0xf2: {  	_ =	sdelay $0x2  }
0xf3: {  	s16 =	sadd.s32 $0x80, s16;
	s17 =	sadd.s32 s17, s13  }
0xf4: {  	[hbm4b:s17+s2] =	stream.linear.scatter [tilespmem:s14], [sflag:$0xD], $0x40, $0x38;
	[tilespmem:$0x16800] =	vst v63  }
0xf5: {  	s13 =	rddreg [dreg:$0x9]  }
0xf6: {  	s14 =	simm.s32 $0x10;
	s12 =	sadd.s32 s12, s13  }
0xf7: {  	s15 =	simm.s32 $0xE680;
	s13 =	simm.s32 $0xE600;
	s16 =	sadd.s32 $0x0, s12  }
.LBB2_41:
0xf8: {  	[hbm4b:s16+s2] =	stream.linear.scatter [tilespmem:s13], [sflag:$0xD], $0x40, $0x38;
	[tilespmem:$0x16800] =	vst v63  }
0xf9: {  	s16 =	smov.u32 s14;
	s13 =	smov.u32 s15;
	p0 =	sne.s32 s14, $0x130  }
.Ltmp19:
0xfa: {  	s14 =	sadd.s32 $0x10, s14;
	(pc) =	sbr.rel @p0 .LBB2_41-.Ltmp19, $2  }
0xfb: {  	_ =	sdelay $0x2  }
0xfc: {  	s15 =	sadd.s32 $0x80, s15;
	s16 =	sadd.s32 s16, s12  }
0xfd: {  	[hbm4b:s16+s2] =	stream.linear.scatter [tilespmem:s13], [sflag:$0xD], $0x40, $0x38;
	[tilespmem:$0x16800] =	vst v63  }
0xfe: {  	s12 =	rddreg [dreg:$0x1b]  }
0xff: {  	s14 =	simm.s32 $0x6;
	s12 =	sor.u32 $0x14, s12  }
0x100: {  	_ =	swait.ge [sflag:s14], $0x2800;
	s13 =	smul.u32 $0x180, s12  }
0x101: {  	[sflag:s14] =	ssyncset.done $0x0  }
0x102: {  	s15 =	simm.s32 $0xF000;
	[sflag:s14] =	ssyncadd.s32 $0xFFFFD800;
	s14 =	sadd.s32 s18, s13  }
0x103: {  	s16 =	simm.s32 $0x10;
	s17 =	simm.s32 $0xF080;
	s18 =	sadd.s32 $0x0, s14  }
.LBB2_43:
0x104: {  	[hbm4b:s18+s2] =	stream.linear.scatter [tilespmem:s15], [sflag:$0xE], $0x40, $0x38;
	[tilespmem:$0x16800] =	vst v63  }
0x105: {  	s18 =	smov.u32 s16;
	s15 =	smov.u32 s17;
	p0 =	sne.s32 s16, $0x130  }
.Ltmp20:
0x106: {  	s16 =	sadd.s32 $0x10, s16;
	(pc) =	sbr.rel @p0 .LBB2_43-.Ltmp20, $2  }
0x107: {  	_ =	sdelay $0x2  }
0x108: {  	s17 =	sadd.s32 $0x80, s17;
	s18 =	sadd.s32 s18, s14  }
0x109: {  	[hbm4b:s18+s2] =	stream.linear.scatter [tilespmem:s15], [sflag:$0xE], $0x40, $0x38;
	[tilespmem:$0x16800] =	vst v63  }
0x10a: {  	s14 =	rddreg [dreg:$0x7]  }
0x10b: {  	s15 =	simm.s32 $0x10;
	s13 =	sadd.s32 s13, s14  }
0x10c: {  	s16 =	simm.s32 $0xFA80;
	s14 =	simm.s32 $0xFA00;
	s17 =	sadd.s32 $0x0, s13  }
.LBB2_45:
0x10d: {  	[hbm4b:s17+s2] =	stream.linear.scatter [tilespmem:s14], [sflag:$0xE], $0x40, $0x38;
	[tilespmem:$0x16800] =	vst v63  }
0x10e: {  	s17 =	smov.u32 s15;
	s14 =	smov.u32 s16;
	p0 =	sne.s32 s15, $0x130  }
.Ltmp21:
0x10f: {  	s15 =	sadd.s32 $0x10, s15;
	(pc) =	sbr.rel @p0 .LBB2_45-.Ltmp21, $2  }
0x110: {  	_ =	sdelay $0x2  }
0x111: {  	s16 =	sadd.s32 $0x80, s16;
	s17 =	sadd.s32 s17, s13  }
0x112: {  	s12 =	smul.u32 $0xC00, s12  }
0x113: {  	[hbm4b:s17+s2] =	stream.linear.scatter [tilespmem:s14], [sflag:$0xE], $0x40, $0x38;
	[tilespmem:$0x16800] =	vst v63  }
0x114: {  	s18 =	rddreg [dreg:$0x4];
	s12 =	sshrl.u32 s12, $0x3  }
0x115: {  	s12 =	sadd.s32 s18, s12  }
0x116: {  	s14 =	simm.s32 $0x10400;
	s13 =	sadd.s32 $0x300, s12  }
0x117: {  	s15 =	simm.s32 $0x10;
	s16 =	simm.s32 $0x10480;
	s17 =	sadd.s32 $0x0, s13  }
.LBB2_47:
0x118: {  	[hbm4b:s17+s2] =	stream.linear.scatter [tilespmem:s14], [sflag:$0xE], $0x40, $0x38;
	[tilespmem:$0x16800] =	vst v63  }
0x119: {  	s17 =	smov.u32 s15;
	s14 =	smov.u32 s16;
	p0 =	sne.s32 s15, $0x130  }
.Ltmp22:
0x11a: {  	s15 =	sadd.s32 $0x10, s15;
	(pc) =	sbr.rel @p0 .LBB2_47-.Ltmp22, $2  }
0x11b: {  	_ =	sdelay $0x2  }
0x11c: {  	s16 =	sadd.s32 $0x80, s16;
	s17 =	sadd.s32 s17, s13  }
0x11d: {  	[hbm4b:s17+s2] =	stream.linear.scatter [tilespmem:s14], [sflag:$0xE], $0x40, $0x38;
	[tilespmem:$0x16800] =	vst v63  }
0x11e: {  	s12 =	sadd.s32 $0x480, s12;
	s13 =	simm.s32 $0x10E00  }
0x11f: {  	s14 =	simm.s32 $0x10;
	s15 =	simm.s32 $0x10E80;
	s16 =	sadd.s32 $0x0, s12  }
.LBB2_49:
0x120: {  	[hbm4b:s16+s2] =	stream.linear.scatter [tilespmem:s13], [sflag:$0xE], $0x40, $0x38;
	[tilespmem:$0x16800] =	vst v63  }
0x121: {  	s16 =	smov.u32 s14;
	s13 =	smov.u32 s15;
	p0 =	sne.s32 s14, $0x130  }
.Ltmp23:
0x122: {  	s14 =	sadd.s32 $0x10, s14;
	(pc) =	sbr.rel @p0 .LBB2_49-.Ltmp23, $2  }
0x123: {  	_ =	sdelay $0x2  }
0x124: {  	s15 =	sadd.s32 $0x80, s15;
	s16 =	sadd.s32 s16, s12  }
0x125: {  	[hbm4b:s16+s2] =	stream.linear.scatter [tilespmem:s13], [sflag:$0xE], $0x40, $0x38;
	[tilespmem:$0x16800] =	vst v63  }
0x126: {  	s12 =	rddreg [dreg:$0x1b]  }
0x127: {  	s14 =	simm.s32 $0x7;
	s12 =	sor.u32 $0x18, s12  }
0x128: {  	_ =	swait.ge [sflag:s14], $0x2800;
	s13 =	smul.u32 $0x180, s12  }
0x129: {  	[sflag:s14] =	ssyncset.done $0x0  }
0x12a: {  	s15 =	simm.s32 $0x11800;
	[sflag:s14] =	ssyncadd.s32 $0xFFFFD800;
	s14 =	sadd.s32 s18, s13  }
0x12b: {  	s16 =	simm.s32 $0x10;
	s17 =	simm.s32 $0x11880;
	s18 =	sadd.s32 $0x0, s14  }
.LBB2_51:
0x12c: {  	[hbm4b:s18+s2] =	stream.linear.scatter [tilespmem:s15], [sflag:$0xF], $0x40, $0x38;
	[tilespmem:$0x16800] =	vst v63  }
0x12d: {  	s18 =	smov.u32 s16;
	s15 =	smov.u32 s17;
	p0 =	sne.s32 s16, $0x130  }
.Ltmp24:
0x12e: {  	s16 =	sadd.s32 $0x10, s16;
	(pc) =	sbr.rel @p0 .LBB2_51-.Ltmp24, $2  }
0x12f: {  	_ =	sdelay $0x2  }
0x130: {  	s17 =	sadd.s32 $0x80, s17;
	s18 =	sadd.s32 s18, s14  }
0x131: {  	[hbm4b:s18+s2] =	stream.linear.scatter [tilespmem:s15], [sflag:$0xF], $0x40, $0x38;
	[tilespmem:$0x16800] =	vst v63  }
0x132: {  	s14 =	rddreg [dreg:$0x7]  }
0x133: {  	s15 =	simm.s32 $0x12200;
	s14 =	sadd.s32 s13, s14  }
0x134: {  	s16 =	simm.s32 $0x10;
	s17 =	simm.s32 $0x12280;
	s18 =	sadd.s32 $0x0, s14  }
.LBB2_53:
0x135: {  	[hbm4b:s18+s2] =	stream.linear.scatter [tilespmem:s15], [sflag:$0xF], $0x40, $0x38;
	[tilespmem:$0x16800] =	vst v63  }
0x136: {  	s18 =	smov.u32 s16;
	s15 =	smov.u32 s17;
	p0 =	sne.s32 s16, $0x130  }
.Ltmp25:
0x137: {  	s16 =	sadd.s32 $0x10, s16;
	(pc) =	sbr.rel @p0 .LBB2_53-.Ltmp25, $2  }
0x138: {  	_ =	sdelay $0x2  }
0x139: {  	s17 =	sadd.s32 $0x80, s17;
	s18 =	sadd.s32 s18, s14  }
0x13a: {  	[hbm4b:s18+s2] =	stream.linear.scatter [tilespmem:s15], [sflag:$0xF], $0x40, $0x38;
	[tilespmem:$0x16800] =	vst v63  }
0x13b: {  	s14 =	rddreg [dreg:$0x8]  }
0x13c: {  	s15 =	simm.s32 $0x10;
	s13 =	sadd.s32 s13, s14  }
0x13d: {  	s16 =	simm.s32 $0x12C80;
	s14 =	simm.s32 $0x12C00;
	s17 =	sadd.s32 $0x0, s13  }
.LBB2_55:
0x13e: {  	[hbm4b:s17+s2] =	stream.linear.scatter [tilespmem:s14], [sflag:$0xF], $0x40, $0x38;
	[tilespmem:$0x16800] =	vst v63  }
0x13f: {  	s17 =	smov.u32 s15;
	s14 =	smov.u32 s16;
	p0 =	sne.s32 s15, $0x130  }
.Ltmp26:
0x140: {  	s15 =	sadd.s32 $0x10, s15;
	(pc) =	sbr.rel @p0 .LBB2_55-.Ltmp26, $2  }
0x141: {  	_ =	sdelay $0x2  }
0x142: {  	s16 =	sadd.s32 $0x80, s16;
	s17 =	sadd.s32 s17, s13  }
0x143: {  	s12 =	smul.u32 $0xC00, s12  }
0x144: {  	[hbm4b:s17+s2] =	stream.linear.scatter [tilespmem:s14], [sflag:$0xF], $0x40, $0x38;
	[tilespmem:$0x16800] =	vst v63  }
0x145: {  	s17 =	rddreg [dreg:$0x4];
	s12 =	sshrl.u32 s12, $0x3  }
0x146: {  	s12 =	sadd.s32 s17, s12  }
0x147: {  	s13 =	simm.s32 $0x13600;
	s12 =	sadd.s32 $0x480, s12  }
0x148: {  	s14 =	simm.s32 $0x10;
	s15 =	simm.s32 $0x13680;
	s16 =	sadd.s32 $0x0, s12  }
.LBB2_57:
0x149: {  	[hbm4b:s16+s2] =	stream.linear.scatter [tilespmem:s13], [sflag:$0xF], $0x40, $0x38;
	[tilespmem:$0x16800] =	vst v63  }
0x14a: {  	s16 =	smov.u32 s14;
	s13 =	smov.u32 s15;
	p0 =	sne.s32 s14, $0x130  }
.Ltmp27:
0x14b: {  	s14 =	sadd.s32 $0x10, s14;
	(pc) =	sbr.rel @p0 .LBB2_57-.Ltmp27, $2  }
0x14c: {  	_ =	sdelay $0x2  }
0x14d: {  	s15 =	sadd.s32 $0x80, s15;
	s16 =	sadd.s32 s16, s12  }
0x14e: {  	[hbm4b:s16+s2] =	stream.linear.scatter [tilespmem:s13], [sflag:$0xF], $0x40, $0x38;
	[tilespmem:$0x16800] =	vst v63  }
0x14f: {  	s12 =	rddreg [dreg:$0x1b]  }
0x150: {  	s14 =	simm.s32 $0x8;
	s13 =	sor.u32 $0x1C, s12  }
0x151: {  	_ =	swait.ge [sflag:s14], $0x2800;
	s12 =	smul.u32 $0x180, s13  }
0x152: {  	[sflag:s14] =	ssyncset.done $0x0  }
0x153: {  	s15 =	simm.s32 $0x14000;
	[sflag:s14] =	ssyncadd.s32 $0xFFFFD800;
	s14 =	sadd.s32 s17, s12  }
0x154: {  	s16 =	simm.s32 $0x10;
	s17 =	simm.s32 $0x14080;
	s18 =	sadd.s32 $0x0, s14  }
.LBB2_59:
0x155: {  	[hbm4b:s18+s2] =	stream.linear.scatter [tilespmem:s15], [sflag:$0x10], $0x40, $0x38;
	[tilespmem:$0x16800] =	vst v63  }
0x156: {  	s18 =	smov.u32 s16;
	s15 =	smov.u32 s17;
	p0 =	sne.s32 s16, $0x130  }
.Ltmp28:
0x157: {  	s16 =	sadd.s32 $0x10, s16;
	(pc) =	sbr.rel @p0 .LBB2_59-.Ltmp28, $2  }
0x158: {  	_ =	sdelay $0x2  }
0x159: {  	s17 =	sadd.s32 $0x80, s17;
	s18 =	sadd.s32 s18, s14  }
0x15a: {  	[hbm4b:s18+s2] =	stream.linear.scatter [tilespmem:s15], [sflag:$0x10], $0x40, $0x38;
	[tilespmem:$0x16800] =	vst v63  }
0x15b: {  	s14 =	rddreg [dreg:$0x7]  }
0x15c: {  	s15 =	simm.s32 $0x14A00;
	s14 =	sadd.s32 s12, s14  }
0x15d: {  	s16 =	simm.s32 $0x10;
	s17 =	simm.s32 $0x14A80;
	s18 =	sadd.s32 $0x0, s14  }
.LBB2_61:
0x15e: {  	[hbm4b:s18+s2] =	stream.linear.scatter [tilespmem:s15], [sflag:$0x10], $0x40, $0x38;
	[tilespmem:$0x16800] =	vst v63  }
0x15f: {  	s18 =	smov.u32 s16;
	s15 =	smov.u32 s17;
	p0 =	sne.s32 s16, $0x130  }
.Ltmp29:
0x160: {  	s16 =	sadd.s32 $0x10, s16;
	(pc) =	sbr.rel @p0 .LBB2_61-.Ltmp29, $2  }
0x161: {  	_ =	sdelay $0x2  }
0x162: {  	s17 =	sadd.s32 $0x80, s17;
	s18 =	sadd.s32 s18, s14  }
0x163: {  	s13 =	smul.u32 $0xC00, s13  }
0x164: {  	[hbm4b:s18+s2] =	stream.linear.scatter [tilespmem:s15], [sflag:$0x10], $0x40, $0x38;
	[tilespmem:$0x16800] =	vst v63  }
0x165: {  	s14 =	rddreg [dreg:$0x4];
	s13 =	sshrl.u32 s13, $0x3  }
0x166: {  	s13 =	sadd.s32 s14, s13  }
0x167: {  	s15 =	simm.s32 $0x10;
	s13 =	sadd.s32 $0x300, s13  }
0x168: {  	s16 =	simm.s32 $0x15480;
	s14 =	simm.s32 $0x15400;
	s17 =	sadd.s32 $0x0, s13  }
.LBB2_63:
0x169: {  	[hbm4b:s17+s2] =	stream.linear.scatter [tilespmem:s14], [sflag:$0x10], $0x40, $0x38;
	[tilespmem:$0x16800] =	vst v63  }
0x16a: {  	s17 =	smov.u32 s15;
	s14 =	smov.u32 s16;
	p0 =	sne.s32 s15, $0x130  }
.Ltmp30:
0x16b: {  	s15 =	sadd.s32 $0x10, s15;
	(pc) =	sbr.rel @p0 .LBB2_63-.Ltmp30, $2  }
0x16c: {  	_ =	sdelay $0x2  }
0x16d: {  	s16 =	sadd.s32 $0x80, s16;
	s17 =	sadd.s32 s17, s13  }
0x16e: {  	[hbm4b:s17+s2] =	stream.linear.scatter [tilespmem:s14], [sflag:$0x10], $0x40, $0x38;
	[tilespmem:$0x16800] =	vst v63  }
0x16f: {  	s13 =	rddreg [dreg:$0x9]  }
0x170: {  	s14 =	simm.s32 $0x10;
	s12 =	sadd.s32 s12, s13  }
0x171: {  	s15 =	simm.s32 $0x15E80;
	s13 =	simm.s32 $0x15E00;
	s16 =	sadd.s32 $0x0, s12  }
.LBB2_65:
0x172: {  	[hbm4b:s16+s2] =	stream.linear.scatter [tilespmem:s13], [sflag:$0x10], $0x40, $0x38;
	[tilespmem:$0x16800] =	vst v63  }
0x173: {  	s16 =	smov.u32 s14;
	s13 =	smov.u32 s15;
	p0 =	sne.s32 s14, $0x130  }
.Ltmp31:
0x174: {  	s14 =	sadd.s32 $0x10, s14;
	(pc) =	sbr.rel @p0 .LBB2_65-.Ltmp31, $2  }
0x175: {  	_ =	sdelay $0x2  }
0x176: {  	s15 =	sadd.s32 $0x80, s15;
	s16 =	sadd.s32 s16, s12  }
0x177: {  	[hbm4b:s16+s2] =	stream.linear.scatter [tilespmem:s13], [sflag:$0x10], $0x40, $0x38;
	[tilespmem:$0x16800] =	vst v63  }
0x178: {  	s21 =	simm.s32 $0x9  }
0x179: {  	_ =	swait.ge [sflag:s21], $0x500  }
0x17a: {  	[sflag:s21] =	ssyncset.done $0x0  }
0x17b: {  	[sflag:s21] =	ssyncadd.s32 $0xFFFFFB00  }
0x17c: {  	_ =	swait.ge [sflag:s21], $0x500  }
0x17d: {  	[sflag:s21] =	ssyncset.done $0x0  }
0x17e: {  	[sflag:s21] =	ssyncadd.s32 $0xFFFFFB00  }
0x17f: {  	_ =	swait.ge [sflag:s21], $0x500  }
0x180: {  	[sflag:s21] =	ssyncset.done $0x0;
	s17 =	rddreg [dreg:$0x1a]  }
0x181: {  	[sflag:s21] =	ssyncadd.s32 $0xFFFFFB00;
	s12 =	smul.u32 $0xA00, s17  }
0x182: {  	s15 =	simm.s32 $0x50;
	s23 =	simm.s32 $0x2800;
	_ =	swait.ge [sflag:s21], $0x500  }
0x183: {  	s18 =	simm.s32 $0xA;
	[sflag:s21] =	ssyncset.done $0x0;
	s12 =	sshra.s32 s12, $0x2  }
0x184: {  	s14 =	rddreg [dreg:$0x3];
	[sflag:s21] =	ssyncadd.s32 $0xFFFFFB00;
	s22 =	sadd.s32 $0x280, s12  }
0x185: {  	[tilespmem:s23], [sflag:$0x1] =	stream.indirect.gather [hbm4b:s14+s15], $0x80, s22, s15, $0xb8;
	[tilespmem:$0x16800] =	vst v63  }
0x186: {  	_ =	swait.ge [sflag:s18], $0x500  }
0x187: {  	[sflag:s18] =	ssyncset.done $0x0  }
0x188: {  	[sflag:s18] =	ssyncadd.s32 $0xFFFFFB00  }
0x189: {  	_ =	swait.ge [sflag:s18], $0x500  }
0x18a: {  	[sflag:s18] =	ssyncset.done $0x0  }
0x18b: {  	[sflag:s18] =	ssyncadd.s32 $0xFFFFFB00  }
0x18c: {  	_ =	swait.ge [sflag:s18], $0x500  }
0x18d: {  	[sflag:s18] =	ssyncset.done $0x0  }
0x18e: {  	[sflag:s18] =	ssyncadd.s32 $0xFFFFFB00  }
0x18f: {  	_ =	swait.ge [sflag:s18], $0x500  }
0x190: {  	s20 =	simm.s32 $0x5000;
	[sflag:s18] =	ssyncset.done $0x0  }
0x191: {  	s19 =	sadd.s32 $0x2D0, s12;
	s21 =	simm.s32 $0xB;
	[sflag:s18] =	ssyncadd.s32 $0xFFFFFB00  }
0x192: {  	[tilespmem:s20], [sflag:$0x2] =	stream.indirect.gather [hbm4b:s14+s15], $0x80, s19, s15, $0xb8;
	[tilespmem:$0x16800] =	vst v63  }
0x193: {  	_ =	swait.ge [sflag:s21], $0x500  }
0x194: {  	[sflag:s21] =	ssyncset.done $0x0  }
0x195: {  	[sflag:s21] =	ssyncadd.s32 $0xFFFFFB00  }
0x196: {  	_ =	swait.ge [sflag:s21], $0x500  }
0x197: {  	[sflag:s21] =	ssyncset.done $0x0  }
0x198: {  	[sflag:s21] =	ssyncadd.s32 $0xFFFFFB00  }
0x199: {  	_ =	swait.ge [sflag:s21], $0x500  }
0x19a: {  	[sflag:s21] =	ssyncset.done $0x0  }
0x19b: {  	[sflag:s21] =	ssyncadd.s32 $0xFFFFFB00  }
0x19c: {  	_ =	swait.ge [sflag:s21], $0x500  }
0x19d: {  	s16 =	simm.s32 $0xC;
	[sflag:s21] =	ssyncset.done $0x0  }
0x19e: {  	s22 =	sadd.s32 $0x320, s12;
	s23 =	simm.s32 $0x7800;
	[sflag:s21] =	ssyncadd.s32 $0xFFFFFB00  }
0x19f: {  	[tilespmem:s23], [sflag:$0x3] =	stream.indirect.gather [hbm4b:s14+s15], $0x80, s22, s15, $0xb8;
	[tilespmem:$0x16800] =	vst v63  }
0x1a0: {  	_ =	swait.ge [sflag:s16], $0x500  }
0x1a1: {  	[sflag:s16] =	ssyncset.done $0x0  }
0x1a2: {  	[sflag:s16] =	ssyncadd.s32 $0xFFFFFB00  }
0x1a3: {  	_ =	swait.ge [sflag:s16], $0x500  }
0x1a4: {  	[sflag:s16] =	ssyncset.done $0x0  }
0x1a5: {  	[sflag:s16] =	ssyncadd.s32 $0xFFFFFB00  }
0x1a6: {  	_ =	swait.ge [sflag:s16], $0x500  }
0x1a7: {  	[sflag:s16] =	ssyncset.done $0x0  }
0x1a8: {  	[sflag:s16] =	ssyncadd.s32 $0xFFFFFB00  }
0x1a9: {  	_ =	swait.ge [sflag:s16], $0x500  }
0x1aa: {  	s18 =	sadd.s32 $0x370, s12;
	[sflag:s16] =	ssyncset.done $0x0  }
0x1ab: {  	s19 =	simm.s32 $0xA000;
	s20 =	simm.s32 $0xD;
	[sflag:s16] =	ssyncadd.s32 $0xFFFFFB00  }
0x1ac: {  	[tilespmem:s19], [sflag:$0x4] =	stream.indirect.gather [hbm4b:s14+s15], $0x80, s18, s15, $0xb8;
	[tilespmem:$0x16800] =	vst v63  }
0x1ad: {  	_ =	swait.ge [sflag:s20], $0x500  }
0x1ae: {  	[sflag:s20] =	ssyncset.done $0x0  }
0x1af: {  	[sflag:s20] =	ssyncadd.s32 $0xFFFFFB00  }
0x1b0: {  	_ =	swait.ge [sflag:s20], $0x500  }
0x1b1: {  	[sflag:s20] =	ssyncset.done $0x0  }
0x1b2: {  	[sflag:s20] =	ssyncadd.s32 $0xFFFFFB00  }
0x1b3: {  	_ =	swait.ge [sflag:s20], $0x500  }
0x1b4: {  	[sflag:s20] =	ssyncset.done $0x0  }
0x1b5: {  	[sflag:s20] =	ssyncadd.s32 $0xFFFFFB00  }
0x1b6: {  	_ =	swait.ge [sflag:s20], $0x500  }
0x1b7: {  	s21 =	sadd.s32 $0x3C0, s12;
	[sflag:s20] =	ssyncset.done $0x0  }
0x1b8: {  	s22 =	simm.s32 $0xC800;
	s23 =	simm.s32 $0xE;
	[sflag:s20] =	ssyncadd.s32 $0xFFFFFB00  }
0x1b9: {  	[tilespmem:s22], [sflag:$0x5] =	stream.indirect.gather [hbm4b:s14+s15], $0x80, s21, s15, $0xb8;
	[tilespmem:$0x16800] =	vst v63  }
0x1ba: {  	_ =	swait.ge [sflag:s23], $0x500  }
0x1bb: {  	[sflag:s23] =	ssyncset.done $0x0  }
0x1bc: {  	[sflag:s23] =	ssyncadd.s32 $0xFFFFFB00  }
0x1bd: {  	_ =	swait.ge [sflag:s23], $0x500  }
0x1be: {  	[sflag:s23] =	ssyncset.done $0x0  }
0x1bf: {  	[sflag:s23] =	ssyncadd.s32 $0xFFFFFB00  }
0x1c0: {  	_ =	swait.ge [sflag:s23], $0x500  }
0x1c1: {  	[sflag:s23] =	ssyncset.done $0x0  }
0x1c2: {  	[sflag:s23] =	ssyncadd.s32 $0xFFFFFB00  }
0x1c3: {  	_ =	swait.ge [sflag:s23], $0x500  }
0x1c4: {  	s16 =	sadd.s32 $0x410, s12;
	[sflag:s23] =	ssyncset.done $0x0  }
0x1c5: {  	s18 =	simm.s32 $0xF000;
	s19 =	simm.s32 $0xF;
	[sflag:s23] =	ssyncadd.s32 $0xFFFFFB00  }
0x1c6: {  	[tilespmem:s18], [sflag:$0x6] =	stream.indirect.gather [hbm4b:s14+s15], $0x80, s16, s15, $0xb8;
	[tilespmem:$0x16800] =	vst v63  }
0x1c7: {  	_ =	swait.ge [sflag:s19], $0x500  }
0x1c8: {  	[sflag:s19] =	ssyncset.done $0x0  }
0x1c9: {  	[sflag:s19] =	ssyncadd.s32 $0xFFFFFB00  }
0x1ca: {  	_ =	swait.ge [sflag:s19], $0x500  }
0x1cb: {  	[sflag:s19] =	ssyncset.done $0x0  }
0x1cc: {  	[sflag:s19] =	ssyncadd.s32 $0xFFFFFB00  }
0x1cd: {  	_ =	swait.ge [sflag:s19], $0x500  }
0x1ce: {  	[sflag:s19] =	ssyncset.done $0x0  }
0x1cf: {  	[sflag:s19] =	ssyncadd.s32 $0xFFFFFB00  }
0x1d0: {  	_ =	swait.ge [sflag:s19], $0x500  }
0x1d1: {  	s20 =	sadd.s32 $0x460, s12;
	[sflag:s19] =	ssyncset.done $0x0  }
0x1d2: {  	s21 =	simm.s32 $0x11800;
	s22 =	simm.s32 $0x10;
	[sflag:s19] =	ssyncadd.s32 $0xFFFFFB00  }
0x1d3: {  	[tilespmem:s21], [sflag:$0x7] =	stream.indirect.gather [hbm4b:s14+s15], $0x80, s20, s15, $0xb8;
	[tilespmem:$0x16800] =	vst v63  }
0x1d4: {  	_ =	swait.ge [sflag:s22], $0x500  }
0x1d5: {  	[sflag:s22] =	ssyncset.done $0x0  }
0x1d6: {  	[sflag:s22] =	ssyncadd.s32 $0xFFFFFB00  }
0x1d7: {  	_ =	swait.ge [sflag:s22], $0x500  }
0x1d8: {  	[sflag:s22] =	ssyncset.done $0x0  }
0x1d9: {  	[sflag:s22] =	ssyncadd.s32 $0xFFFFFB00  }
0x1da: {  	_ =	swait.ge [sflag:s22], $0x500  }
0x1db: {  	[sflag:s22] =	ssyncset.done $0x0  }
0x1dc: {  	[sflag:s22] =	ssyncadd.s32 $0xFFFFFB00  }
0x1dd: {  	_ =	swait.ge [sflag:s22], $0x500  }
0x1de: {  	[sflag:s22] =	ssyncset.done $0x0  }
0x1df: {  	s12 =	sadd.s32 $0x4B0, s12;
	s23 =	simm.s32 $0x14000;
	[sflag:s22] =	ssyncadd.s32 $0xFFFFFB00  }
0x1e0: {  	[tilespmem:s23], [sflag:$0x8] =	stream.indirect.gather [hbm4b:s14+s15], $0x80, s12, s15, $0xb8;
	[tilespmem:$0x16800] =	vst v63  }
0x1e1: {  	s12 =	sadd.s32 $0x1, s17  }
0x1e2: {  	p0 =	sne.s32 s12, $0xF  }
.Ltmp32:
0x1e3: {  	_ = 	snop;
	(pc) =	sbr.rel @p0 .LBB2_2-.Ltmp32, $2  }
0x1e4: {  	_ =	sdelay $0x2  }
0x1e5: {  	s17 =	rddreg [dreg:$0xb]  }
0x1e6: {  	s12 =	simm.s32 $0x1  }
0x1e7: {  	s13 =	simm.s32 $0x10;
	_ =	swait.ge [sflag:s12], $0x2800  }
0x1e8: {  	s14 =	simm.s32 $0x2880;
	[sflag:s12] =	ssyncset.done $0x0;
	s16 =	rddreg [dreg:$0xa]  }
0x1e9: {  	[sflag:s12] =	ssyncadd.s32 $0xFFFFD800;
	s12 =	simm.s32 $0x2800;
	s15 =	sadd.s32 $0x0, s16  }
.LBB2_68:
0x1ea: {  	[hbm4b:s15+s2] =	stream.linear.scatter [tilespmem:s12], [sflag:$0x9], $0x40, $0x38;
	[tilespmem:$0x16800] =	vst v63  }
0x1eb: {  	s15 =	smov.u32 s13;
	s12 =	smov.u32 s14;
	p0 =	sne.s32 s13, $0x130  }
.Ltmp33:
0x1ec: {  	s13 =	sadd.s32 $0x10, s13;
	(pc) =	sbr.rel @p0 .LBB2_68-.Ltmp33, $2  }
0x1ed: {  	_ =	sdelay $0x2  }
0x1ee: {  	s14 =	sadd.s32 $0x80, s14;
	s15 =	sadd.s32 s15, s16  }
0x1ef: {  	[hbm4b:s15+s2] =	stream.linear.scatter [tilespmem:s12], [sflag:$0x9], $0x40, $0x38;
	[tilespmem:$0x16800] =	vst v63  }
0x1f0: {  	s12 =	simm.s32 $0x3200  }
0x1f1: {  	s13 =	simm.s32 $0x10;
	s15 =	sadd.s32 $0x0, s17;
	s14 =	simm.s32 $0x3280  }
.LBB2_70:
0x1f2: {  	[hbm4b:s15+s2] =	stream.linear.scatter [tilespmem:s12], [sflag:$0x9], $0x40, $0x38;
	[tilespmem:$0x16800] =	vst v63  }
0x1f3: {  	s15 =	smov.u32 s13;
	s12 =	smov.u32 s14;
	p0 =	sne.s32 s13, $0x130  }
.Ltmp34:
0x1f4: {  	s13 =	sadd.s32 $0x10, s13;
	(pc) =	sbr.rel @p0 .LBB2_70-.Ltmp34, $2  }
0x1f5: {  	_ =	sdelay $0x2  }
0x1f6: {  	s14 =	sadd.s32 $0x80, s14;
	s15 =	sadd.s32 s15, s17  }
0x1f7: {  	[hbm4b:s15+s2] =	stream.linear.scatter [tilespmem:s12], [sflag:$0x9], $0x40, $0x38;
	[tilespmem:$0x16800] =	vst v63  }
0x1f8: {  	s12 =	simm.s32 $0x3C00;
	s18 =	rddreg [dreg:$0xc]  }
0x1f9: {  	s13 =	simm.s32 $0x10;
	s14 =	simm.s32 $0x3C80;
	s15 =	sadd.s32 $0x0, s18  }
.LBB2_72:
0x1fa: {  	[hbm4b:s15+s2] =	stream.linear.scatter [tilespmem:s12], [sflag:$0x9], $0x40, $0x38;
	[tilespmem:$0x16800] =	vst v63  }
0x1fb: {  	s15 =	smov.u32 s13;
	s12 =	smov.u32 s14;
	p0 =	sne.s32 s13, $0x130  }
.Ltmp35:
0x1fc: {  	s13 =	sadd.s32 $0x10, s13;
	(pc) =	sbr.rel @p0 .LBB2_72-.Ltmp35, $2  }
0x1fd: {  	_ =	sdelay $0x2  }
0x1fe: {  	s14 =	sadd.s32 $0x80, s14;
	s15 =	sadd.s32 s15, s18  }
0x1ff: {  	[hbm4b:s15+s2] =	stream.linear.scatter [tilespmem:s12], [sflag:$0x9], $0x40, $0x38;
	[tilespmem:$0x16800] =	vst v63  }
0x200: {  	s12 =	simm.s32 $0x4600;
	s18 =	rddreg [dreg:$0xd]  }
0x201: {  	s13 =	simm.s32 $0x10;
	s14 =	simm.s32 $0x4680;
	s15 =	sadd.s32 $0x0, s18  }
.LBB2_74:
0x202: {  	[hbm4b:s15+s2] =	stream.linear.scatter [tilespmem:s12], [sflag:$0x9], $0x40, $0x38;
	[tilespmem:$0x16800] =	vst v63  }
0x203: {  	s15 =	smov.u32 s13;
	s12 =	smov.u32 s14;
	p0 =	sne.s32 s13, $0x130  }
.Ltmp36:
0x204: {  	s13 =	sadd.s32 $0x10, s13;
	(pc) =	sbr.rel @p0 .LBB2_74-.Ltmp36, $2  }
0x205: {  	_ =	sdelay $0x2  }
0x206: {  	s14 =	sadd.s32 $0x80, s14;
	s15 =	sadd.s32 s15, s18  }
0x207: {  	[hbm4b:s15+s2] =	stream.linear.scatter [tilespmem:s12], [sflag:$0x9], $0x40, $0x38;
	[tilespmem:$0x16800] =	vst v63  }
0x208: {  	s23 =	simm.s32 $0x2  }
0x209: {  	s12 =	simm.s32 $0x5000;
	_ =	swait.ge [sflag:s23], $0x2800  }
0x20a: {  	s13 =	simm.s32 $0x10;
	[sflag:s23] =	ssyncset.done $0x0;
	s19 =	rddreg [dreg:$0xe]  }
0x20b: {  	s14 =	simm.s32 $0x5080;
	[sflag:s23] =	ssyncadd.s32 $0xFFFFD800;
	s15 =	sadd.s32 $0x0, s19  }
.LBB2_76:
0x20c: {  	[hbm4b:s15+s2] =	stream.linear.scatter [tilespmem:s12], [sflag:$0xA], $0x40, $0x38;
	[tilespmem:$0x16800] =	vst v63  }
0x20d: {  	s15 =	smov.u32 s13;
	s12 =	smov.u32 s14;
	p0 =	sne.s32 s13, $0x130  }
.Ltmp37:
0x20e: {  	s13 =	sadd.s32 $0x10, s13;
	(pc) =	sbr.rel @p0 .LBB2_76-.Ltmp37, $2  }
0x20f: {  	_ =	sdelay $0x2  }
0x210: {  	s14 =	sadd.s32 $0x80, s14;
	s15 =	sadd.s32 s15, s19  }
0x211: {  	[hbm4b:s15+s2] =	stream.linear.scatter [tilespmem:s12], [sflag:$0xA], $0x40, $0x38;
	[tilespmem:$0x16800] =	vst v63  }
0x212: {  	s12 =	simm.s32 $0x5A00;
	s19 =	rddreg [dreg:$0xf]  }
0x213: {  	s13 =	simm.s32 $0x10;
	s14 =	simm.s32 $0x5A80;
	s15 =	sadd.s32 $0x0, s19  }
.LBB2_78:
0x214: {  	[hbm4b:s15+s2] =	stream.linear.scatter [tilespmem:s12], [sflag:$0xA], $0x40, $0x38;
	[tilespmem:$0x16800] =	vst v63  }
0x215: {  	s15 =	smov.u32 s13;
	s12 =	smov.u32 s14;
	p0 =	sne.s32 s13, $0x130  }
.Ltmp38:
0x216: {  	s13 =	sadd.s32 $0x10, s13;
	(pc) =	sbr.rel @p0 .LBB2_78-.Ltmp38, $2  }
0x217: {  	_ =	sdelay $0x2  }
0x218: {  	s14 =	sadd.s32 $0x80, s14;
	s15 =	sadd.s32 s15, s19  }
0x219: {  	[hbm4b:s15+s2] =	stream.linear.scatter [tilespmem:s12], [sflag:$0xA], $0x40, $0x38;
	[tilespmem:$0x16800] =	vst v63  }
0x21a: {  	s12 =	simm.s32 $0x6400;
	s20 =	rddreg [dreg:$0x10]  }
0x21b: {  	s13 =	simm.s32 $0x10;
	s14 =	simm.s32 $0x6480;
	s15 =	sadd.s32 $0x0, s20  }
.LBB2_80:
0x21c: {  	[hbm4b:s15+s2] =	stream.linear.scatter [tilespmem:s12], [sflag:$0xA], $0x40, $0x38;
	[tilespmem:$0x16800] =	vst v63  }
0x21d: {  	s15 =	smov.u32 s13;
	s12 =	smov.u32 s14;
	p0 =	sne.s32 s13, $0x130  }
.Ltmp39:
0x21e: {  	s13 =	sadd.s32 $0x10, s13;
	(pc) =	sbr.rel @p0 .LBB2_80-.Ltmp39, $2  }
0x21f: {  	_ =	sdelay $0x2  }
0x220: {  	s14 =	sadd.s32 $0x80, s14;
	s15 =	sadd.s32 s15, s20  }
0x221: {  	[hbm4b:s15+s2] =	stream.linear.scatter [tilespmem:s12], [sflag:$0xA], $0x40, $0x38;
	[tilespmem:$0x16800] =	vst v63  }
0x222: {  	s12 =	simm.s32 $0x6E00;
	s20 =	rddreg [dreg:$0x11]  }
0x223: {  	s13 =	simm.s32 $0x10;
	s14 =	simm.s32 $0x6E80;
	s15 =	sadd.s32 $0x0, s20  }
.LBB2_82:
0x224: {  	[hbm4b:s15+s2] =	stream.linear.scatter [tilespmem:s12], [sflag:$0xA], $0x40, $0x38;
	[tilespmem:$0x16800] =	vst v63  }
0x225: {  	s15 =	smov.u32 s13;
	s12 =	smov.u32 s14;
	p0 =	sne.s32 s13, $0x130  }
.Ltmp40:
0x226: {  	s13 =	sadd.s32 $0x10, s13;
	(pc) =	sbr.rel @p0 .LBB2_82-.Ltmp40, $2  }
0x227: {  	_ =	sdelay $0x2  }
0x228: {  	s14 =	sadd.s32 $0x80, s14;
	s15 =	sadd.s32 s15, s20  }
0x229: {  	[hbm4b:s15+s2] =	stream.linear.scatter [tilespmem:s12], [sflag:$0xA], $0x40, $0x38;
	[tilespmem:$0x16800] =	vst v63  }
0x22a: {  	s23 =	simm.s32 $0x3  }
0x22b: {  	s12 =	simm.s32 $0x7800;
	_ =	swait.ge [sflag:s23], $0x2800  }
0x22c: {  	s13 =	simm.s32 $0x10;
	[sflag:s23] =	ssyncset.done $0x0;
	s21 =	rddreg [dreg:$0x12]  }
0x22d: {  	s14 =	simm.s32 $0x7880;
	[sflag:s23] =	ssyncadd.s32 $0xFFFFD800;
	s15 =	sadd.s32 $0x0, s21  }
.LBB2_84:
0x22e: {  	[hbm4b:s15+s2] =	stream.linear.scatter [tilespmem:s12], [sflag:$0xB], $0x40, $0x38;
	[tilespmem:$0x16800] =	vst v63  }
0x22f: {  	s15 =	smov.u32 s13;
	s12 =	smov.u32 s14;
	p0 =	sne.s32 s13, $0x130  }
.Ltmp41:
0x230: {  	s13 =	sadd.s32 $0x10, s13;
	(pc) =	sbr.rel @p0 .LBB2_84-.Ltmp41, $2  }
0x231: {  	_ =	sdelay $0x2  }
0x232: {  	s14 =	sadd.s32 $0x80, s14;
	s15 =	sadd.s32 s15, s21  }
0x233: {  	[hbm4b:s15+s2] =	stream.linear.scatter [tilespmem:s12], [sflag:$0xB], $0x40, $0x38;
	[tilespmem:$0x16800] =	vst v63  }
0x234: {  	s12 =	simm.s32 $0x8200;
	s21 =	rddreg [dreg:$0x13]  }
0x235: {  	s13 =	simm.s32 $0x10;
	s14 =	simm.s32 $0x8280;
	s15 =	sadd.s32 $0x0, s21  }
.LBB2_86:
0x236: {  	[hbm4b:s15+s2] =	stream.linear.scatter [tilespmem:s12], [sflag:$0xB], $0x40, $0x38;
	[tilespmem:$0x16800] =	vst v63  }
0x237: {  	s15 =	smov.u32 s13;
	s12 =	smov.u32 s14;
	p0 =	sne.s32 s13, $0x130  }
.Ltmp42:
0x238: {  	s13 =	sadd.s32 $0x10, s13;
	(pc) =	sbr.rel @p0 .LBB2_86-.Ltmp42, $2  }
0x239: {  	_ =	sdelay $0x2  }
0x23a: {  	s14 =	sadd.s32 $0x80, s14;
	s15 =	sadd.s32 s15, s21  }
0x23b: {  	[hbm4b:s15+s2] =	stream.linear.scatter [tilespmem:s12], [sflag:$0xB], $0x40, $0x38;
	[tilespmem:$0x16800] =	vst v63  }
0x23c: {  	s12 =	simm.s32 $0x8C00;
	s22 =	rddreg [dreg:$0x14]  }
0x23d: {  	s13 =	simm.s32 $0x10;
	s14 =	simm.s32 $0x8C80;
	s15 =	sadd.s32 $0x0, s22  }
.LBB2_88:
0x23e: {  	[hbm4b:s15+s2] =	stream.linear.scatter [tilespmem:s12], [sflag:$0xB], $0x40, $0x38;
	[tilespmem:$0x16800] =	vst v63  }
0x23f: {  	s15 =	smov.u32 s13;
	s12 =	smov.u32 s14;
	p0 =	sne.s32 s13, $0x130  }
.Ltmp43:
0x240: {  	s13 =	sadd.s32 $0x10, s13;
	(pc) =	sbr.rel @p0 .LBB2_88-.Ltmp43, $2  }
0x241: {  	_ =	sdelay $0x2  }
0x242: {  	s14 =	sadd.s32 $0x80, s14;
	s15 =	sadd.s32 s15, s22  }
0x243: {  	[hbm4b:s15+s2] =	stream.linear.scatter [tilespmem:s12], [sflag:$0xB], $0x40, $0x38;
	[tilespmem:$0x16800] =	vst v63  }
0x244: {  	s12 =	simm.s32 $0x9600;
	s22 =	rddreg [dreg:$0x15]  }
0x245: {  	s13 =	simm.s32 $0x10;
	s14 =	simm.s32 $0x9680;
	s15 =	sadd.s32 $0x0, s22  }
.LBB2_90:
0x246: {  	[hbm4b:s15+s2] =	stream.linear.scatter [tilespmem:s12], [sflag:$0xB], $0x40, $0x38;
	[tilespmem:$0x16800] =	vst v63  }
0x247: {  	s15 =	smov.u32 s13;
	s12 =	smov.u32 s14;
	p0 =	sne.s32 s13, $0x130  }
.Ltmp44:
0x248: {  	s13 =	sadd.s32 $0x10, s13;
	(pc) =	sbr.rel @p0 .LBB2_90-.Ltmp44, $2  }
0x249: {  	_ =	sdelay $0x2  }
0x24a: {  	s14 =	sadd.s32 $0x80, s14;
	s15 =	sadd.s32 s15, s22  }
0x24b: {  	[hbm4b:s15+s2] =	stream.linear.scatter [tilespmem:s12], [sflag:$0xB], $0x40, $0x38;
	[tilespmem:$0x16800] =	vst v63  }
0x24c: {  	s23 =	simm.s32 $0x4  }
0x24d: {  	_ =	swait.ge [sflag:s23], $0x2800  }
0x24e: {  	[sflag:s23] =	ssyncset.done $0x0  }
0x24f: {  	s12 =	simm.s32 $0xA000;
	[sflag:s23] =	ssyncadd.s32 $0xFFFFD800;
	s23 =	rddreg [dreg:$0x16]  }
0x250: {  	s13 =	simm.s32 $0x10;
	s14 =	simm.s32 $0xA080;
	s15 =	sadd.s32 $0x0, s23  }
.LBB2_92:
0x251: {  	[hbm4b:s15+s2] =	stream.linear.scatter [tilespmem:s12], [sflag:$0xC], $0x40, $0x38;
	[tilespmem:$0x16800] =	vst v63  }
0x252: {  	s15 =	smov.u32 s13;
	s12 =	smov.u32 s14;
	p0 =	sne.s32 s13, $0x130  }
.Ltmp45:
0x253: {  	s13 =	sadd.s32 $0x10, s13;
	(pc) =	sbr.rel @p0 .LBB2_92-.Ltmp45, $2  }
0x254: {  	_ =	sdelay $0x2  }
0x255: {  	s14 =	sadd.s32 $0x80, s14;
	s15 =	sadd.s32 s15, s23  }
0x256: {  	[hbm4b:s15+s2] =	stream.linear.scatter [tilespmem:s12], [sflag:$0xC], $0x40, $0x38;
	[tilespmem:$0x16800] =	vst v63  }
0x257: {  	s12 =	simm.s32 $0xAA00;
	s23 =	rddreg [dreg:$0x17]  }
0x258: {  	s13 =	simm.s32 $0x10;
	s14 =	simm.s32 $0xAA80;
	s15 =	sadd.s32 $0x0, s23  }
.LBB2_94:
0x259: {  	[hbm4b:s15+s2] =	stream.linear.scatter [tilespmem:s12], [sflag:$0xC], $0x40, $0x38;
	[tilespmem:$0x16800] =	vst v63  }
0x25a: {  	s15 =	smov.u32 s13;
	s12 =	smov.u32 s14;
	p0 =	sne.s32 s13, $0x130  }
.Ltmp46:
0x25b: {  	s13 =	sadd.s32 $0x10, s13;
	(pc) =	sbr.rel @p0 .LBB2_94-.Ltmp46, $2  }
0x25c: {  	_ =	sdelay $0x2  }
0x25d: {  	s14 =	sadd.s32 $0x80, s14;
	s15 =	sadd.s32 s15, s23  }
0x25e: {  	[hbm4b:s15+s2] =	stream.linear.scatter [tilespmem:s12], [sflag:$0xC], $0x40, $0x38;
	[tilespmem:$0x16800] =	vst v63  }
0x25f: {  	s12 =	simm.s32 $0xB400  }
0x260: {  	s13 =	simm.s32 $0x10;
	s15 =	sadd.s32 $0x0, s24;
	s14 =	simm.s32 $0xB480  }
.LBB2_96:
0x261: {  	[hbm4b:s15+s2] =	stream.linear.scatter [tilespmem:s12], [sflag:$0xC], $0x40, $0x38;
	[tilespmem:$0x16800] =	vst v63  }
0x262: {  	s15 =	smov.u32 s13;
	s12 =	smov.u32 s14;
	p0 =	sne.s32 s13, $0x130  }
.Ltmp47:
0x263: {  	s13 =	sadd.s32 $0x10, s13;
	(pc) =	sbr.rel @p0 .LBB2_96-.Ltmp47, $2  }
0x264: {  	_ =	sdelay $0x2  }
0x265: {  	s14 =	sadd.s32 $0x80, s14;
	s15 =	sadd.s32 s15, s24  }
0x266: {  	[hbm4b:s15+s2] =	stream.linear.scatter [tilespmem:s12], [sflag:$0xC], $0x40, $0x38;
	[tilespmem:$0x16800] =	vst v63  }
0x267: {  	s12 =	simm.s32 $0xBE00  }
0x268: {  	s13 =	simm.s32 $0x10;
	s15 =	sadd.s32 $0x0, s25;
	s14 =	simm.s32 $0xBE80  }
.LBB2_98:
0x269: {  	[hbm4b:s15+s2] =	stream.linear.scatter [tilespmem:s12], [sflag:$0xC], $0x40, $0x38;
	[tilespmem:$0x16800] =	vst v63  }
0x26a: {  	s15 =	smov.u32 s13;
	s12 =	smov.u32 s14;
	p0 =	sne.s32 s13, $0x130  }
.Ltmp48:
0x26b: {  	s13 =	sadd.s32 $0x10, s13;
	(pc) =	sbr.rel @p0 .LBB2_98-.Ltmp48, $2  }
0x26c: {  	_ =	sdelay $0x2  }
0x26d: {  	s14 =	sadd.s32 $0x80, s14;
	s15 =	sadd.s32 s15, s25  }
0x26e: {  	[hbm4b:s15+s2] =	stream.linear.scatter [tilespmem:s12], [sflag:$0xC], $0x40, $0x38;
	[tilespmem:$0x16800] =	vst v63  }
0x26f: {  	s23 =	simm.s32 $0x5  }
0x270: {  	_ =	swait.ge [sflag:s23], $0x2800  }
0x271: {  	s12 =	simm.s32 $0xC800;
	s13 =	simm.s32 $0x10;
	[sflag:s23] =	ssyncset.done $0x0  }
0x272: {  	s15 =	sadd.s32 $0x0, s26;
	s14 =	simm.s32 $0xC880;
	[sflag:s23] =	ssyncadd.s32 $0xFFFFD800  }
.LBB2_100:
0x273: {  	[hbm4b:s15+s2] =	stream.linear.scatter [tilespmem:s12], [sflag:$0xD], $0x40, $0x38;
	[tilespmem:$0x16800] =	vst v63  }
0x274: {  	s15 =	smov.u32 s13;
	s12 =	smov.u32 s14;
	p0 =	sne.s32 s13, $0x130  }
.Ltmp49:
0x275: {  	s13 =	sadd.s32 $0x10, s13;
	(pc) =	sbr.rel @p0 .LBB2_100-.Ltmp49, $2  }
0x276: {  	_ =	sdelay $0x2  }
0x277: {  	s14 =	sadd.s32 $0x80, s14;
	s15 =	sadd.s32 s15, s26  }
0x278: {  	[hbm4b:s15+s2] =	stream.linear.scatter [tilespmem:s12], [sflag:$0xD], $0x40, $0x38;
	[tilespmem:$0x16800] =	vst v63  }
0x279: {  	s12 =	simm.s32 $0xD200  }
0x27a: {  	s13 =	simm.s32 $0x10;
	s15 =	sadd.s32 $0x0, s28;
	s14 =	simm.s32 $0xD280  }
.LBB2_102:
0x27b: {  	[hbm4b:s15+s2] =	stream.linear.scatter [tilespmem:s12], [sflag:$0xD], $0x40, $0x38;
	[tilespmem:$0x16800] =	vst v63  }
0x27c: {  	s15 =	smov.u32 s13;
	s12 =	smov.u32 s14;
	p0 =	sne.s32 s13, $0x130  }
.Ltmp50:
0x27d: {  	s13 =	sadd.s32 $0x10, s13;
	(pc) =	sbr.rel @p0 .LBB2_102-.Ltmp50, $2  }
0x27e: {  	_ =	sdelay $0x2  }
0x27f: {  	s14 =	sadd.s32 $0x80, s14;
	s15 =	sadd.s32 s15, s28  }
0x280: {  	[hbm4b:s15+s2] =	stream.linear.scatter [tilespmem:s12], [sflag:$0xD], $0x40, $0x38;
	[tilespmem:$0x16800] =	vst v63  }
0x281: {  	s12 =	simm.s32 $0xDC00  }
0x282: {  	s13 =	simm.s32 $0x10;
	s15 =	sadd.s32 $0x0, s29;
	s14 =	simm.s32 $0xDC80  }
.LBB2_104:
0x283: {  	[hbm4b:s15+s2] =	stream.linear.scatter [tilespmem:s12], [sflag:$0xD], $0x40, $0x38;
	[tilespmem:$0x16800] =	vst v63  }
0x284: {  	s15 =	smov.u32 s13;
	s12 =	smov.u32 s14;
	p0 =	sne.s32 s13, $0x130  }
.Ltmp51:
0x285: {  	s13 =	sadd.s32 $0x10, s13;
	(pc) =	sbr.rel @p0 .LBB2_104-.Ltmp51, $2  }
0x286: {  	_ =	sdelay $0x2  }
0x287: {  	s14 =	sadd.s32 $0x80, s14;
	s15 =	sadd.s32 s15, s29  }
0x288: {  	[hbm4b:s15+s2] =	stream.linear.scatter [tilespmem:s12], [sflag:$0xD], $0x40, $0x38;
	[tilespmem:$0x16800] =	vst v63  }
0x289: {  	s12 =	simm.s32 $0xE600  }
0x28a: {  	s13 =	simm.s32 $0x10;
	s15 =	sadd.s32 $0x0, s30;
	s14 =	simm.s32 $0xE680  }
.LBB2_106:
0x28b: {  	[hbm4b:s15+s2] =	stream.linear.scatter [tilespmem:s12], [sflag:$0xD], $0x40, $0x38;
	[tilespmem:$0x16800] =	vst v63  }
0x28c: {  	s15 =	smov.u32 s13;
	s12 =	smov.u32 s14;
	p0 =	sne.s32 s13, $0x130  }
.Ltmp52:
0x28d: {  	s13 =	sadd.s32 $0x10, s13;
	(pc) =	sbr.rel @p0 .LBB2_106-.Ltmp52, $2  }
0x28e: {  	_ =	sdelay $0x2  }
0x28f: {  	s14 =	sadd.s32 $0x80, s14;
	s15 =	sadd.s32 s15, s30  }
0x290: {  	[hbm4b:s15+s2] =	stream.linear.scatter [tilespmem:s12], [sflag:$0xD], $0x40, $0x38;
	[tilespmem:$0x16800] =	vst v63  }
0x291: {  	s23 =	simm.s32 $0x6  }
0x292: {  	_ =	swait.ge [sflag:s23], $0x2800  }
0x293: {  	s12 =	simm.s32 $0xF000;
	s13 =	simm.s32 $0x10;
	[sflag:s23] =	ssyncset.done $0x0  }
0x294: {  	s15 =	sadd.s32 $0x0, s31;
	s14 =	simm.s32 $0xF080;
	[sflag:s23] =	ssyncadd.s32 $0xFFFFD800  }
.LBB2_108:
0x295: {  	[hbm4b:s15+s2] =	stream.linear.scatter [tilespmem:s12], [sflag:$0xE], $0x40, $0x38;
	[tilespmem:$0x16800] =	vst v63  }
0x296: {  	s15 =	smov.u32 s13;
	s12 =	smov.u32 s14;
	p0 =	sne.s32 s13, $0x130  }
.Ltmp53:
0x297: {  	s13 =	sadd.s32 $0x10, s13;
	(pc) =	sbr.rel @p0 .LBB2_108-.Ltmp53, $2  }
0x298: {  	_ =	sdelay $0x2  }
0x299: {  	s14 =	sadd.s32 $0x80, s14;
	s15 =	sadd.s32 s15, s31  }
0x29a: {  	[hbm4b:s15+s2] =	stream.linear.scatter [tilespmem:s12], [sflag:$0xE], $0x40, $0x38;
	[tilespmem:$0x16800] =	vst v63  }
0x29b: {  	s12 =	simm.s32 $0xFA00  }
0x29c: {  	s13 =	simm.s32 $0x10;
	s15 =	sadd.s32 $0x0, s0;
	s14 =	simm.s32 $0xFA80  }
.LBB2_110:
0x29d: {  	[hbm4b:s15+s2] =	stream.linear.scatter [tilespmem:s12], [sflag:$0xE], $0x40, $0x38;
	[tilespmem:$0x16800] =	vst v63  }
0x29e: {  	s15 =	smov.u32 s13;
	s12 =	smov.u32 s14;
	p0 =	sne.s32 s13, $0x130  }
.Ltmp54:
0x29f: {  	s13 =	sadd.s32 $0x10, s13;
	(pc) =	sbr.rel @p0 .LBB2_110-.Ltmp54, $2  }
0x2a0: {  	_ =	sdelay $0x2  }
0x2a1: {  	s14 =	sadd.s32 $0x80, s14;
	s15 =	sadd.s32 s15, s0  }
0x2a2: {  	[hbm4b:s15+s2] =	stream.linear.scatter [tilespmem:s12], [sflag:$0xE], $0x40, $0x38;
	[tilespmem:$0x16800] =	vst v63  }
0x2a3: {  	s12 =	simm.s32 $0x10400  }
0x2a4: {  	s13 =	simm.s32 $0x10;
	s15 =	sadd.s32 $0x0, s1;
	s14 =	simm.s32 $0x10480  }
.LBB2_112:
0x2a5: {  	[hbm4b:s15+s2] =	stream.linear.scatter [tilespmem:s12], [sflag:$0xE], $0x40, $0x38;
	[tilespmem:$0x16800] =	vst v63  }
0x2a6: {  	s15 =	smov.u32 s13;
	s12 =	smov.u32 s14;
	p0 =	sne.s32 s13, $0x130  }
.Ltmp55:
0x2a7: {  	s13 =	sadd.s32 $0x10, s13;
	(pc) =	sbr.rel @p0 .LBB2_112-.Ltmp55, $2  }
0x2a8: {  	_ =	sdelay $0x2  }
0x2a9: {  	s14 =	sadd.s32 $0x80, s14;
	s15 =	sadd.s32 s15, s1  }
0x2aa: {  	[hbm4b:s15+s2] =	stream.linear.scatter [tilespmem:s12], [sflag:$0xE], $0x40, $0x38;
	[tilespmem:$0x16800] =	vst v63  }
0x2ab: {  	s12 =	simm.s32 $0x10E00  }
0x2ac: {  	s13 =	simm.s32 $0x10;
	s15 =	sadd.s32 $0x0, s6;
	s14 =	simm.s32 $0x10E80  }
.LBB2_114:
0x2ad: {  	[hbm4b:s15+s2] =	stream.linear.scatter [tilespmem:s12], [sflag:$0xE], $0x40, $0x38;
	[tilespmem:$0x16800] =	vst v63  }
0x2ae: {  	s15 =	smov.u32 s13;
	s12 =	smov.u32 s14;
	p0 =	sne.s32 s13, $0x130  }
.Ltmp56:
0x2af: {  	s13 =	sadd.s32 $0x10, s13;
	(pc) =	sbr.rel @p0 .LBB2_114-.Ltmp56, $2  }
0x2b0: {  	_ =	sdelay $0x2  }
0x2b1: {  	s14 =	sadd.s32 $0x80, s14;
	s15 =	sadd.s32 s15, s6  }
0x2b2: {  	[hbm4b:s15+s2] =	stream.linear.scatter [tilespmem:s12], [sflag:$0xE], $0x40, $0x38;
	[tilespmem:$0x16800] =	vst v63  }
0x2b3: {  	s23 =	simm.s32 $0x7  }
0x2b4: {  	_ =	swait.ge [sflag:s23], $0x2800  }
0x2b5: {  	s12 =	simm.s32 $0x11800;
	s13 =	simm.s32 $0x10;
	[sflag:s23] =	ssyncset.done $0x0  }
0x2b6: {  	s15 =	sadd.s32 $0x0, s5;
	s14 =	simm.s32 $0x11880;
	[sflag:s23] =	ssyncadd.s32 $0xFFFFD800  }
.LBB2_116:
0x2b7: {  	[hbm4b:s15+s2] =	stream.linear.scatter [tilespmem:s12], [sflag:$0xF], $0x40, $0x38;
	[tilespmem:$0x16800] =	vst v63  }
0x2b8: {  	s15 =	smov.u32 s13;
	s12 =	smov.u32 s14;
	p0 =	sne.s32 s13, $0x130  }
.Ltmp57:
0x2b9: {  	s13 =	sadd.s32 $0x10, s13;
	(pc) =	sbr.rel @p0 .LBB2_116-.Ltmp57, $2  }
0x2ba: {  	_ =	sdelay $0x2  }
0x2bb: {  	s14 =	sadd.s32 $0x80, s14;
	s15 =	sadd.s32 s15, s5  }
0x2bc: {  	[hbm4b:s15+s2] =	stream.linear.scatter [tilespmem:s12], [sflag:$0xF], $0x40, $0x38;
	[tilespmem:$0x16800] =	vst v63  }
0x2bd: {  	s12 =	simm.s32 $0x12200  }
0x2be: {  	s13 =	simm.s32 $0x10;
	s15 =	sadd.s32 $0x0, s8;
	s14 =	simm.s32 $0x12280  }
.LBB2_118:
0x2bf: {  	[hbm4b:s15+s2] =	stream.linear.scatter [tilespmem:s12], [sflag:$0xF], $0x40, $0x38;
	[tilespmem:$0x16800] =	vst v63  }
0x2c0: {  	s15 =	smov.u32 s13;
	s12 =	smov.u32 s14;
	p0 =	sne.s32 s13, $0x130  }
.Ltmp58:
0x2c1: {  	s13 =	sadd.s32 $0x10, s13;
	(pc) =	sbr.rel @p0 .LBB2_118-.Ltmp58, $2  }
0x2c2: {  	_ =	sdelay $0x2  }
0x2c3: {  	s14 =	sadd.s32 $0x80, s14;
	s15 =	sadd.s32 s15, s8  }
0x2c4: {  	[hbm4b:s15+s2] =	stream.linear.scatter [tilespmem:s12], [sflag:$0xF], $0x40, $0x38;
	[tilespmem:$0x16800] =	vst v63  }
0x2c5: {  	s12 =	simm.s32 $0x12C00  }
0x2c6: {  	s13 =	simm.s32 $0x10;
	s15 =	sadd.s32 $0x0, s9;
	s14 =	simm.s32 $0x12C80  }
.LBB2_120:
0x2c7: {  	[hbm4b:s15+s2] =	stream.linear.scatter [tilespmem:s12], [sflag:$0xF], $0x40, $0x38;
	[tilespmem:$0x16800] =	vst v63  }
0x2c8: {  	s15 =	smov.u32 s13;
	s12 =	smov.u32 s14;
	p0 =	sne.s32 s13, $0x130  }
.Ltmp59:
0x2c9: {  	s13 =	sadd.s32 $0x10, s13;
	(pc) =	sbr.rel @p0 .LBB2_120-.Ltmp59, $2  }
0x2ca: {  	_ =	sdelay $0x2  }
0x2cb: {  	s14 =	sadd.s32 $0x80, s14;
	s15 =	sadd.s32 s15, s9  }
0x2cc: {  	[hbm4b:s15+s2] =	stream.linear.scatter [tilespmem:s12], [sflag:$0xF], $0x40, $0x38;
	[tilespmem:$0x16800] =	vst v63  }
0x2cd: {  	s12 =	simm.s32 $0x13600  }
0x2ce: {  	s13 =	simm.s32 $0x10;
	s15 =	sadd.s32 $0x0, s7;
	s14 =	simm.s32 $0x13680  }
.LBB2_122:
0x2cf: {  	[hbm4b:s15+s2] =	stream.linear.scatter [tilespmem:s12], [sflag:$0xF], $0x40, $0x38;
	[tilespmem:$0x16800] =	vst v63  }
0x2d0: {  	s15 =	smov.u32 s13;
	s12 =	smov.u32 s14;
	p0 =	sne.s32 s13, $0x130  }
.Ltmp60:
0x2d1: {  	s13 =	sadd.s32 $0x10, s13;
	(pc) =	sbr.rel @p0 .LBB2_122-.Ltmp60, $2  }
0x2d2: {  	_ =	sdelay $0x2  }
0x2d3: {  	s14 =	sadd.s32 $0x80, s14;
	s15 =	sadd.s32 s15, s7  }
0x2d4: {  	[hbm4b:s15+s2] =	stream.linear.scatter [tilespmem:s12], [sflag:$0xF], $0x40, $0x38;
	[tilespmem:$0x16800] =	vst v63  }
0x2d5: {  	s23 =	simm.s32 $0x8  }
0x2d6: {  	_ =	swait.ge [sflag:s23], $0x2800  }
0x2d7: {  	s12 =	simm.s32 $0x14000;
	s13 =	simm.s32 $0x10;
	[sflag:s23] =	ssyncset.done $0x0  }
0x2d8: {  	s15 =	sadd.s32 $0x0, s3;
	s14 =	simm.s32 $0x14080;
	[sflag:s23] =	ssyncadd.s32 $0xFFFFD800  }
.LBB2_124:
0x2d9: {  	[hbm4b:s15+s2] =	stream.linear.scatter [tilespmem:s12], [sflag:$0x10], $0x40, $0x38;
	[tilespmem:$0x16800] =	vst v63  }
0x2da: {  	s15 =	smov.u32 s13;
	s12 =	smov.u32 s14;
	p0 =	sne.s32 s13, $0x130  }
.Ltmp61:
0x2db: {  	s13 =	sadd.s32 $0x10, s13;
	(pc) =	sbr.rel @p0 .LBB2_124-.Ltmp61, $2  }
0x2dc: {  	_ =	sdelay $0x2  }
0x2dd: {  	s14 =	sadd.s32 $0x80, s14;
	s15 =	sadd.s32 s15, s3  }
0x2de: {  	[hbm4b:s15+s2] =	stream.linear.scatter [tilespmem:s12], [sflag:$0x10], $0x40, $0x38;
	[tilespmem:$0x16800] =	vst v63  }
0x2df: {  	s12 =	simm.s32 $0x14A00  }
0x2e0: {  	s13 =	simm.s32 $0x10;
	s15 =	sadd.s32 $0x0, s4;
	s14 =	simm.s32 $0x14A80  }
.LBB2_126:
0x2e1: {  	[hbm4b:s15+s2] =	stream.linear.scatter [tilespmem:s12], [sflag:$0x10], $0x40, $0x38;
	[tilespmem:$0x16800] =	vst v63  }
0x2e2: {  	s15 =	smov.u32 s13;
	s12 =	smov.u32 s14;
	p0 =	sne.s32 s13, $0x130  }
.Ltmp62:
0x2e3: {  	s13 =	sadd.s32 $0x10, s13;
	(pc) =	sbr.rel @p0 .LBB2_126-.Ltmp62, $2  }
0x2e4: {  	_ =	sdelay $0x2  }
0x2e5: {  	s14 =	sadd.s32 $0x80, s14;
	s15 =	sadd.s32 s15, s4  }
0x2e6: {  	[hbm4b:s15+s2] =	stream.linear.scatter [tilespmem:s12], [sflag:$0x10], $0x40, $0x38;
	[tilespmem:$0x16800] =	vst v63  }
0x2e7: {  	s12 =	simm.s32 $0x15400  }
0x2e8: {  	s13 =	simm.s32 $0x10;
	s15 =	sadd.s32 $0x0, s10;
	s14 =	simm.s32 $0x15480  }
.LBB2_128:
0x2e9: {  	[hbm4b:s15+s2] =	stream.linear.scatter [tilespmem:s12], [sflag:$0x10], $0x40, $0x38;
	[tilespmem:$0x16800] =	vst v63  }
0x2ea: {  	s15 =	smov.u32 s13;
	s12 =	smov.u32 s14;
	p0 =	sne.s32 s13, $0x130  }
.Ltmp63:
0x2eb: {  	s13 =	sadd.s32 $0x10, s13;
	(pc) =	sbr.rel @p0 .LBB2_128-.Ltmp63, $2  }
0x2ec: {  	_ =	sdelay $0x2  }
0x2ed: {  	s14 =	sadd.s32 $0x80, s14;
	s15 =	sadd.s32 s15, s10  }
0x2ee: {  	[hbm4b:s15+s2] =	stream.linear.scatter [tilespmem:s12], [sflag:$0x10], $0x40, $0x38;
	[tilespmem:$0x16800] =	vst v63  }
0x2ef: {  	s12 =	simm.s32 $0x15E00  }
0x2f0: {  	s13 =	simm.s32 $0x10;
	s15 =	sadd.s32 $0x0, s11;
	s14 =	simm.s32 $0x15E80  }
.LBB2_130:
0x2f1: {  	[hbm4b:s15+s2] =	stream.linear.scatter [tilespmem:s12], [sflag:$0x10], $0x40, $0x38;
	[tilespmem:$0x16800] =	vst v63  }
0x2f2: {  	s15 =	smov.u32 s13;
	s12 =	smov.u32 s14;
	p0 =	sne.s32 s13, $0x130  }
.Ltmp64:
0x2f3: {  	s13 =	sadd.s32 $0x10, s13;
	(pc) =	sbr.rel @p0 .LBB2_130-.Ltmp64, $2  }
0x2f4: {  	_ =	sdelay $0x2  }
0x2f5: {  	s14 =	sadd.s32 $0x80, s14;
	s15 =	sadd.s32 s15, s11  }
0x2f6: {  	[hbm4b:s15+s2] =	stream.linear.scatter [tilespmem:s12], [sflag:$0x10], $0x40, $0x38;
	[tilespmem:$0x16800] =	vst v63  }
0x2f7: {  	s16 =	simm.s32 $0x9  }
0x2f8: {  	_ =	swait.ge [sflag:s16], $0x500  }
0x2f9: {  	[sflag:s16] =	ssyncset.done $0x0  }
0x2fa: {  	[sflag:s16] =	ssyncadd.s32 $0xFFFFFB00  }
0x2fb: {  	_ =	swait.ge [sflag:s16], $0x500  }
0x2fc: {  	[sflag:s16] =	ssyncset.done $0x0  }
0x2fd: {  	[sflag:s16] =	ssyncadd.s32 $0xFFFFFB00  }
0x2fe: {  	_ =	swait.ge [sflag:s16], $0x500  }
0x2ff: {  	[sflag:s16] =	ssyncset.done $0x0  }
0x300: {  	[sflag:s16] =	ssyncadd.s32 $0xFFFFFB00  }
0x301: {  	_ =	swait.ge [sflag:s16], $0x500  }
0x302: {  	[sflag:s16] =	ssyncset.done $0x0  }
0x303: {  	s17 =	simm.s32 $0xA;
	[sflag:s16] =	ssyncadd.s32 $0xFFFFFB00  }
0x304: {  	_ =	swait.ge [sflag:s17], $0x500  }
0x305: {  	[sflag:s17] =	ssyncset.done $0x0  }
0x306: {  	[sflag:s17] =	ssyncadd.s32 $0xFFFFFB00  }
0x307: {  	_ =	swait.ge [sflag:s17], $0x500  }
0x308: {  	[sflag:s17] =	ssyncset.done $0x0  }
0x309: {  	[sflag:s17] =	ssyncadd.s32 $0xFFFFFB00  }
0x30a: {  	_ =	swait.ge [sflag:s17], $0x500  }
0x30b: {  	[sflag:s17] =	ssyncset.done $0x0  }
0x30c: {  	[sflag:s17] =	ssyncadd.s32 $0xFFFFFB00  }
0x30d: {  	_ =	swait.ge [sflag:s17], $0x500  }
0x30e: {  	[sflag:s17] =	ssyncset.done $0x0  }
0x30f: {  	s18 =	simm.s32 $0xB;
	[sflag:s17] =	ssyncadd.s32 $0xFFFFFB00  }
0x310: {  	_ =	swait.ge [sflag:s18], $0x500  }
0x311: {  	[sflag:s18] =	ssyncset.done $0x0  }
0x312: {  	[sflag:s18] =	ssyncadd.s32 $0xFFFFFB00  }
0x313: {  	_ =	swait.ge [sflag:s18], $0x500  }
0x314: {  	[sflag:s18] =	ssyncset.done $0x0  }
0x315: {  	[sflag:s18] =	ssyncadd.s32 $0xFFFFFB00  }
0x316: {  	_ =	swait.ge [sflag:s18], $0x500  }
0x317: {  	[sflag:s18] =	ssyncset.done $0x0  }
0x318: {  	[sflag:s18] =	ssyncadd.s32 $0xFFFFFB00  }
0x319: {  	_ =	swait.ge [sflag:s18], $0x500  }
0x31a: {  	[sflag:s18] =	ssyncset.done $0x0  }
0x31b: {  	s19 =	simm.s32 $0xC;
	[sflag:s18] =	ssyncadd.s32 $0xFFFFFB00  }
0x31c: {  	_ =	swait.ge [sflag:s19], $0x500  }
0x31d: {  	[sflag:s19] =	ssyncset.done $0x0  }
0x31e: {  	[sflag:s19] =	ssyncadd.s32 $0xFFFFFB00  }
0x31f: {  	_ =	swait.ge [sflag:s19], $0x500  }
0x320: {  	[sflag:s19] =	ssyncset.done $0x0  }
0x321: {  	[sflag:s19] =	ssyncadd.s32 $0xFFFFFB00  }
0x322: {  	_ =	swait.ge [sflag:s19], $0x500  }
0x323: {  	[sflag:s19] =	ssyncset.done $0x0  }
0x324: {  	[sflag:s19] =	ssyncadd.s32 $0xFFFFFB00  }
0x325: {  	_ =	swait.ge [sflag:s19], $0x500  }
0x326: {  	[sflag:s19] =	ssyncset.done $0x0  }
0x327: {  	s20 =	simm.s32 $0xD;
	[sflag:s19] =	ssyncadd.s32 $0xFFFFFB00  }
0x328: {  	_ =	swait.ge [sflag:s20], $0x500  }
0x329: {  	[sflag:s20] =	ssyncset.done $0x0  }
0x32a: {  	[sflag:s20] =	ssyncadd.s32 $0xFFFFFB00  }
0x32b: {  	_ =	swait.ge [sflag:s20], $0x500  }
0x32c: {  	[sflag:s20] =	ssyncset.done $0x0  }
0x32d: {  	[sflag:s20] =	ssyncadd.s32 $0xFFFFFB00  }
0x32e: {  	_ =	swait.ge [sflag:s20], $0x500  }
0x32f: {  	[sflag:s20] =	ssyncset.done $0x0  }
0x330: {  	[sflag:s20] =	ssyncadd.s32 $0xFFFFFB00  }
0x331: {  	_ =	swait.ge [sflag:s20], $0x500  }
0x332: {  	[sflag:s20] =	ssyncset.done $0x0  }
0x333: {  	s21 =	simm.s32 $0xE;
	[sflag:s20] =	ssyncadd.s32 $0xFFFFFB00  }
0x334: {  	_ =	swait.ge [sflag:s21], $0x500  }
0x335: {  	[sflag:s21] =	ssyncset.done $0x0  }
0x336: {  	[sflag:s21] =	ssyncadd.s32 $0xFFFFFB00  }
0x337: {  	_ =	swait.ge [sflag:s21], $0x500  }
0x338: {  	[sflag:s21] =	ssyncset.done $0x0  }
0x339: {  	[sflag:s21] =	ssyncadd.s32 $0xFFFFFB00  }
0x33a: {  	_ =	swait.ge [sflag:s21], $0x500  }
0x33b: {  	[sflag:s21] =	ssyncset.done $0x0  }
0x33c: {  	[sflag:s21] =	ssyncadd.s32 $0xFFFFFB00  }
0x33d: {  	_ =	swait.ge [sflag:s21], $0x500  }
0x33e: {  	[sflag:s21] =	ssyncset.done $0x0  }
0x33f: {  	s22 =	simm.s32 $0xF;
	[sflag:s21] =	ssyncadd.s32 $0xFFFFFB00  }
0x340: {  	_ =	swait.ge [sflag:s22], $0x500  }
0x341: {  	[sflag:s22] =	ssyncset.done $0x0  }
0x342: {  	[sflag:s22] =	ssyncadd.s32 $0xFFFFFB00  }
0x343: {  	_ =	swait.ge [sflag:s22], $0x500  }
0x344: {  	[sflag:s22] =	ssyncset.done $0x0  }
0x345: {  	[sflag:s22] =	ssyncadd.s32 $0xFFFFFB00  }
0x346: {  	_ =	swait.ge [sflag:s22], $0x500  }
0x347: {  	[sflag:s22] =	ssyncset.done $0x0  }
0x348: {  	[sflag:s22] =	ssyncadd.s32 $0xFFFFFB00  }
0x349: {  	_ =	swait.ge [sflag:s22], $0x500  }
0x34a: {  	[sflag:s22] =	ssyncset.done $0x0  }
0x34b: {  	s13 =	simm.s32 $0x10;
	[sflag:s22] =	ssyncadd.s32 $0xFFFFFB00  }
0x34c: {  	_ =	swait.ge [sflag:s13], $0x500  }
0x34d: {  	[sflag:s13] =	ssyncset.done $0x0  }
0x34e: {  	[sflag:s13] =	ssyncadd.s32 $0xFFFFFB00  }
0x34f: {  	_ =	swait.ge [sflag:s13], $0x500  }
0x350: {  	[sflag:s13] =	ssyncset.done $0x0  }
0x351: {  	[sflag:s13] =	ssyncadd.s32 $0xFFFFFB00  }
0x352: {  	_ =	swait.ge [sflag:s13], $0x500  }
0x353: {  	[sflag:s13] =	ssyncset.done $0x0  }
0x354: {  	[sflag:s13] =	ssyncadd.s32 $0xFFFFFB00  }
0x355: {  	_ =	swait.ge [sflag:s13], $0x500  }
0x356: {  	s14 =	rddreg [dreg:$0x19]  }
0x357: {  	s23 =	rddreg [dreg:$0x18];
	s14 =	sadd.s32 $0x1, s14  }
0x358: {  	p0 =	sne.s32 s14, s23  }
.Ltmp65:
0x359: {  	_ = 	snop;
	(pc) =	sbr.rel @p0 .LBB2_1-.Ltmp65, $3  }
0x35a: {  	_ =	sdelay $0x1  }
0x35b: {  	[sflag:s13] =	ssyncset.done $0x0  }
0x35c: {  	[sflag:s13] =	ssyncadd.s32 $0xFFFFFB00  }
0x35d: {  	_ =	sfence.sel $0x180000  }
0x35e: {  	[bflag:$0x0] =	sbarrier.arrive $0xFFFF  }
0x35f: {  	_ =	strace $0x90000047  }
0x360: {  	s0 =	stileid.u32;
	[bflag:$0x2] =	sbarrier.arrive $0xFFFF  }
0x361: {  	p0 =	sne.s32 s0, $0x0;
	s0 =	rddreg [dreg:$0x2]  }
0x362: {  	s0 =	sadd.s32 @!p0 $0x100000, s0  }
0x363: {  	[sflag:s0] =	ssyncadd.tile.s32 @!p0 $0x1;
	_ =	shalt  }
.Lfunc_end2:
_tile_overlayer_lowered:
.L_overlay_start_2:
0x364: {  	(tag) =	ssettag $0x2  }
0x365: {  	s0 =	rddreg [dreg:$0x0];
	s2 =	stileid.u32  }
0x366: {  	s1 =	rddreg [dreg:$0x1];
	p0 =	sne.s32 s2, $0x0  }
0x367: {  	s3 =	rddreg [dreg:$0x2];
	[bflag:$0x3] =	sbarrier.arrive $0xFFFF;
	s2 =	simm.s32 @!p0 $0x1C11  }
0x368: {  	[timem:s3], [sflag:s2] =	dma.local @!p0 [hbm:s0], s1  }
0x369: {  	s0 =	simm.s32 @!p0 $0x11  }
0x36a: {  	_ =	swait.ge @!p0 [sflag:s0], s1  }
0x36b: {  	s1 =	ssub.s32 @!p0 $0x0, s1;
	[sflag:s0] =	ssyncset.done @!p0 $0x0  }
0x36c: {  	[sflag:s0] =	ssyncadd.s32 @!p0 s1  }
0x36d: {  	[bflag:$0x3] =	sbarrier.arrive $0xFFFF  }
0x36e: {  	_ =	shalt  }

// kernel: sparse-core-data-format-call.cloned.1.call-start
scs
called_computation_lowered:
.L_overlay_start_0:
0x0: {  	s2 =	sld [smem:$0x3FD9]  }
0x1: {  	s3 =	sld [smem:$0x3FFE];
	_ =	sdelay $0x1  }
0x2: {  	s1 =	srdreg.scid  }
0x3: {  	s0 =	sand.u32 $0x1, s1  }
0x4: {  	s18 =	sshll.u32 s0, $0xA;
	s2 =	sadd.s32 s3, s2  }
0x5: {  	s2 =	sadd.s32 s2, s18  }
0x6: {  	[smem:$0x3FC6] =	sst s2  }
0x7: {  	_ = 	snop  }
0x8: {  	s2 =	sld [smem:$0x3FD0];
	(tm) =	ssettm $0x1  }
0x9: {  	s19 =	sld [smem:$0x3FFB];
	_ =	sdelay $0x3  }
0xa: {  	_ =	strace s19  }
0xb: {  	s3 =	sld [smem:$0x3FFC];
	_ =	sdelay $0x3  }
0xc: {  	_ =	strace s3  }
0xd: {  	s3 =	sld [smem:$0x3FFD];
	_ =	sdelay $0x3  }
0xe: {  	_ =	strace s3  }
0xf: {  	_ =	strace $0x8FFFFFFF  }
0x10: {  	s20 =	sld [smem:$0x3FDB];
	_ =	sdelay $0x1  }
0x11: {  	s4 =	simm.s32 $_scs_section_size  }
0x12: {  	s5 =	simm.s32 $_size__tile_overlayer_lowered;
	s6 =	simm.s32 $_tile_overlayer_lowered  }
0x13: {  	s23 =	simm.s32 $0x1BFF;
	s22 =	sshll.u32 s6, $0x1;
	s3 =	sadd.s32 s4, s20  }
0x14: {  	s7 =	simm.s32 $0x0;
	s21 =	sshll.u32 s5, $0x1;
	s5 =	sadd.s32 s22, s3  }
0x15: {  	[timem:s7], [sflag:s23] =	dma.local [hbm:s5], s21  }
0x16: {  	_ =	swait.ge [sflag:s23], s21  }
0x17: {  	s4 =	ssub.s32 $0x0, s21;
	[sflag:s23] =	ssyncset.done $0x0  }
0x18: {  	[sflag:s23] =	ssyncadd.s32 s4;
	_ =	sdelay $0x1  }
0x19: {  	s24 =	simm.s32 $0x1B8B  }
0x1a: {  	_ =	swait.ge [sflag:s24], $0x1  }
0x1b: {  	[sflag:s24] =	ssyncset.done $0x0  }
0x1c: {  	s26 =	simm.s32 $0x1B8E;
	s25 =	sld [smem:$0x3FFE];
	[sflag:s24] =	ssyncadd.s32 $0xFFFFFFFF  }
0x1d: {  	s27 =	simm.s32 $execute0_lowered;
	[smem:$0x3FD2] =	sst s26  }
0x1e: {  	s5 =	sshll.u32 s27, $0x1;
	_ =	strace $0x80000049;
	[dreg:$0x1] =	wrdreg $0xFFFFFFFF  }
0x1f: {  	s28 =	simm.s32 $_size_execute0_lowered;
	s3 =	sadd.s32 s3, s5;
	[dreg:$0x0] =	wrdreg $0x0  }
0x20: {  	s5 =	sshll.u32 s28, $0x1;
	[dreg:$0x2] =	wrdreg s3  }
0x21: {  	[dreg:$0x3] =	wrdreg s5  }
0x22: {  	[dreg:$0x4] =	wrdreg $0xC0  }
0x23: {  	_ =	task [dreg:s7], $0x5FFFF  }
0x24: {  	[dreg:$0x1] =	wrdreg $0xFFFFFFFF  }
0x25: {  	[dreg:$0x0] =	wrdreg $0x60  }
0x26: {  	[dreg:$0x2] =	wrdreg s25  }
0x27: {  	[dreg:$0x3] =	wrdreg s2  }
0x28: {  	[dreg:$0x4] =	wrdreg $0x9  }
0x29: {  	_ =	task.clear_ibuf [dreg:s7], $0x5FFFF;
	_ =	strace $0x90000049  }
0x2a: {  	s29 =	simm.s32 $0x9;
	_ =	strace $0x8000004B  }
0x2b: {  	_ =	swait.ge [sflag:s29], $0x1  }
0x2c: {  	[sflag:s29] =	ssyncadd.s32 $0xFFFFFFFF  }
0x2d: {  	_ =	strace $0x9000004B  }
0x2e: {  	_ =	sfence  }
0x2f: {  	s30 =	sld [smem:$0x0];
	_ =	sdelay $0x2  }
0x30: {  	s31 =	sshll.u32 s1, $0xD;
	s1 =	sshrl.u32 s1, $0x2  }
0x31: {  	s3 =	sand.u32 $0x4000, s31;
	s1 =	sadd.s32 s1, s30  }
0x32: {  	s0 =	sor.u32 s3, s0;
	s1 =	sshll.u32 s1, $0x11  }
0x33: {  	s0 =	sor.u32 s1, s0  }
0x34: {  	s0 =	sadd.s32 $0x8F2B, s0  }
0x35: {  	[sflag:s0] =	ssyncadd.remote.s32 $0x1  }
0x36: {  	_ =	sfence.sel $0xFFFF  }
0x37: {  	[dreg:$0x0] =	wrdreg $0xFFFFFFFF;
	(pc) =	sbr.abs _section_cstart, $3  }
0x38: {  	[dreg:$0x1] =	wrdreg $0xFFFFFFFF  }
0x39: {  	_ =	task.clear_ibuf [dreg:s7], $0x2FFFF;
	_ =	strace $0x9FFFFFFF  }
0x3a: {  	(tm) =	ssettm $0x7FFFFFFF  }
0x3b: {  	_ =	shalt  }
tec
execute0_lowered:
.L_overlay_start_1:
0x0: {  	(tag) =	ssettag $0x1  }
0x1: {  	s0 =	srdreg.scid  }
0x2: {  	s1 =	sshll.u32 s0, $0x4  }
0x3: {  	s0 =	stileid.u32;
	s1 =	sand.u32 $0x10, s1  }
0x4: {  	s1 =	sor.u32 s0, s1  }
0x5: {  	s6 =	rddreg [dreg:$0x0];
	s4 =	simm.s32 $0x1;
	s2 =	sshll.u32 s1, $0x7  }
0x6: {  	s7 =	simm.s32 $0x2;
	s12 =	simm.s32 $0x0;
	s1 =	ssub.s32 $0x4000, s2  }
0x7: {  	s8 =	simm.s32 $0x20000;
	s13 =	simm.s32 $0x0;
	s3 =	sand.u32 $0xF80, s1  }
0x8: {  	s9 =	simm.s32 $0x0;
	s5 =	sshrl.u32 s1, $0xC;
	p0 =	sne.s32 s3, $0x0  }
.Ltmp0:
0x9: {  	s1 =	rddreg [dreg:$0x2];
	s4 =	simm.s32 @!p0 $0x0;
	(pc) =	sbr.rel .LBB1_1-.Ltmp0, $4  }
0xa: {  	s11 =	simm.s32 $0x0;
	s3 =	rddreg [dreg:$0x1];
	s5 =	sadd.s32 s4, s5  }
0xb: {  	_ =	strace $0x8000004A;
	s4 =	simm.s32 $0x1;
	s5 =	smul.u32 $0x14, s5  }
0xc: {  	s6 =	sadd.s32 $0xA00, s6;
	s10 =	smov.u32 s2;
	[sflag:s4] =	ssyncpa.u1 $0x0  }
0xd: {  	p0 =	por $0x0, $0x0;
	[sflag:s7] =	ssyncpa.u1 $0x0;
	s7 =	sor.u32 $0x1, s5  }
.LBB1_4:
0xe: {  	s16 =	sshll.u32 s13, $0x3;
	s17 =	sand.u32 $0x78, s13  }
0xf: {  	s30 =	sand.u32 $0x1F800, s13;
	s12 =	sshll.u32 s12, $0x11;
	s16 =	sand.u32 $0x3C00, s16  }
0x10: {  	[tilespmem:s15+$0x810 ss:$0x81] =	vst.msk $0xffff, v2;
	s31 =	sand.u32 $0x7, s13;
	s16 =	sor.u32 s17, s16;
	s17 =	sadd.s32 s3, s30  }
0x11: {  	[tilespmem:s15+$0x1020 ss:$0x81] =	vst.msk $0xffff, v0;
	s13 =	sshll.u32 s31, $0x12;
	s12 =	sadd.s32 s12, s17;
	s16 =	sshrl.u32 s16, $0x3  }
0x12: {  	[tilespmem:s15+$0x0 ss:$0x81] =	vst.msk $0xffff, v1;
	s13 =	sor.u32 $0x400, s13;
	s12 =	sadd.s32 s16, s12  }
0x13: {  	[hbm4b:s12+s13] =	stream.strided.scatter [tilespmem:s14], [sflag:$0x2], $0x2000, s8, s13, $0x20;
	[tilespmem:$0x8080] =	vst v63  }
.LBB1_5:
0x14: {  	s14 =	sadd.s32 $0x1, s9  }
0x15: {  	s12 =	sadd.s32 $0x1000, s10;
	s16 =	smov.u32 s10;
	p2 =	sgt.s32 s14, $0x13  }
0x16: {  	s16 =	smov.u32 @p2 s12  }
0x17: {  	s14 =	simm.s32 @p2 $0x0;
	p2 =	sgt.s32 s16, $0x3FFF  }
0x18: {  	s16 =	smov.u32 @p2 s2;
	p2 =	sne.s32 s11, s7  }
.Ltmp1:
0x19: {  	p1 =	slt.u32 s11, $0x2;
	(pc) =	sbr.rel @!p2 .LBB1_6-.Ltmp1, $4  }
0x1a: {  	s15 =	simm.s32 @!p1 $0x2  }
0x1b: {  	s13 =	smov.u32 s10;
	p0 =	por !p0, !p0;
	_ =	swait.ge @!p1 [sflag:s15], $0x2000  }
0x1c: {  	s12 =	smov.u32 s9;
	[sflag:s15] =	ssyncset.done @!p1 $0x0;
	s9 =	smov.u32 s14  }
0x1d: {  	s11 =	sadd.s32 $0x1, s11;
	[sflag:s15] =	ssyncadd.s32 @!p1 $0xFFFFE000;
	s10 =	smov.u32 s16  }
.LBB1_1:
0x1e: {  	p1 =	sge.u32 s11, s5  }
0x1f: {  	s14 =	sand.u32 @!p1 $0x1FFFFFF, s9  }
0x20: {  	s15 =	smulhi.u32 @!p1 $0xAAAAAAB, s14;
	_ =	sdelay $0x1  }
0x21: {  	s15 =	smul.u32 @!p1 $0x18, s15  }
0x22: {  	s16 =	sxor.u32 @!p1 $0xFFFFFFFF, s11;
	s17 =	smul.u32 @!p1 $0x180, s10  }
0x23: {  	s31 =	sadd.s32 $0xFFFFFFFF, s11;
	s16 =	sshll.u32 @!p1 s16, $0xD;
	s14 =	ssub.s32 @!p1 s14, s15  }
0x24: {  	s15 =	sand.u32 @!p1 $0x2000, s16;
	s16 =	sadd.s32 @!p1 s6, s17;
	s14 =	sshll.u32 @!p1 s14, $0x4  }
0x25: {  	s17 =	simm.s32 @!p1 $0xC00;
	s14 =	sadd.s32 @!p1 s14, s16;
	s16 =	simm.s32 @!p1 $0x40  }
0x26: {  	[tilespmem:s15], [sflag:$0x1] =	stream.strided.gather @!p1 [hbm4b:s14+s16], $0x2000, s17, s16, $0x38;
	[tilespmem:$0x8080] =	vst v63  }
0x27: {  	p1 =	sge.u32 s31, s5  }
.Ltmp2:
0x28: {  	_ = 	snop;
	(pc) =	sbr.rel @p1 .LBB1_5-.Ltmp2, $1  }
0x29: {  	_ =	sdelay $0x3  }
0x2a: {  	s14 =	simm.s32 $0x1  }
0x2b: {  	_ =	swait.ge [sflag:s4], $0x2000;
	s14 =	simm.s32 @!p0 $0x0  }
0x2c: {  	[sflag:s4] =	ssyncset.done $0x0;
	s15 =	sshll.u32 s14, $0xD  }
0x2d: {  	[sflag:s4] =	ssyncadd.s32 $0xFFFFE000;
	s18 =	sor.u32 $0x20, s15  }
0x2e: {  	s14 =	smul.u32 $0x8100, s14;
	v3 =	vld [tilespmem:s18+$0x10]  }
0x2f: {  	s30 =	sand.u32 $0x1, s11;
	v2 =	vld [tilespmem:s18+$0xFFFFFFF0]  }
0x30: {  	s15 =	smul.u32 $0x8100, s30;
	s14 =	sshrl.u32 s14, $0x2;
	v0 =	vld [tilespmem:s18+$0x0]  }
0x31: {  	v1 =	vld [tilespmem:s18+$0xFFFFFFE0];
	s16 =	sor.u32 $0x4000, s14  }
0x32: {  	s31 =	sshrl.u32 s15, $0x2;
	s15 =	sadd.s32 $0x0, s16  }
0x33: {  	s17 =	simm.s32 $0x4;
	s18 =	sadd.s32 $0x40, s18;
	s14 =	sor.u32 $0x4000, s31;
	[tilespmem:s15+$0x1830 ss:$0x81] =	vst.msk $0xffff, v3  }
.LBB1_3:
0x34: {  	v3 =	vld [tilespmem:s18+$0x10];
	p1 =	sne.s32 s17, $0x1FC;
	[tilespmem:s15+$0x810 ss:$0x81] =	vst.msk $0xffff, v2;
	s19 =	smov.u32 s17;
	s17 =	sadd.s32 $0x4, s17  }
.Ltmp3:
0x35: {  	v2 =	vld [tilespmem:s18+$0xFFFFFFF0];
	[tilespmem:s15+$0x1020 ss:$0x81] =	vst.msk $0xffff, v0;
	(pc) =	sbr.rel @p1 .LBB1_3-.Ltmp3, $4  }
0x36: {  	v0 =	vld [tilespmem:s18+$0x0];
	[tilespmem:s15+$0x0 ss:$0x81] =	vst.msk $0xffff, v1  }
0x37: {  	s15 =	sshra.s32 s19, $0x2;
	v1 =	vld [tilespmem:s18+$0xFFFFFFE0]  }
0x38: {  	s15 =	sadd.s32 s15, s16  }
0x39: {  	s18 =	sadd.s32 $0x40, s18;
	[tilespmem:s15+$0x1830 ss:$0x81] =	vst.msk $0xffff, v3  }
.Ltmp4:
0x3a: {  	_ = 	snop;
	(pc) =	sbr.rel .LBB1_4-.Ltmp4, $1  }
0x3b: {  	_ =	sdelay $0x3  }
.LBB1_6:
0x3c: {  	_ =	sfence.sel $0x180000  }
0x3d: {  	s2 =	simm.s32 $0x1;
	[bflag:$0x0] =	sbarrier.arrive $0xFFFF  }
0x3e: {  	s31 =	simm.s32 $0x2;
	[sflag:s2] =	ssyncpa.u1 $0x1  }
0x3f: {  	[sflag:s31] =	ssyncpa.u1 $0x1  }
0x40: {  	p0 =	sne.s32 s0, $0x0;
	_ =	strace $0x9000004A  }
0x41: {  	s0 =	sadd.s32 @!p0 $0x100000, s1;
	[bflag:$0x2] =	sbarrier.arrive $0xFFFF  }
0x42: {  	[sflag:s0] =	ssyncadd.tile.s32 @!p0 $0x1;
	_ =	shalt  }
.Lfunc_end1:
_tile_overlayer_lowered:
.L_overlay_start_2:
0x43: {  	(tag) =	ssettag $0x2  }
0x44: {  	s0 =	rddreg [dreg:$0x0];
	s2 =	stileid.u32  }
0x45: {  	s1 =	rddreg [dreg:$0x1];
	p0 =	sne.s32 s2, $0x0  }
0x46: {  	s3 =	rddreg [dreg:$0x2];
	[bflag:$0x3] =	sbarrier.arrive $0xFFFF;
	s2 =	simm.s32 @!p0 $0x1C01  }
0x47: {  	[timem:s3], [sflag:s2] =	dma.local @!p0 [hbm:s0], s1  }
0x48: {  	s0 =	simm.s32 @!p0 $0x1  }
0x49: {  	_ =	swait.ge @!p0 [sflag:s0], s1  }
0x4a: {  	s1 =	ssub.s32 @!p0 $0x0, s1;
	[sflag:s0] =	ssyncset.done @!p0 $0x0  }
0x4b: {  	[sflag:s0] =	ssyncadd.s32 @!p0 s1  }
0x4c: {  	[bflag:$0x3] =	sbarrier.arrive $0xFFFF  }
0x4d: {  	_ =	shalt  }

</sc_bundles>
